<compile_context>
chip_gen: v7x
topology: tpu7x:2x2x1
jax: 0.10.2.dev20260603
libtpu: 0.0.44.dev20260713+nightly
codegen_flags: <defaults>
</compile_context>

<pallas_src>
import functools

import jax
import jax.numpy as jnp
from jax import lax
from jax.experimental import pallas as pl
from jax.experimental.pallas import tpu as pltpu
from jax.experimental.pallas import tpu_sc as plsc

N = 10000
E = 320000
EP = 327680
D = 128
NC, NS = 2, 16
NW = NC * NS
EPW = EP // NW
C = 32
UNROLL = 4
NCHUNK = EPW // C
NPAD = 10240
BN = 2000
SUPER = 16
SCSZ = SUPER * C


def _proj_body(ske, typ, loc, h, w1s, w1t, w1l, b1, w2, b2,
               mqd, mqs, mpd, mps, td, ts):
    e1 = ske[...] @ w1s[...] + typ[...] @ w1t[...] + loc[...] @ w1l[...]
    e1 = jnp.maximum(e1 + b1[...], 0.0)
    emb = jnp.maximum(e1 @ w2[...] + b2[...], 0.0)
    hb = h[...]
    td[...] = jnp.concatenate([hb @ mqd[...], emb @ mpd[...]], axis=1)
    ts[...] = jnp.concatenate([hb @ mqs[...], emb @ mps[...]], axis=1)


_proj = pl.pallas_call(
    _proj_body,
    grid=(N // BN,),
    in_specs=[
        pl.BlockSpec((BN, D), lambda i: (i, 0)),
        pl.BlockSpec((BN, 16), lambda i: (i, 0)),
        pl.BlockSpec((BN, D), lambda i: (i, 0)),
        pl.BlockSpec((BN, D), lambda i: (i, 0)),
        pl.BlockSpec((D, D), lambda i: (0, 0)),
        pl.BlockSpec((16, D), lambda i: (0, 0)),
        pl.BlockSpec((D, D), lambda i: (0, 0)),
        pl.BlockSpec((1, D), lambda i: (0, 0)),
        pl.BlockSpec((D, D), lambda i: (0, 0)),
        pl.BlockSpec((1, D), lambda i: (0, 0)),
        pl.BlockSpec((D, D), lambda i: (0, 0)),
        pl.BlockSpec((D, D), lambda i: (0, 0)),
        pl.BlockSpec((D, D), lambda i: (0, 0)),
        pl.BlockSpec((D, D), lambda i: (0, 0)),
    ],
    out_specs=[
        pl.BlockSpec((BN, 2 * D), lambda i: (i, 0)),
        pl.BlockSpec((BN, 2 * D), lambda i: (i, 0)),
    ],
    out_shape=[
        jax.ShapeDtypeStruct((N, 2 * D), jnp.float32),
        jax.ShapeDtypeStruct((N, 2 * D), jnp.float32),
    ],
)


_mesh = plsc.VectorSubcoreMesh(core_axis_name="c", subcore_axis_name="s",
                               num_cores=NC, num_subcores=NS)


@functools.partial(
    pl.kernel,
    out_type=[
        jax.ShapeDtypeStruct((NC, NPAD, D), jnp.float32),
        jax.ShapeDtypeStruct((NC, NS, NPAD), jnp.float32),
    ],
    mesh=_mesh,
    scratch_types=[
        pltpu.VMEM((C,), jnp.int32),
        pltpu.VMEM((C,), jnp.int32),
        pltpu.VMEM((C,), jnp.int32),
        pltpu.VMEM((C,), jnp.int32),
        pltpu.VMEM((SCSZ,), jnp.int32),
        pltpu.VMEM((SCSZ,), jnp.int32),
        pltpu.VMEM((C, 2 * D), jnp.float32),
        pltpu.VMEM((C, 2 * D), jnp.float32),
        pltpu.VMEM((C, D), jnp.float32),
        pltpu.VMEM((NPAD,), jnp.float32),
        pltpu.VMEM((D,), jnp.float32),
        pltpu.VMEM_SHARED((NPAD, D), jnp.float32),
        pltpu.SemaphoreType.DMA,
        pltpu.SemaphoreType.DMA,
    ],
    compiler_params=pltpu.CompilerParams(needs_layout_passes=False),
)
def _edge_pass(td_hbm, ts_hbm, dst_hbm, src_hbm, wa2_hbm, zero_hbm,
               out_msg, out_den,
               idx_d0, idx_d1, idx_s0, idx_s1, sdx, ssx,
               ra, rb, obuf, den_v, wa2_v, msg_tab, sem_g, sem_sm):
    cid = lax.axis_index("c")
    sid = lax.axis_index("s")
    wid = cid * NS + sid

    pltpu.sync_copy(zero_hbm.at[pl.ds(sid * (NPAD // NS), NPAD // NS)],
                    msg_tab.at[pl.ds(sid * (NPAD // NS), NPAD // NS)])
    pltpu.sync_copy(wa2_hbm, wa2_v)

    zero16 = jnp.zeros((16,), jnp.float32)

    def zero_den(i, c):
        den_v[pl.ds(16 * i, 16)] = zero16
        return c
    lax.fori_loop(0, NPAD // 16, zero_den, 0)

    def zero_obuf(i, c):
        for j in range(8):
            obuf[i, pl.ds(16 * j, 16)] = zero16
        return c
    lax.fori_loop(0, C, zero_obuf, 0)

    plsc.subcore_barrier()

    wa2v = [wa2_v[pl.ds(16 * j, 16)] for j in range(8)]
    lane = lax.iota(jnp.int32, 16)
    lane0 = lane == 0
    perms = [(lane + s) & 15 for s in (8, 4, 2, 1)]
    idxb = [(idx_d0, idx_s0), (idx_d1, idx_s1)]

    def do_chunk(j, p):
        idxd, idxs = idxb[p]
        for g in range(C // 16):
            idxd[pl.ds(16 * g, 16)] = sdx[pl.ds(j * C + 16 * g, 16)]
            idxs[pl.ds(16 * g, 16)] = ssx[pl.ds(j * C + 16 * g, 16)]

        pltpu.async_copy(td_hbm.at[idxd], ra, sem_g)
        pltpu.async_copy(ts_hbm.at[idxs], rb, sem_g)
        pltpu.make_async_copy(zero_hbm.at[pl.ds(0, C)], obuf, sem_sm).wait()
        pltpu.make_async_copy(td_hbm.at[pl.ds(0, C)], ra, sem_g).wait()
        pltpu.make_async_copy(td_hbm.at[pl.ds(0, C)], rb, sem_g).wait()

        def edge_grp(i, c2):
            for u in range(UNROLL):
                e = UNROLL * i + u
                ecast = jnp.full((16,), e, jnp.int32)
                dstv = plsc.load_gather(idxd, [ecast])
                parts = []
                for j2 in range(8):
                    t = ra[e, pl.ds(16 * j2, 16)] + rb[e, pl.ds(16 * j2, 16)]
                    t = jnp.where(t > 0.0, t, 0.01 * t)
                    parts.append(t * wa2v[j2])
                acc = ((parts[0] + parts[1]) + (parts[2] + parts[3])) + \
                      ((parts[4] + parts[5]) + (parts[6] + parts[7]))
                for pm in perms:
                    acc = acc + acc.at[pm].get(mode="promise_in_bounds")
                exv = jnp.exp(acc)
                plsc.addupdate_scatter(den_v, [dstv], exv, mask=lane0)
                for j2 in range(8):
                    u2 = (ra[e, pl.ds(D + 16 * j2, 16)]
                          + rb[e, pl.ds(D + 16 * j2, 16)])
                    obuf[e, pl.ds(16 * j2, 16)] = jnp.maximum(u2, 0.0) * exv
            return c2

        lax.fori_loop(0, C // UNROLL, edge_grp, 0)

        pltpu.async_copy(obuf, msg_tab.at[idxd], sem_sm, add=True)

    pltpu.sync_copy(dst_hbm.at[pl.ds(wid * EPW, C)], idx_d1)
    pltpu.async_copy(obuf, msg_tab.at[idx_d1], sem_sm, add=True)

    def super_body(s, carry):
        base = wid * EPW + s * SCSZ
        pltpu.sync_copy(dst_hbm.at[pl.ds(base, SCSZ)], sdx)
        pltpu.sync_copy(src_hbm.at[pl.ds(base, SCSZ)], ssx)

        def pair_body(i, c2):
            do_chunk(2 * i, 0)
            do_chunk(2 * i + 1, 1)
            return c2

        lax.fori_loop(0, SUPER // 2, pair_body, 0)
        return carry

    lax.fori_loop(0, NCHUNK // SUPER, super_body, 0)
    pltpu.make_async_copy(zero_hbm.at[pl.ds(0, C)], obuf, sem_sm).wait()

    plsc.subcore_barrier()
    pltpu.sync_copy(msg_tab.at[pl.ds(sid * (NPAD // NS), NPAD // NS)],
                    out_msg.at[cid, pl.ds(sid * (NPAD // NS), NPAD // NS)])
    pltpu.sync_copy(den_v, out_den.at[cid, sid])


def _dsum_body(den, out):
    out[...] = jnp.sum(den[...], axis=0)


_dsum = pl.pallas_call(
    _dsum_body,
    grid=(1,),
    in_specs=[pl.BlockSpec((NW, NPAD // D, D), lambda i: (0, 0, 0))],
    out_specs=pl.BlockSpec((NPAD // D, D), lambda i: (0, 0)),
    out_shape=jax.ShapeDtypeStruct((NPAD // D, D), jnp.float32),
)


def _update_body(msg, den, h, wih, whh, bih, bhh, wout, bout, out):
    a = msg[0] + msg[1]
    d = den[...]
    agg = a / (d + 1e-9)
    gi = agg @ wih[...] + bih[...]
    gh = h[...] @ whh[...] + bhh[...]
    r = jax.nn.sigmoid(gi[:, :D] + gh[:, :D])
    z = jax.nn.sigmoid(gi[:, D:2 * D] + gh[:, D:2 * D])
    n = jnp.tanh(gi[:, 2 * D:] + r * gh[:, 2 * D:])
    hn = (1.0 - z) * n + z * h[...]
    out[...] = jnp.maximum(hn @ wout[...] + bout[...], 0.0)


_update = pl.pallas_call(
    _update_body,
    grid=(N // BN,),
    in_specs=[
        pl.BlockSpec((NC, BN, D), lambda i: (0, i, 0)),
        pl.BlockSpec((BN, 1), lambda i: (i, 0)),
        pl.BlockSpec((BN, D), lambda i: (i, 0)),
        pl.BlockSpec((D, 3 * D), lambda i: (0, 0)),
        pl.BlockSpec((D, 3 * D), lambda i: (0, 0)),
        pl.BlockSpec((1, 3 * D), lambda i: (0, 0)),
        pl.BlockSpec((1, 3 * D), lambda i: (0, 0)),
        pl.BlockSpec((D, D), lambda i: (0, 0)),
        pl.BlockSpec((1, D), lambda i: (0, 0)),
    ],
    out_specs=pl.BlockSpec((BN, D), lambda i: (i, 0)),
    out_shape=jax.ShapeDtypeStruct((N, D), jnp.float32),
)


def kernel(obj_loc, obj_ske, obj_type, h, edge_index, W_e1, b_e1, W_e2, b_e2,
           Wa1, Wa2, Ww, W_ih, W_hh, b_ih, b_hh, W_out, b_out):
    ei = edge_index.astype(jnp.int32)
    pad = jnp.full((EP - E,), N + 100, jnp.int32)
    src_i = jnp.concatenate([ei[0], pad])
    dst_i = jnp.concatenate([ei[1], pad])

    w1 = W_e1.T
    w1s, w1t, w1l = w1[:D], w1[D:D + 16], w1[D + 16:]
    b1 = b_e1.reshape(1, D)
    b2 = b_e2.reshape(1, D)
    mqd = (Wa1[:, :D] + Wa1[:, D:]).T
    mqs = -Wa1[:, D:].T
    mpd = (Ww[:, :D] + Ww[:, D:]).T
    mps = -Ww[:, D:].T

    td, ts = _proj(obj_ske, obj_type, obj_loc, h, w1s, w1t, w1l,
                   b1, W_e2.T, b2, mqd, mqs, mpd, mps)
    padrows = jnp.zeros((NPAD - N, 2 * D), jnp.float32)
    td = jnp.concatenate([td, padrows])
    ts = jnp.concatenate([ts, padrows])

    wa2 = Wa2.reshape(D)
    zeros = jnp.zeros((NPAD, D), jnp.float32)
    msg, den = _edge_pass(td, ts, dst_i, src_i, wa2, zeros)
    dsum = _dsum(den.reshape(NW, NPAD // D, D))
    den2 = dsum.reshape(NPAD, 1)

    return _update(msg, den2, h, W_ih.T, W_hh.T, b_ih.reshape(1, 3 * D),
                   b_hh.reshape(1, 3 * D), W_out.T, b_out.reshape(1, D))

# --- scband reference (transcript-rebuilt; emitter-appended) ---
"""Pipeline reference for scband-base-model-11716670784019 (READ-ONLY COPY).

The authoritative reference and input builder live on the scoring server;
editing this copy changes nothing except your own understanding.
"""

import jax, jax.numpy as jnp
import numpy as np

N = 10000
E = 320000
OBJ_IN = 128
HUM_IN = 128
NUM_OBJ = 16
EMB = 128
GRU = 128
HID = 128


def setup_inputs(seed: int = 0) -> dict:
    key = jax.random.key(seed)
    ks = jax.random.split(key, 20)
    inp = {}
    inp['obj_loc'] = jax.random.normal(ks[0], (N, OBJ_IN), dtype=jnp.float32)
    inp['obj_ske'] = jax.random.normal(ks[1], (N, HUM_IN), dtype=jnp.float32)
    inp['obj_type'] = jax.random.uniform(ks[2], (N, NUM_OBJ), dtype=jnp.float32)
    inp['h'] = jax.random.normal(ks[3], (N, GRU), dtype=jnp.float32)
    inp['edge_index'] = jax.random.randint(ks[4], (2, E), 0, N, dtype=jnp.int64)
    s = 0.05
    # obj_embedding MLP: [OBJ_IN+HUM_IN+NUM_OBJ -> HID -> EMB]
    inp['W_e1'] = jax.random.normal(ks[5], (HID, OBJ_IN + HUM_IN + NUM_OBJ), dtype=jnp.float32) * s
    inp['b_e1'] = jnp.zeros((HID,), dtype=jnp.float32)
    inp['W_e2'] = jax.random.normal(ks[6], (EMB, HID), dtype=jnp.float32) * s
    inp['b_e2'] = jnp.zeros((EMB,), dtype=jnp.float32)
    # attn_fn MLP (no bias): [2*GRU -> HID -> 1], leakyrelu then identity
    inp['Wa1'] = jax.random.normal(ks[7], (HID, 2 * GRU), dtype=jnp.float32) * s
    inp['Wa2'] = jax.random.normal(ks[8], (1, HID), dtype=jnp.float32) * s
    # W message MLP (no bias): [2*EMB -> HID]
    inp['Ww'] = jax.random.normal(ks[9], (HID, 2 * EMB), dtype=jnp.float32) * s
    # GRUCell(HID, GRU)
    inp['W_ih'] = jax.random.normal(ks[10], (3 * GRU, HID), dtype=jnp.float32) * s
    inp['W_hh'] = jax.random.normal(ks[11], (3 * GRU, GRU), dtype=jnp.float32) * s
    inp['b_ih'] = jnp.zeros((3 * GRU,), dtype=jnp.float32)
    inp['b_hh'] = jnp.zeros((3 * GRU,), dtype=jnp.float32)
    # obj_out_fc: [GRU -> OBJ_IN]
    inp['W_out'] = jax.random.normal(ks[12], (OBJ_IN, GRU), dtype=jnp.float32) * s
    inp['b_out'] = jnp.zeros((OBJ_IN,), dtype=jnp.float32)
    return inp


def reference(obj_loc, obj_ske, obj_type, h, edge_index, W_e1, b_e1, W_e2, b_e2,
              Wa1, Wa2, Ww, W_ih, W_hh, b_ih, b_hh, W_out, b_out):
    # prepare_node_features: current_feat = cat([x_ske, type, current_loc]) -> obj_embedding MLP
    feat = jnp.concatenate([obj_ske, obj_type, obj_loc], axis=-1)
    e1 = jax.nn.relu(feat @ W_e1.T + b_e1)
    embed = jax.nn.relu(e1 @ W_e2.T + b_e2)

    src = edge_index[0]
    dst = edge_index[1]

    # message fn: edge_feat = cat([dst_embed, dst_embed - src_embed])
    ed = jnp.take(embed, dst, axis=0)
    es = jnp.take(embed, src, axis=0)
    edge_feat = jnp.concatenate([ed, ed - es], axis=-1)

    # learned interaction attention: attn_feat = cat([dst_h, dst_h - src_h]) -> attn_fn
    hd = jnp.take(h, dst, axis=0)
    hs = jnp.take(h, src, axis=0)
    attn_feat = jnp.concatenate([hd, hd - hs], axis=-1)
    a1 = jax.nn.leaky_relu(attn_feat @ Wa1.T, negative_slope=0.01)
    logits = (a1 @ Wa2.T)[:, 0]

    # edge softmax per destination node (segment softmax)
    seg_max = jax.ops.segment_max(logits, dst, num_segments=N)
    seg_max = jnp.where(jnp.isfinite(seg_max), seg_max, 0.0)
    ex = jnp.exp(logits - jnp.take(seg_max, dst, axis=0))
    denom = jax.ops.segment_sum(ex, dst, num_segments=N)
    w = ex / (jnp.take(denom, dst, axis=0) + 1e-9)

    # weighted message aggregation: sum_e w_e * W(edge_feat_e) into dst
    msg = jax.nn.relu(edge_feat @ Ww.T)
    agg = jax.ops.segment_sum(msg * w[:, None], dst, num_segments=N)

    # GRUCell update (PyTorch semantics)
    gi = agg @ W_ih.T + b_ih
    gh = h @ W_hh.T + b_hh
    i_r, i_z, i_n = jnp.split(gi, 3, axis=-1)
    h_r, h_z, h_n = jnp.split(gh, 3, axis=-1)
    r = jax.nn.sigmoid(i_r + h_r)
    z = jax.nn.sigmoid(i_z + h_z)
    n = jnp.tanh(i_n + r * h_n)
    h_new = (1.0 - z) * n + z * h

    # obj_out_fc prediction head
    out = jax.nn.relu(h_new @ W_out.T + b_out)
    return out

if __name__ == "__main__":
    import jax
    _d = setup_inputs()
    print(jax.jit(kernel)(*tuple(_d.values())))

</pallas_src>

<mosaic_0001>
#map = affine_map<(d0, d1) -> (0, 0)>
#map1 = affine_map<(d0, d1) -> (0)>
#map2 = affine_map<(d0, d1) -> (0, 0, 0)>
module attributes {stable_mosaic.version = 14 : i64} {
  func.func @_edge_pass(%arg0: i32, %arg1: i32, %arg2: memref<10240x256xf32, #tpu.memory_space<hbm>>, %arg3: memref<10240x256xf32, #tpu.memory_space<hbm>>, %arg4: memref<327680xi32, #tpu.memory_space<hbm>>, %arg5: memref<327680xi32, #tpu.memory_space<hbm>>, %arg6: memref<128xf32, #tpu.memory_space<hbm>>, %arg7: memref<10240x128xf32, #tpu.memory_space<hbm>>, %arg8: memref<2x10240x128xf32, #tpu.memory_space<hbm>>, %arg9: memref<2x16x10240xf32, #tpu.memory_space<hbm>>, %arg10: memref<32xi32, #tpu.memory_space<vmem>>, %arg11: memref<32xi32, #tpu.memory_space<vmem>>, %arg12: memref<32xi32, #tpu.memory_space<vmem>>, %arg13: memref<32xi32, #tpu.memory_space<vmem>>, %arg14: memref<512xi32, #tpu.memory_space<vmem>>, %arg15: memref<512xi32, #tpu.memory_space<vmem>>, %arg16: memref<32x256xf32, #tpu.memory_space<vmem>>, %arg17: memref<32x256xf32, #tpu.memory_space<vmem>>, %arg18: memref<32x128xf32, #tpu.memory_space<vmem>>, %arg19: memref<10240xf32, #tpu.memory_space<vmem>>, %arg20: memref<128xf32, #tpu.memory_space<vmem>>, %arg21: memref<10240x128xf32, #tpu.memory_space<vmem_shared>>, %arg22: memref<!tpu.dma_semaphore, #tpu.memory_space<semaphore_mem>>, %arg23: memref<!tpu.dma_semaphore, #tpu.memory_space<semaphore_mem>>) attributes {dimension_semantics = [#tpu.dimension_semantics<core_parallel>, #tpu.dimension_semantics<subcore_parallel>], iteration_bounds = array<i64: 2, 16>, scalar_prefetch = 0 : i64, scratch_operands = 14 : i64, tpu.core_type = #tpu.core_type<sc_vector_subcore>, window_params = [{transform_indices = #map}, {transform_indices = #map}, {transform_indices = #map1}, {transform_indices = #map1}, {transform_indices = #map1}, {transform_indices = #map}, {transform_indices = #map2}, {transform_indices = #map2}]} {
    %mul3A = arith.constant 16 : i32
    %mul3A_0 = arith.muli %arg0, %mul3A : i32
    %add3A = arith.addi %mul3A_0, %arg1 : i32
    %mul3A_1 = arith.constant 640 : i32
    %mul3A_2 = arith.muli %arg1, %mul3A_1 : i32
    %mul3A_3 = arith.constant 640 : i32
    %mul3A_4 = arith.muli %arg1, %mul3A_3 : i32
    "tpu.region"() ({
      %run_scoped3A = tpu.sem_alloc : memref<!tpu.dma_semaphore, #tpu.memory_space<semaphore_mem>>
      %dma_start3A_77 = arith.constant 0 : i32
      %dma_start3A_78 = tpu.memref_slice %arg21[%mul3A_4, %dma_start3A_77] : memref<10240x128xf32, #tpu.memory_space<vmem_shared>> -> memref<640x128xf32, #tpu.memory_space<vmem_shared>>
      %dma_start3A_79 = arith.constant 0 : i32
      %dma_start3A_80 = tpu.memref_slice %arg7[%mul3A_2, %dma_start3A_79] : memref<10240x128xf32, #tpu.memory_space<hbm>> -> memref<640x128xf32, #tpu.memory_space<hbm>>
      tpu.enqueue_dma source(%dma_start3A_80 : memref<640x128xf32, #tpu.memory_space<hbm>>) target(%dma_start3A_78 : memref<640x128xf32, #tpu.memory_space<vmem_shared>>) target_semaphore(%run_scoped3A : memref<!tpu.dma_semaphore, #tpu.memory_space<semaphore_mem>>)
      %dma_wait3A_81 = arith.constant 0 : i32
      %dma_wait3A_82 = tpu.memref_slice %arg21[%mul3A_4, %dma_wait3A_81] : memref<10240x128xf32, #tpu.memory_space<vmem_shared>> -> memref<640x128xf32, #tpu.memory_space<vmem_shared>>
      %dma_wait3A_83 = arith.constant 0 : i32
      %dma_wait3A_84 = tpu.memref_slice %arg7[%mul3A_2, %dma_wait3A_83] : memref<10240x128xf32, #tpu.memory_space<hbm>> -> memref<640x128xf32, #tpu.memory_space<hbm>>
      tpu.wait_dma2 semaphore(%run_scoped3A : memref<!tpu.dma_semaphore, #tpu.memory_space<semaphore_mem>>) src(%dma_wait3A_84 : memref<640x128xf32, #tpu.memory_space<hbm>>) dst(%dma_wait3A_82 : memref<640x128xf32, #tpu.memory_space<vmem_shared>>)
      tpu.yield
    }) : () -> ()
    "tpu.region"() ({
      %run_scoped3A = tpu.sem_alloc : memref<!tpu.dma_semaphore, #tpu.memory_space<semaphore_mem>>
      tpu.enqueue_dma source(%arg6 : memref<128xf32, #tpu.memory_space<hbm>>) target(%arg20 : memref<128xf32, #tpu.memory_space<vmem>>) target_semaphore(%run_scoped3A : memref<!tpu.dma_semaphore, #tpu.memory_space<semaphore_mem>>)
      tpu.wait_dma2 semaphore(%run_scoped3A : memref<!tpu.dma_semaphore, #tpu.memory_space<semaphore_mem>>) src(%arg6 : memref<128xf32, #tpu.memory_space<hbm>>) dst(%arg20 : memref<128xf32, #tpu.memory_space<vmem>>)
      tpu.yield
    }) : () -> ()
    %broadcast_in_dim3A = arith.constant 0.000000e+00 : f32
    %broadcast_in_dim3A_5 = vector.broadcast %broadcast_in_dim3A : f32 to vector<16xf32>
    %scan3A = arith.constant 0 : i32
    %scan3A_6 = arith.constant 0 : i32
    %scan3A_7 = arith.constant 640 : i32
    %scan3A_8 = arith.addi %scan3A_6, %scan3A_7 : i32
    %scan3A_9 = arith.constant 1 : i32
    scf.for %scan3A_77 = %scan3A_6 to %scan3A_8 step %scan3A_9  : i32 {
      %mul3A_78 = arith.constant 16 : i32
      %mul3A_79 = arith.muli %mul3A_78, %scan3A_77 : i32
      %swap3A = arith.index_cast %mul3A_79 : i32 to index
      %swap3A_80 = tpu.vector_load %arg19[%swap3A] {strides = array<i32>} : memref<10240xf32, #tpu.memory_space<vmem>>, vector<16xf32>,
      tpu.vector_store %arg19[%swap3A], %broadcast_in_dim3A_5 {strides = array<i32>} : memref<10240xf32, #tpu.memory_space<vmem>>, vector<16xf32>,
    }
    %scan3A_10 = arith.constant 640 : i32
    %scan3A_11 = arith.constant 0 : i32
    %scan3A_12 = arith.constant 0 : i32
    %scan3A_13 = arith.constant 32 : i32
    %scan3A_14 = arith.addi %scan3A_12, %scan3A_13 : i32
    %scan3A_15 = arith.constant 1 : i32
    scf.for %scan3A_77 = %scan3A_12 to %scan3A_14 step %scan3A_15  : i32 {
      %swap3A = arith.index_cast %scan3A_77 : i32 to index
      %swap3A_78 = arith.constant 0 : index
      %swap3A_79 = tpu.vector_load %arg18[%swap3A, %swap3A_78] {strides = array<i32>} : memref<32x128xf32, #tpu.memory_space<vmem>>, vector<16xf32>,
      tpu.vector_store %arg18[%swap3A, %swap3A_78], %broadcast_in_dim3A_5 {strides = array<i32>} : memref<32x128xf32, #tpu.memory_space<vmem>>, vector<16xf32>,
      %swap3A_80 = arith.index_cast %scan3A_77 : i32 to index
      %swap3A_81 = arith.constant 16 : index
      %swap3A_82 = tpu.vector_load %arg18[%swap3A_80, %swap3A_81] {strides = array<i32>} : memref<32x128xf32, #tpu.memory_space<vmem>>, vector<16xf32>,
      tpu.vector_store %arg18[%swap3A_80, %swap3A_81], %broadcast_in_dim3A_5 {strides = array<i32>} : memref<32x128xf32, #tpu.memory_space<vmem>>, vector<16xf32>,
      %swap3A_83 = arith.index_cast %scan3A_77 : i32 to index
      %swap3A_84 = arith.constant 32 : index
      %swap3A_85 = tpu.vector_load %arg18[%swap3A_83, %swap3A_84] {strides = array<i32>} : memref<32x128xf32, #tpu.memory_space<vmem>>, vector<16xf32>,
      tpu.vector_store %arg18[%swap3A_83, %swap3A_84], %broadcast_in_dim3A_5 {strides = array<i32>} : memref<32x128xf32, #tpu.memory_space<vmem>>, vector<16xf32>,
      %swap3A_86 = arith.index_cast %scan3A_77 : i32 to index
      %swap3A_87 = arith.constant 48 : index
      %swap3A_88 = tpu.vector_load %arg18[%swap3A_86, %swap3A_87] {strides = array<i32>} : memref<32x128xf32, #tpu.memory_space<vmem>>, vector<16xf32>,
      tpu.vector_store %arg18[%swap3A_86, %swap3A_87], %broadcast_in_dim3A_5 {strides = array<i32>} : memref<32x128xf32, #tpu.memory_space<vmem>>, vector<16xf32>,
      %swap3A_89 = arith.index_cast %scan3A_77 : i32 to index
      %swap3A_90 = arith.constant 64 : index
      %swap3A_91 = tpu.vector_load %arg18[%swap3A_89, %swap3A_90] {strides = array<i32>} : memref<32x128xf32, #tpu.memory_space<vmem>>, vector<16xf32>,
      tpu.vector_store %arg18[%swap3A_89, %swap3A_90], %broadcast_in_dim3A_5 {strides = array<i32>} : memref<32x128xf32, #tpu.memory_space<vmem>>, vector<16xf32>,
      %swap3A_92 = arith.index_cast %scan3A_77 : i32 to index
      %swap3A_93 = arith.constant 80 : index
      %swap3A_94 = tpu.vector_load %arg18[%swap3A_92, %swap3A_93] {strides = array<i32>} : memref<32x128xf32, #tpu.memory_space<vmem>>, vector<16xf32>,
      tpu.vector_store %arg18[%swap3A_92, %swap3A_93], %broadcast_in_dim3A_5 {strides = array<i32>} : memref<32x128xf32, #tpu.memory_space<vmem>>, vector<16xf32>,
      %swap3A_95 = arith.index_cast %scan3A_77 : i32 to index
      %swap3A_96 = arith.constant 96 : index
      %swap3A_97 = tpu.vector_load %arg18[%swap3A_95, %swap3A_96] {strides = array<i32>} : memref<32x128xf32, #tpu.memory_space<vmem>>, vector<16xf32>,
      tpu.vector_store %arg18[%swap3A_95, %swap3A_96], %broadcast_in_dim3A_5 {strides = array<i32>} : memref<32x128xf32, #tpu.memory_space<vmem>>, vector<16xf32>,
      %swap3A_98 = arith.index_cast %scan3A_77 : i32 to index
      %swap3A_99 = arith.constant 112 : index
      %swap3A_100 = tpu.vector_load %arg18[%swap3A_98, %swap3A_99] {strides = array<i32>} : memref<32x128xf32, #tpu.memory_space<vmem>>, vector<16xf32>,
      tpu.vector_store %arg18[%swap3A_98, %swap3A_99], %broadcast_in_dim3A_5 {strides = array<i32>} : memref<32x128xf32, #tpu.memory_space<vmem>>, vector<16xf32>,
    }
    %scan3A_16 = arith.constant 32 : i32
    %barrier3A = arith.constant 0 : index
    tpu.barrier barrier_id(%barrier3A)
    %get3A = arith.constant 0 : index
    %get3A_17 = tpu.vector_load %arg20[%get3A] {strides = array<i32>} : memref<128xf32, #tpu.memory_space<vmem>>, vector<16xf32>,
    %get3A_18 = arith.constant 16 : index
    %get3A_19 = tpu.vector_load %arg20[%get3A_18] {strides = array<i32>} : memref<128xf32, #tpu.memory_space<vmem>>, vector<16xf32>,
    %get3A_20 = arith.constant 32 : index
    %get3A_21 = tpu.vector_load %arg20[%get3A_20] {strides = array<i32>} : memref<128xf32, #tpu.memory_space<vmem>>, vector<16xf32>,
    %get3A_22 = arith.constant 48 : index
    %get3A_23 = tpu.vector_load %arg20[%get3A_22] {strides = array<i32>} : memref<128xf32, #tpu.memory_space<vmem>>, vector<16xf32>,
    %get3A_24 = arith.constant 64 : index
    %get3A_25 = tpu.vector_load %arg20[%get3A_24] {strides = array<i32>} : memref<128xf32, #tpu.memory_space<vmem>>, vector<16xf32>,
    %get3A_26 = arith.constant 80 : index
    %get3A_27 = tpu.vector_load %arg20[%get3A_26] {strides = array<i32>} : memref<128xf32, #tpu.memory_space<vmem>>, vector<16xf32>,
    %get3A_28 = arith.constant 96 : index
    %get3A_29 = tpu.vector_load %arg20[%get3A_28] {strides = array<i32>} : memref<128xf32, #tpu.memory_space<vmem>>, vector<16xf32>,
    %get3A_30 = arith.constant 112 : index
    %get3A_31 = tpu.vector_load %arg20[%get3A_30] {strides = array<i32>} : memref<128xf32, #tpu.memory_space<vmem>>, vector<16xf32>,
    %iota3A = tpu.iota {dimensions = array<i32: 0>} : vector<16xi32>
    %eq3A = arith.constant 0 : i32
    %eq3A_32 = vector.broadcast %eq3A : i32 to vector<16xi32>
    %eq3A_33 = arith.cmpi eq, %iota3A, %eq3A_32 : vector<16xi32>
    %add3A_34 = arith.constant 8 : i32
    %add3A_35 = vector.broadcast %add3A_34 : i32 to vector<16xi32>
    %add3A_36 = arith.addi %iota3A, %add3A_35 : vector<16xi32>
    %and3A = arith.constant 15 : i32
    %and3A_37 = vector.broadcast %and3A : i32 to vector<16xi32>
    %and3A_38 = arith.andi %add3A_36, %and3A_37 : vector<16xi32>
    %add3A_39 = arith.constant 4 : i32
    %add3A_40 = vector.broadcast %add3A_39 : i32 to vector<16xi32>
    %add3A_41 = arith.addi %iota3A, %add3A_40 : vector<16xi32>
    %and3A_42 = arith.constant 15 : i32
    %and3A_43 = vector.broadcast %and3A_42 : i32 to vector<16xi32>
    %and3A_44 = arith.andi %add3A_41, %and3A_43 : vector<16xi32>
    %add3A_45 = arith.constant 2 : i32
    %add3A_46 = vector.broadcast %add3A_45 : i32 to vector<16xi32>
    %add3A_47 = arith.addi %iota3A, %add3A_46 : vector<16xi32>
    %and3A_48 = arith.constant 15 : i32
    %and3A_49 = vector.broadcast %and3A_48 : i32 to vector<16xi32>
    %and3A_50 = arith.andi %add3A_47, %and3A_49 : vector<16xi32>
    %add3A_51 = arith.constant 1 : i32
    %add3A_52 = vector.broadcast %add3A_51 : i32 to vector<16xi32>
    %add3A_53 = arith.addi %iota3A, %add3A_52 : vector<16xi32>
    %and3A_54 = arith.constant 15 : i32
    %and3A_55 = vector.broadcast %and3A_54 : i32 to vector<16xi32>
    %and3A_56 = arith.andi %add3A_53, %and3A_55 : vector<16xi32>
    %mul3A_57 = arith.constant 10240 : i32
    %mul3A_58 = arith.muli %add3A, %mul3A_57 : i32
    "tpu.region"() ({
      %run_scoped3A = tpu.sem_alloc : memref<!tpu.dma_semaphore, #tpu.memory_space<semaphore_mem>>
      %dma_start3A_77 = tpu.memref_slice %arg4[%mul3A_58] : memref<327680xi32, #tpu.memory_space<hbm>> -> memref<32xi32, #tpu.memory_space<hbm>>
      %dma_start3A_78 = tpu.memref_slice %arg4[%mul3A_58] : memref<327680xi32, #tpu.memory_space<hbm>> -> memref<32xi32, #tpu.memory_space<hbm>>
      tpu.enqueue_dma source(%dma_start3A_78 : memref<32xi32, #tpu.memory_space<hbm>>) target(%arg11 : memref<32xi32, #tpu.memory_space<vmem>>) target_semaphore(%run_scoped3A : memref<!tpu.dma_semaphore, #tpu.memory_space<semaphore_mem>>)
      %dma_wait3A_79 = tpu.memref_slice %arg4[%mul3A_58] : memref<327680xi32, #tpu.memory_space<hbm>> -> memref<32xi32, #tpu.memory_space<hbm>>
      %dma_wait3A_80 = tpu.memref_slice %arg4[%mul3A_58] : memref<327680xi32, #tpu.memory_space<hbm>> -> memref<32xi32, #tpu.memory_space<hbm>>
      tpu.wait_dma2 semaphore(%run_scoped3A : memref<!tpu.dma_semaphore, #tpu.memory_space<semaphore_mem>>) src(%dma_wait3A_80 : memref<32xi32, #tpu.memory_space<hbm>>) dst(%arg11 : memref<32xi32, #tpu.memory_space<vmem>>)
      tpu.yield
    }) : () -> ()
    %dma_start3A = arith.constant 0 : i32
    %dma_start3A_59 = arith.constant 0 : i32
    %dma_start3A_60 = tpu.memref_slice %arg21[%dma_start3A, %dma_start3A_59] : memref<10240x128xf32, #tpu.memory_space<vmem_shared>> -> memref<10240x128xf32, #tpu.memory_space<vmem_shared>>
    tpu.enqueue_indirect_dma source(%arg18 : memref<32x128xf32, #tpu.memory_space<vmem>>) target(%dma_start3A_60 : memref<10240x128xf32, #tpu.memory_space<vmem_shared>>) offsets(%arg11 : memref<32xi32, #tpu.memory_space<vmem>>) semaphore(%arg23 : memref<!tpu.dma_semaphore, #tpu.memory_space<semaphore_mem>>) {add = true}
    %scan3A_61 = arith.constant 0 : i32
    %scan3A_62 = arith.constant 0 : i32
    %scan3A_63 = arith.constant 20 : i32
    %scan3A_64 = arith.addi %scan3A_62, %scan3A_63 : i32
    %scan3A_65 = arith.constant 1 : i32
    scf.for %scan3A_77 = %scan3A_62 to %scan3A_64 step %scan3A_65  : i32 {
      %mul3A_78 = arith.constant 10240 : i32
      %mul3A_79 = arith.muli %add3A, %mul3A_78 : i32
      %mul3A_80 = arith.constant 512 : i32
      %mul3A_81 = arith.muli %scan3A_77, %mul3A_80 : i32
      %add3A_82 = arith.addi %mul3A_79, %mul3A_81 : i32
      "tpu.region"() ({
        %run_scoped3A = tpu.sem_alloc : memref<!tpu.dma_semaphore, #tpu.memory_space<semaphore_mem>>
        %dma_start3A_89 = tpu.memref_slice %arg4[%add3A_82] : memref<327680xi32, #tpu.memory_space<hbm>> -> memref<512xi32, #tpu.memory_space<hbm>>
        %dma_start3A_90 = tpu.memref_slice %arg4[%add3A_82] : memref<327680xi32, #tpu.memory_space<hbm>> -> memref<512xi32, #tpu.memory_space<hbm>>
        tpu.enqueue_dma source(%dma_start3A_90 : memref<512xi32, #tpu.memory_space<hbm>>) target(%arg14 : memref<512xi32, #tpu.memory_space<vmem>>) target_semaphore(%run_scoped3A : memref<!tpu.dma_semaphore, #tpu.memory_space<semaphore_mem>>)
        %dma_wait3A_91 = tpu.memref_slice %arg4[%add3A_82] : memref<327680xi32, #tpu.memory_space<hbm>> -> memref<512xi32, #tpu.memory_space<hbm>>
        %dma_wait3A_92 = tpu.memref_slice %arg4[%add3A_82] : memref<327680xi32, #tpu.memory_space<hbm>> -> memref<512xi32, #tpu.memory_space<hbm>>
        tpu.wait_dma2 semaphore(%run_scoped3A : memref<!tpu.dma_semaphore, #tpu.memory_space<semaphore_mem>>) src(%dma_wait3A_92 : memref<512xi32, #tpu.memory_space<hbm>>) dst(%arg14 : memref<512xi32, #tpu.memory_space<vmem>>)
        tpu.yield
      }) : () -> ()
      "tpu.region"() ({
        %run_scoped3A = tpu.sem_alloc : memref<!tpu.dma_semaphore, #tpu.memory_space<semaphore_mem>>
        %dma_start3A_89 = tpu.memref_slice %arg5[%add3A_82] : memref<327680xi32, #tpu.memory_space<hbm>> -> memref<512xi32, #tpu.memory_space<hbm>>
        %dma_start3A_90 = tpu.memref_slice %arg5[%add3A_82] : memref<327680xi32, #tpu.memory_space<hbm>> -> memref<512xi32, #tpu.memory_space<hbm>>
        tpu.enqueue_dma source(%dma_start3A_90 : memref<512xi32, #tpu.memory_space<hbm>>) target(%arg15 : memref<512xi32, #tpu.memory_space<vmem>>) target_semaphore(%run_scoped3A : memref<!tpu.dma_semaphore, #tpu.memory_space<semaphore_mem>>)
        %dma_wait3A_91 = tpu.memref_slice %arg5[%add3A_82] : memref<327680xi32, #tpu.memory_space<hbm>> -> memref<512xi32, #tpu.memory_space<hbm>>
        %dma_wait3A_92 = tpu.memref_slice %arg5[%add3A_82] : memref<327680xi32, #tpu.memory_space<hbm>> -> memref<512xi32, #tpu.memory_space<hbm>>
        tpu.wait_dma2 semaphore(%run_scoped3A : memref<!tpu.dma_semaphore, #tpu.memory_space<semaphore_mem>>) src(%dma_wait3A_92 : memref<512xi32, #tpu.memory_space<hbm>>) dst(%arg15 : memref<512xi32, #tpu.memory_space<vmem>>)
        tpu.yield
      }) : () -> ()
      %scan3A_83 = arith.constant 0 : i32
      %scan3A_84 = arith.constant 0 : i32
      %scan3A_85 = arith.constant 8 : i32
      %scan3A_86 = arith.addi %scan3A_84, %scan3A_85 : i32
      %scan3A_87 = arith.constant 1 : i32
      scf.for %scan3A_89 = %scan3A_84 to %scan3A_86 step %scan3A_87  : i32 {
        %mul3A_90 = arith.constant 2 : i32
        %mul3A_91 = arith.muli %mul3A_90, %scan3A_89 : i32
        %mul3A_92 = arith.constant 32 : i32
        %mul3A_93 = arith.muli %mul3A_91, %mul3A_92 : i32
        %add3A_94 = arith.constant 0 : i32
        %add3A_95 = arith.addi %mul3A_93, %add3A_94 : i32
        %get3A_96 = arith.index_cast %add3A_95 : i32 to index
        %get3A_97 = tpu.vector_load %arg14[%get3A_96] {strides = array<i32>} : memref<512xi32, #tpu.memory_space<vmem>>, vector<16xi32>,
        %swap3A = arith.constant 0 : index
        %swap3A_98 = tpu.vector_load %arg10[%swap3A] {strides = array<i32>} : memref<32xi32, #tpu.memory_space<vmem>>, vector<16xi32>,
        tpu.vector_store %arg10[%swap3A], %get3A_97 {strides = array<i32>} : memref<32xi32, #tpu.memory_space<vmem>>, vector<16xi32>,
        %mul3A_99 = arith.constant 32 : i32
        %mul3A_100 = arith.muli %mul3A_91, %mul3A_99 : i32
        %add3A_101 = arith.constant 0 : i32
        %add3A_102 = arith.addi %mul3A_100, %add3A_101 : i32
        %get3A_103 = arith.index_cast %add3A_102 : i32 to index
        %get3A_104 = tpu.vector_load %arg15[%get3A_103] {strides = array<i32>} : memref<512xi32, #tpu.memory_space<vmem>>, vector<16xi32>,
        %swap3A_105 = arith.constant 0 : index
        %swap3A_106 = tpu.vector_load %arg12[%swap3A_105] {strides = array<i32>} : memref<32xi32, #tpu.memory_space<vmem>>, vector<16xi32>,
        tpu.vector_store %arg12[%swap3A_105], %get3A_104 {strides = array<i32>} : memref<32xi32, #tpu.memory_space<vmem>>, vector<16xi32>,
        %mul3A_107 = arith.constant 32 : i32
        %mul3A_108 = arith.muli %mul3A_91, %mul3A_107 : i32
        %add3A_109 = arith.constant 16 : i32
        %add3A_110 = arith.addi %mul3A_108, %add3A_109 : i32
        %get3A_111 = arith.index_cast %add3A_110 : i32 to index
        %get3A_112 = tpu.vector_load %arg14[%get3A_111] {strides = array<i32>} : memref<512xi32, #tpu.memory_space<vmem>>, vector<16xi32>,
        %swap3A_113 = arith.constant 16 : index
        %swap3A_114 = tpu.vector_load %arg10[%swap3A_113] {strides = array<i32>} : memref<32xi32, #tpu.memory_space<vmem>>, vector<16xi32>,
        tpu.vector_store %arg10[%swap3A_113], %get3A_112 {strides = array<i32>} : memref<32xi32, #tpu.memory_space<vmem>>, vector<16xi32>,
        %mul3A_115 = arith.constant 32 : i32
        %mul3A_116 = arith.muli %mul3A_91, %mul3A_115 : i32
        %add3A_117 = arith.constant 16 : i32
        %add3A_118 = arith.addi %mul3A_116, %add3A_117 : i32
        %get3A_119 = arith.index_cast %add3A_118 : i32 to index
        %get3A_120 = tpu.vector_load %arg15[%get3A_119] {strides = array<i32>} : memref<512xi32, #tpu.memory_space<vmem>>, vector<16xi32>,
        %swap3A_121 = arith.constant 16 : index
        %swap3A_122 = tpu.vector_load %arg12[%swap3A_121] {strides = array<i32>} : memref<32xi32, #tpu.memory_space<vmem>>, vector<16xi32>,
        tpu.vector_store %arg12[%swap3A_121], %get3A_120 {strides = array<i32>} : memref<32xi32, #tpu.memory_space<vmem>>, vector<16xi32>,
        %dma_start3A_123 = arith.constant 0 : i32
        %dma_start3A_124 = arith.constant 0 : i32
        %dma_start3A_125 = tpu.memref_slice %arg2[%dma_start3A_123, %dma_start3A_124] : memref<10240x256xf32, #tpu.memory_space<hbm>> -> memref<10240x256xf32, #tpu.memory_space<hbm>>
        tpu.enqueue_indirect_dma source(%dma_start3A_125 : memref<10240x256xf32, #tpu.memory_space<hbm>>) target(%arg16 : memref<32x256xf32, #tpu.memory_space<vmem>>) offsets(%arg10 : memref<32xi32, #tpu.memory_space<vmem>>) semaphore(%arg22 : memref<!tpu.dma_semaphore, #tpu.memory_space<semaphore_mem>>)
        %dma_start3A_126 = arith.constant 0 : i32
        %dma_start3A_127 = arith.constant 0 : i32
        %dma_start3A_128 = tpu.memref_slice %arg3[%dma_start3A_126, %dma_start3A_127] : memref<10240x256xf32, #tpu.memory_space<hbm>> -> memref<10240x256xf32, #tpu.memory_space<hbm>>
        tpu.enqueue_indirect_dma source(%dma_start3A_128 : memref<10240x256xf32, #tpu.memory_space<hbm>>) target(%arg17 : memref<32x256xf32, #tpu.memory_space<vmem>>) offsets(%arg12 : memref<32xi32, #tpu.memory_space<vmem>>) semaphore(%arg22 : memref<!tpu.dma_semaphore, #tpu.memory_space<semaphore_mem>>)
        %dma_wait3A_129 = arith.constant 0 : i32
        %dma_wait3A_130 = arith.constant 0 : i32
        %dma_wait3A_131 = tpu.memref_slice %arg7[%dma_wait3A_129, %dma_wait3A_130] : memref<10240x128xf32, #tpu.memory_space<hbm>> -> memref<32x128xf32, #tpu.memory_space<hbm>>
        %dma_wait3A_132 = arith.constant 0 : i32
        %dma_wait3A_133 = arith.constant 0 : i32
        %dma_wait3A_134 = tpu.memref_slice %arg7[%dma_wait3A_132, %dma_wait3A_133] : memref<10240x128xf32, #tpu.memory_space<hbm>> -> memref<32x128xf32, #tpu.memory_space<hbm>>
        tpu.wait_dma2 semaphore(%arg23 : memref<!tpu.dma_semaphore, #tpu.memory_space<semaphore_mem>>) src(%dma_wait3A_134 : memref<32x128xf32, #tpu.memory_space<hbm>>) dst(%arg18 : memref<32x128xf32, #tpu.memory_space<vmem>>)
        %dma_wait3A_135 = arith.constant 0 : i32
        %dma_wait3A_136 = arith.constant 0 : i32
        %dma_wait3A_137 = tpu.memref_slice %arg2[%dma_wait3A_135, %dma_wait3A_136] : memref<10240x256xf32, #tpu.memory_space<hbm>> -> memref<32x256xf32, #tpu.memory_space<hbm>>
        %dma_wait3A_138 = arith.constant 0 : i32
        %dma_wait3A_139 = arith.constant 0 : i32
        %dma_wait3A_140 = tpu.memref_slice %arg2[%dma_wait3A_138, %dma_wait3A_139] : memref<10240x256xf32, #tpu.memory_space<hbm>> -> memref<32x256xf32, #tpu.memory_space<hbm>>
        tpu.wait_dma2 semaphore(%arg22 : memref<!tpu.dma_semaphore, #tpu.memory_space<semaphore_mem>>) src(%dma_wait3A_140 : memref<32x256xf32, #tpu.memory_space<hbm>>) dst(%arg16 : memref<32x256xf32, #tpu.memory_space<vmem>>)
        %dma_wait3A_141 = arith.constant 0 : i32
        %dma_wait3A_142 = arith.constant 0 : i32
        %dma_wait3A_143 = tpu.memref_slice %arg2[%dma_wait3A_141, %dma_wait3A_142] : memref<10240x256xf32, #tpu.memory_space<hbm>> -> memref<32x256xf32, #tpu.memory_space<hbm>>
        %dma_wait3A_144 = arith.constant 0 : i32
        %dma_wait3A_145 = arith.constant 0 : i32
        %dma_wait3A_146 = tpu.memref_slice %arg2[%dma_wait3A_144, %dma_wait3A_145] : memref<10240x256xf32, #tpu.memory_space<hbm>> -> memref<32x256xf32, #tpu.memory_space<hbm>>
        tpu.wait_dma2 semaphore(%arg22 : memref<!tpu.dma_semaphore, #tpu.memory_space<semaphore_mem>>) src(%dma_wait3A_146 : memref<32x256xf32, #tpu.memory_space<hbm>>) dst(%arg17 : memref<32x256xf32, #tpu.memory_space<vmem>>)
        %scan3A_147 = arith.constant 0 : i32
        %scan3A_148 = arith.constant 0 : i32
        %scan3A_149 = arith.constant 8 : i32
        %scan3A_150 = arith.addi %scan3A_148, %scan3A_149 : i32
        %scan3A_151 = arith.constant 1 : i32
        scf.for %scan3A_225 = %scan3A_148 to %scan3A_150 step %scan3A_151  : i32 {
          %mul3A_226 = arith.constant 4 : i32
          %mul3A_227 = arith.muli %mul3A_226, %scan3A_225 : i32
          %add3A_228 = arith.constant 0 : i32
          %add3A_229 = arith.addi %mul3A_227, %add3A_228 : i32
          %broadcast_in_dim3A_230 = vector.broadcast %add3A_229 : i32 to vector<16xi32>
          %gather3A = tpu.vector_load_idx %arg10[%broadcast_in_dim3A_230] : memref<32xi32, #tpu.memory_space<vmem>>[vector<16xi32>], vector<16xi32>,
          %get3A_231 = arith.index_cast %add3A_229 : i32 to index
          %get3A_232 = arith.constant 0 : index
          %get3A_233 = tpu.vector_load %arg16[%get3A_231, %get3A_232] {strides = array<i32>} : memref<32x256xf32, #tpu.memory_space<vmem>>, vector<16xf32>,
          %get3A_234 = arith.index_cast %add3A_229 : i32 to index
          %get3A_235 = arith.constant 0 : index
          %get3A_236 = tpu.vector_load %arg17[%get3A_234, %get3A_235] {strides = array<i32>} : memref<32x256xf32, #tpu.memory_space<vmem>>, vector<16xf32>,
          %add3A_237 = arith.addf %get3A_233, %get3A_236 : vector<16xf32>
          %gt3A = arith.constant 0.000000e+00 : f32
          %gt3A_238 = vector.broadcast %gt3A : f32 to vector<16xf32>
          %gt3A_239 = arith.cmpf ogt, %add3A_237, %gt3A_238 : vector<16xf32>
          %mul3A_240 = arith.constant 0.00999999977 : f32
          %mul3A_241 = vector.broadcast %mul3A_240 : f32 to vector<16xf32>
          %mul3A_242 = arith.mulf %mul3A_241, %add3A_237 : vector<16xf32>
          %select_n3A = arith.select %gt3A_239, %add3A_237, %mul3A_242 : vector<16xi1>, vector<16xf32>
          %mul3A_243 = arith.mulf %select_n3A, %get3A_17 : vector<16xf32>
          %get3A_244 = arith.index_cast %add3A_229 : i32 to index
          %get3A_245 = arith.constant 16 : index
          %get3A_246 = tpu.vector_load %arg16[%get3A_244, %get3A_245] {strides = array<i32>} : memref<32x256xf32, #tpu.memory_space<vmem>>, vector<16xf32>,
          %get3A_247 = arith.index_cast %add3A_229 : i32 to index
          %get3A_248 = arith.constant 16 : index
          %get3A_249 = tpu.vector_load %arg17[%get3A_247, %get3A_248] {strides = array<i32>} : memref<32x256xf32, #tpu.memory_space<vmem>>, vector<16xf32>,
          %add3A_250 = arith.addf %get3A_246, %get3A_249 : vector<16xf32>
          %gt3A_251 = arith.constant 0.000000e+00 : f32
          %gt3A_252 = vector.broadcast %gt3A_251 : f32 to vector<16xf32>
          %gt3A_253 = arith.cmpf ogt, %add3A_250, %gt3A_252 : vector<16xf32>
          %mul3A_254 = arith.constant 0.00999999977 : f32
          %mul3A_255 = vector.broadcast %mul3A_254 : f32 to vector<16xf32>
          %mul3A_256 = arith.mulf %mul3A_255, %add3A_250 : vector<16xf32>
          %select_n3A_257 = arith.select %gt3A_253, %add3A_250, %mul3A_256 : vector<16xi1>, vector<16xf32>
          %mul3A_258 = arith.mulf %select_n3A_257, %get3A_19 : vector<16xf32>
          %get3A_259 = arith.index_cast %add3A_229 : i32 to index
          %get3A_260 = arith.constant 32 : index
          %get3A_261 = tpu.vector_load %arg16[%get3A_259, %get3A_260] {strides = array<i32>} : memref<32x256xf32, #tpu.memory_space<vmem>>, vector<16xf32>,
          %get3A_262 = arith.index_cast %add3A_229 : i32 to index
          %get3A_263 = arith.constant 32 : index
          %get3A_264 = tpu.vector_load %arg17[%get3A_262, %get3A_263] {strides = array<i32>} : memref<32x256xf32, #tpu.memory_space<vmem>>, vector<16xf32>,
          %add3A_265 = arith.addf %get3A_261, %get3A_264 : vector<16xf32>
          %gt3A_266 = arith.constant 0.000000e+00 : f32
          %gt3A_267 = vector.broadcast %gt3A_266 : f32 to vector<16xf32>
          %gt3A_268 = arith.cmpf ogt, %add3A_265, %gt3A_267 : vector<16xf32>
          %mul3A_269 = arith.constant 0.00999999977 : f32
          %mul3A_270 = vector.broadcast %mul3A_269 : f32 to vector<16xf32>
          %mul3A_271 = arith.mulf %mul3A_270, %add3A_265 : vector<16xf32>
          %select_n3A_272 = arith.select %gt3A_268, %add3A_265, %mul3A_271 : vector<16xi1>, vector<16xf32>
          %mul3A_273 = arith.mulf %select_n3A_272, %get3A_21 : vector<16xf32>
          %get3A_274 = arith.index_cast %add3A_229 : i32 to index
          %get3A_275 = arith.constant 48 : index
          %get3A_276 = tpu.vector_load %arg16[%get3A_274, %get3A_275] {strides = array<i32>} : memref<32x256xf32, #tpu.memory_space<vmem>>, vector<16xf32>,
          %get3A_277 = arith.index_cast %add3A_229 : i32 to index
          %get3A_278 = arith.constant 48 : index
          %get3A_279 = tpu.vector_load %arg17[%get3A_277, %get3A_278] {strides = array<i32>} : memref<32x256xf32, #tpu.memory_space<vmem>>, vector<16xf32>,
          %add3A_280 = arith.addf %get3A_276, %get3A_279 : vector<16xf32>
          %gt3A_281 = arith.constant 0.000000e+00 : f32
          %gt3A_282 = vector.broadcast %gt3A_281 : f32 to vector<16xf32>
          %gt3A_283 = arith.cmpf ogt, %add3A_280, %gt3A_282 : vector<16xf32>
          %mul3A_284 = arith.constant 0.00999999977 : f32
          %mul3A_285 = vector.broadcast %mul3A_284 : f32 to vector<16xf32>
          %mul3A_286 = arith.mulf %mul3A_285, %add3A_280 : vector<16xf32>
          %select_n3A_287 = arith.select %gt3A_283, %add3A_280, %mul3A_286 : vector<16xi1>, vector<16xf32>
          %mul3A_288 = arith.mulf %select_n3A_287, %get3A_23 : vector<16xf32>
          %get3A_289 = arith.index_cast %add3A_229 : i32 to index
          %get3A_290 = arith.constant 64 : index
          %get3A_291 = tpu.vector_load %arg16[%get3A_289, %get3A_290] {strides = array<i32>} : memref<32x256xf32, #tpu.memory_space<vmem>>, vector<16xf32>,
          %get3A_292 = arith.index_cast %add3A_229 : i32 to index
          %get3A_293 = arith.constant 64 : index
          %get3A_294 = tpu.vector_load %arg17[%get3A_292, %get3A_293] {strides = array<i32>} : memref<32x256xf32, #tpu.memory_space<vmem>>, vector<16xf32>,
          %add3A_295 = arith.addf %get3A_291, %get3A_294 : vector<16xf32>
          %gt3A_296 = arith.constant 0.000000e+00 : f32
          %gt3A_297 = vector.broadcast %gt3A_296 : f32 to vector<16xf32>
          %gt3A_298 = arith.cmpf ogt, %add3A_295, %gt3A_297 : vector<16xf32>
          %mul3A_299 = arith.constant 0.00999999977 : f32
          %mul3A_300 = vector.broadcast %mul3A_299 : f32 to vector<16xf32>
          %mul3A_301 = arith.mulf %mul3A_300, %add3A_295 : vector<16xf32>
          %select_n3A_302 = arith.select %gt3A_298, %add3A_295, %mul3A_301 : vector<16xi1>, vector<16xf32>
          %mul3A_303 = arith.mulf %select_n3A_302, %get3A_25 : vector<16xf32>
          %get3A_304 = arith.index_cast %add3A_229 : i32 to index
          %get3A_305 = arith.constant 80 : index
          %get3A_306 = tpu.vector_load %arg16[%get3A_304, %get3A_305] {strides = array<i32>} : memref<32x256xf32, #tpu.memory_space<vmem>>, vector<16xf32>,
          %get3A_307 = arith.index_cast %add3A_229 : i32 to index
          %get3A_308 = arith.constant 80 : index
          %get3A_309 = tpu.vector_load %arg17[%get3A_307, %get3A_308] {strides = array<i32>} : memref<32x256xf32, #tpu.memory_space<vmem>>, vector<16xf32>,
          %add3A_310 = arith.addf %get3A_306, %get3A_309 : vector<16xf32>
          %gt3A_311 = arith.constant 0.000000e+00 : f32
          %gt3A_312 = vector.broadcast %gt3A_311 : f32 to vector<16xf32>
          %gt3A_313 = arith.cmpf ogt, %add3A_310, %gt3A_312 : vector<16xf32>
          %mul3A_314 = arith.constant 0.00999999977 : f32
          %mul3A_315 = vector.broadcast %mul3A_314 : f32 to vector<16xf32>
          %mul3A_316 = arith.mulf %mul3A_315, %add3A_310 : vector<16xf32>
          %select_n3A_317 = arith.select %gt3A_313, %add3A_310, %mul3A_316 : vector<16xi1>, vector<16xf32>
          %mul3A_318 = arith.mulf %select_n3A_317, %get3A_27 : vector<16xf32>
          %get3A_319 = arith.index_cast %add3A_229 : i32 to index
          %get3A_320 = arith.constant 96 : index
          %get3A_321 = tpu.vector_load %arg16[%get3A_319, %get3A_320] {strides = array<i32>} : memref<32x256xf32, #tpu.memory_space<vmem>>, vector<16xf32>,
          %get3A_322 = arith.index_cast %add3A_229 : i32 to index
          %get3A_323 = arith.constant 96 : index
          %get3A_324 = tpu.vector_load %arg17[%get3A_322, %get3A_323] {strides = array<i32>} : memref<32x256xf32, #tpu.memory_space<vmem>>, vector<16xf32>,
          %add3A_325 = arith.addf %get3A_321, %get3A_324 : vector<16xf32>
          %gt3A_326 = arith.constant 0.000000e+00 : f32
          %gt3A_327 = vector.broadcast %gt3A_326 : f32 to vector<16xf32>
          %gt3A_328 = arith.cmpf ogt, %add3A_325, %gt3A_327 : vector<16xf32>
          %mul3A_329 = arith.constant 0.00999999977 : f32
          %mul3A_330 = vector.broadcast %mul3A_329 : f32 to vector<16xf32>
          %mul3A_331 = arith.mulf %mul3A_330, %add3A_325 : vector<16xf32>
          %select_n3A_332 = arith.select %gt3A_328, %add3A_325, %mul3A_331 : vector<16xi1>, vector<16xf32>
          %mul3A_333 = arith.mulf %select_n3A_332, %get3A_29 : vector<16xf32>
          %get3A_334 = arith.index_cast %add3A_229 : i32 to index
          %get3A_335 = arith.constant 112 : index
          %get3A_336 = tpu.vector_load %arg16[%get3A_334, %get3A_335] {strides = array<i32>} : memref<32x256xf32, #tpu.memory_space<vmem>>, vector<16xf32>,
          %get3A_337 = arith.index_cast %add3A_229 : i32 to index
          %get3A_338 = arith.constant 112 : index
          %get3A_339 = tpu.vector_load %arg17[%get3A_337, %get3A_338] {strides = array<i32>} : memref<32x256xf32, #tpu.memory_space<vmem>>, vector<16xf32>,
          %add3A_340 = arith.addf %get3A_336, %get3A_339 : vector<16xf32>
          %gt3A_341 = arith.constant 0.000000e+00 : f32
          %gt3A_342 = vector.broadcast %gt3A_341 : f32 to vector<16xf32>
          %gt3A_343 = arith.cmpf ogt, %add3A_340, %gt3A_342 : vector<16xf32>
          %mul3A_344 = arith.constant 0.00999999977 : f32
          %mul3A_345 = vector.broadcast %mul3A_344 : f32 to vector<16xf32>
          %mul3A_346 = arith.mulf %mul3A_345, %add3A_340 : vector<16xf32>
          %select_n3A_347 = arith.select %gt3A_343, %add3A_340, %mul3A_346 : vector<16xi1>, vector<16xf32>
          %mul3A_348 = arith.mulf %select_n3A_347, %get3A_31 : vector<16xf32>
          %add3A_349 = arith.addf %mul3A_243, %mul3A_258 : vector<16xf32>
          %add3A_350 = arith.addf %mul3A_273, %mul3A_288 : vector<16xf32>
          %add3A_351 = arith.addf %add3A_349, %add3A_350 : vector<16xf32>
          %add3A_352 = arith.addf %mul3A_303, %mul3A_318 : vector<16xf32>
          %add3A_353 = arith.addf %mul3A_333, %mul3A_348 : vector<16xf32>
          %add3A_354 = arith.addf %add3A_352, %add3A_353 : vector<16xf32>
          %add3A_355 = arith.addf %add3A_351, %add3A_354 : vector<16xf32>
          %lt3A = arith.constant 0 : i32
          %lt3A_356 = vector.broadcast %lt3A : i32 to vector<16xi32>
          %lt3A_357 = arith.cmpi slt, %and3A_38, %lt3A_356 : vector<16xi32>
          %add3A_358 = arith.constant 16 : i32
          %add3A_359 = vector.broadcast %add3A_358 : i32 to vector<16xi32>
          %add3A_360 = arith.addi %and3A_38, %add3A_359 : vector<16xi32>
          %select_n3A_361 = arith.select %lt3A_357, %add3A_360, %and3A_38 : vector<16xi1>, vector<16xi32>
          %broadcast_in_dim3A_362 = vector.shape_cast %select_n3A_361 : vector<16xi32> to vector<16x1xi32>
          %gather3A_363 = vector.shape_cast %broadcast_in_dim3A_362 : vector<16x1xi32> to vector<16xi32>
          %gather3A_364 = tpu.dynamic_gather %add3A_355[%gather3A_363] in [0] : vector<16xf32>, vector<16xi32> -> vector<16xf32>
          %add3A_365 = arith.addf %add3A_355, %gather3A_364 : vector<16xf32>
          %lt3A_366 = arith.constant 0 : i32
          %lt3A_367 = vector.broadcast %lt3A_366 : i32 to vector<16xi32>
          %lt3A_368 = arith.cmpi slt, %and3A_44, %lt3A_367 : vector<16xi32>
          %add3A_369 = arith.constant 16 : i32
          %add3A_370 = vector.broadcast %add3A_369 : i32 to vector<16xi32>
          %add3A_371 = arith.addi %and3A_44, %add3A_370 : vector<16xi32>
          %select_n3A_372 = arith.select %lt3A_368, %add3A_371, %and3A_44 : vector<16xi1>, vector<16xi32>
          %broadcast_in_dim3A_373 = vector.shape_cast %select_n3A_372 : vector<16xi32> to vector<16x1xi32>
          %gather3A_374 = vector.shape_cast %broadcast_in_dim3A_373 : vector<16x1xi32> to vector<16xi32>
          %gather3A_375 = tpu.dynamic_gather %add3A_365[%gather3A_374] in [0] : vector<16xf32>, vector<16xi32> -> vector<16xf32>
          %add3A_376 = arith.addf %add3A_365, %gather3A_375 : vector<16xf32>
          %lt3A_377 = arith.constant 0 : i32
          %lt3A_378 = vector.broadcast %lt3A_377 : i32 to vector<16xi32>
          %lt3A_379 = arith.cmpi slt, %and3A_50, %lt3A_378 : vector<16xi32>
          %add3A_380 = arith.constant 16 : i32
          %add3A_381 = vector.broadcast %add3A_380 : i32 to vector<16xi32>
          %add3A_382 = arith.addi %and3A_50, %add3A_381 : vector<16xi32>
          %select_n3A_383 = arith.select %lt3A_379, %add3A_382, %and3A_50 : vector<16xi1>, vector<16xi32>
          %broadcast_in_dim3A_384 = vector.shape_cast %select_n3A_383 : vector<16xi32> to vector<16x1xi32>
          %gather3A_385 = vector.shape_cast %broadcast_in_dim3A_384 : vector<16x1xi32> to vector<16xi32>
          %gather3A_386 = tpu.dynamic_gather %add3A_376[%gather3A_385] in [0] : vector<16xf32>, vector<16xi32> -> vector<16xf32>
          %add3A_387 = arith.addf %add3A_376, %gather3A_386 : vector<16xf32>
          %lt3A_388 = arith.constant 0 : i32
          %lt3A_389 = vector.broadcast %lt3A_388 : i32 to vector<16xi32>
          %lt3A_390 = arith.cmpi slt, %and3A_56, %lt3A_389 : vector<16xi32>
          %add3A_391 = arith.constant 16 : i32
          %add3A_392 = vector.broadcast %add3A_391 : i32 to vector<16xi32>
          %add3A_393 = arith.addi %and3A_56, %add3A_392 : vector<16xi32>
          %select_n3A_394 = arith.select %lt3A_390, %add3A_393, %and3A_56 : vector<16xi1>, vector<16xi32>
          %broadcast_in_dim3A_395 = vector.shape_cast %select_n3A_394 : vector<16xi32> to vector<16x1xi32>
          %gather3A_396 = vector.shape_cast %broadcast_in_dim3A_395 : vector<16x1xi32> to vector<16xi32>
          %gather3A_397 = tpu.dynamic_gather %add3A_387[%gather3A_396] in [0] : vector<16xf32>, vector<16xi32> -> vector<16xf32>
          %add3A_398 = arith.addf %add3A_387, %gather3A_397 : vector<16xf32>
          %exp3A = math.exp %add3A_398 : vector<16xf32>
          tpu.vector_store_idx %arg19[%gather3A], %exp3A masked %eq3A_33 {add = true} : memref<10240xf32, #tpu.memory_space<vmem>>[vector<16xi32>], vector<16xf32>, vector<16xi1>
          %get3A_399 = arith.index_cast %add3A_229 : i32 to index
          %get3A_400 = arith.constant 128 : index
          %get3A_401 = tpu.vector_load %arg16[%get3A_399, %get3A_400] {strides = array<i32>} : memref<32x256xf32, #tpu.memory_space<vmem>>, vector<16xf32>,
          %get3A_402 = arith.index_cast %add3A_229 : i32 to index
          %get3A_403 = arith.constant 128 : index
          %get3A_404 = tpu.vector_load %arg17[%get3A_402, %get3A_403] {strides = array<i32>} : memref<32x256xf32, #tpu.memory_space<vmem>>, vector<16xf32>,
          %add3A_405 = arith.addf %get3A_401, %get3A_404 : vector<16xf32>
          %max3A = arith.constant 0.000000e+00 : f32
          %max3A_406 = vector.broadcast %max3A : f32 to vector<16xf32>
          %max3A_407 = arith.maximumf %add3A_405, %max3A_406 : vector<16xf32>
          %mul3A_408 = arith.mulf %max3A_407, %exp3A : vector<16xf32>
          %swap3A_409 = arith.index_cast %add3A_229 : i32 to index
          %swap3A_410 = arith.constant 0 : index
          %swap3A_411 = tpu.vector_load %arg18[%swap3A_409, %swap3A_410] {strides = array<i32>} : memref<32x128xf32, #tpu.memory_space<vmem>>, vector<16xf32>,
          tpu.vector_store %arg18[%swap3A_409, %swap3A_410], %mul3A_408 {strides = array<i32>} : memref<32x128xf32, #tpu.memory_space<vmem>>, vector<16xf32>,
          %get3A_412 = arith.index_cast %add3A_229 : i32 to index
          %get3A_413 = arith.constant 144 : index
          %get3A_414 = tpu.vector_load %arg16[%get3A_412, %get3A_413] {strides = array<i32>} : memref<32x256xf32, #tpu.memory_space<vmem>>, vector<16xf32>,
          %get3A_415 = arith.index_cast %add3A_229 : i32 to index
          %get3A_416 = arith.constant 144 : index
          %get3A_417 = tpu.vector_load %arg17[%get3A_415, %get3A_416] {strides = array<i32>} : memref<32x256xf32, #tpu.memory_space<vmem>>, vector<16xf32>,
          %add3A_418 = arith.addf %get3A_414, %get3A_417 : vector<16xf32>
          %max3A_419 = arith.constant 0.000000e+00 : f32
          %max3A_420 = vector.broadcast %max3A_419 : f32 to vector<16xf32>
          %max3A_421 = arith.maximumf %add3A_418, %max3A_420 : vector<16xf32>
          %mul3A_422 = arith.mulf %max3A_421, %exp3A : vector<16xf32>
          %swap3A_423 = arith.index_cast %add3A_229 : i32 to index
          %swap3A_424 = arith.constant 16 : index
          %swap3A_425 = tpu.vector_load %arg18[%swap3A_423, %swap3A_424] {strides = array<i32>} : memref<32x128xf32, #tpu.memory_space<vmem>>, vector<16xf32>,
          tpu.vector_store %arg18[%swap3A_423, %swap3A_424], %mul3A_422 {strides = array<i32>} : memref<32x128xf32, #tpu.memory_space<vmem>>, vector<16xf32>,
          %get3A_426 = arith.index_cast %add3A_229 : i32 to index
          %get3A_427 = arith.constant 160 : index
          %get3A_428 = tpu.vector_load %arg16[%get3A_426, %get3A_427] {strides = array<i32>} : memref<32x256xf32, #tpu.memory_space<vmem>>, vector<16xf32>,
          %get3A_429 = arith.index_cast %add3A_229 : i32 to index
          %get3A_430 = arith.constant 160 : index
          %get3A_431 = tpu.vector_load %arg17[%get3A_429, %get3A_430] {strides = array<i32>} : memref<32x256xf32, #tpu.memory_space<vmem>>, vector<16xf32>,
          %add3A_432 = arith.addf %get3A_428, %get3A_431 : vector<16xf32>
          %max3A_433 = arith.constant 0.000000e+00 : f32
          %max3A_434 = vector.broadcast %max3A_433 : f32 to vector<16xf32>
          %max3A_435 = arith.maximumf %add3A_432, %max3A_434 : vector<16xf32>
          %mul3A_436 = arith.mulf %max3A_435, %exp3A : vector<16xf32>
          %swap3A_437 = arith.index_cast %add3A_229 : i32 to index
          %swap3A_438 = arith.constant 32 : index
          %swap3A_439 = tpu.vector_load %arg18[%swap3A_437, %swap3A_438] {strides = array<i32>} : memref<32x128xf32, #tpu.memory_space<vmem>>, vector<16xf32>,
          tpu.vector_store %arg18[%swap3A_437, %swap3A_438], %mul3A_436 {strides = array<i32>} : memref<32x128xf32, #tpu.memory_space<vmem>>, vector<16xf32>,
          %get3A_440 = arith.index_cast %add3A_229 : i32 to index
          %get3A_441 = arith.constant 176 : index
          %get3A_442 = tpu.vector_load %arg16[%get3A_440, %get3A_441] {strides = array<i32>} : memref<32x256xf32, #tpu.memory_space<vmem>>, vector<16xf32>,
          %get3A_443 = arith.index_cast %add3A_229 : i32 to index
          %get3A_444 = arith.constant 176 : index
          %get3A_445 = tpu.vector_load %arg17[%get3A_443, %get3A_444] {strides = array<i32>} : memref<32x256xf32, #tpu.memory_space<vmem>>, vector<16xf32>,
          %add3A_446 = arith.addf %get3A_442, %get3A_445 : vector<16xf32>
          %max3A_447 = arith.constant 0.000000e+00 : f32
          %max3A_448 = vector.broadcast %max3A_447 : f32 to vector<16xf32>
          %max3A_449 = arith.maximumf %add3A_446, %max3A_448 : vector<16xf32>
          %mul3A_450 = arith.mulf %max3A_449, %exp3A : vector<16xf32>
          %swap3A_451 = arith.index_cast %add3A_229 : i32 to index
          %swap3A_452 = arith.constant 48 : index
          %swap3A_453 = tpu.vector_load %arg18[%swap3A_451, %swap3A_452] {strides = array<i32>} : memref<32x128xf32, #tpu.memory_space<vmem>>, vector<16xf32>,
          tpu.vector_store %arg18[%swap3A_451, %swap3A_452], %mul3A_450 {strides = array<i32>} : memref<32x128xf32, #tpu.memory_space<vmem>>, vector<16xf32>,
          %get3A_454 = arith.index_cast %add3A_229 : i32 to index
          %get3A_455 = arith.constant 192 : index
          %get3A_456 = tpu.vector_load %arg16[%get3A_454, %get3A_455] {strides = array<i32>} : memref<32x256xf32, #tpu.memory_space<vmem>>, vector<16xf32>,
          %get3A_457 = arith.index_cast %add3A_229 : i32 to index
          %get3A_458 = arith.constant 192 : index
          %get3A_459 = tpu.vector_load %arg17[%get3A_457, %get3A_458] {strides = array<i32>} : memref<32x256xf32, #tpu.memory_space<vmem>>, vector<16xf32>,
          %add3A_460 = arith.addf %get3A_456, %get3A_459 : vector<16xf32>
          %max3A_461 = arith.constant 0.000000e+00 : f32
          %max3A_462 = vector.broadcast %max3A_461 : f32 to vector<16xf32>
          %max3A_463 = arith.maximumf %add3A_460, %max3A_462 : vector<16xf32>
          %mul3A_464 = arith.mulf %max3A_463, %exp3A : vector<16xf32>
          %swap3A_465 = arith.index_cast %add3A_229 : i32 to index
          %swap3A_466 = arith.constant 64 : index
          %swap3A_467 = tpu.vector_load %arg18[%swap3A_465, %swap3A_466] {strides = array<i32>} : memref<32x128xf32, #tpu.memory_space<vmem>>, vector<16xf32>,
          tpu.vector_store %arg18[%swap3A_465, %swap3A_466], %mul3A_464 {strides = array<i32>} : memref<32x128xf32, #tpu.memory_space<vmem>>, vector<16xf32>,
          %get3A_468 = arith.index_cast %add3A_229 : i32 to index
          %get3A_469 = arith.constant 208 : index
          %get3A_470 = tpu.vector_load %arg16[%get3A_468, %get3A_469] {strides = array<i32>} : memref<32x256xf32, #tpu.memory_space<vmem>>, vector<16xf32>,
          %get3A_471 = arith.index_cast %add3A_229 : i32 to index
          %get3A_472 = arith.constant 208 : index
          %get3A_473 = tpu.vector_load %arg17[%get3A_471, %get3A_472] {strides = array<i32>} : memref<32x256xf32, #tpu.memory_space<vmem>>, vector<16xf32>,
          %add3A_474 = arith.addf %get3A_470, %get3A_473 : vector<16xf32>
          %max3A_475 = arith.constant 0.000000e+00 : f32
          %max3A_476 = vector.broadcast %max3A_475 : f32 to vector<16xf32>
          %max3A_477 = arith.maximumf %add3A_474, %max3A_476 : vector<16xf32>
          %mul3A_478 = arith.mulf %max3A_477, %exp3A : vector<16xf32>
          %swap3A_479 = arith.index_cast %add3A_229 : i32 to index
          %swap3A_480 = arith.constant 80 : index
          %swap3A_481 = tpu.vector_load %arg18[%swap3A_479, %swap3A_480] {strides = array<i32>} : memref<32x128xf32, #tpu.memory_space<vmem>>, vector<16xf32>,
          tpu.vector_store %arg18[%swap3A_479, %swap3A_480], %mul3A_478 {strides = array<i32>} : memref<32x128xf32, #tpu.memory_space<vmem>>, vector<16xf32>,
          %get3A_482 = arith.index_cast %add3A_229 : i32 to index
          %get3A_483 = arith.constant 224 : index
          %get3A_484 = tpu.vector_load %arg16[%get3A_482, %get3A_483] {strides = array<i32>} : memref<32x256xf32, #tpu.memory_space<vmem>>, vector<16xf32>,
          %get3A_485 = arith.index_cast %add3A_229 : i32 to index
          %get3A_486 = arith.constant 224 : index
          %get3A_487 = tpu.vector_load %arg17[%get3A_485, %get3A_486] {strides = array<i32>} : memref<32x256xf32, #tpu.memory_space<vmem>>, vector<16xf32>,
          %add3A_488 = arith.addf %get3A_484, %get3A_487 : vector<16xf32>
          %max3A_489 = arith.constant 0.000000e+00 : f32
          %max3A_490 = vector.broadcast %max3A_489 : f32 to vector<16xf32>
          %max3A_491 = arith.maximumf %add3A_488, %max3A_490 : vector<16xf32>
          %mul3A_492 = arith.mulf %max3A_491, %exp3A : vector<16xf32>
          %swap3A_493 = arith.index_cast %add3A_229 : i32 to index
          %swap3A_494 = arith.constant 96 : index
          %swap3A_495 = tpu.vector_load %arg18[%swap3A_493, %swap3A_494] {strides = array<i32>} : memref<32x128xf32, #tpu.memory_space<vmem>>, vector<16xf32>,
          tpu.vector_store %arg18[%swap3A_493, %swap3A_494], %mul3A_492 {strides = array<i32>} : memref<32x128xf32, #tpu.memory_space<vmem>>, vector<16xf32>,
          %get3A_496 = arith.index_cast %add3A_229 : i32 to index
          %get3A_497 = arith.constant 240 : index
          %get3A_498 = tpu.vector_load %arg16[%get3A_496, %get3A_497] {strides = array<i32>} : memref<32x256xf32, #tpu.memory_space<vmem>>, vector<16xf32>,
          %get3A_499 = arith.index_cast %add3A_229 : i32 to index
          %get3A_500 = arith.constant 240 : index
          %get3A_501 = tpu.vector_load %arg17[%get3A_499, %get3A_500] {strides = array<i32>} : memref<32x256xf32, #tpu.memory_space<vmem>>, vector<16xf32>,
          %add3A_502 = arith.addf %get3A_498, %get3A_501 : vector<16xf32>
          %max3A_503 = arith.constant 0.000000e+00 : f32
          %max3A_504 = vector.broadcast %max3A_503 : f32 to vector<16xf32>
          %max3A_505 = arith.maximumf %add3A_502, %max3A_504 : vector<16xf32>
          %mul3A_506 = arith.mulf %max3A_505, %exp3A : vector<16xf32>
          %swap3A_507 = arith.index_cast %add3A_229 : i32 to index
          %swap3A_508 = arith.constant 112 : index
          %swap3A_509 = tpu.vector_load %arg18[%swap3A_507, %swap3A_508] {strides = array<i32>} : memref<32x128xf32, #tpu.memory_space<vmem>>, vector<16xf32>,
          tpu.vector_store %arg18[%swap3A_507, %swap3A_508], %mul3A_506 {strides = array<i32>} : memref<32x128xf32, #tpu.memory_space<vmem>>, vector<16xf32>,
          %mul3A_510 = arith.constant 4 : i32
          %mul3A_511 = arith.muli %mul3A_510, %scan3A_225 : i32
          %add3A_512 = arith.constant 1 : i32
          %add3A_513 = arith.addi %mul3A_511, %add3A_512 : i32
          %broadcast_in_dim3A_514 = vector.broadcast %add3A_513 : i32 to vector<16xi32>
          %gather3A_515 = tpu.vector_load_idx %arg10[%broadcast_in_dim3A_514] : memref<32xi32, #tpu.memory_space<vmem>>[vector<16xi32>], vector<16xi32>,
          %get3A_516 = arith.index_cast %add3A_513 : i32 to index
          %get3A_517 = arith.constant 0 : index
          %get3A_518 = tpu.vector_load %arg16[%get3A_516, %get3A_517] {strides = array<i32>} : memref<32x256xf32, #tpu.memory_space<vmem>>, vector<16xf32>,
          %get3A_519 = arith.index_cast %add3A_513 : i32 to index
          %get3A_520 = arith.constant 0 : index
          %get3A_521 = tpu.vector_load %arg17[%get3A_519, %get3A_520] {strides = array<i32>} : memref<32x256xf32, #tpu.memory_space<vmem>>, vector<16xf32>,
          %add3A_522 = arith.addf %get3A_518, %get3A_521 : vector<16xf32>
          %gt3A_523 = arith.constant 0.000000e+00 : f32
          %gt3A_524 = vector.broadcast %gt3A_523 : f32 to vector<16xf32>
          %gt3A_525 = arith.cmpf ogt, %add3A_522, %gt3A_524 : vector<16xf32>
          %mul3A_526 = arith.constant 0.00999999977 : f32
          %mul3A_527 = vector.broadcast %mul3A_526 : f32 to vector<16xf32>
          %mul3A_528 = arith.mulf %mul3A_527, %add3A_522 : vector<16xf32>
          %select_n3A_529 = arith.select %gt3A_525, %add3A_522, %mul3A_528 : vector<16xi1>, vector<16xf32>
          %mul3A_530 = arith.mulf %select_n3A_529, %get3A_17 : vector<16xf32>
          %get3A_531 = arith.index_cast %add3A_513 : i32 to index
          %get3A_532 = arith.constant 16 : index
          %get3A_533 = tpu.vector_load %arg16[%get3A_531, %get3A_532] {strides = array<i32>} : memref<32x256xf32, #tpu.memory_space<vmem>>, vector<16xf32>,
          %get3A_534 = arith.index_cast %add3A_513 : i32 to index
          %get3A_535 = arith.constant 16 : index
          %get3A_536 = tpu.vector_load %arg17[%get3A_534, %get3A_535] {strides = array<i32>} : memref<32x256xf32, #tpu.memory_space<vmem>>, vector<16xf32>,
          %add3A_537 = arith.addf %get3A_533, %get3A_536 : vector<16xf32>
          %gt3A_538 = arith.constant 0.000000e+00 : f32
          %gt3A_539 = vector.broadcast %gt3A_538 : f32 to vector<16xf32>
          %gt3A_540 = arith.cmpf ogt, %add3A_537, %gt3A_539 : vector<16xf32>
          %mul3A_541 = arith.constant 0.00999999977 : f32
          %mul3A_542 = vector.broadcast %mul3A_541 : f32 to vector<16xf32>
          %mul3A_543 = arith.mulf %mul3A_542, %add3A_537 : vector<16xf32>
          %select_n3A_544 = arith.select %gt3A_540, %add3A_537, %mul3A_543 : vector<16xi1>, vector<16xf32>
          %mul3A_545 = arith.mulf %select_n3A_544, %get3A_19 : vector<16xf32>
          %get3A_546 = arith.index_cast %add3A_513 : i32 to index
          %get3A_547 = arith.constant 32 : index
          %get3A_548 = tpu.vector_load %arg16[%get3A_546, %get3A_547] {strides = array<i32>} : memref<32x256xf32, #tpu.memory_space<vmem>>, vector<16xf32>,
          %get3A_549 = arith.index_cast %add3A_513 : i32 to index
          %get3A_550 = arith.constant 32 : index
          %get3A_551 = tpu.vector_load %arg17[%get3A_549, %get3A_550] {strides = array<i32>} : memref<32x256xf32, #tpu.memory_space<vmem>>, vector<16xf32>,
          %add3A_552 = arith.addf %get3A_548, %get3A_551 : vector<16xf32>
          %gt3A_553 = arith.constant 0.000000e+00 : f32
          %gt3A_554 = vector.broadcast %gt3A_553 : f32 to vector<16xf32>
          %gt3A_555 = arith.cmpf ogt, %add3A_552, %gt3A_554 : vector<16xf32>
          %mul3A_556 = arith.constant 0.00999999977 : f32
          %mul3A_557 = vector.broadcast %mul3A_556 : f32 to vector<16xf32>
          %mul3A_558 = arith.mulf %mul3A_557, %add3A_552 : vector<16xf32>
          %select_n3A_559 = arith.select %gt3A_555, %add3A_552, %mul3A_558 : vector<16xi1>, vector<16xf32>
          %mul3A_560 = arith.mulf %select_n3A_559, %get3A_21 : vector<16xf32>
          %get3A_561 = arith.index_cast %add3A_513 : i32 to index
          %get3A_562 = arith.constant 48 : index
          %get3A_563 = tpu.vector_load %arg16[%get3A_561, %get3A_562] {strides = array<i32>} : memref<32x256xf32, #tpu.memory_space<vmem>>, vector<16xf32>,
          %get3A_564 = arith.index_cast %add3A_513 : i32 to index
          %get3A_565 = arith.constant 48 : index
          %get3A_566 = tpu.vector_load %arg17[%get3A_564, %get3A_565] {strides = array<i32>} : memref<32x256xf32, #tpu.memory_space<vmem>>, vector<16xf32>,
          %add3A_567 = arith.addf %get3A_563, %get3A_566 : vector<16xf32>
          %gt3A_568 = arith.constant 0.000000e+00 : f32
          %gt3A_569 = vector.broadcast %gt3A_568 : f32 to vector<16xf32>
          %gt3A_570 = arith.cmpf ogt, %add3A_567, %gt3A_569 : vector<16xf32>
          %mul3A_571 = arith.constant 0.00999999977 : f32
          %mul3A_572 = vector.broadcast %mul3A_571 : f32 to vector<16xf32>
          %mul3A_573 = arith.mulf %mul3A_572, %add3A_567 : vector<16xf32>
          %select_n3A_574 = arith.select %gt3A_570, %add3A_567, %mul3A_573 : vector<16xi1>, vector<16xf32>
          %mul3A_575 = arith.mulf %select_n3A_574, %get3A_23 : vector<16xf32>
          %get3A_576 = arith.index_cast %add3A_513 : i32 to index
          %get3A_577 = arith.constant 64 : index
          %get3A_578 = tpu.vector_load %arg16[%get3A_576, %get3A_577] {strides = array<i32>} : memref<32x256xf32, #tpu.memory_space<vmem>>, vector<16xf32>,
          %get3A_579 = arith.index_cast %add3A_513 : i32 to index
          %get3A_580 = arith.constant 64 : index
          %get3A_581 = tpu.vector_load %arg17[%get3A_579, %get3A_580] {strides = array<i32>} : memref<32x256xf32, #tpu.memory_space<vmem>>, vector<16xf32>,
          %add3A_582 = arith.addf %get3A_578, %get3A_581 : vector<16xf32>
          %gt3A_583 = arith.constant 0.000000e+00 : f32
          %gt3A_584 = vector.broadcast %gt3A_583 : f32 to vector<16xf32>
          %gt3A_585 = arith.cmpf ogt, %add3A_582, %gt3A_584 : vector<16xf32>
          %mul3A_586 = arith.constant 0.00999999977 : f32
          %mul3A_587 = vector.broadcast %mul3A_586 : f32 to vector<16xf32>
          %mul3A_588 = arith.mulf %mul3A_587, %add3A_582 : vector<16xf32>
          %select_n3A_589 = arith.select %gt3A_585, %add3A_582, %mul3A_588 : vector<16xi1>, vector<16xf32>
          %mul3A_590 = arith.mulf %select_n3A_589, %get3A_25 : vector<16xf32>
          %get3A_591 = arith.index_cast %add3A_513 : i32 to index
          %get3A_592 = arith.constant 80 : index
          %get3A_593 = tpu.vector_load %arg16[%get3A_591, %get3A_592] {strides = array<i32>} : memref<32x256xf32, #tpu.memory_space<vmem>>, vector<16xf32>,
          %get3A_594 = arith.index_cast %add3A_513 : i32 to index
          %get3A_595 = arith.constant 80 : index
          %get3A_596 = tpu.vector_load %arg17[%get3A_594, %get3A_595] {strides = array<i32>} : memref<32x256xf32, #tpu.memory_space<vmem>>, vector<16xf32>,
          %add3A_597 = arith.addf %get3A_593, %get3A_596 : vector<16xf32>
          %gt3A_598 = arith.constant 0.000000e+00 : f32
          %gt3A_599 = vector.broadcast %gt3A_598 : f32 to vector<16xf32>
          %gt3A_600 = arith.cmpf ogt, %add3A_597, %gt3A_599 : vector<16xf32>
          %mul3A_601 = arith.constant 0.00999999977 : f32
          %mul3A_602 = vector.broadcast %mul3A_601 : f32 to vector<16xf32>
          %mul3A_603 = arith.mulf %mul3A_602, %add3A_597 : vector<16xf32>
          %select_n3A_604 = arith.select %gt3A_600, %add3A_597, %mul3A_603 : vector<16xi1>, vector<16xf32>
          %mul3A_605 = arith.mulf %select_n3A_604, %get3A_27 : vector<16xf32>
          %get3A_606 = arith.index_cast %add3A_513 : i32 to index
          %get3A_607 = arith.constant 96 : index
          %get3A_608 = tpu.vector_load %arg16[%get3A_606, %get3A_607] {strides = array<i32>} : memref<32x256xf32, #tpu.memory_space<vmem>>, vector<16xf32>,
          %get3A_609 = arith.index_cast %add3A_513 : i32 to index
          %get3A_610 = arith.constant 96 : index
          %get3A_611 = tpu.vector_load %arg17[%get3A_609, %get3A_610] {strides = array<i32>} : memref<32x256xf32, #tpu.memory_space<vmem>>, vector<16xf32>,
          %add3A_612 = arith.addf %get3A_608, %get3A_611 : vector<16xf32>
          %gt3A_613 = arith.constant 0.000000e+00 : f32
          %gt3A_614 = vector.broadcast %gt3A_613 : f32 to vector<16xf32>
          %gt3A_615 = arith.cmpf ogt, %add3A_612, %gt3A_614 : vector<16xf32>
          %mul3A_616 = arith.constant 0.00999999977 : f32
          %mul3A_617 = vector.broadcast %mul3A_616 : f32 to vector<16xf32>
          %mul3A_618 = arith.mulf %mul3A_617, %add3A_612 : vector<16xf32>
          %select_n3A_619 = arith.select %gt3A_615, %add3A_612, %mul3A_618 : vector<16xi1>, vector<16xf32>
          %mul3A_620 = arith.mulf %select_n3A_619, %get3A_29 : vector<16xf32>
          %get3A_621 = arith.index_cast %add3A_513 : i32 to index
          %get3A_622 = arith.constant 112 : index
          %get3A_623 = tpu.vector_load %arg16[%get3A_621, %get3A_622] {strides = array<i32>} : memref<32x256xf32, #tpu.memory_space<vmem>>, vector<16xf32>,
          %get3A_624 = arith.index_cast %add3A_513 : i32 to index
          %get3A_625 = arith.constant 112 : index
          %get3A_626 = tpu.vector_load %arg17[%get3A_624, %get3A_625] {strides = array<i32>} : memref<32x256xf32, #tpu.memory_space<vmem>>, vector<16xf32>,
          %add3A_627 = arith.addf %get3A_623, %get3A_626 : vector<16xf32>
          %gt3A_628 = arith.constant 0.000000e+00 : f32
          %gt3A_629 = vector.broadcast %gt3A_628 : f32 to vector<16xf32>
          %gt3A_630 = arith.cmpf ogt, %add3A_627, %gt3A_629 : vector<16xf32>
          %mul3A_631 = arith.constant 0.00999999977 : f32
          %mul3A_632 = vector.broadcast %mul3A_631 : f32 to vector<16xf32>
          %mul3A_633 = arith.mulf %mul3A_632, %add3A_627 : vector<16xf32>
          %select_n3A_634 = arith.select %gt3A_630, %add3A_627, %mul3A_633 : vector<16xi1>, vector<16xf32>
          %mul3A_635 = arith.mulf %select_n3A_634, %get3A_31 : vector<16xf32>
          %add3A_636 = arith.addf %mul3A_530, %mul3A_545 : vector<16xf32>
          %add3A_637 = arith.addf %mul3A_560, %mul3A_575 : vector<16xf32>
          %add3A_638 = arith.addf %add3A_636, %add3A_637 : vector<16xf32>
          %add3A_639 = arith.addf %mul3A_590, %mul3A_605 : vector<16xf32>
          %add3A_640 = arith.addf %mul3A_620, %mul3A_635 : vector<16xf32>
          %add3A_641 = arith.addf %add3A_639, %add3A_640 : vector<16xf32>
          %add3A_642 = arith.addf %add3A_638, %add3A_641 : vector<16xf32>
          %lt3A_643 = arith.constant 0 : i32
          %lt3A_644 = vector.broadcast %lt3A_643 : i32 to vector<16xi32>
          %lt3A_645 = arith.cmpi slt, %and3A_38, %lt3A_644 : vector<16xi32>
          %add3A_646 = arith.constant 16 : i32
          %add3A_647 = vector.broadcast %add3A_646 : i32 to vector<16xi32>
          %add3A_648 = arith.addi %and3A_38, %add3A_647 : vector<16xi32>
          %select_n3A_649 = arith.select %lt3A_645, %add3A_648, %and3A_38 : vector<16xi1>, vector<16xi32>
          %broadcast_in_dim3A_650 = vector.shape_cast %select_n3A_649 : vector<16xi32> to vector<16x1xi32>
          %gather3A_651 = vector.shape_cast %broadcast_in_dim3A_650 : vector<16x1xi32> to vector<16xi32>
          %gather3A_652 = tpu.dynamic_gather %add3A_642[%gather3A_651] in [0] : vector<16xf32>, vector<16xi32> -> vector<16xf32>
          %add3A_653 = arith.addf %add3A_642, %gather3A_652 : vector<16xf32>
          %lt3A_654 = arith.constant 0 : i32
          %lt3A_655 = vector.broadcast %lt3A_654 : i32 to vector<16xi32>
          %lt3A_656 = arith.cmpi slt, %and3A_44, %lt3A_655 : vector<16xi32>
          %add3A_657 = arith.constant 16 : i32
          %add3A_658 = vector.broadcast %add3A_657 : i32 to vector<16xi32>
          %add3A_659 = arith.addi %and3A_44, %add3A_658 : vector<16xi32>
          %select_n3A_660 = arith.select %lt3A_656, %add3A_659, %and3A_44 : vector<16xi1>, vector<16xi32>
          %broadcast_in_dim3A_661 = vector.shape_cast %select_n3A_660 : vector<16xi32> to vector<16x1xi32>
          %gather3A_662 = vector.shape_cast %broadcast_in_dim3A_661 : vector<16x1xi32> to vector<16xi32>
          %gather3A_663 = tpu.dynamic_gather %add3A_653[%gather3A_662] in [0] : vector<16xf32>, vector<16xi32> -> vector<16xf32>
          %add3A_664 = arith.addf %add3A_653, %gather3A_663 : vector<16xf32>
          %lt3A_665 = arith.constant 0 : i32
          %lt3A_666 = vector.broadcast %lt3A_665 : i32 to vector<16xi32>
          %lt3A_667 = arith.cmpi slt, %and3A_50, %lt3A_666 : vector<16xi32>
          %add3A_668 = arith.constant 16 : i32
          %add3A_669 = vector.broadcast %add3A_668 : i32 to vector<16xi32>
          %add3A_670 = arith.addi %and3A_50, %add3A_669 : vector<16xi32>
          %select_n3A_671 = arith.select %lt3A_667, %add3A_670, %and3A_50 : vector<16xi1>, vector<16xi32>
          %broadcast_in_dim3A_672 = vector.shape_cast %select_n3A_671 : vector<16xi32> to vector<16x1xi32>
          %gather3A_673 = vector.shape_cast %broadcast_in_dim3A_672 : vector<16x1xi32> to vector<16xi32>
          %gather3A_674 = tpu.dynamic_gather %add3A_664[%gather3A_673] in [0] : vector<16xf32>, vector<16xi32> -> vector<16xf32>
          %add3A_675 = arith.addf %add3A_664, %gather3A_674 : vector<16xf32>
          %lt3A_676 = arith.constant 0 : i32
          %lt3A_677 = vector.broadcast %lt3A_676 : i32 to vector<16xi32>
          %lt3A_678 = arith.cmpi slt, %and3A_56, %lt3A_677 : vector<16xi32>
          %add3A_679 = arith.constant 16 : i32
          %add3A_680 = vector.broadcast %add3A_679 : i32 to vector<16xi32>
          %add3A_681 = arith.addi %and3A_56, %add3A_680 : vector<16xi32>
          %select_n3A_682 = arith.select %lt3A_678, %add3A_681, %and3A_56 : vector<16xi1>, vector<16xi32>
          %broadcast_in_dim3A_683 = vector.shape_cast %select_n3A_682 : vector<16xi32> to vector<16x1xi32>
          %gather3A_684 = vector.shape_cast %broadcast_in_dim3A_683 : vector<16x1xi32> to vector<16xi32>
          %gather3A_685 = tpu.dynamic_gather %add3A_675[%gather3A_684] in [0] : vector<16xf32>, vector<16xi32> -> vector<16xf32>
          %add3A_686 = arith.addf %add3A_675, %gather3A_685 : vector<16xf32>
          %exp3A_687 = math.exp %add3A_686 : vector<16xf32>
          tpu.vector_store_idx %arg19[%gather3A_515], %exp3A_687 masked %eq3A_33 {add = true} : memref<10240xf32, #tpu.memory_space<vmem>>[vector<16xi32>], vector<16xf32>, vector<16xi1>
          %get3A_688 = arith.index_cast %add3A_513 : i32 to index
          %get3A_689 = arith.constant 128 : index
          %get3A_690 = tpu.vector_load %arg16[%get3A_688, %get3A_689] {strides = array<i32>} : memref<32x256xf32, #tpu.memory_space<vmem>>, vector<16xf32>,
          %get3A_691 = arith.index_cast %add3A_513 : i32 to index
          %get3A_692 = arith.constant 128 : index
          %get3A_693 = tpu.vector_load %arg17[%get3A_691, %get3A_692] {strides = array<i32>} : memref<32x256xf32, #tpu.memory_space<vmem>>, vector<16xf32>,
          %add3A_694 = arith.addf %get3A_690, %get3A_693 : vector<16xf32>
          %max3A_695 = arith.constant 0.000000e+00 : f32
          %max3A_696 = vector.broadcast %max3A_695 : f32 to vector<16xf32>
          %max3A_697 = arith.maximumf %add3A_694, %max3A_696 : vector<16xf32>
          %mul3A_698 = arith.mulf %max3A_697, %exp3A_687 : vector<16xf32>
          %swap3A_699 = arith.index_cast %add3A_513 : i32 to index
          %swap3A_700 = arith.constant 0 : index
          %swap3A_701 = tpu.vector_load %arg18[%swap3A_699, %swap3A_700] {strides = array<i32>} : memref<32x128xf32, #tpu.memory_space<vmem>>, vector<16xf32>,
          tpu.vector_store %arg18[%swap3A_699, %swap3A_700], %mul3A_698 {strides = array<i32>} : memref<32x128xf32, #tpu.memory_space<vmem>>, vector<16xf32>,
          %get3A_702 = arith.index_cast %add3A_513 : i32 to index
          %get3A_703 = arith.constant 144 : index
          %get3A_704 = tpu.vector_load %arg16[%get3A_702, %get3A_703] {strides = array<i32>} : memref<32x256xf32, #tpu.memory_space<vmem>>, vector<16xf32>,
          %get3A_705 = arith.index_cast %add3A_513 : i32 to index
          %get3A_706 = arith.constant 144 : index
          %get3A_707 = tpu.vector_load %arg17[%get3A_705, %get3A_706] {strides = array<i32>} : memref<32x256xf32, #tpu.memory_space<vmem>>, vector<16xf32>,
          %add3A_708 = arith.addf %get3A_704, %get3A_707 : vector<16xf32>
          %max3A_709 = arith.constant 0.000000e+00 : f32
          %max3A_710 = vector.broadcast %max3A_709 : f32 to vector<16xf32>
          %max3A_711 = arith.maximumf %add3A_708, %max3A_710 : vector<16xf32>
          %mul3A_712 = arith.mulf %max3A_711, %exp3A_687 : vector<16xf32>
          %swap3A_713 = arith.index_cast %add3A_513 : i32 to index
          %swap3A_714 = arith.constant 16 : index
          %swap3A_715 = tpu.vector_load %arg18[%swap3A_713, %swap3A_714] {strides = array<i32>} : memref<32x128xf32, #tpu.memory_space<vmem>>, vector<16xf32>,
          tpu.vector_store %arg18[%swap3A_713, %swap3A_714], %mul3A_712 {strides = array<i32>} : memref<32x128xf32, #tpu.memory_space<vmem>>, vector<16xf32>,
          %get3A_716 = arith.index_cast %add3A_513 : i32 to index
          %get3A_717 = arith.constant 160 : index
          %get3A_718 = tpu.vector_load %arg16[%get3A_716, %get3A_717] {strides = array<i32>} : memref<32x256xf32, #tpu.memory_space<vmem>>, vector<16xf32>,
          %get3A_719 = arith.index_cast %add3A_513 : i32 to index
          %get3A_720 = arith.constant 160 : index
          %get3A_721 = tpu.vector_load %arg17[%get3A_719, %get3A_720] {strides = array<i32>} : memref<32x256xf32, #tpu.memory_space<vmem>>, vector<16xf32>,
          %add3A_722 = arith.addf %get3A_718, %get3A_721 : vector<16xf32>
          %max3A_723 = arith.constant 0.000000e+00 : f32
          %max3A_724 = vector.broadcast %max3A_723 : f32 to vector<16xf32>
          %max3A_725 = arith.maximumf %add3A_722, %max3A_724 : vector<16xf32>
          %mul3A_726 = arith.mulf %max3A_725, %exp3A_687 : vector<16xf32>
          %swap3A_727 = arith.index_cast %add3A_513 : i32 to index
          %swap3A_728 = arith.constant 32 : index
          %swap3A_729 = tpu.vector_load %arg18[%swap3A_727, %swap3A_728] {strides = array<i32>} : memref<32x128xf32, #tpu.memory_space<vmem>>, vector<16xf32>,
          tpu.vector_store %arg18[%swap3A_727, %swap3A_728], %mul3A_726 {strides = array<i32>} : memref<32x128xf32, #tpu.memory_space<vmem>>, vector<16xf32>,
          %get3A_730 = arith.index_cast %add3A_513 : i32 to index
          %get3A_731 = arith.constant 176 : index
          %get3A_732 = tpu.vector_load %arg16[%get3A_730, %get3A_731] {strides = array<i32>} : memref<32x256xf32, #tpu.memory_space<vmem>>, vector<16xf32>,
          %get3A_733 = arith.index_cast %add3A_513 : i32 to index
          %get3A_734 = arith.constant 176 : index
          %get3A_735 = tpu.vector_load %arg17[%get3A_733, %get3A_734] {strides = array<i32>} : memref<32x256xf32, #tpu.memory_space<vmem>>, vector<16xf32>,
          %add3A_736 = arith.addf %get3A_732, %get3A_735 : vector<16xf32>
          %max3A_737 = arith.constant 0.000000e+00 : f32
          %max3A_738 = vector.broadcast %max3A_737 : f32 to vector<16xf32>
          %max3A_739 = arith.maximumf %add3A_736, %max3A_738 : vector<16xf32>
          %mul3A_740 = arith.mulf %max3A_739, %exp3A_687 : vector<16xf32>
          %swap3A_741 = arith.index_cast %add3A_513 : i32 to index
          %swap3A_742 = arith.constant 48 : index
          %swap3A_743 = tpu.vector_load %arg18[%swap3A_741, %swap3A_742] {strides = array<i32>} : memref<32x128xf32, #tpu.memory_space<vmem>>, vector<16xf32>,
          tpu.vector_store %arg18[%swap3A_741, %swap3A_742], %mul3A_740 {strides = array<i32>} : memref<32x128xf32, #tpu.memory_space<vmem>>, vector<16xf32>,
          %get3A_744 = arith.index_cast %add3A_513 : i32 to index
          %get3A_745 = arith.constant 192 : index
          %get3A_746 = tpu.vector_load %arg16[%get3A_744, %get3A_745] {strides = array<i32>} : memref<32x256xf32, #tpu.memory_space<vmem>>, vector<16xf32>,
          %get3A_747 = arith.index_cast %add3A_513 : i32 to index
          %get3A_748 = arith.constant 192 : index
          %get3A_749 = tpu.vector_load %arg17[%get3A_747, %get3A_748] {strides = array<i32>} : memref<32x256xf32, #tpu.memory_space<vmem>>, vector<16xf32>,
          %add3A_750 = arith.addf %get3A_746, %get3A_749 : vector<16xf32>
          %max3A_751 = arith.constant 0.000000e+00 : f32
          %max3A_752 = vector.broadcast %max3A_751 : f32 to vector<16xf32>
          %max3A_753 = arith.maximumf %add3A_750, %max3A_752 : vector<16xf32>
          %mul3A_754 = arith.mulf %max3A_753, %exp3A_687 : vector<16xf32>
          %swap3A_755 = arith.index_cast %add3A_513 : i32 to index
          %swap3A_756 = arith.constant 64 : index
          %swap3A_757 = tpu.vector_load %arg18[%swap3A_755, %swap3A_756] {strides = array<i32>} : memref<32x128xf32, #tpu.memory_space<vmem>>, vector<16xf32>,
          tpu.vector_store %arg18[%swap3A_755, %swap3A_756], %mul3A_754 {strides = array<i32>} : memref<32x128xf32, #tpu.memory_space<vmem>>, vector<16xf32>,
          %get3A_758 = arith.index_cast %add3A_513 : i32 to index
          %get3A_759 = arith.constant 208 : index
          %get3A_760 = tpu.vector_load %arg16[%get3A_758, %get3A_759] {strides = array<i32>} : memref<32x256xf32, #tpu.memory_space<vmem>>, vector<16xf32>,
          %get3A_761 = arith.index_cast %add3A_513 : i32 to index
          %get3A_762 = arith.constant 208 : index
          %get3A_763 = tpu.vector_load %arg17[%get3A_761, %get3A_762] {strides = array<i32>} : memref<32x256xf32, #tpu.memory_space<vmem>>, vector<16xf32>,
          %add3A_764 = arith.addf %get3A_760, %get3A_763 : vector<16xf32>
          %max3A_765 = arith.constant 0.000000e+00 : f32
          %max3A_766 = vector.broadcast %max3A_765 : f32 to vector<16xf32>
          %max3A_767 = arith.maximumf %add3A_764, %max3A_766 : vector<16xf32>
          %mul3A_768 = arith.mulf %max3A_767, %exp3A_687 : vector<16xf32>
          %swap3A_769 = arith.index_cast %add3A_513 : i32 to index
          %swap3A_770 = arith.constant 80 : index
          %swap3A_771 = tpu.vector_load %arg18[%swap3A_769, %swap3A_770] {strides = array<i32>} : memref<32x128xf32, #tpu.memory_space<vmem>>, vector<16xf32>,
          tpu.vector_store %arg18[%swap3A_769, %swap3A_770], %mul3A_768 {strides = array<i32>} : memref<32x128xf32, #tpu.memory_space<vmem>>, vector<16xf32>,
          %get3A_772 = arith.index_cast %add3A_513 : i32 to index
          %get3A_773 = arith.constant 224 : index
          %get3A_774 = tpu.vector_load %arg16[%get3A_772, %get3A_773] {strides = array<i32>} : memref<32x256xf32, #tpu.memory_space<vmem>>, vector<16xf32>,
          %get3A_775 = arith.index_cast %add3A_513 : i32 to index
          %get3A_776 = arith.constant 224 : index
          %get3A_777 = tpu.vector_load %arg17[%get3A_775, %get3A_776] {strides = array<i32>} : memref<32x256xf32, #tpu.memory_space<vmem>>, vector<16xf32>,
          %add3A_778 = arith.addf %get3A_774, %get3A_777 : vector<16xf32>
          %max3A_779 = arith.constant 0.000000e+00 : f32
          %max3A_780 = vector.broadcast %max3A_779 : f32 to vector<16xf32>
          %max3A_781 = arith.maximumf %add3A_778, %max3A_780 : vector<16xf32>
          %mul3A_782 = arith.mulf %max3A_781, %exp3A_687 : vector<16xf32>
          %swap3A_783 = arith.index_cast %add3A_513 : i32 to index
          %swap3A_784 = arith.constant 96 : index
          %swap3A_785 = tpu.vector_load %arg18[%swap3A_783, %swap3A_784] {strides = array<i32>} : memref<32x128xf32, #tpu.memory_space<vmem>>, vector<16xf32>,
          tpu.vector_store %arg18[%swap3A_783, %swap3A_784], %mul3A_782 {strides = array<i32>} : memref<32x128xf32, #tpu.memory_space<vmem>>, vector<16xf32>,
          %get3A_786 = arith.index_cast %add3A_513 : i32 to index
          %get3A_787 = arith.constant 240 : index
          %get3A_788 = tpu.vector_load %arg16[%get3A_786, %get3A_787] {strides = array<i32>} : memref<32x256xf32, #tpu.memory_space<vmem>>, vector<16xf32>,
          %get3A_789 = arith.index_cast %add3A_513 : i32 to index
          %get3A_790 = arith.constant 240 : index
          %get3A_791 = tpu.vector_load %arg17[%get3A_789, %get3A_790] {strides = array<i32>} : memref<32x256xf32, #tpu.memory_space<vmem>>, vector<16xf32>,
          %add3A_792 = arith.addf %get3A_788, %get3A_791 : vector<16xf32>
          %max3A_793 = arith.constant 0.000000e+00 : f32
          %max3A_794 = vector.broadcast %max3A_793 : f32 to vector<16xf32>
          %max3A_795 = arith.maximumf %add3A_792, %max3A_794 : vector<16xf32>
          %mul3A_796 = arith.mulf %max3A_795, %exp3A_687 : vector<16xf32>
          %swap3A_797 = arith.index_cast %add3A_513 : i32 to index
          %swap3A_798 = arith.constant 112 : index
          %swap3A_799 = tpu.vector_load %arg18[%swap3A_797, %swap3A_798] {strides = array<i32>} : memref<32x128xf32, #tpu.memory_space<vmem>>, vector<16xf32>,
          tpu.vector_store %arg18[%swap3A_797, %swap3A_798], %mul3A_796 {strides = array<i32>} : memref<32x128xf32, #tpu.memory_space<vmem>>, vector<16xf32>,
          %mul3A_800 = arith.constant 4 : i32
          %mul3A_801 = arith.muli %mul3A_800, %scan3A_225 : i32
          %add3A_802 = arith.constant 2 : i32
          %add3A_803 = arith.addi %mul3A_801, %add3A_802 : i32
          %broadcast_in_dim3A_804 = vector.broadcast %add3A_803 : i32 to vector<16xi32>
          %gather3A_805 = tpu.vector_load_idx %arg10[%broadcast_in_dim3A_804] : memref<32xi32, #tpu.memory_space<vmem>>[vector<16xi32>], vector<16xi32>,
          %get3A_806 = arith.index_cast %add3A_803 : i32 to index
          %get3A_807 = arith.constant 0 : index
          %get3A_808 = tpu.vector_load %arg16[%get3A_806, %get3A_807] {strides = array<i32>} : memref<32x256xf32, #tpu.memory_space<vmem>>, vector<16xf32>,
          %get3A_809 = arith.index_cast %add3A_803 : i32 to index
          %get3A_810 = arith.constant 0 : index
          %get3A_811 = tpu.vector_load %arg17[%get3A_809, %get3A_810] {strides = array<i32>} : memref<32x256xf32, #tpu.memory_space<vmem>>, vector<16xf32>,
          %add3A_812 = arith.addf %get3A_808, %get3A_811 : vector<16xf32>
          %gt3A_813 = arith.constant 0.000000e+00 : f32
          %gt3A_814 = vector.broadcast %gt3A_813 : f32 to vector<16xf32>
          %gt3A_815 = arith.cmpf ogt, %add3A_812, %gt3A_814 : vector<16xf32>
          %mul3A_816 = arith.constant 0.00999999977 : f32
          %mul3A_817 = vector.broadcast %mul3A_816 : f32 to vector<16xf32>
          %mul3A_818 = arith.mulf %mul3A_817, %add3A_812 : vector<16xf32>
          %select_n3A_819 = arith.select %gt3A_815, %add3A_812, %mul3A_818 : vector<16xi1>, vector<16xf32>
          %mul3A_820 = arith.mulf %select_n3A_819, %get3A_17 : vector<16xf32>
          %get3A_821 = arith.index_cast %add3A_803 : i32 to index
          %get3A_822 = arith.constant 16 : index
          %get3A_823 = tpu.vector_load %arg16[%get3A_821, %get3A_822] {strides = array<i32>} : memref<32x256xf32, #tpu.memory_space<vmem>>, vector<16xf32>,
          %get3A_824 = arith.index_cast %add3A_803 : i32 to index
          %get3A_825 = arith.constant 16 : index
          %get3A_826 = tpu.vector_load %arg17[%get3A_824, %get3A_825] {strides = array<i32>} : memref<32x256xf32, #tpu.memory_space<vmem>>, vector<16xf32>,
          %add3A_827 = arith.addf %get3A_823, %get3A_826 : vector<16xf32>
          %gt3A_828 = arith.constant 0.000000e+00 : f32
          %gt3A_829 = vector.broadcast %gt3A_828 : f32 to vector<16xf32>
          %gt3A_830 = arith.cmpf ogt, %add3A_827, %gt3A_829 : vector<16xf32>
          %mul3A_831 = arith.constant 0.00999999977 : f32
          %mul3A_832 = vector.broadcast %mul3A_831 : f32 to vector<16xf32>
          %mul3A_833 = arith.mulf %mul3A_832, %add3A_827 : vector<16xf32>
          %select_n3A_834 = arith.select %gt3A_830, %add3A_827, %mul3A_833 : vector<16xi1>, vector<16xf32>
          %mul3A_835 = arith.mulf %select_n3A_834, %get3A_19 : vector<16xf32>
          %get3A_836 = arith.index_cast %add3A_803 : i32 to index
          %get3A_837 = arith.constant 32 : index
          %get3A_838 = tpu.vector_load %arg16[%get3A_836, %get3A_837] {strides = array<i32>} : memref<32x256xf32, #tpu.memory_space<vmem>>, vector<16xf32>,
          %get3A_839 = arith.index_cast %add3A_803 : i32 to index
          %get3A_840 = arith.constant 32 : index
          %get3A_841 = tpu.vector_load %arg17[%get3A_839, %get3A_840] {strides = array<i32>} : memref<32x256xf32, #tpu.memory_space<vmem>>, vector<16xf32>,
          %add3A_842 = arith.addf %get3A_838, %get3A_841 : vector<16xf32>
          %gt3A_843 = arith.constant 0.000000e+00 : f32
          %gt3A_844 = vector.broadcast %gt3A_843 : f32 to vector<16xf32>
          %gt3A_845 = arith.cmpf ogt, %add3A_842, %gt3A_844 : vector<16xf32>
          %mul3A_846 = arith.constant 0.00999999977 : f32
          %mul3A_847 = vector.broadcast %mul3A_846 : f32 to vector<16xf32>
          %mul3A_848 = arith.mulf %mul3A_847, %add3A_842 : vector<16xf32>
          %select_n3A_849 = arith.select %gt3A_845, %add3A_842, %mul3A_848 : vector<16xi1>, vector<16xf32>
          %mul3A_850 = arith.mulf %select_n3A_849, %get3A_21 : vector<16xf32>
          %get3A_851 = arith.index_cast %add3A_803 : i32 to index
          %get3A_852 = arith.constant 48 : index
          %get3A_853 = tpu.vector_load %arg16[%get3A_851, %get3A_852] {strides = array<i32>} : memref<32x256xf32, #tpu.memory_space<vmem>>, vector<16xf32>,
          %get3A_854 = arith.index_cast %add3A_803 : i32 to index
          %get3A_855 = arith.constant 48 : index
          %get3A_856 = tpu.vector_load %arg17[%get3A_854, %get3A_855] {strides = array<i32>} : memref<32x256xf32, #tpu.memory_space<vmem>>, vector<16xf32>,
          %add3A_857 = arith.addf %get3A_853, %get3A_856 : vector<16xf32>
          %gt3A_858 = arith.constant 0.000000e+00 : f32
          %gt3A_859 = vector.broadcast %gt3A_858 : f32 to vector<16xf32>
          %gt3A_860 = arith.cmpf ogt, %add3A_857, %gt3A_859 : vector<16xf32>
          %mul3A_861 = arith.constant 0.00999999977 : f32
          %mul3A_862 = vector.broadcast %mul3A_861 : f32 to vector<16xf32>
          %mul3A_863 = arith.mulf %mul3A_862, %add3A_857 : vector<16xf32>
          %select_n3A_864 = arith.select %gt3A_860, %add3A_857, %mul3A_863 : vector<16xi1>, vector<16xf32>
          %mul3A_865 = arith.mulf %select_n3A_864, %get3A_23 : vector<16xf32>
          %get3A_866 = arith.index_cast %add3A_803 : i32 to index
          %get3A_867 = arith.constant 64 : index
          %get3A_868 = tpu.vector_load %arg16[%get3A_866, %get3A_867] {strides = array<i32>} : memref<32x256xf32, #tpu.memory_space<vmem>>, vector<16xf32>,
          %get3A_869 = arith.index_cast %add3A_803 : i32 to index
          %get3A_870 = arith.constant 64 : index
          %get3A_871 = tpu.vector_load %arg17[%get3A_869, %get3A_870] {strides = array<i32>} : memref<32x256xf32, #tpu.memory_space<vmem>>, vector<16xf32>,
          %add3A_872 = arith.addf %get3A_868, %get3A_871 : vector<16xf32>
          %gt3A_873 = arith.constant 0.000000e+00 : f32
          %gt3A_874 = vector.broadcast %gt3A_873 : f32 to vector<16xf32>
          %gt3A_875 = arith.cmpf ogt, %add3A_872, %gt3A_874 : vector<16xf32>
          %mul3A_876 = arith.constant 0.00999999977 : f32
          %mul3A_877 = vector.broadcast %mul3A_876 : f32 to vector<16xf32>
          %mul3A_878 = arith.mulf %mul3A_877, %add3A_872 : vector<16xf32>
          %select_n3A_879 = arith.select %gt3A_875, %add3A_872, %mul3A_878 : vector<16xi1>, vector<16xf32>
          %mul3A_880 = arith.mulf %select_n3A_879, %get3A_25 : vector<16xf32>
          %get3A_881 = arith.index_cast %add3A_803 : i32 to index
          %get3A_882 = arith.constant 80 : index
          %get3A_883 = tpu.vector_load %arg16[%get3A_881, %get3A_882] {strides = array<i32>} : memref<32x256xf32, #tpu.memory_space<vmem>>, vector<16xf32>,
          %get3A_884 = arith.index_cast %add3A_803 : i32 to index
          %get3A_885 = arith.constant 80 : index
          %get3A_886 = tpu.vector_load %arg17[%get3A_884, %get3A_885] {strides = array<i32>} : memref<32x256xf32, #tpu.memory_space<vmem>>, vector<16xf32>,
          %add3A_887 = arith.addf %get3A_883, %get3A_886 : vector<16xf32>
          %gt3A_888 = arith.constant 0.000000e+00 : f32
          %gt3A_889 = vector.broadcast %gt3A_888 : f32 to vector<16xf32>
          %gt3A_890 = arith.cmpf ogt, %add3A_887, %gt3A_889 : vector<16xf32>
          %mul3A_891 = arith.constant 0.00999999977 : f32
          %mul3A_892 = vector.broadcast %mul3A_891 : f32 to vector<16xf32>
          %mul3A_893 = arith.mulf %mul3A_892, %add3A_887 : vector<16xf32>
          %select_n3A_894 = arith.select %gt3A_890, %add3A_887, %mul3A_893 : vector<16xi1>, vector<16xf32>
          %mul3A_895 = arith.mulf %select_n3A_894, %get3A_27 : vector<16xf32>
          %get3A_896 = arith.index_cast %add3A_803 : i32 to index
          %get3A_897 = arith.constant 96 : index
          %get3A_898 = tpu.vector_load %arg16[%get3A_896, %get3A_897] {strides = array<i32>} : memref<32x256xf32, #tpu.memory_space<vmem>>, vector<16xf32>,
          %get3A_899 = arith.index_cast %add3A_803 : i32 to index
          %get3A_900 = arith.constant 96 : index
          %get3A_901 = tpu.vector_load %arg17[%get3A_899, %get3A_900] {strides = array<i32>} : memref<32x256xf32, #tpu.memory_space<vmem>>, vector<16xf32>,
          %add3A_902 = arith.addf %get3A_898, %get3A_901 : vector<16xf32>
          %gt3A_903 = arith.constant 0.000000e+00 : f32
          %gt3A_904 = vector.broadcast %gt3A_903 : f32 to vector<16xf32>
          %gt3A_905 = arith.cmpf ogt, %add3A_902, %gt3A_904 : vector<16xf32>
          %mul3A_906 = arith.constant 0.00999999977 : f32
          %mul3A_907 = vector.broadcast %mul3A_906 : f32 to vector<16xf32>
          %mul3A_908 = arith.mulf %mul3A_907, %add3A_902 : vector<16xf32>
          %select_n3A_909 = arith.select %gt3A_905, %add3A_902, %mul3A_908 : vector<16xi1>, vector<16xf32>
          %mul3A_910 = arith.mulf %select_n3A_909, %get3A_29 : vector<16xf32>
          %get3A_911 = arith.index_cast %add3A_803 : i32 to index
          %get3A_912 = arith.constant 112 : index
          %get3A_913 = tpu.vector_load %arg16[%get3A_911, %get3A_912] {strides = array<i32>} : memref<32x256xf32, #tpu.memory_space<vmem>>, vector<16xf32>,
          %get3A_914 = arith.index_cast %add3A_803 : i32 to index
          %get3A_915 = arith.constant 112 : index
          %get3A_916 = tpu.vector_load %arg17[%get3A_914, %get3A_915] {strides = array<i32>} : memref<32x256xf32, #tpu.memory_space<vmem>>, vector<16xf32>,
          %add3A_917 = arith.addf %get3A_913, %get3A_916 : vector<16xf32>
          %gt3A_918 = arith.constant 0.000000e+00 : f32
          %gt3A_919 = vector.broadcast %gt3A_918 : f32 to vector<16xf32>
          %gt3A_920 = arith.cmpf ogt, %add3A_917, %gt3A_919 : vector<16xf32>
          %mul3A_921 = arith.constant 0.00999999977 : f32
          %mul3A_922 = vector.broadcast %mul3A_921 : f32 to vector<16xf32>
          %mul3A_923 = arith.mulf %mul3A_922, %add3A_917 : vector<16xf32>
          %select_n3A_924 = arith.select %gt3A_920, %add3A_917, %mul3A_923 : vector<16xi1>, vector<16xf32>
          %mul3A_925 = arith.mulf %select_n3A_924, %get3A_31 : vector<16xf32>
          %add3A_926 = arith.addf %mul3A_820, %mul3A_835 : vector<16xf32>
          %add3A_927 = arith.addf %mul3A_850, %mul3A_865 : vector<16xf32>
          %add3A_928 = arith.addf %add3A_926, %add3A_927 : vector<16xf32>
          %add3A_929 = arith.addf %mul3A_880, %mul3A_895 : vector<16xf32>
          %add3A_930 = arith.addf %mul3A_910, %mul3A_925 : vector<16xf32>
          %add3A_931 = arith.addf %add3A_929, %add3A_930 : vector<16xf32>
          %add3A_932 = arith.addf %add3A_928, %add3A_931 : vector<16xf32>
          %lt3A_933 = arith.constant 0 : i32
          %lt3A_934 = vector.broadcast %lt3A_933 : i32 to vector<16xi32>
          %lt3A_935 = arith.cmpi slt, %and3A_38, %lt3A_934 : vector<16xi32>
          %add3A_936 = arith.constant 16 : i32
          %add3A_937 = vector.broadcast %add3A_936 : i32 to vector<16xi32>
          %add3A_938 = arith.addi %and3A_38, %add3A_937 : vector<16xi32>
          %select_n3A_939 = arith.select %lt3A_935, %add3A_938, %and3A_38 : vector<16xi1>, vector<16xi32>
          %broadcast_in_dim3A_940 = vector.shape_cast %select_n3A_939 : vector<16xi32> to vector<16x1xi32>
          %gather3A_941 = vector.shape_cast %broadcast_in_dim3A_940 : vector<16x1xi32> to vector<16xi32>
          %gather3A_942 = tpu.dynamic_gather %add3A_932[%gather3A_941] in [0] : vector<16xf32>, vector<16xi32> -> vector<16xf32>
          %add3A_943 = arith.addf %add3A_932, %gather3A_942 : vector<16xf32>
          %lt3A_944 = arith.constant 0 : i32
          %lt3A_945 = vector.broadcast %lt3A_944 : i32 to vector<16xi32>
          %lt3A_946 = arith.cmpi slt, %and3A_44, %lt3A_945 : vector<16xi32>
          %add3A_947 = arith.constant 16 : i32
          %add3A_948 = vector.broadcast %add3A_947 : i32 to vector<16xi32>
          %add3A_949 = arith.addi %and3A_44, %add3A_948 : vector<16xi32>
          %select_n3A_950 = arith.select %lt3A_946, %add3A_949, %and3A_44 : vector<16xi1>, vector<16xi32>
          %broadcast_in_dim3A_951 = vector.shape_cast %select_n3A_950 : vector<16xi32> to vector<16x1xi32>
          %gather3A_952 = vector.shape_cast %broadcast_in_dim3A_951 : vector<16x1xi32> to vector<16xi32>
          %gather3A_953 = tpu.dynamic_gather %add3A_943[%gather3A_952] in [0] : vector<16xf32>, vector<16xi32> -> vector<16xf32>
          %add3A_954 = arith.addf %add3A_943, %gather3A_953 : vector<16xf32>
          %lt3A_955 = arith.constant 0 : i32
          %lt3A_956 = vector.broadcast %lt3A_955 : i32 to vector<16xi32>
          %lt3A_957 = arith.cmpi slt, %and3A_50, %lt3A_956 : vector<16xi32>
          %add3A_958 = arith.constant 16 : i32
          %add3A_959 = vector.broadcast %add3A_958 : i32 to vector<16xi32>
          %add3A_960 = arith.addi %and3A_50, %add3A_959 : vector<16xi32>
          %select_n3A_961 = arith.select %lt3A_957, %add3A_960, %and3A_50 : vector<16xi1>, vector<16xi32>
          %broadcast_in_dim3A_962 = vector.shape_cast %select_n3A_961 : vector<16xi32> to vector<16x1xi32>
          %gather3A_963 = vector.shape_cast %broadcast_in_dim3A_962 : vector<16x1xi32> to vector<16xi32>
          %gather3A_964 = tpu.dynamic_gather %add3A_954[%gather3A_963] in [0] : vector<16xf32>, vector<16xi32> -> vector<16xf32>
          %add3A_965 = arith.addf %add3A_954, %gather3A_964 : vector<16xf32>
          %lt3A_966 = arith.constant 0 : i32
          %lt3A_967 = vector.broadcast %lt3A_966 : i32 to vector<16xi32>
          %lt3A_968 = arith.cmpi slt, %and3A_56, %lt3A_967 : vector<16xi32>
          %add3A_969 = arith.constant 16 : i32
          %add3A_970 = vector.broadcast %add3A_969 : i32 to vector<16xi32>
          %add3A_971 = arith.addi %and3A_56, %add3A_970 : vector<16xi32>
          %select_n3A_972 = arith.select %lt3A_968, %add3A_971, %and3A_56 : vector<16xi1>, vector<16xi32>
          %broadcast_in_dim3A_973 = vector.shape_cast %select_n3A_972 : vector<16xi32> to vector<16x1xi32>
          %gather3A_974 = vector.shape_cast %broadcast_in_dim3A_973 : vector<16x1xi32> to vector<16xi32>
          %gather3A_975 = tpu.dynamic_gather %add3A_965[%gather3A_974] in [0] : vector<16xf32>, vector<16xi32> -> vector<16xf32>
          %add3A_976 = arith.addf %add3A_965, %gather3A_975 : vector<16xf32>
          %exp3A_977 = math.exp %add3A_976 : vector<16xf32>
          tpu.vector_store_idx %arg19[%gather3A_805], %exp3A_977 masked %eq3A_33 {add = true} : memref<10240xf32, #tpu.memory_space<vmem>>[vector<16xi32>], vector<16xf32>, vector<16xi1>
          %get3A_978 = arith.index_cast %add3A_803 : i32 to index
          %get3A_979 = arith.constant 128 : index
          %get3A_980 = tpu.vector_load %arg16[%get3A_978, %get3A_979] {strides = array<i32>} : memref<32x256xf32, #tpu.memory_space<vmem>>, vector<16xf32>,
          %get3A_981 = arith.index_cast %add3A_803 : i32 to index
          %get3A_982 = arith.constant 128 : index
          %get3A_983 = tpu.vector_load %arg17[%get3A_981, %get3A_982] {strides = array<i32>} : memref<32x256xf32, #tpu.memory_space<vmem>>, vector<16xf32>,
          %add3A_984 = arith.addf %get3A_980, %get3A_983 : vector<16xf32>
          %max3A_985 = arith.constant 0.000000e+00 : f32
          %max3A_986 = vector.broadcast %max3A_985 : f32 to vector<16xf32>
          %max3A_987 = arith.maximumf %add3A_984, %max3A_986 : vector<16xf32>
          %mul3A_988 = arith.mulf %max3A_987, %exp3A_977 : vector<16xf32>
          %swap3A_989 = arith.index_cast %add3A_803 : i32 to index
          %swap3A_990 = arith.constant 0 : index
          %swap3A_991 = tpu.vector_load %arg18[%swap3A_989, %swap3A_990] {strides = array<i32>} : memref<32x128xf32, #tpu.memory_space<vmem>>, vector<16xf32>,
          tpu.vector_store %arg18[%swap3A_989, %swap3A_990], %mul3A_988 {strides = array<i32>} : memref<32x128xf32, #tpu.memory_space<vmem>>, vector<16xf32>,
          %get3A_992 = arith.index_cast %add3A_803 : i32 to index
          %get3A_993 = arith.constant 144 : index
          %get3A_994 = tpu.vector_load %arg16[%get3A_992, %get3A_993] {strides = array<i32>} : memref<32x256xf32, #tpu.memory_space<vmem>>, vector<16xf32>,
          %get3A_995 = arith.index_cast %add3A_803 : i32 to index
          %get3A_996 = arith.constant 144 : index
          %get3A_997 = tpu.vector_load %arg17[%get3A_995, %get3A_996] {strides = array<i32>} : memref<32x256xf32, #tpu.memory_space<vmem>>, vector<16xf32>,
          %add3A_998 = arith.addf %get3A_994, %get3A_997 : vector<16xf32>
          %max3A_999 = arith.constant 0.000000e+00 : f32
          %max3A_1000 = vector.broadcast %max3A_999 : f32 to vector<16xf32>
          %max3A_1001 = arith.maximumf %add3A_998, %max3A_1000 : vector<16xf32>
          %mul3A_1002 = arith.mulf %max3A_1001, %exp3A_977 : vector<16xf32>
          %swap3A_1003 = arith.index_cast %add3A_803 : i32 to index
          %swap3A_1004 = arith.constant 16 : index
          %swap3A_1005 = tpu.vector_load %arg18[%swap3A_1003, %swap3A_1004] {strides = array<i32>} : memref<32x128xf32, #tpu.memory_space<vmem>>, vector<16xf32>,
          tpu.vector_store %arg18[%swap3A_1003, %swap3A_1004], %mul3A_1002 {strides = array<i32>} : memref<32x128xf32, #tpu.memory_space<vmem>>, vector<16xf32>,
          %get3A_1006 = arith.index_cast %add3A_803 : i32 to index
          %get3A_1007 = arith.constant 160 : index
          %get3A_1008 = tpu.vector_load %arg16[%get3A_1006, %get3A_1007] {strides = array<i32>} : memref<32x256xf32, #tpu.memory_space<vmem>>, vector<16xf32>,
          %get3A_1009 = arith.index_cast %add3A_803 : i32 to index
          %get3A_1010 = arith.constant 160 : index
          %get3A_1011 = tpu.vector_load %arg17[%get3A_1009, %get3A_1010] {strides = array<i32>} : memref<32x256xf32, #tpu.memory_space<vmem>>, vector<16xf32>,
          %add3A_1012 = arith.addf %get3A_1008, %get3A_1011 : vector<16xf32>
          %max3A_1013 = arith.constant 0.000000e+00 : f32
          %max3A_1014 = vector.broadcast %max3A_1013 : f32 to vector<16xf32>
          %max3A_1015 = arith.maximumf %add3A_1012, %max3A_1014 : vector<16xf32>
          %mul3A_1016 = arith.mulf %max3A_1015, %exp3A_977 : vector<16xf32>
          %swap3A_1017 = arith.index_cast %add3A_803 : i32 to index
          %swap3A_1018 = arith.constant 32 : index
          %swap3A_1019 = tpu.vector_load %arg18[%swap3A_1017, %swap3A_1018] {strides = array<i32>} : memref<32x128xf32, #tpu.memory_space<vmem>>, vector<16xf32>,
          tpu.vector_store %arg18[%swap3A_1017, %swap3A_1018], %mul3A_1016 {strides = array<i32>} : memref<32x128xf32, #tpu.memory_space<vmem>>, vector<16xf32>,
          %get3A_1020 = arith.index_cast %add3A_803 : i32 to index
          %get3A_1021 = arith.constant 176 : index
          %get3A_1022 = tpu.vector_load %arg16[%get3A_1020, %get3A_1021] {strides = array<i32>} : memref<32x256xf32, #tpu.memory_space<vmem>>, vector<16xf32>,
          %get3A_1023 = arith.index_cast %add3A_803 : i32 to index
          %get3A_1024 = arith.constant 176 : index
          %get3A_1025 = tpu.vector_load %arg17[%get3A_1023, %get3A_1024] {strides = array<i32>} : memref<32x256xf32, #tpu.memory_space<vmem>>, vector<16xf32>,
          %add3A_1026 = arith.addf %get3A_1022, %get3A_1025 : vector<16xf32>
          %max3A_1027 = arith.constant 0.000000e+00 : f32
          %max3A_1028 = vector.broadcast %max3A_1027 : f32 to vector<16xf32>
          %max3A_1029 = arith.maximumf %add3A_1026, %max3A_1028 : vector<16xf32>
          %mul3A_1030 = arith.mulf %max3A_1029, %exp3A_977 : vector<16xf32>
          %swap3A_1031 = arith.index_cast %add3A_803 : i32 to index
          %swap3A_1032 = arith.constant 48 : index
          %swap3A_1033 = tpu.vector_load %arg18[%swap3A_1031, %swap3A_1032] {strides = array<i32>} : memref<32x128xf32, #tpu.memory_space<vmem>>, vector<16xf32>,
          tpu.vector_store %arg18[%swap3A_1031, %swap3A_1032], %mul3A_1030 {strides = array<i32>} : memref<32x128xf32, #tpu.memory_space<vmem>>, vector<16xf32>,
          %get3A_1034 = arith.index_cast %add3A_803 : i32 to index
          %get3A_1035 = arith.constant 192 : index
          %get3A_1036 = tpu.vector_load %arg16[%get3A_1034, %get3A_1035] {strides = array<i32>} : memref<32x256xf32, #tpu.memory_space<vmem>>, vector<16xf32>,
          %get3A_1037 = arith.index_cast %add3A_803 : i32 to index
          %get3A_1038 = arith.constant 192 : index
          %get3A_1039 = tpu.vector_load %arg17[%get3A_1037, %get3A_1038] {strides = array<i32>} : memref<32x256xf32, #tpu.memory_space<vmem>>, vector<16xf32>,
          %add3A_1040 = arith.addf %get3A_1036, %get3A_1039 : vector<16xf32>
          %max3A_1041 = arith.constant 0.000000e+00 : f32
          %max3A_1042 = vector.broadcast %max3A_1041 : f32 to vector<16xf32>
          %max3A_1043 = arith.maximumf %add3A_1040, %max3A_1042 : vector<16xf32>
          %mul3A_1044 = arith.mulf %max3A_1043, %exp3A_977 : vector<16xf32>
          %swap3A_1045 = arith.index_cast %add3A_803 : i32 to index
          %swap3A_1046 = arith.constant 64 : index
          %swap3A_1047 = tpu.vector_load %arg18[%swap3A_1045, %swap3A_1046] {strides = array<i32>} : memref<32x128xf32, #tpu.memory_space<vmem>>, vector<16xf32>,
          tpu.vector_store %arg18[%swap3A_1045, %swap3A_1046], %mul3A_1044 {strides = array<i32>} : memref<32x128xf32, #tpu.memory_space<vmem>>, vector<16xf32>,
          %get3A_1048 = arith.index_cast %add3A_803 : i32 to index
          %get3A_1049 = arith.constant 208 : index
          %get3A_1050 = tpu.vector_load %arg16[%get3A_1048, %get3A_1049] {strides = array<i32>} : memref<32x256xf32, #tpu.memory_space<vmem>>, vector<16xf32>,
          %get3A_1051 = arith.index_cast %add3A_803 : i32 to index
          %get3A_1052 = arith.constant 208 : index
          %get3A_1053 = tpu.vector_load %arg17[%get3A_1051, %get3A_1052] {strides = array<i32>} : memref<32x256xf32, #tpu.memory_space<vmem>>, vector<16xf32>,
          %add3A_1054 = arith.addf %get3A_1050, %get3A_1053 : vector<16xf32>
          %max3A_1055 = arith.constant 0.000000e+00 : f32
          %max3A_1056 = vector.broadcast %max3A_1055 : f32 to vector<16xf32>
          %max3A_1057 = arith.maximumf %add3A_1054, %max3A_1056 : vector<16xf32>
          %mul3A_1058 = arith.mulf %max3A_1057, %exp3A_977 : vector<16xf32>
          %swap3A_1059 = arith.index_cast %add3A_803 : i32 to index
          %swap3A_1060 = arith.constant 80 : index
          %swap3A_1061 = tpu.vector_load %arg18[%swap3A_1059, %swap3A_1060] {strides = array<i32>} : memref<32x128xf32, #tpu.memory_space<vmem>>, vector<16xf32>,
          tpu.vector_store %arg18[%swap3A_1059, %swap3A_1060], %mul3A_1058 {strides = array<i32>} : memref<32x128xf32, #tpu.memory_space<vmem>>, vector<16xf32>,
          %get3A_1062 = arith.index_cast %add3A_803 : i32 to index
          %get3A_1063 = arith.constant 224 : index
          %get3A_1064 = tpu.vector_load %arg16[%get3A_1062, %get3A_1063] {strides = array<i32>} : memref<32x256xf32, #tpu.memory_space<vmem>>, vector<16xf32>,
          %get3A_1065 = arith.index_cast %add3A_803 : i32 to index
          %get3A_1066 = arith.constant 224 : index
          %get3A_1067 = tpu.vector_load %arg17[%get3A_1065, %get3A_1066] {strides = array<i32>} : memref<32x256xf32, #tpu.memory_space<vmem>>, vector<16xf32>,
          %add3A_1068 = arith.addf %get3A_1064, %get3A_1067 : vector<16xf32>
          %max3A_1069 = arith.constant 0.000000e+00 : f32
          %max3A_1070 = vector.broadcast %max3A_1069 : f32 to vector<16xf32>
          %max3A_1071 = arith.maximumf %add3A_1068, %max3A_1070 : vector<16xf32>
          %mul3A_1072 = arith.mulf %max3A_1071, %exp3A_977 : vector<16xf32>
          %swap3A_1073 = arith.index_cast %add3A_803 : i32 to index
          %swap3A_1074 = arith.constant 96 : index
          %swap3A_1075 = tpu.vector_load %arg18[%swap3A_1073, %swap3A_1074] {strides = array<i32>} : memref<32x128xf32, #tpu.memory_space<vmem>>, vector<16xf32>,
          tpu.vector_store %arg18[%swap3A_1073, %swap3A_1074], %mul3A_1072 {strides = array<i32>} : memref<32x128xf32, #tpu.memory_space<vmem>>, vector<16xf32>,
          %get3A_1076 = arith.index_cast %add3A_803 : i32 to index
          %get3A_1077 = arith.constant 240 : index
          %get3A_1078 = tpu.vector_load %arg16[%get3A_1076, %get3A_1077] {strides = array<i32>} : memref<32x256xf32, #tpu.memory_space<vmem>>, vector<16xf32>,
          %get3A_1079 = arith.index_cast %add3A_803 : i32 to index
          %get3A_1080 = arith.constant 240 : index
          %get3A_1081 = tpu.vector_load %arg17[%get3A_1079, %get3A_1080] {strides = array<i32>} : memref<32x256xf32, #tpu.memory_space<vmem>>, vector<16xf32>,
          %add3A_1082 = arith.addf %get3A_1078, %get3A_1081 : vector<16xf32>
          %max3A_1083 = arith.constant 0.000000e+00 : f32
          %max3A_1084 = vector.broadcast %max3A_1083 : f32 to vector<16xf32>
          %max3A_1085 = arith.maximumf %add3A_1082, %max3A_1084 : vector<16xf32>
          %mul3A_1086 = arith.mulf %max3A_1085, %exp3A_977 : vector<16xf32>
          %swap3A_1087 = arith.index_cast %add3A_803 : i32 to index
          %swap3A_1088 = arith.constant 112 : index
          %swap3A_1089 = tpu.vector_load %arg18[%swap3A_1087, %swap3A_1088] {strides = array<i32>} : memref<32x128xf32, #tpu.memory_space<vmem>>, vector<16xf32>,
          tpu.vector_store %arg18[%swap3A_1087, %swap3A_1088], %mul3A_1086 {strides = array<i32>} : memref<32x128xf32, #tpu.memory_space<vmem>>, vector<16xf32>,
          %mul3A_1090 = arith.constant 4 : i32
          %mul3A_1091 = arith.muli %mul3A_1090, %scan3A_225 : i32
          %add3A_1092 = arith.constant 3 : i32
          %add3A_1093 = arith.addi %mul3A_1091, %add3A_1092 : i32
          %broadcast_in_dim3A_1094 = vector.broadcast %add3A_1093 : i32 to vector<16xi32>
          %gather3A_1095 = tpu.vector_load_idx %arg10[%broadcast_in_dim3A_1094] : memref<32xi32, #tpu.memory_space<vmem>>[vector<16xi32>], vector<16xi32>,
          %get3A_1096 = arith.index_cast %add3A_1093 : i32 to index
          %get3A_1097 = arith.constant 0 : index
          %get3A_1098 = tpu.vector_load %arg16[%get3A_1096, %get3A_1097] {strides = array<i32>} : memref<32x256xf32, #tpu.memory_space<vmem>>, vector<16xf32>,
          %get3A_1099 = arith.index_cast %add3A_1093 : i32 to index
          %get3A_1100 = arith.constant 0 : index
          %get3A_1101 = tpu.vector_load %arg17[%get3A_1099, %get3A_1100] {strides = array<i32>} : memref<32x256xf32, #tpu.memory_space<vmem>>, vector<16xf32>,
          %add3A_1102 = arith.addf %get3A_1098, %get3A_1101 : vector<16xf32>
          %gt3A_1103 = arith.constant 0.000000e+00 : f32
          %gt3A_1104 = vector.broadcast %gt3A_1103 : f32 to vector<16xf32>
          %gt3A_1105 = arith.cmpf ogt, %add3A_1102, %gt3A_1104 : vector<16xf32>
          %mul3A_1106 = arith.constant 0.00999999977 : f32
          %mul3A_1107 = vector.broadcast %mul3A_1106 : f32 to vector<16xf32>
          %mul3A_1108 = arith.mulf %mul3A_1107, %add3A_1102 : vector<16xf32>
          %select_n3A_1109 = arith.select %gt3A_1105, %add3A_1102, %mul3A_1108 : vector<16xi1>, vector<16xf32>
          %mul3A_1110 = arith.mulf %select_n3A_1109, %get3A_17 : vector<16xf32>
          %get3A_1111 = arith.index_cast %add3A_1093 : i32 to index
          %get3A_1112 = arith.constant 16 : index
          %get3A_1113 = tpu.vector_load %arg16[%get3A_1111, %get3A_1112] {strides = array<i32>} : memref<32x256xf32, #tpu.memory_space<vmem>>, vector<16xf32>,
          %get3A_1114 = arith.index_cast %add3A_1093 : i32 to index
          %get3A_1115 = arith.constant 16 : index
          %get3A_1116 = tpu.vector_load %arg17[%get3A_1114, %get3A_1115] {strides = array<i32>} : memref<32x256xf32, #tpu.memory_space<vmem>>, vector<16xf32>,
          %add3A_1117 = arith.addf %get3A_1113, %get3A_1116 : vector<16xf32>
          %gt3A_1118 = arith.constant 0.000000e+00 : f32
          %gt3A_1119 = vector.broadcast %gt3A_1118 : f32 to vector<16xf32>
          %gt3A_1120 = arith.cmpf ogt, %add3A_1117, %gt3A_1119 : vector<16xf32>
          %mul3A_1121 = arith.constant 0.00999999977 : f32
          %mul3A_1122 = vector.broadcast %mul3A_1121 : f32 to vector<16xf32>
          %mul3A_1123 = arith.mulf %mul3A_1122, %add3A_1117 : vector<16xf32>
          %select_n3A_1124 = arith.select %gt3A_1120, %add3A_1117, %mul3A_1123 : vector<16xi1>, vector<16xf32>
          %mul3A_1125 = arith.mulf %select_n3A_1124, %get3A_19 : vector<16xf32>
          %get3A_1126 = arith.index_cast %add3A_1093 : i32 to index
          %get3A_1127 = arith.constant 32 : index
          %get3A_1128 = tpu.vector_load %arg16[%get3A_1126, %get3A_1127] {strides = array<i32>} : memref<32x256xf32, #tpu.memory_space<vmem>>, vector<16xf32>,
          %get3A_1129 = arith.index_cast %add3A_1093 : i32 to index
          %get3A_1130 = arith.constant 32 : index
          %get3A_1131 = tpu.vector_load %arg17[%get3A_1129, %get3A_1130] {strides = array<i32>} : memref<32x256xf32, #tpu.memory_space<vmem>>, vector<16xf32>,
          %add3A_1132 = arith.addf %get3A_1128, %get3A_1131 : vector<16xf32>
          %gt3A_1133 = arith.constant 0.000000e+00 : f32
          %gt3A_1134 = vector.broadcast %gt3A_1133 : f32 to vector<16xf32>
          %gt3A_1135 = arith.cmpf ogt, %add3A_1132, %gt3A_1134 : vector<16xf32>
          %mul3A_1136 = arith.constant 0.00999999977 : f32
          %mul3A_1137 = vector.broadcast %mul3A_1136 : f32 to vector<16xf32>
          %mul3A_1138 = arith.mulf %mul3A_1137, %add3A_1132 : vector<16xf32>
          %select_n3A_1139 = arith.select %gt3A_1135, %add3A_1132, %mul3A_1138 : vector<16xi1>, vector<16xf32>
          %mul3A_1140 = arith.mulf %select_n3A_1139, %get3A_21 : vector<16xf32>
          %get3A_1141 = arith.index_cast %add3A_1093 : i32 to index
          %get3A_1142 = arith.constant 48 : index
          %get3A_1143 = tpu.vector_load %arg16[%get3A_1141, %get3A_1142] {strides = array<i32>} : memref<32x256xf32, #tpu.memory_space<vmem>>, vector<16xf32>,
          %get3A_1144 = arith.index_cast %add3A_1093 : i32 to index
          %get3A_1145 = arith.constant 48 : index
          %get3A_1146 = tpu.vector_load %arg17[%get3A_1144, %get3A_1145] {strides = array<i32>} : memref<32x256xf32, #tpu.memory_space<vmem>>, vector<16xf32>,
          %add3A_1147 = arith.addf %get3A_1143, %get3A_1146 : vector<16xf32>
          %gt3A_1148 = arith.constant 0.000000e+00 : f32
          %gt3A_1149 = vector.broadcast %gt3A_1148 : f32 to vector<16xf32>
          %gt3A_1150 = arith.cmpf ogt, %add3A_1147, %gt3A_1149 : vector<16xf32>
          %mul3A_1151 = arith.constant 0.00999999977 : f32
          %mul3A_1152 = vector.broadcast %mul3A_1151 : f32 to vector<16xf32>
          %mul3A_1153 = arith.mulf %mul3A_1152, %add3A_1147 : vector<16xf32>
          %select_n3A_1154 = arith.select %gt3A_1150, %add3A_1147, %mul3A_1153 : vector<16xi1>, vector<16xf32>
          %mul3A_1155 = arith.mulf %select_n3A_1154, %get3A_23 : vector<16xf32>
          %get3A_1156 = arith.index_cast %add3A_1093 : i32 to index
          %get3A_1157 = arith.constant 64 : index
          %get3A_1158 = tpu.vector_load %arg16[%get3A_1156, %get3A_1157] {strides = array<i32>} : memref<32x256xf32, #tpu.memory_space<vmem>>, vector<16xf32>,
          %get3A_1159 = arith.index_cast %add3A_1093 : i32 to index
          %get3A_1160 = arith.constant 64 : index
          %get3A_1161 = tpu.vector_load %arg17[%get3A_1159, %get3A_1160] {strides = array<i32>} : memref<32x256xf32, #tpu.memory_space<vmem>>, vector<16xf32>,
          %add3A_1162 = arith.addf %get3A_1158, %get3A_1161 : vector<16xf32>
          %gt3A_1163 = arith.constant 0.000000e+00 : f32
          %gt3A_1164 = vector.broadcast %gt3A_1163 : f32 to vector<16xf32>
          %gt3A_1165 = arith.cmpf ogt, %add3A_1162, %gt3A_1164 : vector<16xf32>
          %mul3A_1166 = arith.constant 0.00999999977 : f32
          %mul3A_1167 = vector.broadcast %mul3A_1166 : f32 to vector<16xf32>
          %mul3A_1168 = arith.mulf %mul3A_1167, %add3A_1162 : vector<16xf32>
          %select_n3A_1169 = arith.select %gt3A_1165, %add3A_1162, %mul3A_1168 : vector<16xi1>, vector<16xf32>
          %mul3A_1170 = arith.mulf %select_n3A_1169, %get3A_25 : vector<16xf32>
          %get3A_1171 = arith.index_cast %add3A_1093 : i32 to index
          %get3A_1172 = arith.constant 80 : index
          %get3A_1173 = tpu.vector_load %arg16[%get3A_1171, %get3A_1172] {strides = array<i32>} : memref<32x256xf32, #tpu.memory_space<vmem>>, vector<16xf32>,
          %get3A_1174 = arith.index_cast %add3A_1093 : i32 to index
          %get3A_1175 = arith.constant 80 : index
          %get3A_1176 = tpu.vector_load %arg17[%get3A_1174, %get3A_1175] {strides = array<i32>} : memref<32x256xf32, #tpu.memory_space<vmem>>, vector<16xf32>,
          %add3A_1177 = arith.addf %get3A_1173, %get3A_1176 : vector<16xf32>
          %gt3A_1178 = arith.constant 0.000000e+00 : f32
          %gt3A_1179 = vector.broadcast %gt3A_1178 : f32 to vector<16xf32>
          %gt3A_1180 = arith.cmpf ogt, %add3A_1177, %gt3A_1179 : vector<16xf32>
          %mul3A_1181 = arith.constant 0.00999999977 : f32
          %mul3A_1182 = vector.broadcast %mul3A_1181 : f32 to vector<16xf32>
          %mul3A_1183 = arith.mulf %mul3A_1182, %add3A_1177 : vector<16xf32>
          %select_n3A_1184 = arith.select %gt3A_1180, %add3A_1177, %mul3A_1183 : vector<16xi1>, vector<16xf32>
          %mul3A_1185 = arith.mulf %select_n3A_1184, %get3A_27 : vector<16xf32>
          %get3A_1186 = arith.index_cast %add3A_1093 : i32 to index
          %get3A_1187 = arith.constant 96 : index
          %get3A_1188 = tpu.vector_load %arg16[%get3A_1186, %get3A_1187] {strides = array<i32>} : memref<32x256xf32, #tpu.memory_space<vmem>>, vector<16xf32>,
          %get3A_1189 = arith.index_cast %add3A_1093 : i32 to index
          %get3A_1190 = arith.constant 96 : index
          %get3A_1191 = tpu.vector_load %arg17[%get3A_1189, %get3A_1190] {strides = array<i32>} : memref<32x256xf32, #tpu.memory_space<vmem>>, vector<16xf32>,
          %add3A_1192 = arith.addf %get3A_1188, %get3A_1191 : vector<16xf32>
          %gt3A_1193 = arith.constant 0.000000e+00 : f32
          %gt3A_1194 = vector.broadcast %gt3A_1193 : f32 to vector<16xf32>
          %gt3A_1195 = arith.cmpf ogt, %add3A_1192, %gt3A_1194 : vector<16xf32>
          %mul3A_1196 = arith.constant 0.00999999977 : f32
          %mul3A_1197 = vector.broadcast %mul3A_1196 : f32 to vector<16xf32>
          %mul3A_1198 = arith.mulf %mul3A_1197, %add3A_1192 : vector<16xf32>
          %select_n3A_1199 = arith.select %gt3A_1195, %add3A_1192, %mul3A_1198 : vector<16xi1>, vector<16xf32>
          %mul3A_1200 = arith.mulf %select_n3A_1199, %get3A_29 : vector<16xf32>
          %get3A_1201 = arith.index_cast %add3A_1093 : i32 to index
          %get3A_1202 = arith.constant 112 : index
          %get3A_1203 = tpu.vector_load %arg16[%get3A_1201, %get3A_1202] {strides = array<i32>} : memref<32x256xf32, #tpu.memory_space<vmem>>, vector<16xf32>,
          %get3A_1204 = arith.index_cast %add3A_1093 : i32 to index
          %get3A_1205 = arith.constant 112 : index
          %get3A_1206 = tpu.vector_load %arg17[%get3A_1204, %get3A_1205] {strides = array<i32>} : memref<32x256xf32, #tpu.memory_space<vmem>>, vector<16xf32>,
          %add3A_1207 = arith.addf %get3A_1203, %get3A_1206 : vector<16xf32>
          %gt3A_1208 = arith.constant 0.000000e+00 : f32
          %gt3A_1209 = vector.broadcast %gt3A_1208 : f32 to vector<16xf32>
          %gt3A_1210 = arith.cmpf ogt, %add3A_1207, %gt3A_1209 : vector<16xf32>
          %mul3A_1211 = arith.constant 0.00999999977 : f32
          %mul3A_1212 = vector.broadcast %mul3A_1211 : f32 to vector<16xf32>
          %mul3A_1213 = arith.mulf %mul3A_1212, %add3A_1207 : vector<16xf32>
          %select_n3A_1214 = arith.select %gt3A_1210, %add3A_1207, %mul3A_1213 : vector<16xi1>, vector<16xf32>
          %mul3A_1215 = arith.mulf %select_n3A_1214, %get3A_31 : vector<16xf32>
          %add3A_1216 = arith.addf %mul3A_1110, %mul3A_1125 : vector<16xf32>
          %add3A_1217 = arith.addf %mul3A_1140, %mul3A_1155 : vector<16xf32>
          %add3A_1218 = arith.addf %add3A_1216, %add3A_1217 : vector<16xf32>
          %add3A_1219 = arith.addf %mul3A_1170, %mul3A_1185 : vector<16xf32>
          %add3A_1220 = arith.addf %mul3A_1200, %mul3A_1215 : vector<16xf32>
          %add3A_1221 = arith.addf %add3A_1219, %add3A_1220 : vector<16xf32>
          %add3A_1222 = arith.addf %add3A_1218, %add3A_1221 : vector<16xf32>
          %lt3A_1223 = arith.constant 0 : i32
          %lt3A_1224 = vector.broadcast %lt3A_1223 : i32 to vector<16xi32>
          %lt3A_1225 = arith.cmpi slt, %and3A_38, %lt3A_1224 : vector<16xi32>
          %add3A_1226 = arith.constant 16 : i32
          %add3A_1227 = vector.broadcast %add3A_1226 : i32 to vector<16xi32>
          %add3A_1228 = arith.addi %and3A_38, %add3A_1227 : vector<16xi32>
          %select_n3A_1229 = arith.select %lt3A_1225, %add3A_1228, %and3A_38 : vector<16xi1>, vector<16xi32>
          %broadcast_in_dim3A_1230 = vector.shape_cast %select_n3A_1229 : vector<16xi32> to vector<16x1xi32>
          %gather3A_1231 = vector.shape_cast %broadcast_in_dim3A_1230 : vector<16x1xi32> to vector<16xi32>
          %gather3A_1232 = tpu.dynamic_gather %add3A_1222[%gather3A_1231] in [0] : vector<16xf32>, vector<16xi32> -> vector<16xf32>
          %add3A_1233 = arith.addf %add3A_1222, %gather3A_1232 : vector<16xf32>
          %lt3A_1234 = arith.constant 0 : i32
          %lt3A_1235 = vector.broadcast %lt3A_1234 : i32 to vector<16xi32>
          %lt3A_1236 = arith.cmpi slt, %and3A_44, %lt3A_1235 : vector<16xi32>
          %add3A_1237 = arith.constant 16 : i32
          %add3A_1238 = vector.broadcast %add3A_1237 : i32 to vector<16xi32>
          %add3A_1239 = arith.addi %and3A_44, %add3A_1238 : vector<16xi32>
          %select_n3A_1240 = arith.select %lt3A_1236, %add3A_1239, %and3A_44 : vector<16xi1>, vector<16xi32>
          %broadcast_in_dim3A_1241 = vector.shape_cast %select_n3A_1240 : vector<16xi32> to vector<16x1xi32>
          %gather3A_1242 = vector.shape_cast %broadcast_in_dim3A_1241 : vector<16x1xi32> to vector<16xi32>
          %gather3A_1243 = tpu.dynamic_gather %add3A_1233[%gather3A_1242] in [0] : vector<16xf32>, vector<16xi32> -> vector<16xf32>
          %add3A_1244 = arith.addf %add3A_1233, %gather3A_1243 : vector<16xf32>
          %lt3A_1245 = arith.constant 0 : i32
          %lt3A_1246 = vector.broadcast %lt3A_1245 : i32 to vector<16xi32>
          %lt3A_1247 = arith.cmpi slt, %and3A_50, %lt3A_1246 : vector<16xi32>
          %add3A_1248 = arith.constant 16 : i32
          %add3A_1249 = vector.broadcast %add3A_1248 : i32 to vector<16xi32>
          %add3A_1250 = arith.addi %and3A_50, %add3A_1249 : vector<16xi32>
          %select_n3A_1251 = arith.select %lt3A_1247, %add3A_1250, %and3A_50 : vector<16xi1>, vector<16xi32>
          %broadcast_in_dim3A_1252 = vector.shape_cast %select_n3A_1251 : vector<16xi32> to vector<16x1xi32>
          %gather3A_1253 = vector.shape_cast %broadcast_in_dim3A_1252 : vector<16x1xi32> to vector<16xi32>
          %gather3A_1254 = tpu.dynamic_gather %add3A_1244[%gather3A_1253] in [0] : vector<16xf32>, vector<16xi32> -> vector<16xf32>
          %add3A_1255 = arith.addf %add3A_1244, %gather3A_1254 : vector<16xf32>
          %lt3A_1256 = arith.constant 0 : i32
          %lt3A_1257 = vector.broadcast %lt3A_1256 : i32 to vector<16xi32>
          %lt3A_1258 = arith.cmpi slt, %and3A_56, %lt3A_1257 : vector<16xi32>
          %add3A_1259 = arith.constant 16 : i32
          %add3A_1260 = vector.broadcast %add3A_1259 : i32 to vector<16xi32>
          %add3A_1261 = arith.addi %and3A_56, %add3A_1260 : vector<16xi32>
          %select_n3A_1262 = arith.select %lt3A_1258, %add3A_1261, %and3A_56 : vector<16xi1>, vector<16xi32>
          %broadcast_in_dim3A_1263 = vector.shape_cast %select_n3A_1262 : vector<16xi32> to vector<16x1xi32>
          %gather3A_1264 = vector.shape_cast %broadcast_in_dim3A_1263 : vector<16x1xi32> to vector<16xi32>
          %gather3A_1265 = tpu.dynamic_gather %add3A_1255[%gather3A_1264] in [0] : vector<16xf32>, vector<16xi32> -> vector<16xf32>
          %add3A_1266 = arith.addf %add3A_1255, %gather3A_1265 : vector<16xf32>
          %exp3A_1267 = math.exp %add3A_1266 : vector<16xf32>
          tpu.vector_store_idx %arg19[%gather3A_1095], %exp3A_1267 masked %eq3A_33 {add = true} : memref<10240xf32, #tpu.memory_space<vmem>>[vector<16xi32>], vector<16xf32>, vector<16xi1>
          %get3A_1268 = arith.index_cast %add3A_1093 : i32 to index
          %get3A_1269 = arith.constant 128 : index
          %get3A_1270 = tpu.vector_load %arg16[%get3A_1268, %get3A_1269] {strides = array<i32>} : memref<32x256xf32, #tpu.memory_space<vmem>>, vector<16xf32>,
          %get3A_1271 = arith.index_cast %add3A_1093 : i32 to index
          %get3A_1272 = arith.constant 128 : index
          %get3A_1273 = tpu.vector_load %arg17[%get3A_1271, %get3A_1272] {strides = array<i32>} : memref<32x256xf32, #tpu.memory_space<vmem>>, vector<16xf32>,
          %add3A_1274 = arith.addf %get3A_1270, %get3A_1273 : vector<16xf32>
          %max3A_1275 = arith.constant 0.000000e+00 : f32
          %max3A_1276 = vector.broadcast %max3A_1275 : f32 to vector<16xf32>
          %max3A_1277 = arith.maximumf %add3A_1274, %max3A_1276 : vector<16xf32>
          %mul3A_1278 = arith.mulf %max3A_1277, %exp3A_1267 : vector<16xf32>
          %swap3A_1279 = arith.index_cast %add3A_1093 : i32 to index
          %swap3A_1280 = arith.constant 0 : index
          %swap3A_1281 = tpu.vector_load %arg18[%swap3A_1279, %swap3A_1280] {strides = array<i32>} : memref<32x128xf32, #tpu.memory_space<vmem>>, vector<16xf32>,
          tpu.vector_store %arg18[%swap3A_1279, %swap3A_1280], %mul3A_1278 {strides = array<i32>} : memref<32x128xf32, #tpu.memory_space<vmem>>, vector<16xf32>,
          %get3A_1282 = arith.index_cast %add3A_1093 : i32 to index
          %get3A_1283 = arith.constant 144 : index
          %get3A_1284 = tpu.vector_load %arg16[%get3A_1282, %get3A_1283] {strides = array<i32>} : memref<32x256xf32, #tpu.memory_space<vmem>>, vector<16xf32>,
          %get3A_1285 = arith.index_cast %add3A_1093 : i32 to index
          %get3A_1286 = arith.constant 144 : index
          %get3A_1287 = tpu.vector_load %arg17[%get3A_1285, %get3A_1286] {strides = array<i32>} : memref<32x256xf32, #tpu.memory_space<vmem>>, vector<16xf32>,
          %add3A_1288 = arith.addf %get3A_1284, %get3A_1287 : vector<16xf32>
          %max3A_1289 = arith.constant 0.000000e+00 : f32
          %max3A_1290 = vector.broadcast %max3A_1289 : f32 to vector<16xf32>
          %max3A_1291 = arith.maximumf %add3A_1288, %max3A_1290 : vector<16xf32>
          %mul3A_1292 = arith.mulf %max3A_1291, %exp3A_1267 : vector<16xf32>
          %swap3A_1293 = arith.index_cast %add3A_1093 : i32 to index
          %swap3A_1294 = arith.constant 16 : index
          %swap3A_1295 = tpu.vector_load %arg18[%swap3A_1293, %swap3A_1294] {strides = array<i32>} : memref<32x128xf32, #tpu.memory_space<vmem>>, vector<16xf32>,
          tpu.vector_store %arg18[%swap3A_1293, %swap3A_1294], %mul3A_1292 {strides = array<i32>} : memref<32x128xf32, #tpu.memory_space<vmem>>, vector<16xf32>,
          %get3A_1296 = arith.index_cast %add3A_1093 : i32 to index
          %get3A_1297 = arith.constant 160 : index
          %get3A_1298 = tpu.vector_load %arg16[%get3A_1296, %get3A_1297] {strides = array<i32>} : memref<32x256xf32, #tpu.memory_space<vmem>>, vector<16xf32>,
          %get3A_1299 = arith.index_cast %add3A_1093 : i32 to index
          %get3A_1300 = arith.constant 160 : index
          %get3A_1301 = tpu.vector_load %arg17[%get3A_1299, %get3A_1300] {strides = array<i32>} : memref<32x256xf32, #tpu.memory_space<vmem>>, vector<16xf32>,
          %add3A_1302 = arith.addf %get3A_1298, %get3A_1301 : vector<16xf32>
          %max3A_1303 = arith.constant 0.000000e+00 : f32
          %max3A_1304 = vector.broadcast %max3A_1303 : f32 to vector<16xf32>
          %max3A_1305 = arith.maximumf %add3A_1302, %max3A_1304 : vector<16xf32>
          %mul3A_1306 = arith.mulf %max3A_1305, %exp3A_1267 : vector<16xf32>
          %swap3A_1307 = arith.index_cast %add3A_1093 : i32 to index
          %swap3A_1308 = arith.constant 32 : index
          %swap3A_1309 = tpu.vector_load %arg18[%swap3A_1307, %swap3A_1308] {strides = array<i32>} : memref<32x128xf32, #tpu.memory_space<vmem>>, vector<16xf32>,
          tpu.vector_store %arg18[%swap3A_1307, %swap3A_1308], %mul3A_1306 {strides = array<i32>} : memref<32x128xf32, #tpu.memory_space<vmem>>, vector<16xf32>,
          %get3A_1310 = arith.index_cast %add3A_1093 : i32 to index
          %get3A_1311 = arith.constant 176 : index
          %get3A_1312 = tpu.vector_load %arg16[%get3A_1310, %get3A_1311] {strides = array<i32>} : memref<32x256xf32, #tpu.memory_space<vmem>>, vector<16xf32>,
          %get3A_1313 = arith.index_cast %add3A_1093 : i32 to index
          %get3A_1314 = arith.constant 176 : index
          %get3A_1315 = tpu.vector_load %arg17[%get3A_1313, %get3A_1314] {strides = array<i32>} : memref<32x256xf32, #tpu.memory_space<vmem>>, vector<16xf32>,
          %add3A_1316 = arith.addf %get3A_1312, %get3A_1315 : vector<16xf32>
          %max3A_1317 = arith.constant 0.000000e+00 : f32
          %max3A_1318 = vector.broadcast %max3A_1317 : f32 to vector<16xf32>
          %max3A_1319 = arith.maximumf %add3A_1316, %max3A_1318 : vector<16xf32>
          %mul3A_1320 = arith.mulf %max3A_1319, %exp3A_1267 : vector<16xf32>
          %swap3A_1321 = arith.index_cast %add3A_1093 : i32 to index
          %swap3A_1322 = arith.constant 48 : index
          %swap3A_1323 = tpu.vector_load %arg18[%swap3A_1321, %swap3A_1322] {strides = array<i32>} : memref<32x128xf32, #tpu.memory_space<vmem>>, vector<16xf32>,
          tpu.vector_store %arg18[%swap3A_1321, %swap3A_1322], %mul3A_1320 {strides = array<i32>} : memref<32x128xf32, #tpu.memory_space<vmem>>, vector<16xf32>,
          %get3A_1324 = arith.index_cast %add3A_1093 : i32 to index
          %get3A_1325 = arith.constant 192 : index
          %get3A_1326 = tpu.vector_load %arg16[%get3A_1324, %get3A_1325] {strides = array<i32>} : memref<32x256xf32, #tpu.memory_space<vmem>>, vector<16xf32>,
          %get3A_1327 = arith.index_cast %add3A_1093 : i32 to index
          %get3A_1328 = arith.constant 192 : index
          %get3A_1329 = tpu.vector_load %arg17[%get3A_1327, %get3A_1328] {strides = array<i32>} : memref<32x256xf32, #tpu.memory_space<vmem>>, vector<16xf32>,
          %add3A_1330 = arith.addf %get3A_1326, %get3A_1329 : vector<16xf32>
          %max3A_1331 = arith.constant 0.000000e+00 : f32
          %max3A_1332 = vector.broadcast %max3A_1331 : f32 to vector<16xf32>
          %max3A_1333 = arith.maximumf %add3A_1330, %max3A_1332 : vector<16xf32>
          %mul3A_1334 = arith.mulf %max3A_1333, %exp3A_1267 : vector<16xf32>
          %swap3A_1335 = arith.index_cast %add3A_1093 : i32 to index
          %swap3A_1336 = arith.constant 64 : index
          %swap3A_1337 = tpu.vector_load %arg18[%swap3A_1335, %swap3A_1336] {strides = array<i32>} : memref<32x128xf32, #tpu.memory_space<vmem>>, vector<16xf32>,
          tpu.vector_store %arg18[%swap3A_1335, %swap3A_1336], %mul3A_1334 {strides = array<i32>} : memref<32x128xf32, #tpu.memory_space<vmem>>, vector<16xf32>,
          %get3A_1338 = arith.index_cast %add3A_1093 : i32 to index
          %get3A_1339 = arith.constant 208 : index
          %get3A_1340 = tpu.vector_load %arg16[%get3A_1338, %get3A_1339] {strides = array<i32>} : memref<32x256xf32, #tpu.memory_space<vmem>>, vector<16xf32>,
          %get3A_1341 = arith.index_cast %add3A_1093 : i32 to index
          %get3A_1342 = arith.constant 208 : index
          %get3A_1343 = tpu.vector_load %arg17[%get3A_1341, %get3A_1342] {strides = array<i32>} : memref<32x256xf32, #tpu.memory_space<vmem>>, vector<16xf32>,
          %add3A_1344 = arith.addf %get3A_1340, %get3A_1343 : vector<16xf32>
          %max3A_1345 = arith.constant 0.000000e+00 : f32
          %max3A_1346 = vector.broadcast %max3A_1345 : f32 to vector<16xf32>
          %max3A_1347 = arith.maximumf %add3A_1344, %max3A_1346 : vector<16xf32>
          %mul3A_1348 = arith.mulf %max3A_1347, %exp3A_1267 : vector<16xf32>
          %swap3A_1349 = arith.index_cast %add3A_1093 : i32 to index
          %swap3A_1350 = arith.constant 80 : index
          %swap3A_1351 = tpu.vector_load %arg18[%swap3A_1349, %swap3A_1350] {strides = array<i32>} : memref<32x128xf32, #tpu.memory_space<vmem>>, vector<16xf32>,
          tpu.vector_store %arg18[%swap3A_1349, %swap3A_1350], %mul3A_1348 {strides = array<i32>} : memref<32x128xf32, #tpu.memory_space<vmem>>, vector<16xf32>,
          %get3A_1352 = arith.index_cast %add3A_1093 : i32 to index
          %get3A_1353 = arith.constant 224 : index
          %get3A_1354 = tpu.vector_load %arg16[%get3A_1352, %get3A_1353] {strides = array<i32>} : memref<32x256xf32, #tpu.memory_space<vmem>>, vector<16xf32>,
          %get3A_1355 = arith.index_cast %add3A_1093 : i32 to index
          %get3A_1356 = arith.constant 224 : index
          %get3A_1357 = tpu.vector_load %arg17[%get3A_1355, %get3A_1356] {strides = array<i32>} : memref<32x256xf32, #tpu.memory_space<vmem>>, vector<16xf32>,
          %add3A_1358 = arith.addf %get3A_1354, %get3A_1357 : vector<16xf32>
          %max3A_1359 = arith.constant 0.000000e+00 : f32
          %max3A_1360 = vector.broadcast %max3A_1359 : f32 to vector<16xf32>
          %max3A_1361 = arith.maximumf %add3A_1358, %max3A_1360 : vector<16xf32>
          %mul3A_1362 = arith.mulf %max3A_1361, %exp3A_1267 : vector<16xf32>
          %swap3A_1363 = arith.index_cast %add3A_1093 : i32 to index
          %swap3A_1364 = arith.constant 96 : index
          %swap3A_1365 = tpu.vector_load %arg18[%swap3A_1363, %swap3A_1364] {strides = array<i32>} : memref<32x128xf32, #tpu.memory_space<vmem>>, vector<16xf32>,
          tpu.vector_store %arg18[%swap3A_1363, %swap3A_1364], %mul3A_1362 {strides = array<i32>} : memref<32x128xf32, #tpu.memory_space<vmem>>, vector<16xf32>,
          %get3A_1366 = arith.index_cast %add3A_1093 : i32 to index
          %get3A_1367 = arith.constant 240 : index
          %get3A_1368 = tpu.vector_load %arg16[%get3A_1366, %get3A_1367] {strides = array<i32>} : memref<32x256xf32, #tpu.memory_space<vmem>>, vector<16xf32>,
          %get3A_1369 = arith.index_cast %add3A_1093 : i32 to index
          %get3A_1370 = arith.constant 240 : index
          %get3A_1371 = tpu.vector_load %arg17[%get3A_1369, %get3A_1370] {strides = array<i32>} : memref<32x256xf32, #tpu.memory_space<vmem>>, vector<16xf32>,
          %add3A_1372 = arith.addf %get3A_1368, %get3A_1371 : vector<16xf32>
          %max3A_1373 = arith.constant 0.000000e+00 : f32
          %max3A_1374 = vector.broadcast %max3A_1373 : f32 to vector<16xf32>
          %max3A_1375 = arith.maximumf %add3A_1372, %max3A_1374 : vector<16xf32>
          %mul3A_1376 = arith.mulf %max3A_1375, %exp3A_1267 : vector<16xf32>
          %swap3A_1377 = arith.index_cast %add3A_1093 : i32 to index
          %swap3A_1378 = arith.constant 112 : index
          %swap3A_1379 = tpu.vector_load %arg18[%swap3A_1377, %swap3A_1378] {strides = array<i32>} : memref<32x128xf32, #tpu.memory_space<vmem>>, vector<16xf32>,
          tpu.vector_store %arg18[%swap3A_1377, %swap3A_1378], %mul3A_1376 {strides = array<i32>} : memref<32x128xf32, #tpu.memory_space<vmem>>, vector<16xf32>,
        }
        %scan3A_152 = arith.constant 8 : i32
        %dma_start3A_153 = arith.constant 0 : i32
        %dma_start3A_154 = arith.constant 0 : i32
        %dma_start3A_155 = tpu.memref_slice %arg21[%dma_start3A_153, %dma_start3A_154] : memref<10240x128xf32, #tpu.memory_space<vmem_shared>> -> memref<10240x128xf32, #tpu.memory_space<vmem_shared>>
        tpu.enqueue_indirect_dma source(%arg18 : memref<32x128xf32, #tpu.memory_space<vmem>>) target(%dma_start3A_155 : memref<10240x128xf32, #tpu.memory_space<vmem_shared>>) offsets(%arg10 : memref<32xi32, #tpu.memory_space<vmem>>) semaphore(%arg23 : memref<!tpu.dma_semaphore, #tpu.memory_space<semaphore_mem>>) {add = true}
        %mul3A_156 = arith.constant 2 : i32
        %mul3A_157 = arith.muli %mul3A_156, %scan3A_89 : i32
        %add3A_158 = arith.constant 1 : i32
        %add3A_159 = arith.addi %mul3A_157, %add3A_158 : i32
        %mul3A_160 = arith.constant 32 : i32
        %mul3A_161 = arith.muli %add3A_159, %mul3A_160 : i32
        %add3A_162 = arith.constant 0 : i32
        %add3A_163 = arith.addi %mul3A_161, %add3A_162 : i32
        %get3A_164 = arith.index_cast %add3A_163 : i32 to index
        %get3A_165 = tpu.vector_load %arg14[%get3A_164] {strides = array<i32>} : memref<512xi32, #tpu.memory_space<vmem>>, vector<16xi32>,
        %swap3A_166 = arith.constant 0 : index
        %swap3A_167 = tpu.vector_load %arg11[%swap3A_166] {strides = array<i32>} : memref<32xi32, #tpu.memory_space<vmem>>, vector<16xi32>,
        tpu.vector_store %arg11[%swap3A_166], %get3A_165 {strides = array<i32>} : memref<32xi32, #tpu.memory_space<vmem>>, vector<16xi32>,
        %mul3A_168 = arith.constant 32 : i32
        %mul3A_169 = arith.muli %add3A_159, %mul3A_168 : i32
        %add3A_170 = arith.constant 0 : i32
        %add3A_171 = arith.addi %mul3A_169, %add3A_170 : i32
        %get3A_172 = arith.index_cast %add3A_171 : i32 to index
        %get3A_173 = tpu.vector_load %arg15[%get3A_172] {strides = array<i32>} : memref<512xi32, #tpu.memory_space<vmem>>, vector<16xi32>,
        %swap3A_174 = arith.constant 0 : index
        %swap3A_175 = tpu.vector_load %arg13[%swap3A_174] {strides = array<i32>} : memref<32xi32, #tpu.memory_space<vmem>>, vector<16xi32>,
        tpu.vector_store %arg13[%swap3A_174], %get3A_173 {strides = array<i32>} : memref<32xi32, #tpu.memory_space<vmem>>, vector<16xi32>,
        %mul3A_176 = arith.constant 32 : i32
        %mul3A_177 = arith.muli %add3A_159, %mul3A_176 : i32
        %add3A_178 = arith.constant 16 : i32
        %add3A_179 = arith.addi %mul3A_177, %add3A_178 : i32
        %get3A_180 = arith.index_cast %add3A_179 : i32 to index
        %get3A_181 = tpu.vector_load %arg14[%get3A_180] {strides = array<i32>} : memref<512xi32, #tpu.memory_space<vmem>>, vector<16xi32>,
        %swap3A_182 = arith.constant 16 : index
        %swap3A_183 = tpu.vector_load %arg11[%swap3A_182] {strides = array<i32>} : memref<32xi32, #tpu.memory_space<vmem>>, vector<16xi32>,
        tpu.vector_store %arg11[%swap3A_182], %get3A_181 {strides = array<i32>} : memref<32xi32, #tpu.memory_space<vmem>>, vector<16xi32>,
        %mul3A_184 = arith.constant 32 : i32
        %mul3A_185 = arith.muli %add3A_159, %mul3A_184 : i32
        %add3A_186 = arith.constant 16 : i32
        %add3A_187 = arith.addi %mul3A_185, %add3A_186 : i32
        %get3A_188 = arith.index_cast %add3A_187 : i32 to index
        %get3A_189 = tpu.vector_load %arg15[%get3A_188] {strides = array<i32>} : memref<512xi32, #tpu.memory_space<vmem>>, vector<16xi32>,
        %swap3A_190 = arith.constant 16 : index
        %swap3A_191 = tpu.vector_load %arg13[%swap3A_190] {strides = array<i32>} : memref<32xi32, #tpu.memory_space<vmem>>, vector<16xi32>,
        tpu.vector_store %arg13[%swap3A_190], %get3A_189 {strides = array<i32>} : memref<32xi32, #tpu.memory_space<vmem>>, vector<16xi32>,
        %dma_start3A_192 = arith.constant 0 : i32
        %dma_start3A_193 = arith.constant 0 : i32
        %dma_start3A_194 = tpu.memref_slice %arg2[%dma_start3A_192, %dma_start3A_193] : memref<10240x256xf32, #tpu.memory_space<hbm>> -> memref<10240x256xf32, #tpu.memory_space<hbm>>
        tpu.enqueue_indirect_dma source(%dma_start3A_194 : memref<10240x256xf32, #tpu.memory_space<hbm>>) target(%arg16 : memref<32x256xf32, #tpu.memory_space<vmem>>) offsets(%arg11 : memref<32xi32, #tpu.memory_space<vmem>>) semaphore(%arg22 : memref<!tpu.dma_semaphore, #tpu.memory_space<semaphore_mem>>)
        %dma_start3A_195 = arith.constant 0 : i32
        %dma_start3A_196 = arith.constant 0 : i32
        %dma_start3A_197 = tpu.memref_slice %arg3[%dma_start3A_195, %dma_start3A_196] : memref<10240x256xf32, #tpu.memory_space<hbm>> -> memref<10240x256xf32, #tpu.memory_space<hbm>>
        tpu.enqueue_indirect_dma source(%dma_start3A_197 : memref<10240x256xf32, #tpu.memory_space<hbm>>) target(%arg17 : memref<32x256xf32, #tpu.memory_space<vmem>>) offsets(%arg13 : memref<32xi32, #tpu.memory_space<vmem>>) semaphore(%arg22 : memref<!tpu.dma_semaphore, #tpu.memory_space<semaphore_mem>>)
        %dma_wait3A_198 = arith.constant 0 : i32
        %dma_wait3A_199 = arith.constant 0 : i32
        %dma_wait3A_200 = tpu.memref_slice %arg7[%dma_wait3A_198, %dma_wait3A_199] : memref<10240x128xf32, #tpu.memory_space<hbm>> -> memref<32x128xf32, #tpu.memory_space<hbm>>
        %dma_wait3A_201 = arith.constant 0 : i32
        %dma_wait3A_202 = arith.constant 0 : i32
        %dma_wait3A_203 = tpu.memref_slice %arg7[%dma_wait3A_201, %dma_wait3A_202] : memref<10240x128xf32, #tpu.memory_space<hbm>> -> memref<32x128xf32, #tpu.memory_space<hbm>>
        tpu.wait_dma2 semaphore(%arg23 : memref<!tpu.dma_semaphore, #tpu.memory_space<semaphore_mem>>) src(%dma_wait3A_203 : memref<32x128xf32, #tpu.memory_space<hbm>>) dst(%arg18 : memref<32x128xf32, #tpu.memory_space<vmem>>)
        %dma_wait3A_204 = arith.constant 0 : i32
        %dma_wait3A_205 = arith.constant 0 : i32
        %dma_wait3A_206 = tpu.memref_slice %arg2[%dma_wait3A_204, %dma_wait3A_205] : memref<10240x256xf32, #tpu.memory_space<hbm>> -> memref<32x256xf32, #tpu.memory_space<hbm>>
        %dma_wait3A_207 = arith.constant 0 : i32
        %dma_wait3A_208 = arith.constant 0 : i32
        %dma_wait3A_209 = tpu.memref_slice %arg2[%dma_wait3A_207, %dma_wait3A_208] : memref<10240x256xf32, #tpu.memory_space<hbm>> -> memref<32x256xf32, #tpu.memory_space<hbm>>
        tpu.wait_dma2 semaphore(%arg22 : memref<!tpu.dma_semaphore, #tpu.memory_space<semaphore_mem>>) src(%dma_wait3A_209 : memref<32x256xf32, #tpu.memory_space<hbm>>) dst(%arg16 : memref<32x256xf32, #tpu.memory_space<vmem>>)
        %dma_wait3A_210 = arith.constant 0 : i32
        %dma_wait3A_211 = arith.constant 0 : i32
        %dma_wait3A_212 = tpu.memref_slice %arg2[%dma_wait3A_210, %dma_wait3A_211] : memref<10240x256xf32, #tpu.memory_space<hbm>> -> memref<32x256xf32, #tpu.memory_space<hbm>>
        %dma_wait3A_213 = arith.constant 0 : i32
        %dma_wait3A_214 = arith.constant 0 : i32
        %dma_wait3A_215 = tpu.memref_slice %arg2[%dma_wait3A_213, %dma_wait3A_214] : memref<10240x256xf32, #tpu.memory_space<hbm>> -> memref<32x256xf32, #tpu.memory_space<hbm>>
        tpu.wait_dma2 semaphore(%arg22 : memref<!tpu.dma_semaphore, #tpu.memory_space<semaphore_mem>>) src(%dma_wait3A_215 : memref<32x256xf32, #tpu.memory_space<hbm>>) dst(%arg17 : memref<32x256xf32, #tpu.memory_space<vmem>>)
        %scan3A_216 = arith.constant 0 : i32
        %scan3A_217 = arith.constant 0 : i32
        %scan3A_218 = arith.constant 8 : i32
        %scan3A_219 = arith.addi %scan3A_217, %scan3A_218 : i32
        %scan3A_220 = arith.constant 1 : i32
        scf.for %scan3A_225 = %scan3A_217 to %scan3A_219 step %scan3A_220  : i32 {
          %mul3A_226 = arith.constant 4 : i32
          %mul3A_227 = arith.muli %mul3A_226, %scan3A_225 : i32
          %add3A_228 = arith.constant 0 : i32
          %add3A_229 = arith.addi %mul3A_227, %add3A_228 : i32
          %broadcast_in_dim3A_230 = vector.broadcast %add3A_229 : i32 to vector<16xi32>
          %gather3A = tpu.vector_load_idx %arg11[%broadcast_in_dim3A_230] : memref<32xi32, #tpu.memory_space<vmem>>[vector<16xi32>], vector<16xi32>,
          %get3A_231 = arith.index_cast %add3A_229 : i32 to index
          %get3A_232 = arith.constant 0 : index
          %get3A_233 = tpu.vector_load %arg16[%get3A_231, %get3A_232] {strides = array<i32>} : memref<32x256xf32, #tpu.memory_space<vmem>>, vector<16xf32>,
          %get3A_234 = arith.index_cast %add3A_229 : i32 to index
          %get3A_235 = arith.constant 0 : index
          %get3A_236 = tpu.vector_load %arg17[%get3A_234, %get3A_235] {strides = array<i32>} : memref<32x256xf32, #tpu.memory_space<vmem>>, vector<16xf32>,
          %add3A_237 = arith.addf %get3A_233, %get3A_236 : vector<16xf32>
          %gt3A = arith.constant 0.000000e+00 : f32
          %gt3A_238 = vector.broadcast %gt3A : f32 to vector<16xf32>
          %gt3A_239 = arith.cmpf ogt, %add3A_237, %gt3A_238 : vector<16xf32>
          %mul3A_240 = arith.constant 0.00999999977 : f32
          %mul3A_241 = vector.broadcast %mul3A_240 : f32 to vector<16xf32>
          %mul3A_242 = arith.mulf %mul3A_241, %add3A_237 : vector<16xf32>
          %select_n3A = arith.select %gt3A_239, %add3A_237, %mul3A_242 : vector<16xi1>, vector<16xf32>
          %mul3A_243 = arith.mulf %select_n3A, %get3A_17 : vector<16xf32>
          %get3A_244 = arith.index_cast %add3A_229 : i32 to index
          %get3A_245 = arith.constant 16 : index
          %get3A_246 = tpu.vector_load %arg16[%get3A_244, %get3A_245] {strides = array<i32>} : memref<32x256xf32, #tpu.memory_space<vmem>>, vector<16xf32>,
          %get3A_247 = arith.index_cast %add3A_229 : i32 to index
          %get3A_248 = arith.constant 16 : index
          %get3A_249 = tpu.vector_load %arg17[%get3A_247, %get3A_248] {strides = array<i32>} : memref<32x256xf32, #tpu.memory_space<vmem>>, vector<16xf32>,
          %add3A_250 = arith.addf %get3A_246, %get3A_249 : vector<16xf32>
          %gt3A_251 = arith.constant 0.000000e+00 : f32
          %gt3A_252 = vector.broadcast %gt3A_251 : f32 to vector<16xf32>
          %gt3A_253 = arith.cmpf ogt, %add3A_250, %gt3A_252 : vector<16xf32>
          %mul3A_254 = arith.constant 0.00999999977 : f32
          %mul3A_255 = vector.broadcast %mul3A_254 : f32 to vector<16xf32>
          %mul3A_256 = arith.mulf %mul3A_255, %add3A_250 : vector<16xf32>
          %select_n3A_257 = arith.select %gt3A_253, %add3A_250, %mul3A_256 : vector<16xi1>, vector<16xf32>
          %mul3A_258 = arith.mulf %select_n3A_257, %get3A_19 : vector<16xf32>
          %get3A_259 = arith.index_cast %add3A_229 : i32 to index
          %get3A_260 = arith.constant 32 : index
          %get3A_261 = tpu.vector_load %arg16[%get3A_259, %get3A_260] {strides = array<i32>} : memref<32x256xf32, #tpu.memory_space<vmem>>, vector<16xf32>,
          %get3A_262 = arith.index_cast %add3A_229 : i32 to index
          %get3A_263 = arith.constant 32 : index
          %get3A_264 = tpu.vector_load %arg17[%get3A_262, %get3A_263] {strides = array<i32>} : memref<32x256xf32, #tpu.memory_space<vmem>>, vector<16xf32>,
          %add3A_265 = arith.addf %get3A_261, %get3A_264 : vector<16xf32>
          %gt3A_266 = arith.constant 0.000000e+00 : f32
          %gt3A_267 = vector.broadcast %gt3A_266 : f32 to vector<16xf32>
          %gt3A_268 = arith.cmpf ogt, %add3A_265, %gt3A_267 : vector<16xf32>
          %mul3A_269 = arith.constant 0.00999999977 : f32
          %mul3A_270 = vector.broadcast %mul3A_269 : f32 to vector<16xf32>
          %mul3A_271 = arith.mulf %mul3A_270, %add3A_265 : vector<16xf32>
          %select_n3A_272 = arith.select %gt3A_268, %add3A_265, %mul3A_271 : vector<16xi1>, vector<16xf32>
          %mul3A_273 = arith.mulf %select_n3A_272, %get3A_21 : vector<16xf32>
          %get3A_274 = arith.index_cast %add3A_229 : i32 to index
          %get3A_275 = arith.constant 48 : index
          %get3A_276 = tpu.vector_load %arg16[%get3A_274, %get3A_275] {strides = array<i32>} : memref<32x256xf32, #tpu.memory_space<vmem>>, vector<16xf32>,
          %get3A_277 = arith.index_cast %add3A_229 : i32 to index
          %get3A_278 = arith.constant 48 : index
          %get3A_279 = tpu.vector_load %arg17[%get3A_277, %get3A_278] {strides = array<i32>} : memref<32x256xf32, #tpu.memory_space<vmem>>, vector<16xf32>,
          %add3A_280 = arith.addf %get3A_276, %get3A_279 : vector<16xf32>
          %gt3A_281 = arith.constant 0.000000e+00 : f32
          %gt3A_282 = vector.broadcast %gt3A_281 : f32 to vector<16xf32>
          %gt3A_283 = arith.cmpf ogt, %add3A_280, %gt3A_282 : vector<16xf32>
          %mul3A_284 = arith.constant 0.00999999977 : f32
          %mul3A_285 = vector.broadcast %mul3A_284 : f32 to vector<16xf32>
          %mul3A_286 = arith.mulf %mul3A_285, %add3A_280 : vector<16xf32>
          %select_n3A_287 = arith.select %gt3A_283, %add3A_280, %mul3A_286 : vector<16xi1>, vector<16xf32>
          %mul3A_288 = arith.mulf %select_n3A_287, %get3A_23 : vector<16xf32>
          %get3A_289 = arith.index_cast %add3A_229 : i32 to index
          %get3A_290 = arith.constant 64 : index
          %get3A_291 = tpu.vector_load %arg16[%get3A_289, %get3A_290] {strides = array<i32>} : memref<32x256xf32, #tpu.memory_space<vmem>>, vector<16xf32>,
          %get3A_292 = arith.index_cast %add3A_229 : i32 to index
          %get3A_293 = arith.constant 64 : index
          %get3A_294 = tpu.vector_load %arg17[%get3A_292, %get3A_293] {strides = array<i32>} : memref<32x256xf32, #tpu.memory_space<vmem>>, vector<16xf32>,
          %add3A_295 = arith.addf %get3A_291, %get3A_294 : vector<16xf32>
          %gt3A_296 = arith.constant 0.000000e+00 : f32
          %gt3A_297 = vector.broadcast %gt3A_296 : f32 to vector<16xf32>
          %gt3A_298 = arith.cmpf ogt, %add3A_295, %gt3A_297 : vector<16xf32>
          %mul3A_299 = arith.constant 0.00999999977 : f32
          %mul3A_300 = vector.broadcast %mul3A_299 : f32 to vector<16xf32>
          %mul3A_301 = arith.mulf %mul3A_300, %add3A_295 : vector<16xf32>
          %select_n3A_302 = arith.select %gt3A_298, %add3A_295, %mul3A_301 : vector<16xi1>, vector<16xf32>
          %mul3A_303 = arith.mulf %select_n3A_302, %get3A_25 : vector<16xf32>
          %get3A_304 = arith.index_cast %add3A_229 : i32 to index
          %get3A_305 = arith.constant 80 : index
          %get3A_306 = tpu.vector_load %arg16[%get3A_304, %get3A_305] {strides = array<i32>} : memref<32x256xf32, #tpu.memory_space<vmem>>, vector<16xf32>,
          %get3A_307 = arith.index_cast %add3A_229 : i32 to index
          %get3A_308 = arith.constant 80 : index
          %get3A_309 = tpu.vector_load %arg17[%get3A_307, %get3A_308] {strides = array<i32>} : memref<32x256xf32, #tpu.memory_space<vmem>>, vector<16xf32>,
          %add3A_310 = arith.addf %get3A_306, %get3A_309 : vector<16xf32>
          %gt3A_311 = arith.constant 0.000000e+00 : f32
          %gt3A_312 = vector.broadcast %gt3A_311 : f32 to vector<16xf32>
          %gt3A_313 = arith.cmpf ogt, %add3A_310, %gt3A_312 : vector<16xf32>
          %mul3A_314 = arith.constant 0.00999999977 : f32
          %mul3A_315 = vector.broadcast %mul3A_314 : f32 to vector<16xf32>
          %mul3A_316 = arith.mulf %mul3A_315, %add3A_310 : vector<16xf32>
          %select_n3A_317 = arith.select %gt3A_313, %add3A_310, %mul3A_316 : vector<16xi1>, vector<16xf32>
          %mul3A_318 = arith.mulf %select_n3A_317, %get3A_27 : vector<16xf32>
          %get3A_319 = arith.index_cast %add3A_229 : i32 to index
          %get3A_320 = arith.constant 96 : index
          %get3A_321 = tpu.vector_load %arg16[%get3A_319, %get3A_320] {strides = array<i32>} : memref<32x256xf32, #tpu.memory_space<vmem>>, vector<16xf32>,
          %get3A_322 = arith.index_cast %add3A_229 : i32 to index
          %get3A_323 = arith.constant 96 : index
          %get3A_324 = tpu.vector_load %arg17[%get3A_322, %get3A_323] {strides = array<i32>} : memref<32x256xf32, #tpu.memory_space<vmem>>, vector<16xf32>,
          %add3A_325 = arith.addf %get3A_321, %get3A_324 : vector<16xf32>
          %gt3A_326 = arith.constant 0.000000e+00 : f32
          %gt3A_327 = vector.broadcast %gt3A_326 : f32 to vector<16xf32>
          %gt3A_328 = arith.cmpf ogt, %add3A_325, %gt3A_327 : vector<16xf32>
          %mul3A_329 = arith.constant 0.00999999977 : f32
          %mul3A_330 = vector.broadcast %mul3A_329 : f32 to vector<16xf32>
          %mul3A_331 = arith.mulf %mul3A_330, %add3A_325 : vector<16xf32>
          %select_n3A_332 = arith.select %gt3A_328, %add3A_325, %mul3A_331 : vector<16xi1>, vector<16xf32>
          %mul3A_333 = arith.mulf %select_n3A_332, %get3A_29 : vector<16xf32>
          %get3A_334 = arith.index_cast %add3A_229 : i32 to index
          %get3A_335 = arith.constant 112 : index
          %get3A_336 = tpu.vector_load %arg16[%get3A_334, %get3A_335] {strides = array<i32>} : memref<32x256xf32, #tpu.memory_space<vmem>>, vector<16xf32>,
          %get3A_337 = arith.index_cast %add3A_229 : i32 to index
          %get3A_338 = arith.constant 112 : index
          %get3A_339 = tpu.vector_load %arg17[%get3A_337, %get3A_338] {strides = array<i32>} : memref<32x256xf32, #tpu.memory_space<vmem>>, vector<16xf32>,
          %add3A_340 = arith.addf %get3A_336, %get3A_339 : vector<16xf32>
          %gt3A_341 = arith.constant 0.000000e+00 : f32
          %gt3A_342 = vector.broadcast %gt3A_341 : f32 to vector<16xf32>
          %gt3A_343 = arith.cmpf ogt, %add3A_340, %gt3A_342 : vector<16xf32>
          %mul3A_344 = arith.constant 0.00999999977 : f32
          %mul3A_345 = vector.broadcast %mul3A_344 : f32 to vector<16xf32>
          %mul3A_346 = arith.mulf %mul3A_345, %add3A_340 : vector<16xf32>
          %select_n3A_347 = arith.select %gt3A_343, %add3A_340, %mul3A_346 : vector<16xi1>, vector<16xf32>
          %mul3A_348 = arith.mulf %select_n3A_347, %get3A_31 : vector<16xf32>
          %add3A_349 = arith.addf %mul3A_243, %mul3A_258 : vector<16xf32>
          %add3A_350 = arith.addf %mul3A_273, %mul3A_288 : vector<16xf32>
          %add3A_351 = arith.addf %add3A_349, %add3A_350 : vector<16xf32>
          %add3A_352 = arith.addf %mul3A_303, %mul3A_318 : vector<16xf32>
          %add3A_353 = arith.addf %mul3A_333, %mul3A_348 : vector<16xf32>
          %add3A_354 = arith.addf %add3A_352, %add3A_353 : vector<16xf32>
          %add3A_355 = arith.addf %add3A_351, %add3A_354 : vector<16xf32>
          %lt3A = arith.constant 0 : i32
          %lt3A_356 = vector.broadcast %lt3A : i32 to vector<16xi32>
          %lt3A_357 = arith.cmpi slt, %and3A_38, %lt3A_356 : vector<16xi32>
          %add3A_358 = arith.constant 16 : i32
          %add3A_359 = vector.broadcast %add3A_358 : i32 to vector<16xi32>
          %add3A_360 = arith.addi %and3A_38, %add3A_359 : vector<16xi32>
          %select_n3A_361 = arith.select %lt3A_357, %add3A_360, %and3A_38 : vector<16xi1>, vector<16xi32>
          %broadcast_in_dim3A_362 = vector.shape_cast %select_n3A_361 : vector<16xi32> to vector<16x1xi32>
          %gather3A_363 = vector.shape_cast %broadcast_in_dim3A_362 : vector<16x1xi32> to vector<16xi32>
          %gather3A_364 = tpu.dynamic_gather %add3A_355[%gather3A_363] in [0] : vector<16xf32>, vector<16xi32> -> vector<16xf32>
          %add3A_365 = arith.addf %add3A_355, %gather3A_364 : vector<16xf32>
          %lt3A_366 = arith.constant 0 : i32
          %lt3A_367 = vector.broadcast %lt3A_366 : i32 to vector<16xi32>
          %lt3A_368 = arith.cmpi slt, %and3A_44, %lt3A_367 : vector<16xi32>
          %add3A_369 = arith.constant 16 : i32
          %add3A_370 = vector.broadcast %add3A_369 : i32 to vector<16xi32>
          %add3A_371 = arith.addi %and3A_44, %add3A_370 : vector<16xi32>
          %select_n3A_372 = arith.select %lt3A_368, %add3A_371, %and3A_44 : vector<16xi1>, vector<16xi32>
          %broadcast_in_dim3A_373 = vector.shape_cast %select_n3A_372 : vector<16xi32> to vector<16x1xi32>
          %gather3A_374 = vector.shape_cast %broadcast_in_dim3A_373 : vector<16x1xi32> to vector<16xi32>
          %gather3A_375 = tpu.dynamic_gather %add3A_365[%gather3A_374] in [0] : vector<16xf32>, vector<16xi32> -> vector<16xf32>
          %add3A_376 = arith.addf %add3A_365, %gather3A_375 : vector<16xf32>
          %lt3A_377 = arith.constant 0 : i32
          %lt3A_378 = vector.broadcast %lt3A_377 : i32 to vector<16xi32>
          %lt3A_379 = arith.cmpi slt, %and3A_50, %lt3A_378 : vector<16xi32>
          %add3A_380 = arith.constant 16 : i32
          %add3A_381 = vector.broadcast %add3A_380 : i32 to vector<16xi32>
          %add3A_382 = arith.addi %and3A_50, %add3A_381 : vector<16xi32>
          %select_n3A_383 = arith.select %lt3A_379, %add3A_382, %and3A_50 : vector<16xi1>, vector<16xi32>
          %broadcast_in_dim3A_384 = vector.shape_cast %select_n3A_383 : vector<16xi32> to vector<16x1xi32>
          %gather3A_385 = vector.shape_cast %broadcast_in_dim3A_384 : vector<16x1xi32> to vector<16xi32>
          %gather3A_386 = tpu.dynamic_gather %add3A_376[%gather3A_385] in [0] : vector<16xf32>, vector<16xi32> -> vector<16xf32>
          %add3A_387 = arith.addf %add3A_376, %gather3A_386 : vector<16xf32>
          %lt3A_388 = arith.constant 0 : i32
          %lt3A_389 = vector.broadcast %lt3A_388 : i32 to vector<16xi32>
          %lt3A_390 = arith.cmpi slt, %and3A_56, %lt3A_389 : vector<16xi32>
          %add3A_391 = arith.constant 16 : i32
          %add3A_392 = vector.broadcast %add3A_391 : i32 to vector<16xi32>
          %add3A_393 = arith.addi %and3A_56, %add3A_392 : vector<16xi32>
          %select_n3A_394 = arith.select %lt3A_390, %add3A_393, %and3A_56 : vector<16xi1>, vector<16xi32>
          %broadcast_in_dim3A_395 = vector.shape_cast %select_n3A_394 : vector<16xi32> to vector<16x1xi32>
          %gather3A_396 = vector.shape_cast %broadcast_in_dim3A_395 : vector<16x1xi32> to vector<16xi32>
          %gather3A_397 = tpu.dynamic_gather %add3A_387[%gather3A_396] in [0] : vector<16xf32>, vector<16xi32> -> vector<16xf32>
          %add3A_398 = arith.addf %add3A_387, %gather3A_397 : vector<16xf32>
          %exp3A = math.exp %add3A_398 : vector<16xf32>
          tpu.vector_store_idx %arg19[%gather3A], %exp3A masked %eq3A_33 {add = true} : memref<10240xf32, #tpu.memory_space<vmem>>[vector<16xi32>], vector<16xf32>, vector<16xi1>
          %get3A_399 = arith.index_cast %add3A_229 : i32 to index
          %get3A_400 = arith.constant 128 : index
          %get3A_401 = tpu.vector_load %arg16[%get3A_399, %get3A_400] {strides = array<i32>} : memref<32x256xf32, #tpu.memory_space<vmem>>, vector<16xf32>,
          %get3A_402 = arith.index_cast %add3A_229 : i32 to index
          %get3A_403 = arith.constant 128 : index
          %get3A_404 = tpu.vector_load %arg17[%get3A_402, %get3A_403] {strides = array<i32>} : memref<32x256xf32, #tpu.memory_space<vmem>>, vector<16xf32>,
          %add3A_405 = arith.addf %get3A_401, %get3A_404 : vector<16xf32>
          %max3A = arith.constant 0.000000e+00 : f32
          %max3A_406 = vector.broadcast %max3A : f32 to vector<16xf32>
          %max3A_407 = arith.maximumf %add3A_405, %max3A_406 : vector<16xf32>
          %mul3A_408 = arith.mulf %max3A_407, %exp3A : vector<16xf32>
          %swap3A_409 = arith.index_cast %add3A_229 : i32 to index
          %swap3A_410 = arith.constant 0 : index
          %swap3A_411 = tpu.vector_load %arg18[%swap3A_409, %swap3A_410] {strides = array<i32>} : memref<32x128xf32, #tpu.memory_space<vmem>>, vector<16xf32>,
          tpu.vector_store %arg18[%swap3A_409, %swap3A_410], %mul3A_408 {strides = array<i32>} : memref<32x128xf32, #tpu.memory_space<vmem>>, vector<16xf32>,
          %get3A_412 = arith.index_cast %add3A_229 : i32 to index
          %get3A_413 = arith.constant 144 : index
          %get3A_414 = tpu.vector_load %arg16[%get3A_412, %get3A_413] {strides = array<i32>} : memref<32x256xf32, #tpu.memory_space<vmem>>, vector<16xf32>,
          %get3A_415 = arith.index_cast %add3A_229 : i32 to index
          %get3A_416 = arith.constant 144 : index
          %get3A_417 = tpu.vector_load %arg17[%get3A_415, %get3A_416] {strides = array<i32>} : memref<32x256xf32, #tpu.memory_space<vmem>>, vector<16xf32>,
          %add3A_418 = arith.addf %get3A_414, %get3A_417 : vector<16xf32>
          %max3A_419 = arith.constant 0.000000e+00 : f32
          %max3A_420 = vector.broadcast %max3A_419 : f32 to vector<16xf32>
          %max3A_421 = arith.maximumf %add3A_418, %max3A_420 : vector<16xf32>
          %mul3A_422 = arith.mulf %max3A_421, %exp3A : vector<16xf32>
          %swap3A_423 = arith.index_cast %add3A_229 : i32 to index
          %swap3A_424 = arith.constant 16 : index
          %swap3A_425 = tpu.vector_load %arg18[%swap3A_423, %swap3A_424] {strides = array<i32>} : memref<32x128xf32, #tpu.memory_space<vmem>>, vector<16xf32>,
          tpu.vector_store %arg18[%swap3A_423, %swap3A_424], %mul3A_422 {strides = array<i32>} : memref<32x128xf32, #tpu.memory_space<vmem>>, vector<16xf32>,
          %get3A_426 = arith.index_cast %add3A_229 : i32 to index
          %get3A_427 = arith.constant 160 : index
          %get3A_428 = tpu.vector_load %arg16[%get3A_426, %get3A_427] {strides = array<i32>} : memref<32x256xf32, #tpu.memory_space<vmem>>, vector<16xf32>,
          %get3A_429 = arith.index_cast %add3A_229 : i32 to index
          %get3A_430 = arith.constant 160 : index
          %get3A_431 = tpu.vector_load %arg17[%get3A_429, %get3A_430] {strides = array<i32>} : memref<32x256xf32, #tpu.memory_space<vmem>>, vector<16xf32>,
          %add3A_432 = arith.addf %get3A_428, %get3A_431 : vector<16xf32>
          %max3A_433 = arith.constant 0.000000e+00 : f32
          %max3A_434 = vector.broadcast %max3A_433 : f32 to vector<16xf32>
          %max3A_435 = arith.maximumf %add3A_432, %max3A_434 : vector<16xf32>
          %mul3A_436 = arith.mulf %max3A_435, %exp3A : vector<16xf32>
          %swap3A_437 = arith.index_cast %add3A_229 : i32 to index
          %swap3A_438 = arith.constant 32 : index
          %swap3A_439 = tpu.vector_load %arg18[%swap3A_437, %swap3A_438] {strides = array<i32>} : memref<32x128xf32, #tpu.memory_space<vmem>>, vector<16xf32>,
          tpu.vector_store %arg18[%swap3A_437, %swap3A_438], %mul3A_436 {strides = array<i32>} : memref<32x128xf32, #tpu.memory_space<vmem>>, vector<16xf32>,
          %get3A_440 = arith.index_cast %add3A_229 : i32 to index
          %get3A_441 = arith.constant 176 : index
          %get3A_442 = tpu.vector_load %arg16[%get3A_440, %get3A_441] {strides = array<i32>} : memref<32x256xf32, #tpu.memory_space<vmem>>, vector<16xf32>,
          %get3A_443 = arith.index_cast %add3A_229 : i32 to index
          %get3A_444 = arith.constant 176 : index
          %get3A_445 = tpu.vector_load %arg17[%get3A_443, %get3A_444] {strides = array<i32>} : memref<32x256xf32, #tpu.memory_space<vmem>>, vector<16xf32>,
          %add3A_446 = arith.addf %get3A_442, %get3A_445 : vector<16xf32>
          %max3A_447 = arith.constant 0.000000e+00 : f32
          %max3A_448 = vector.broadcast %max3A_447 : f32 to vector<16xf32>
          %max3A_449 = arith.maximumf %add3A_446, %max3A_448 : vector<16xf32>
          %mul3A_450 = arith.mulf %max3A_449, %exp3A : vector<16xf32>
          %swap3A_451 = arith.index_cast %add3A_229 : i32 to index
          %swap3A_452 = arith.constant 48 : index
          %swap3A_453 = tpu.vector_load %arg18[%swap3A_451, %swap3A_452] {strides = array<i32>} : memref<32x128xf32, #tpu.memory_space<vmem>>, vector<16xf32>,
          tpu.vector_store %arg18[%swap3A_451, %swap3A_452], %mul3A_450 {strides = array<i32>} : memref<32x128xf32, #tpu.memory_space<vmem>>, vector<16xf32>,
          %get3A_454 = arith.index_cast %add3A_229 : i32 to index
          %get3A_455 = arith.constant 192 : index
          %get3A_456 = tpu.vector_load %arg16[%get3A_454, %get3A_455] {strides = array<i32>} : memref<32x256xf32, #tpu.memory_space<vmem>>, vector<16xf32>,
          %get3A_457 = arith.index_cast %add3A_229 : i32 to index
          %get3A_458 = arith.constant 192 : index
          %get3A_459 = tpu.vector_load %arg17[%get3A_457, %get3A_458] {strides = array<i32>} : memref<32x256xf32, #tpu.memory_space<vmem>>, vector<16xf32>,
          %add3A_460 = arith.addf %get3A_456, %get3A_459 : vector<16xf32>
          %max3A_461 = arith.constant 0.000000e+00 : f32
          %max3A_462 = vector.broadcast %max3A_461 : f32 to vector<16xf32>
          %max3A_463 = arith.maximumf %add3A_460, %max3A_462 : vector<16xf32>
          %mul3A_464 = arith.mulf %max3A_463, %exp3A : vector<16xf32>
          %swap3A_465 = arith.index_cast %add3A_229 : i32 to index
          %swap3A_466 = arith.constant 64 : index
          %swap3A_467 = tpu.vector_load %arg18[%swap3A_465, %swap3A_466] {strides = array<i32>} : memref<32x128xf32, #tpu.memory_space<vmem>>, vector<16xf32>,
          tpu.vector_store %arg18[%swap3A_465, %swap3A_466], %mul3A_464 {strides = array<i32>} : memref<32x128xf32, #tpu.memory_space<vmem>>, vector<16xf32>,
          %get3A_468 = arith.index_cast %add3A_229 : i32 to index
          %get3A_469 = arith.constant 208 : index
          %get3A_470 = tpu.vector_load %arg16[%get3A_468, %get3A_469] {strides = array<i32>} : memref<32x256xf32, #tpu.memory_space<vmem>>, vector<16xf32>,
          %get3A_471 = arith.index_cast %add3A_229 : i32 to index
          %get3A_472 = arith.constant 208 : index
          %get3A_473 = tpu.vector_load %arg17[%get3A_471, %get3A_472] {strides = array<i32>} : memref<32x256xf32, #tpu.memory_space<vmem>>, vector<16xf32>,
          %add3A_474 = arith.addf %get3A_470, %get3A_473 : vector<16xf32>
          %max3A_475 = arith.constant 0.000000e+00 : f32
          %max3A_476 = vector.broadcast %max3A_475 : f32 to vector<16xf32>
          %max3A_477 = arith.maximumf %add3A_474, %max3A_476 : vector<16xf32>
          %mul3A_478 = arith.mulf %max3A_477, %exp3A : vector<16xf32>
          %swap3A_479 = arith.index_cast %add3A_229 : i32 to index
          %swap3A_480 = arith.constant 80 : index
          %swap3A_481 = tpu.vector_load %arg18[%swap3A_479, %swap3A_480] {strides = array<i32>} : memref<32x128xf32, #tpu.memory_space<vmem>>, vector<16xf32>,
          tpu.vector_store %arg18[%swap3A_479, %swap3A_480], %mul3A_478 {strides = array<i32>} : memref<32x128xf32, #tpu.memory_space<vmem>>, vector<16xf32>,
          %get3A_482 = arith.index_cast %add3A_229 : i32 to index
          %get3A_483 = arith.constant 224 : index
          %get3A_484 = tpu.vector_load %arg16[%get3A_482, %get3A_483] {strides = array<i32>} : memref<32x256xf32, #tpu.memory_space<vmem>>, vector<16xf32>,
          %get3A_485 = arith.index_cast %add3A_229 : i32 to index
          %get3A_486 = arith.constant 224 : index
          %get3A_487 = tpu.vector_load %arg17[%get3A_485, %get3A_486] {strides = array<i32>} : memref<32x256xf32, #tpu.memory_space<vmem>>, vector<16xf32>,
          %add3A_488 = arith.addf %get3A_484, %get3A_487 : vector<16xf32>
          %max3A_489 = arith.constant 0.000000e+00 : f32
          %max3A_490 = vector.broadcast %max3A_489 : f32 to vector<16xf32>
          %max3A_491 = arith.maximumf %add3A_488, %max3A_490 : vector<16xf32>
          %mul3A_492 = arith.mulf %max3A_491, %exp3A : vector<16xf32>
          %swap3A_493 = arith.index_cast %add3A_229 : i32 to index
          %swap3A_494 = arith.constant 96 : index
          %swap3A_495 = tpu.vector_load %arg18[%swap3A_493, %swap3A_494] {strides = array<i32>} : memref<32x128xf32, #tpu.memory_space<vmem>>, vector<16xf32>,
          tpu.vector_store %arg18[%swap3A_493, %swap3A_494], %mul3A_492 {strides = array<i32>} : memref<32x128xf32, #tpu.memory_space<vmem>>, vector<16xf32>,
          %get3A_496 = arith.index_cast %add3A_229 : i32 to index
          %get3A_497 = arith.constant 240 : index
          %get3A_498 = tpu.vector_load %arg16[%get3A_496, %get3A_497] {strides = array<i32>} : memref<32x256xf32, #tpu.memory_space<vmem>>, vector<16xf32>,
          %get3A_499 = arith.index_cast %add3A_229 : i32 to index
          %get3A_500 = arith.constant 240 : index
          %get3A_501 = tpu.vector_load %arg17[%get3A_499, %get3A_500] {strides = array<i32>} : memref<32x256xf32, #tpu.memory_space<vmem>>, vector<16xf32>,
          %add3A_502 = arith.addf %get3A_498, %get3A_501 : vector<16xf32>
          %max3A_503 = arith.constant 0.000000e+00 : f32
          %max3A_504 = vector.broadcast %max3A_503 : f32 to vector<16xf32>
          %max3A_505 = arith.maximumf %add3A_502, %max3A_504 : vector<16xf32>
          %mul3A_506 = arith.mulf %max3A_505, %exp3A : vector<16xf32>
          %swap3A_507 = arith.index_cast %add3A_229 : i32 to index
          %swap3A_508 = arith.constant 112 : index
          %swap3A_509 = tpu.vector_load %arg18[%swap3A_507, %swap3A_508] {strides = array<i32>} : memref<32x128xf32, #tpu.memory_space<vmem>>, vector<16xf32>,
          tpu.vector_store %arg18[%swap3A_507, %swap3A_508], %mul3A_506 {strides = array<i32>} : memref<32x128xf32, #tpu.memory_space<vmem>>, vector<16xf32>,
          %mul3A_510 = arith.constant 4 : i32
          %mul3A_511 = arith.muli %mul3A_510, %scan3A_225 : i32
          %add3A_512 = arith.constant 1 : i32
          %add3A_513 = arith.addi %mul3A_511, %add3A_512 : i32
          %broadcast_in_dim3A_514 = vector.broadcast %add3A_513 : i32 to vector<16xi32>
          %gather3A_515 = tpu.vector_load_idx %arg11[%broadcast_in_dim3A_514] : memref<32xi32, #tpu.memory_space<vmem>>[vector<16xi32>], vector<16xi32>,
          %get3A_516 = arith.index_cast %add3A_513 : i32 to index
          %get3A_517 = arith.constant 0 : index
          %get3A_518 = tpu.vector_load %arg16[%get3A_516, %get3A_517] {strides = array<i32>} : memref<32x256xf32, #tpu.memory_space<vmem>>, vector<16xf32>,
          %get3A_519 = arith.index_cast %add3A_513 : i32 to index
          %get3A_520 = arith.constant 0 : index
          %get3A_521 = tpu.vector_load %arg17[%get3A_519, %get3A_520] {strides = array<i32>} : memref<32x256xf32, #tpu.memory_space<vmem>>, vector<16xf32>,
          %add3A_522 = arith.addf %get3A_518, %get3A_521 : vector<16xf32>
          %gt3A_523 = arith.constant 0.000000e+00 : f32
          %gt3A_524 = vector.broadcast %gt3A_523 : f32 to vector<16xf32>
          %gt3A_525 = arith.cmpf ogt, %add3A_522, %gt3A_524 : vector<16xf32>
          %mul3A_526 = arith.constant 0.00999999977 : f32
          %mul3A_527 = vector.broadcast %mul3A_526 : f32 to vector<16xf32>
          %mul3A_528 = arith.mulf %mul3A_527, %add3A_522 : vector<16xf32>
          %select_n3A_529 = arith.select %gt3A_525, %add3A_522, %mul3A_528 : vector<16xi1>, vector<16xf32>
          %mul3A_530 = arith.mulf %select_n3A_529, %get3A_17 : vector<16xf32>
          %get3A_531 = arith.index_cast %add3A_513 : i32 to index
          %get3A_532 = arith.constant 16 : index
          %get3A_533 = tpu.vector_load %arg16[%get3A_531, %get3A_532] {strides = array<i32>} : memref<32x256xf32, #tpu.memory_space<vmem>>, vector<16xf32>,
          %get3A_534 = arith.index_cast %add3A_513 : i32 to index
          %get3A_535 = arith.constant 16 : index
          %get3A_536 = tpu.vector_load %arg17[%get3A_534, %get3A_535] {strides = array<i32>} : memref<32x256xf32, #tpu.memory_space<vmem>>, vector<16xf32>,
          %add3A_537 = arith.addf %get3A_533, %get3A_536 : vector<16xf32>
          %gt3A_538 = arith.constant 0.000000e+00 : f32
          %gt3A_539 = vector.broadcast %gt3A_538 : f32 to vector<16xf32>
          %gt3A_540 = arith.cmpf ogt, %add3A_537, %gt3A_539 : vector<16xf32>
          %mul3A_541 = arith.constant 0.00999999977 : f32
          %mul3A_542 = vector.broadcast %mul3A_541 : f32 to vector<16xf32>
          %mul3A_543 = arith.mulf %mul3A_542, %add3A_537 : vector<16xf32>
          %select_n3A_544 = arith.select %gt3A_540, %add3A_537, %mul3A_543 : vector<16xi1>, vector<16xf32>
          %mul3A_545 = arith.mulf %select_n3A_544, %get3A_19 : vector<16xf32>
          %get3A_546 = arith.index_cast %add3A_513 : i32 to index
          %get3A_547 = arith.constant 32 : index
          %get3A_548 = tpu.vector_load %arg16[%get3A_546, %get3A_547] {strides = array<i32>} : memref<32x256xf32, #tpu.memory_space<vmem>>, vector<16xf32>,
          %get3A_549 = arith.index_cast %add3A_513 : i32 to index
          %get3A_550 = arith.constant 32 : index
          %get3A_551 = tpu.vector_load %arg17[%get3A_549, %get3A_550] {strides = array<i32>} : memref<32x256xf32, #tpu.memory_space<vmem>>, vector<16xf32>,
          %add3A_552 = arith.addf %get3A_548, %get3A_551 : vector<16xf32>
          %gt3A_553 = arith.constant 0.000000e+00 : f32
          %gt3A_554 = vector.broadcast %gt3A_553 : f32 to vector<16xf32>
          %gt3A_555 = arith.cmpf ogt, %add3A_552, %gt3A_554 : vector<16xf32>
          %mul3A_556 = arith.constant 0.00999999977 : f32
          %mul3A_557 = vector.broadcast %mul3A_556 : f32 to vector<16xf32>
          %mul3A_558 = arith.mulf %mul3A_557, %add3A_552 : vector<16xf32>
          %select_n3A_559 = arith.select %gt3A_555, %add3A_552, %mul3A_558 : vector<16xi1>, vector<16xf32>
          %mul3A_560 = arith.mulf %select_n3A_559, %get3A_21 : vector<16xf32>
          %get3A_561 = arith.index_cast %add3A_513 : i32 to index
          %get3A_562 = arith.constant 48 : index
          %get3A_563 = tpu.vector_load %arg16[%get3A_561, %get3A_562] {strides = array<i32>} : memref<32x256xf32, #tpu.memory_space<vmem>>, vector<16xf32>,
          %get3A_564 = arith.index_cast %add3A_513 : i32 to index
          %get3A_565 = arith.constant 48 : index
          %get3A_566 = tpu.vector_load %arg17[%get3A_564, %get3A_565] {strides = array<i32>} : memref<32x256xf32, #tpu.memory_space<vmem>>, vector<16xf32>,
          %add3A_567 = arith.addf %get3A_563, %get3A_566 : vector<16xf32>
          %gt3A_568 = arith.constant 0.000000e+00 : f32
          %gt3A_569 = vector.broadcast %gt3A_568 : f32 to vector<16xf32>
          %gt3A_570 = arith.cmpf ogt, %add3A_567, %gt3A_569 : vector<16xf32>
          %mul3A_571 = arith.constant 0.00999999977 : f32
          %mul3A_572 = vector.broadcast %mul3A_571 : f32 to vector<16xf32>
          %mul3A_573 = arith.mulf %mul3A_572, %add3A_567 : vector<16xf32>
          %select_n3A_574 = arith.select %gt3A_570, %add3A_567, %mul3A_573 : vector<16xi1>, vector<16xf32>
          %mul3A_575 = arith.mulf %select_n3A_574, %get3A_23 : vector<16xf32>
          %get3A_576 = arith.index_cast %add3A_513 : i32 to index
          %get3A_577 = arith.constant 64 : index
          %get3A_578 = tpu.vector_load %arg16[%get3A_576, %get3A_577] {strides = array<i32>} : memref<32x256xf32, #tpu.memory_space<vmem>>, vector<16xf32>,
          %get3A_579 = arith.index_cast %add3A_513 : i32 to index
          %get3A_580 = arith.constant 64 : index
          %get3A_581 = tpu.vector_load %arg17[%get3A_579, %get3A_580] {strides = array<i32>} : memref<32x256xf32, #tpu.memory_space<vmem>>, vector<16xf32>,
          %add3A_582 = arith.addf %get3A_578, %get3A_581 : vector<16xf32>
          %gt3A_583 = arith.constant 0.000000e+00 : f32
          %gt3A_584 = vector.broadcast %gt3A_583 : f32 to vector<16xf32>
          %gt3A_585 = arith.cmpf ogt, %add3A_582, %gt3A_584 : vector<16xf32>
          %mul3A_586 = arith.constant 0.00999999977 : f32
          %mul3A_587 = vector.broadcast %mul3A_586 : f32 to vector<16xf32>
          %mul3A_588 = arith.mulf %mul3A_587, %add3A_582 : vector<16xf32>
          %select_n3A_589 = arith.select %gt3A_585, %add3A_582, %mul3A_588 : vector<16xi1>, vector<16xf32>
          %mul3A_590 = arith.mulf %select_n3A_589, %get3A_25 : vector<16xf32>
          %get3A_591 = arith.index_cast %add3A_513 : i32 to index
          %get3A_592 = arith.constant 80 : index
          %get3A_593 = tpu.vector_load %arg16[%get3A_591, %get3A_592] {strides = array<i32>} : memref<32x256xf32, #tpu.memory_space<vmem>>, vector<16xf32>,
          %get3A_594 = arith.index_cast %add3A_513 : i32 to index
          %get3A_595 = arith.constant 80 : index
          %get3A_596 = tpu.vector_load %arg17[%get3A_594, %get3A_595] {strides = array<i32>} : memref<32x256xf32, #tpu.memory_space<vmem>>, vector<16xf32>,
          %add3A_597 = arith.addf %get3A_593, %get3A_596 : vector<16xf32>
          %gt3A_598 = arith.constant 0.000000e+00 : f32
          %gt3A_599 = vector.broadcast %gt3A_598 : f32 to vector<16xf32>
          %gt3A_600 = arith.cmpf ogt, %add3A_597, %gt3A_599 : vector<16xf32>
          %mul3A_601 = arith.constant 0.00999999977 : f32
          %mul3A_602 = vector.broadcast %mul3A_601 : f32 to vector<16xf32>
          %mul3A_603 = arith.mulf %mul3A_602, %add3A_597 : vector<16xf32>
          %select_n3A_604 = arith.select %gt3A_600, %add3A_597, %mul3A_603 : vector<16xi1>, vector<16xf32>
          %mul3A_605 = arith.mulf %select_n3A_604, %get3A_27 : vector<16xf32>
          %get3A_606 = arith.index_cast %add3A_513 : i32 to index
          %get3A_607 = arith.constant 96 : index
          %get3A_608 = tpu.vector_load %arg16[%get3A_606, %get3A_607] {strides = array<i32>} : memref<32x256xf32, #tpu.memory_space<vmem>>, vector<16xf32>,
          %get3A_609 = arith.index_cast %add3A_513 : i32 to index
          %get3A_610 = arith.constant 96 : index
          %get3A_611 = tpu.vector_load %arg17[%get3A_609, %get3A_610] {strides = array<i32>} : memref<32x256xf32, #tpu.memory_space<vmem>>, vector<16xf32>,
          %add3A_612 = arith.addf %get3A_608, %get3A_611 : vector<16xf32>
          %gt3A_613 = arith.constant 0.000000e+00 : f32
          %gt3A_614 = vector.broadcast %gt3A_613 : f32 to vector<16xf32>
          %gt3A_615 = arith.cmpf ogt, %add3A_612, %gt3A_614 : vector<16xf32>
          %mul3A_616 = arith.constant 0.00999999977 : f32
          %mul3A_617 = vector.broadcast %mul3A_616 : f32 to vector<16xf32>
          %mul3A_618 = arith.mulf %mul3A_617, %add3A_612 : vector<16xf32>
          %select_n3A_619 = arith.select %gt3A_615, %add3A_612, %mul3A_618 : vector<16xi1>, vector<16xf32>
          %mul3A_620 = arith.mulf %select_n3A_619, %get3A_29 : vector<16xf32>
          %get3A_621 = arith.index_cast %add3A_513 : i32 to index
          %get3A_622 = arith.constant 112 : index
          %get3A_623 = tpu.vector_load %arg16[%get3A_621, %get3A_622] {strides = array<i32>} : memref<32x256xf32, #tpu.memory_space<vmem>>, vector<16xf32>,
          %get3A_624 = arith.index_cast %add3A_513 : i32 to index
          %get3A_625 = arith.constant 112 : index
          %get3A_626 = tpu.vector_load %arg17[%get3A_624, %get3A_625] {strides = array<i32>} : memref<32x256xf32, #tpu.memory_space<vmem>>, vector<16xf32>,
          %add3A_627 = arith.addf %get3A_623, %get3A_626 : vector<16xf32>
          %gt3A_628 = arith.constant 0.000000e+00 : f32
          %gt3A_629 = vector.broadcast %gt3A_628 : f32 to vector<16xf32>
          %gt3A_630 = arith.cmpf ogt, %add3A_627, %gt3A_629 : vector<16xf32>
          %mul3A_631 = arith.constant 0.00999999977 : f32
          %mul3A_632 = vector.broadcast %mul3A_631 : f32 to vector<16xf32>
          %mul3A_633 = arith.mulf %mul3A_632, %add3A_627 : vector<16xf32>
          %select_n3A_634 = arith.select %gt3A_630, %add3A_627, %mul3A_633 : vector<16xi1>, vector<16xf32>
          %mul3A_635 = arith.mulf %select_n3A_634, %get3A_31 : vector<16xf32>
          %add3A_636 = arith.addf %mul3A_530, %mul3A_545 : vector<16xf32>
          %add3A_637 = arith.addf %mul3A_560, %mul3A_575 : vector<16xf32>
          %add3A_638 = arith.addf %add3A_636, %add3A_637 : vector<16xf32>
          %add3A_639 = arith.addf %mul3A_590, %mul3A_605 : vector<16xf32>
          %add3A_640 = arith.addf %mul3A_620, %mul3A_635 : vector<16xf32>
          %add3A_641 = arith.addf %add3A_639, %add3A_640 : vector<16xf32>
          %add3A_642 = arith.addf %add3A_638, %add3A_641 : vector<16xf32>
          %lt3A_643 = arith.constant 0 : i32
          %lt3A_644 = vector.broadcast %lt3A_643 : i32 to vector<16xi32>
          %lt3A_645 = arith.cmpi slt, %and3A_38, %lt3A_644 : vector<16xi32>
          %add3A_646 = arith.constant 16 : i32
          %add3A_647 = vector.broadcast %add3A_646 : i32 to vector<16xi32>
          %add3A_648 = arith.addi %and3A_38, %add3A_647 : vector<16xi32>
          %select_n3A_649 = arith.select %lt3A_645, %add3A_648, %and3A_38 : vector<16xi1>, vector<16xi32>
          %broadcast_in_dim3A_650 = vector.shape_cast %select_n3A_649 : vector<16xi32> to vector<16x1xi32>
          %gather3A_651 = vector.shape_cast %broadcast_in_dim3A_650 : vector<16x1xi32> to vector<16xi32>
          %gather3A_652 = tpu.dynamic_gather %add3A_642[%gather3A_651] in [0] : vector<16xf32>, vector<16xi32> -> vector<16xf32>
          %add3A_653 = arith.addf %add3A_642, %gather3A_652 : vector<16xf32>
          %lt3A_654 = arith.constant 0 : i32
          %lt3A_655 = vector.broadcast %lt3A_654 : i32 to vector<16xi32>
          %lt3A_656 = arith.cmpi slt, %and3A_44, %lt3A_655 : vector<16xi32>
          %add3A_657 = arith.constant 16 : i32
          %add3A_658 = vector.broadcast %add3A_657 : i32 to vector<16xi32>
          %add3A_659 = arith.addi %and3A_44, %add3A_658 : vector<16xi32>
          %select_n3A_660 = arith.select %lt3A_656, %add3A_659, %and3A_44 : vector<16xi1>, vector<16xi32>
          %broadcast_in_dim3A_661 = vector.shape_cast %select_n3A_660 : vector<16xi32> to vector<16x1xi32>
          %gather3A_662 = vector.shape_cast %broadcast_in_dim3A_661 : vector<16x1xi32> to vector<16xi32>
          %gather3A_663 = tpu.dynamic_gather %add3A_653[%gather3A_662] in [0] : vector<16xf32>, vector<16xi32> -> vector<16xf32>
          %add3A_664 = arith.addf %add3A_653, %gather3A_663 : vector<16xf32>
          %lt3A_665 = arith.constant 0 : i32
          %lt3A_666 = vector.broadcast %lt3A_665 : i32 to vector<16xi32>
          %lt3A_667 = arith.cmpi slt, %and3A_50, %lt3A_666 : vector<16xi32>
          %add3A_668 = arith.constant 16 : i32
          %add3A_669 = vector.broadcast %add3A_668 : i32 to vector<16xi32>
          %add3A_670 = arith.addi %and3A_50, %add3A_669 : vector<16xi32>
          %select_n3A_671 = arith.select %lt3A_667, %add3A_670, %and3A_50 : vector<16xi1>, vector<16xi32>
          %broadcast_in_dim3A_672 = vector.shape_cast %select_n3A_671 : vector<16xi32> to vector<16x1xi32>
          %gather3A_673 = vector.shape_cast %broadcast_in_dim3A_672 : vector<16x1xi32> to vector<16xi32>
          %gather3A_674 = tpu.dynamic_gather %add3A_664[%gather3A_673] in [0] : vector<16xf32>, vector<16xi32> -> vector<16xf32>
          %add3A_675 = arith.addf %add3A_664, %gather3A_674 : vector<16xf32>
          %lt3A_676 = arith.constant 0 : i32
          %lt3A_677 = vector.broadcast %lt3A_676 : i32 to vector<16xi32>
          %lt3A_678 = arith.cmpi slt, %and3A_56, %lt3A_677 : vector<16xi32>
          %add3A_679 = arith.constant 16 : i32
          %add3A_680 = vector.broadcast %add3A_679 : i32 to vector<16xi32>
          %add3A_681 = arith.addi %and3A_56, %add3A_680 : vector<16xi32>
          %select_n3A_682 = arith.select %lt3A_678, %add3A_681, %and3A_56 : vector<16xi1>, vector<16xi32>
          %broadcast_in_dim3A_683 = vector.shape_cast %select_n3A_682 : vector<16xi32> to vector<16x1xi32>
          %gather3A_684 = vector.shape_cast %broadcast_in_dim3A_683 : vector<16x1xi32> to vector<16xi32>
          %gather3A_685 = tpu.dynamic_gather %add3A_675[%gather3A_684] in [0] : vector<16xf32>, vector<16xi32> -> vector<16xf32>
          %add3A_686 = arith.addf %add3A_675, %gather3A_685 : vector<16xf32>
          %exp3A_687 = math.exp %add3A_686 : vector<16xf32>
          tpu.vector_store_idx %arg19[%gather3A_515], %exp3A_687 masked %eq3A_33 {add = true} : memref<10240xf32, #tpu.memory_space<vmem>>[vector<16xi32>], vector<16xf32>, vector<16xi1>
          %get3A_688 = arith.index_cast %add3A_513 : i32 to index
          %get3A_689 = arith.constant 128 : index
          %get3A_690 = tpu.vector_load %arg16[%get3A_688, %get3A_689] {strides = array<i32>} : memref<32x256xf32, #tpu.memory_space<vmem>>, vector<16xf32>,
          %get3A_691 = arith.index_cast %add3A_513 : i32 to index
          %get3A_692 = arith.constant 128 : index
          %get3A_693 = tpu.vector_load %arg17[%get3A_691, %get3A_692] {strides = array<i32>} : memref<32x256xf32, #tpu.memory_space<vmem>>, vector<16xf32>,
          %add3A_694 = arith.addf %get3A_690, %get3A_693 : vector<16xf32>
          %max3A_695 = arith.constant 0.000000e+00 : f32
          %max3A_696 = vector.broadcast %max3A_695 : f32 to vector<16xf32>
          %max3A_697 = arith.maximumf %add3A_694, %max3A_696 : vector<16xf32>
          %mul3A_698 = arith.mulf %max3A_697, %exp3A_687 : vector<16xf32>
          %swap3A_699 = arith.index_cast %add3A_513 : i32 to index
          %swap3A_700 = arith.constant 0 : index
          %swap3A_701 = tpu.vector_load %arg18[%swap3A_699, %swap3A_700] {strides = array<i32>} : memref<32x128xf32, #tpu.memory_space<vmem>>, vector<16xf32>,
          tpu.vector_store %arg18[%swap3A_699, %swap3A_700], %mul3A_698 {strides = array<i32>} : memref<32x128xf32, #tpu.memory_space<vmem>>, vector<16xf32>,
          %get3A_702 = arith.index_cast %add3A_513 : i32 to index
          %get3A_703 = arith.constant 144 : index
          %get3A_704 = tpu.vector_load %arg16[%get3A_702, %get3A_703] {strides = array<i32>} : memref<32x256xf32, #tpu.memory_space<vmem>>, vector<16xf32>,
          %get3A_705 = arith.index_cast %add3A_513 : i32 to index
          %get3A_706 = arith.constant 144 : index
          %get3A_707 = tpu.vector_load %arg17[%get3A_705, %get3A_706] {strides = array<i32>} : memref<32x256xf32, #tpu.memory_space<vmem>>, vector<16xf32>,
          %add3A_708 = arith.addf %get3A_704, %get3A_707 : vector<16xf32>
          %max3A_709 = arith.constant 0.000000e+00 : f32
          %max3A_710 = vector.broadcast %max3A_709 : f32 to vector<16xf32>
          %max3A_711 = arith.maximumf %add3A_708, %max3A_710 : vector<16xf32>
          %mul3A_712 = arith.mulf %max3A_711, %exp3A_687 : vector<16xf32>
          %swap3A_713 = arith.index_cast %add3A_513 : i32 to index
          %swap3A_714 = arith.constant 16 : index
          %swap3A_715 = tpu.vector_load %arg18[%swap3A_713, %swap3A_714] {strides = array<i32>} : memref<32x128xf32, #tpu.memory_space<vmem>>, vector<16xf32>,
          tpu.vector_store %arg18[%swap3A_713, %swap3A_714], %mul3A_712 {strides = array<i32>} : memref<32x128xf32, #tpu.memory_space<vmem>>, vector<16xf32>,
          %get3A_716 = arith.index_cast %add3A_513 : i32 to index
          %get3A_717 = arith.constant 160 : index
          %get3A_718 = tpu.vector_load %arg16[%get3A_716, %get3A_717] {strides = array<i32>} : memref<32x256xf32, #tpu.memory_space<vmem>>, vector<16xf32>,
          %get3A_719 = arith.index_cast %add3A_513 : i32 to index
          %get3A_720 = arith.constant 160 : index
          %get3A_721 = tpu.vector_load %arg17[%get3A_719, %get3A_720] {strides = array<i32>} : memref<32x256xf32, #tpu.memory_space<vmem>>, vector<16xf32>,
          %add3A_722 = arith.addf %get3A_718, %get3A_721 : vector<16xf32>
          %max3A_723 = arith.constant 0.000000e+00 : f32
          %max3A_724 = vector.broadcast %max3A_723 : f32 to vector<16xf32>
          %max3A_725 = arith.maximumf %add3A_722, %max3A_724 : vector<16xf32>
          %mul3A_726 = arith.mulf %max3A_725, %exp3A_687 : vector<16xf32>
          %swap3A_727 = arith.index_cast %add3A_513 : i32 to index
          %swap3A_728 = arith.constant 32 : index
          %swap3A_729 = tpu.vector_load %arg18[%swap3A_727, %swap3A_728] {strides = array<i32>} : memref<32x128xf32, #tpu.memory_space<vmem>>, vector<16xf32>,
          tpu.vector_store %arg18[%swap3A_727, %swap3A_728], %mul3A_726 {strides = array<i32>} : memref<32x128xf32, #tpu.memory_space<vmem>>, vector<16xf32>,
          %get3A_730 = arith.index_cast %add3A_513 : i32 to index
          %get3A_731 = arith.constant 176 : index
          %get3A_732 = tpu.vector_load %arg16[%get3A_730, %get3A_731] {strides = array<i32>} : memref<32x256xf32, #tpu.memory_space<vmem>>, vector<16xf32>,
          %get3A_733 = arith.index_cast %add3A_513 : i32 to index
          %get3A_734 = arith.constant 176 : index
          %get3A_735 = tpu.vector_load %arg17[%get3A_733, %get3A_734] {strides = array<i32>} : memref<32x256xf32, #tpu.memory_space<vmem>>, vector<16xf32>,
          %add3A_736 = arith.addf %get3A_732, %get3A_735 : vector<16xf32>
          %max3A_737 = arith.constant 0.000000e+00 : f32
          %max3A_738 = vector.broadcast %max3A_737 : f32 to vector<16xf32>
          %max3A_739 = arith.maximumf %add3A_736, %max3A_738 : vector<16xf32>
          %mul3A_740 = arith.mulf %max3A_739, %exp3A_687 : vector<16xf32>
          %swap3A_741 = arith.index_cast %add3A_513 : i32 to index
          %swap3A_742 = arith.constant 48 : index
          %swap3A_743 = tpu.vector_load %arg18[%swap3A_741, %swap3A_742] {strides = array<i32>} : memref<32x128xf32, #tpu.memory_space<vmem>>, vector<16xf32>,
          tpu.vector_store %arg18[%swap3A_741, %swap3A_742], %mul3A_740 {strides = array<i32>} : memref<32x128xf32, #tpu.memory_space<vmem>>, vector<16xf32>,
          %get3A_744 = arith.index_cast %add3A_513 : i32 to index
          %get3A_745 = arith.constant 192 : index
          %get3A_746 = tpu.vector_load %arg16[%get3A_744, %get3A_745] {strides = array<i32>} : memref<32x256xf32, #tpu.memory_space<vmem>>, vector<16xf32>,
          %get3A_747 = arith.index_cast %add3A_513 : i32 to index
          %get3A_748 = arith.constant 192 : index
          %get3A_749 = tpu.vector_load %arg17[%get3A_747, %get3A_748] {strides = array<i32>} : memref<32x256xf32, #tpu.memory_space<vmem>>, vector<16xf32>,
          %add3A_750 = arith.addf %get3A_746, %get3A_749 : vector<16xf32>
          %max3A_751 = arith.constant 0.000000e+00 : f32
          %max3A_752 = vector.broadcast %max3A_751 : f32 to vector<16xf32>
          %max3A_753 = arith.maximumf %add3A_750, %max3A_752 : vector<16xf32>
          %mul3A_754 = arith.mulf %max3A_753, %exp3A_687 : vector<16xf32>
          %swap3A_755 = arith.index_cast %add3A_513 : i32 to index
          %swap3A_756 = arith.constant 64 : index
          %swap3A_757 = tpu.vector_load %arg18[%swap3A_755, %swap3A_756] {strides = array<i32>} : memref<32x128xf32, #tpu.memory_space<vmem>>, vector<16xf32>,
          tpu.vector_store %arg18[%swap3A_755, %swap3A_756], %mul3A_754 {strides = array<i32>} : memref<32x128xf32, #tpu.memory_space<vmem>>, vector<16xf32>,
          %get3A_758 = arith.index_cast %add3A_513 : i32 to index
          %get3A_759 = arith.constant 208 : index
          %get3A_760 = tpu.vector_load %arg16[%get3A_758, %get3A_759] {strides = array<i32>} : memref<32x256xf32, #tpu.memory_space<vmem>>, vector<16xf32>,
          %get3A_761 = arith.index_cast %add3A_513 : i32 to index
          %get3A_762 = arith.constant 208 : index
          %get3A_763 = tpu.vector_load %arg17[%get3A_761, %get3A_762] {strides = array<i32>} : memref<32x256xf32, #tpu.memory_space<vmem>>, vector<16xf32>,
          %add3A_764 = arith.addf %get3A_760, %get3A_763 : vector<16xf32>
          %max3A_765 = arith.constant 0.000000e+00 : f32
          %max3A_766 = vector.broadcast %max3A_765 : f32 to vector<16xf32>
          %max3A_767 = arith.maximumf %add3A_764, %max3A_766 : vector<16xf32>
          %mul3A_768 = arith.mulf %max3A_767, %exp3A_687 : vector<16xf32>
          %swap3A_769 = arith.index_cast %add3A_513 : i32 to index
          %swap3A_770 = arith.constant 80 : index
          %swap3A_771 = tpu.vector_load %arg18[%swap3A_769, %swap3A_770] {strides = array<i32>} : memref<32x128xf32, #tpu.memory_space<vmem>>, vector<16xf32>,
          tpu.vector_store %arg18[%swap3A_769, %swap3A_770], %mul3A_768 {strides = array<i32>} : memref<32x128xf32, #tpu.memory_space<vmem>>, vector<16xf32>,
          %get3A_772 = arith.index_cast %add3A_513 : i32 to index
          %get3A_773 = arith.constant 224 : index
          %get3A_774 = tpu.vector_load %arg16[%get3A_772, %get3A_773] {strides = array<i32>} : memref<32x256xf32, #tpu.memory_space<vmem>>, vector<16xf32>,
          %get3A_775 = arith.index_cast %add3A_513 : i32 to index
          %get3A_776 = arith.constant 224 : index
          %get3A_777 = tpu.vector_load %arg17[%get3A_775, %get3A_776] {strides = array<i32>} : memref<32x256xf32, #tpu.memory_space<vmem>>, vector<16xf32>,
          %add3A_778 = arith.addf %get3A_774, %get3A_777 : vector<16xf32>
          %max3A_779 = arith.constant 0.000000e+00 : f32
          %max3A_780 = vector.broadcast %max3A_779 : f32 to vector<16xf32>
          %max3A_781 = arith.maximumf %add3A_778, %max3A_780 : vector<16xf32>
          %mul3A_782 = arith.mulf %max3A_781, %exp3A_687 : vector<16xf32>
          %swap3A_783 = arith.index_cast %add3A_513 : i32 to index
          %swap3A_784 = arith.constant 96 : index
          %swap3A_785 = tpu.vector_load %arg18[%swap3A_783, %swap3A_784] {strides = array<i32>} : memref<32x128xf32, #tpu.memory_space<vmem>>, vector<16xf32>,
          tpu.vector_store %arg18[%swap3A_783, %swap3A_784], %mul3A_782 {strides = array<i32>} : memref<32x128xf32, #tpu.memory_space<vmem>>, vector<16xf32>,
          %get3A_786 = arith.index_cast %add3A_513 : i32 to index
          %get3A_787 = arith.constant 240 : index
          %get3A_788 = tpu.vector_load %arg16[%get3A_786, %get3A_787] {strides = array<i32>} : memref<32x256xf32, #tpu.memory_space<vmem>>, vector<16xf32>,
          %get3A_789 = arith.index_cast %add3A_513 : i32 to index
          %get3A_790 = arith.constant 240 : index
          %get3A_791 = tpu.vector_load %arg17[%get3A_789, %get3A_790] {strides = array<i32>} : memref<32x256xf32, #tpu.memory_space<vmem>>, vector<16xf32>,
          %add3A_792 = arith.addf %get3A_788, %get3A_791 : vector<16xf32>
          %max3A_793 = arith.constant 0.000000e+00 : f32
          %max3A_794 = vector.broadcast %max3A_793 : f32 to vector<16xf32>
          %max3A_795 = arith.maximumf %add3A_792, %max3A_794 : vector<16xf32>
          %mul3A_796 = arith.mulf %max3A_795, %exp3A_687 : vector<16xf32>
          %swap3A_797 = arith.index_cast %add3A_513 : i32 to index
          %swap3A_798 = arith.constant 112 : index
          %swap3A_799 = tpu.vector_load %arg18[%swap3A_797, %swap3A_798] {strides = array<i32>} : memref<32x128xf32, #tpu.memory_space<vmem>>, vector<16xf32>,
          tpu.vector_store %arg18[%swap3A_797, %swap3A_798], %mul3A_796 {strides = array<i32>} : memref<32x128xf32, #tpu.memory_space<vmem>>, vector<16xf32>,
          %mul3A_800 = arith.constant 4 : i32
          %mul3A_801 = arith.muli %mul3A_800, %scan3A_225 : i32
          %add3A_802 = arith.constant 2 : i32
          %add3A_803 = arith.addi %mul3A_801, %add3A_802 : i32
          %broadcast_in_dim3A_804 = vector.broadcast %add3A_803 : i32 to vector<16xi32>
          %gather3A_805 = tpu.vector_load_idx %arg11[%broadcast_in_dim3A_804] : memref<32xi32, #tpu.memory_space<vmem>>[vector<16xi32>], vector<16xi32>,
          %get3A_806 = arith.index_cast %add3A_803 : i32 to index
          %get3A_807 = arith.constant 0 : index
          %get3A_808 = tpu.vector_load %arg16[%get3A_806, %get3A_807] {strides = array<i32>} : memref<32x256xf32, #tpu.memory_space<vmem>>, vector<16xf32>,
          %get3A_809 = arith.index_cast %add3A_803 : i32 to index
          %get3A_810 = arith.constant 0 : index
          %get3A_811 = tpu.vector_load %arg17[%get3A_809, %get3A_810] {strides = array<i32>} : memref<32x256xf32, #tpu.memory_space<vmem>>, vector<16xf32>,
          %add3A_812 = arith.addf %get3A_808, %get3A_811 : vector<16xf32>
          %gt3A_813 = arith.constant 0.000000e+00 : f32
          %gt3A_814 = vector.broadcast %gt3A_813 : f32 to vector<16xf32>
          %gt3A_815 = arith.cmpf ogt, %add3A_812, %gt3A_814 : vector<16xf32>
          %mul3A_816 = arith.constant 0.00999999977 : f32
          %mul3A_817 = vector.broadcast %mul3A_816 : f32 to vector<16xf32>
          %mul3A_818 = arith.mulf %mul3A_817, %add3A_812 : vector<16xf32>
          %select_n3A_819 = arith.select %gt3A_815, %add3A_812, %mul3A_818 : vector<16xi1>, vector<16xf32>
          %mul3A_820 = arith.mulf %select_n3A_819, %get3A_17 : vector<16xf32>
          %get3A_821 = arith.index_cast %add3A_803 : i32 to index
          %get3A_822 = arith.constant 16 : index
          %get3A_823 = tpu.vector_load %arg16[%get3A_821, %get3A_822] {strides = array<i32>} : memref<32x256xf32, #tpu.memory_space<vmem>>, vector<16xf32>,
          %get3A_824 = arith.index_cast %add3A_803 : i32 to index
          %get3A_825 = arith.constant 16 : index
          %get3A_826 = tpu.vector_load %arg17[%get3A_824, %get3A_825] {strides = array<i32>} : memref<32x256xf32, #tpu.memory_space<vmem>>, vector<16xf32>,
          %add3A_827 = arith.addf %get3A_823, %get3A_826 : vector<16xf32>
          %gt3A_828 = arith.constant 0.000000e+00 : f32
          %gt3A_829 = vector.broadcast %gt3A_828 : f32 to vector<16xf32>
          %gt3A_830 = arith.cmpf ogt, %add3A_827, %gt3A_829 : vector<16xf32>
          %mul3A_831 = arith.constant 0.00999999977 : f32
          %mul3A_832 = vector.broadcast %mul3A_831 : f32 to vector<16xf32>
          %mul3A_833 = arith.mulf %mul3A_832, %add3A_827 : vector<16xf32>
          %select_n3A_834 = arith.select %gt3A_830, %add3A_827, %mul3A_833 : vector<16xi1>, vector<16xf32>
          %mul3A_835 = arith.mulf %select_n3A_834, %get3A_19 : vector<16xf32>
          %get3A_836 = arith.index_cast %add3A_803 : i32 to index
          %get3A_837 = arith.constant 32 : index
          %get3A_838 = tpu.vector_load %arg16[%get3A_836, %get3A_837] {strides = array<i32>} : memref<32x256xf32, #tpu.memory_space<vmem>>, vector<16xf32>,
          %get3A_839 = arith.index_cast %add3A_803 : i32 to index
          %get3A_840 = arith.constant 32 : index
          %get3A_841 = tpu.vector_load %arg17[%get3A_839, %get3A_840] {strides = array<i32>} : memref<32x256xf32, #tpu.memory_space<vmem>>, vector<16xf32>,
          %add3A_842 = arith.addf %get3A_838, %get3A_841 : vector<16xf32>
          %gt3A_843 = arith.constant 0.000000e+00 : f32
          %gt3A_844 = vector.broadcast %gt3A_843 : f32 to vector<16xf32>
          %gt3A_845 = arith.cmpf ogt, %add3A_842, %gt3A_844 : vector<16xf32>
          %mul3A_846 = arith.constant 0.00999999977 : f32
          %mul3A_847 = vector.broadcast %mul3A_846 : f32 to vector<16xf32>
          %mul3A_848 = arith.mulf %mul3A_847, %add3A_842 : vector<16xf32>
          %select_n3A_849 = arith.select %gt3A_845, %add3A_842, %mul3A_848 : vector<16xi1>, vector<16xf32>
          %mul3A_850 = arith.mulf %select_n3A_849, %get3A_21 : vector<16xf32>
          %get3A_851 = arith.index_cast %add3A_803 : i32 to index
          %get3A_852 = arith.constant 48 : index
          %get3A_853 = tpu.vector_load %arg16[%get3A_851, %get3A_852] {strides = array<i32>} : memref<32x256xf32, #tpu.memory_space<vmem>>, vector<16xf32>,
          %get3A_854 = arith.index_cast %add3A_803 : i32 to index
          %get3A_855 = arith.constant 48 : index
          %get3A_856 = tpu.vector_load %arg17[%get3A_854, %get3A_855] {strides = array<i32>} : memref<32x256xf32, #tpu.memory_space<vmem>>, vector<16xf32>,
          %add3A_857 = arith.addf %get3A_853, %get3A_856 : vector<16xf32>
          %gt3A_858 = arith.constant 0.000000e+00 : f32
          %gt3A_859 = vector.broadcast %gt3A_858 : f32 to vector<16xf32>
          %gt3A_860 = arith.cmpf ogt, %add3A_857, %gt3A_859 : vector<16xf32>
          %mul3A_861 = arith.constant 0.00999999977 : f32
          %mul3A_862 = vector.broadcast %mul3A_861 : f32 to vector<16xf32>
          %mul3A_863 = arith.mulf %mul3A_862, %add3A_857 : vector<16xf32>
          %select_n3A_864 = arith.select %gt3A_860, %add3A_857, %mul3A_863 : vector<16xi1>, vector<16xf32>
          %mul3A_865 = arith.mulf %select_n3A_864, %get3A_23 : vector<16xf32>
          %get3A_866 = arith.index_cast %add3A_803 : i32 to index
          %get3A_867 = arith.constant 64 : index
          %get3A_868 = tpu.vector_load %arg16[%get3A_866, %get3A_867] {strides = array<i32>} : memref<32x256xf32, #tpu.memory_space<vmem>>, vector<16xf32>,
          %get3A_869 = arith.index_cast %add3A_803 : i32 to index
          %get3A_870 = arith.constant 64 : index
          %get3A_871 = tpu.vector_load %arg17[%get3A_869, %get3A_870] {strides = array<i32>} : memref<32x256xf32, #tpu.memory_space<vmem>>, vector<16xf32>,
          %add3A_872 = arith.addf %get3A_868, %get3A_871 : vector<16xf32>
          %gt3A_873 = arith.constant 0.000000e+00 : f32
          %gt3A_874 = vector.broadcast %gt3A_873 : f32 to vector<16xf32>
          %gt3A_875 = arith.cmpf ogt, %add3A_872, %gt3A_874 : vector<16xf32>
          %mul3A_876 = arith.constant 0.00999999977 : f32
          %mul3A_877 = vector.broadcast %mul3A_876 : f32 to vector<16xf32>
          %mul3A_878 = arith.mulf %mul3A_877, %add3A_872 : vector<16xf32>
          %select_n3A_879 = arith.select %gt3A_875, %add3A_872, %mul3A_878 : vector<16xi1>, vector<16xf32>
          %mul3A_880 = arith.mulf %select_n3A_879, %get3A_25 : vector<16xf32>
          %get3A_881 = arith.index_cast %add3A_803 : i32 to index
          %get3A_882 = arith.constant 80 : index
          %get3A_883 = tpu.vector_load %arg16[%get3A_881, %get3A_882] {strides = array<i32>} : memref<32x256xf32, #tpu.memory_space<vmem>>, vector<16xf32>,
          %get3A_884 = arith.index_cast %add3A_803 : i32 to index
          %get3A_885 = arith.constant 80 : index
          %get3A_886 = tpu.vector_load %arg17[%get3A_884, %get3A_885] {strides = array<i32>} : memref<32x256xf32, #tpu.memory_space<vmem>>, vector<16xf32>,
          %add3A_887 = arith.addf %get3A_883, %get3A_886 : vector<16xf32>
          %gt3A_888 = arith.constant 0.000000e+00 : f32
          %gt3A_889 = vector.broadcast %gt3A_888 : f32 to vector<16xf32>
          %gt3A_890 = arith.cmpf ogt, %add3A_887, %gt3A_889 : vector<16xf32>
          %mul3A_891 = arith.constant 0.00999999977 : f32
          %mul3A_892 = vector.broadcast %mul3A_891 : f32 to vector<16xf32>
          %mul3A_893 = arith.mulf %mul3A_892, %add3A_887 : vector<16xf32>
          %select_n3A_894 = arith.select %gt3A_890, %add3A_887, %mul3A_893 : vector<16xi1>, vector<16xf32>
          %mul3A_895 = arith.mulf %select_n3A_894, %get3A_27 : vector<16xf32>
          %get3A_896 = arith.index_cast %add3A_803 : i32 to index
          %get3A_897 = arith.constant 96 : index
          %get3A_898 = tpu.vector_load %arg16[%get3A_896, %get3A_897] {strides = array<i32>} : memref<32x256xf32, #tpu.memory_space<vmem>>, vector<16xf32>,
          %get3A_899 = arith.index_cast %add3A_803 : i32 to index
          %get3A_900 = arith.constant 96 : index
          %get3A_901 = tpu.vector_load %arg17[%get3A_899, %get3A_900] {strides = array<i32>} : memref<32x256xf32, #tpu.memory_space<vmem>>, vector<16xf32>,
          %add3A_902 = arith.addf %get3A_898, %get3A_901 : vector<16xf32>
          %gt3A_903 = arith.constant 0.000000e+00 : f32
          %gt3A_904 = vector.broadcast %gt3A_903 : f32 to vector<16xf32>
          %gt3A_905 = arith.cmpf ogt, %add3A_902, %gt3A_904 : vector<16xf32>
          %mul3A_906 = arith.constant 0.00999999977 : f32
          %mul3A_907 = vector.broadcast %mul3A_906 : f32 to vector<16xf32>
          %mul3A_908 = arith.mulf %mul3A_907, %add3A_902 : vector<16xf32>
          %select_n3A_909 = arith.select %gt3A_905, %add3A_902, %mul3A_908 : vector<16xi1>, vector<16xf32>
          %mul3A_910 = arith.mulf %select_n3A_909, %get3A_29 : vector<16xf32>
          %get3A_911 = arith.index_cast %add3A_803 : i32 to index
          %get3A_912 = arith.constant 112 : index
          %get3A_913 = tpu.vector_load %arg16[%get3A_911, %get3A_912] {strides = array<i32>} : memref<32x256xf32, #tpu.memory_space<vmem>>, vector<16xf32>,
          %get3A_914 = arith.index_cast %add3A_803 : i32 to index
          %get3A_915 = arith.constant 112 : index
          %get3A_916 = tpu.vector_load %arg17[%get3A_914, %get3A_915] {strides = array<i32>} : memref<32x256xf32, #tpu.memory_space<vmem>>, vector<16xf32>,
          %add3A_917 = arith.addf %get3A_913, %get3A_916 : vector<16xf32>
          %gt3A_918 = arith.constant 0.000000e+00 : f32
          %gt3A_919 = vector.broadcast %gt3A_918 : f32 to vector<16xf32>
          %gt3A_920 = arith.cmpf ogt, %add3A_917, %gt3A_919 : vector<16xf32>
          %mul3A_921 = arith.constant 0.00999999977 : f32
          %mul3A_922 = vector.broadcast %mul3A_921 : f32 to vector<16xf32>
          %mul3A_923 = arith.mulf %mul3A_922, %add3A_917 : vector<16xf32>
          %select_n3A_924 = arith.select %gt3A_920, %add3A_917, %mul3A_923 : vector<16xi1>, vector<16xf32>
          %mul3A_925 = arith.mulf %select_n3A_924, %get3A_31 : vector<16xf32>
          %add3A_926 = arith.addf %mul3A_820, %mul3A_835 : vector<16xf32>
          %add3A_927 = arith.addf %mul3A_850, %mul3A_865 : vector<16xf32>
          %add3A_928 = arith.addf %add3A_926, %add3A_927 : vector<16xf32>
          %add3A_929 = arith.addf %mul3A_880, %mul3A_895 : vector<16xf32>
          %add3A_930 = arith.addf %mul3A_910, %mul3A_925 : vector<16xf32>
          %add3A_931 = arith.addf %add3A_929, %add3A_930 : vector<16xf32>
          %add3A_932 = arith.addf %add3A_928, %add3A_931 : vector<16xf32>
          %lt3A_933 = arith.constant 0 : i32
          %lt3A_934 = vector.broadcast %lt3A_933 : i32 to vector<16xi32>
          %lt3A_935 = arith.cmpi slt, %and3A_38, %lt3A_934 : vector<16xi32>
          %add3A_936 = arith.constant 16 : i32
          %add3A_937 = vector.broadcast %add3A_936 : i32 to vector<16xi32>
          %add3A_938 = arith.addi %and3A_38, %add3A_937 : vector<16xi32>
          %select_n3A_939 = arith.select %lt3A_935, %add3A_938, %and3A_38 : vector<16xi1>, vector<16xi32>
          %broadcast_in_dim3A_940 = vector.shape_cast %select_n3A_939 : vector<16xi32> to vector<16x1xi32>
          %gather3A_941 = vector.shape_cast %broadcast_in_dim3A_940 : vector<16x1xi32> to vector<16xi32>
          %gather3A_942 = tpu.dynamic_gather %add3A_932[%gather3A_941] in [0] : vector<16xf32>, vector<16xi32> -> vector<16xf32>
          %add3A_943 = arith.addf %add3A_932, %gather3A_942 : vector<16xf32>
          %lt3A_944 = arith.constant 0 : i32
          %lt3A_945 = vector.broadcast %lt3A_944 : i32 to vector<16xi32>
          %lt3A_946 = arith.cmpi slt, %and3A_44, %lt3A_945 : vector<16xi32>
          %add3A_947 = arith.constant 16 : i32
          %add3A_948 = vector.broadcast %add3A_947 : i32 to vector<16xi32>
          %add3A_949 = arith.addi %and3A_44, %add3A_948 : vector<16xi32>
          %select_n3A_950 = arith.select %lt3A_946, %add3A_949, %and3A_44 : vector<16xi1>, vector<16xi32>
          %broadcast_in_dim3A_951 = vector.shape_cast %select_n3A_950 : vector<16xi32> to vector<16x1xi32>
          %gather3A_952 = vector.shape_cast %broadcast_in_dim3A_951 : vector<16x1xi32> to vector<16xi32>
          %gather3A_953 = tpu.dynamic_gather %add3A_943[%gather3A_952] in [0] : vector<16xf32>, vector<16xi32> -> vector<16xf32>
          %add3A_954 = arith.addf %add3A_943, %gather3A_953 : vector<16xf32>
          %lt3A_955 = arith.constant 0 : i32
          %lt3A_956 = vector.broadcast %lt3A_955 : i32 to vector<16xi32>
          %lt3A_957 = arith.cmpi slt, %and3A_50, %lt3A_956 : vector<16xi32>
          %add3A_958 = arith.constant 16 : i32
          %add3A_959 = vector.broadcast %add3A_958 : i32 to vector<16xi32>
          %add3A_960 = arith.addi %and3A_50, %add3A_959 : vector<16xi32>
          %select_n3A_961 = arith.select %lt3A_957, %add3A_960, %and3A_50 : vector<16xi1>, vector<16xi32>
          %broadcast_in_dim3A_962 = vector.shape_cast %select_n3A_961 : vector<16xi32> to vector<16x1xi32>
          %gather3A_963 = vector.shape_cast %broadcast_in_dim3A_962 : vector<16x1xi32> to vector<16xi32>
          %gather3A_964 = tpu.dynamic_gather %add3A_954[%gather3A_963] in [0] : vector<16xf32>, vector<16xi32> -> vector<16xf32>
          %add3A_965 = arith.addf %add3A_954, %gather3A_964 : vector<16xf32>
          %lt3A_966 = arith.constant 0 : i32
          %lt3A_967 = vector.broadcast %lt3A_966 : i32 to vector<16xi32>
          %lt3A_968 = arith.cmpi slt, %and3A_56, %lt3A_967 : vector<16xi32>
          %add3A_969 = arith.constant 16 : i32
          %add3A_970 = vector.broadcast %add3A_969 : i32 to vector<16xi32>
          %add3A_971 = arith.addi %and3A_56, %add3A_970 : vector<16xi32>
          %select_n3A_972 = arith.select %lt3A_968, %add3A_971, %and3A_56 : vector<16xi1>, vector<16xi32>
          %broadcast_in_dim3A_973 = vector.shape_cast %select_n3A_972 : vector<16xi32> to vector<16x1xi32>
          %gather3A_974 = vector.shape_cast %broadcast_in_dim3A_973 : vector<16x1xi32> to vector<16xi32>
          %gather3A_975 = tpu.dynamic_gather %add3A_965[%gather3A_974] in [0] : vector<16xf32>, vector<16xi32> -> vector<16xf32>
          %add3A_976 = arith.addf %add3A_965, %gather3A_975 : vector<16xf32>
          %exp3A_977 = math.exp %add3A_976 : vector<16xf32>
          tpu.vector_store_idx %arg19[%gather3A_805], %exp3A_977 masked %eq3A_33 {add = true} : memref<10240xf32, #tpu.memory_space<vmem>>[vector<16xi32>], vector<16xf32>, vector<16xi1>
          %get3A_978 = arith.index_cast %add3A_803 : i32 to index
          %get3A_979 = arith.constant 128 : index
          %get3A_980 = tpu.vector_load %arg16[%get3A_978, %get3A_979] {strides = array<i32>} : memref<32x256xf32, #tpu.memory_space<vmem>>, vector<16xf32>,
          %get3A_981 = arith.index_cast %add3A_803 : i32 to index
          %get3A_982 = arith.constant 128 : index
          %get3A_983 = tpu.vector_load %arg17[%get3A_981, %get3A_982] {strides = array<i32>} : memref<32x256xf32, #tpu.memory_space<vmem>>, vector<16xf32>,
          %add3A_984 = arith.addf %get3A_980, %get3A_983 : vector<16xf32>
          %max3A_985 = arith.constant 0.000000e+00 : f32
          %max3A_986 = vector.broadcast %max3A_985 : f32 to vector<16xf32>
          %max3A_987 = arith.maximumf %add3A_984, %max3A_986 : vector<16xf32>
          %mul3A_988 = arith.mulf %max3A_987, %exp3A_977 : vector<16xf32>
          %swap3A_989 = arith.index_cast %add3A_803 : i32 to index
          %swap3A_990 = arith.constant 0 : index
          %swap3A_991 = tpu.vector_load %arg18[%swap3A_989, %swap3A_990] {strides = array<i32>} : memref<32x128xf32, #tpu.memory_space<vmem>>, vector<16xf32>,
          tpu.vector_store %arg18[%swap3A_989, %swap3A_990], %mul3A_988 {strides = array<i32>} : memref<32x128xf32, #tpu.memory_space<vmem>>, vector<16xf32>,
          %get3A_992 = arith.index_cast %add3A_803 : i32 to index
          %get3A_993 = arith.constant 144 : index
          %get3A_994 = tpu.vector_load %arg16[%get3A_992, %get3A_993] {strides = array<i32>} : memref<32x256xf32, #tpu.memory_space<vmem>>, vector<16xf32>,
          %get3A_995 = arith.index_cast %add3A_803 : i32 to index
          %get3A_996 = arith.constant 144 : index
          %get3A_997 = tpu.vector_load %arg17[%get3A_995, %get3A_996] {strides = array<i32>} : memref<32x256xf32, #tpu.memory_space<vmem>>, vector<16xf32>,
          %add3A_998 = arith.addf %get3A_994, %get3A_997 : vector<16xf32>
          %max3A_999 = arith.constant 0.000000e+00 : f32
          %max3A_1000 = vector.broadcast %max3A_999 : f32 to vector<16xf32>
          %max3A_1001 = arith.maximumf %add3A_998, %max3A_1000 : vector<16xf32>
          %mul3A_1002 = arith.mulf %max3A_1001, %exp3A_977 : vector<16xf32>
          %swap3A_1003 = arith.index_cast %add3A_803 : i32 to index
          %swap3A_1004 = arith.constant 16 : index
          %swap3A_1005 = tpu.vector_load %arg18[%swap3A_1003, %swap3A_1004] {strides = array<i32>} : memref<32x128xf32, #tpu.memory_space<vmem>>, vector<16xf32>,
          tpu.vector_store %arg18[%swap3A_1003, %swap3A_1004], %mul3A_1002 {strides = array<i32>} : memref<32x128xf32, #tpu.memory_space<vmem>>, vector<16xf32>,
          %get3A_1006 = arith.index_cast %add3A_803 : i32 to index
          %get3A_1007 = arith.constant 160 : index
          %get3A_1008 = tpu.vector_load %arg16[%get3A_1006, %get3A_1007] {strides = array<i32>} : memref<32x256xf32, #tpu.memory_space<vmem>>, vector<16xf32>,
          %get3A_1009 = arith.index_cast %add3A_803 : i32 to index
          %get3A_1010 = arith.constant 160 : index
          %get3A_1011 = tpu.vector_load %arg17[%get3A_1009, %get3A_1010] {strides = array<i32>} : memref<32x256xf32, #tpu.memory_space<vmem>>, vector<16xf32>,
          %add3A_1012 = arith.addf %get3A_1008, %get3A_1011 : vector<16xf32>
          %max3A_1013 = arith.constant 0.000000e+00 : f32
          %max3A_1014 = vector.broadcast %max3A_1013 : f32 to vector<16xf32>
          %max3A_1015 = arith.maximumf %add3A_1012, %max3A_1014 : vector<16xf32>
          %mul3A_1016 = arith.mulf %max3A_1015, %exp3A_977 : vector<16xf32>
          %swap3A_1017 = arith.index_cast %add3A_803 : i32 to index
          %swap3A_1018 = arith.constant 32 : index
          %swap3A_1019 = tpu.vector_load %arg18[%swap3A_1017, %swap3A_1018] {strides = array<i32>} : memref<32x128xf32, #tpu.memory_space<vmem>>, vector<16xf32>,
          tpu.vector_store %arg18[%swap3A_1017, %swap3A_1018], %mul3A_1016 {strides = array<i32>} : memref<32x128xf32, #tpu.memory_space<vmem>>, vector<16xf32>,
          %get3A_1020 = arith.index_cast %add3A_803 : i32 to index
          %get3A_1021 = arith.constant 176 : index
          %get3A_1022 = tpu.vector_load %arg16[%get3A_1020, %get3A_1021] {strides = array<i32>} : memref<32x256xf32, #tpu.memory_space<vmem>>, vector<16xf32>,
          %get3A_1023 = arith.index_cast %add3A_803 : i32 to index
          %get3A_1024 = arith.constant 176 : index
          %get3A_1025 = tpu.vector_load %arg17[%get3A_1023, %get3A_1024] {strides = array<i32>} : memref<32x256xf32, #tpu.memory_space<vmem>>, vector<16xf32>,
          %add3A_1026 = arith.addf %get3A_1022, %get3A_1025 : vector<16xf32>
          %max3A_1027 = arith.constant 0.000000e+00 : f32
          %max3A_1028 = vector.broadcast %max3A_1027 : f32 to vector<16xf32>
          %max3A_1029 = arith.maximumf %add3A_1026, %max3A_1028 : vector<16xf32>
          %mul3A_1030 = arith.mulf %max3A_1029, %exp3A_977 : vector<16xf32>
          %swap3A_1031 = arith.index_cast %add3A_803 : i32 to index
          %swap3A_1032 = arith.constant 48 : index
          %swap3A_1033 = tpu.vector_load %arg18[%swap3A_1031, %swap3A_1032] {strides = array<i32>} : memref<32x128xf32, #tpu.memory_space<vmem>>, vector<16xf32>,
          tpu.vector_store %arg18[%swap3A_1031, %swap3A_1032], %mul3A_1030 {strides = array<i32>} : memref<32x128xf32, #tpu.memory_space<vmem>>, vector<16xf32>,
          %get3A_1034 = arith.index_cast %add3A_803 : i32 to index
          %get3A_1035 = arith.constant 192 : index
          %get3A_1036 = tpu.vector_load %arg16[%get3A_1034, %get3A_1035] {strides = array<i32>} : memref<32x256xf32, #tpu.memory_space<vmem>>, vector<16xf32>,
          %get3A_1037 = arith.index_cast %add3A_803 : i32 to index
          %get3A_1038 = arith.constant 192 : index
          %get3A_1039 = tpu.vector_load %arg17[%get3A_1037, %get3A_1038] {strides = array<i32>} : memref<32x256xf32, #tpu.memory_space<vmem>>, vector<16xf32>,
          %add3A_1040 = arith.addf %get3A_1036, %get3A_1039 : vector<16xf32>
          %max3A_1041 = arith.constant 0.000000e+00 : f32
          %max3A_1042 = vector.broadcast %max3A_1041 : f32 to vector<16xf32>
          %max3A_1043 = arith.maximumf %add3A_1040, %max3A_1042 : vector<16xf32>
          %mul3A_1044 = arith.mulf %max3A_1043, %exp3A_977 : vector<16xf32>
          %swap3A_1045 = arith.index_cast %add3A_803 : i32 to index
          %swap3A_1046 = arith.constant 64 : index
          %swap3A_1047 = tpu.vector_load %arg18[%swap3A_1045, %swap3A_1046] {strides = array<i32>} : memref<32x128xf32, #tpu.memory_space<vmem>>, vector<16xf32>,
          tpu.vector_store %arg18[%swap3A_1045, %swap3A_1046], %mul3A_1044 {strides = array<i32>} : memref<32x128xf32, #tpu.memory_space<vmem>>, vector<16xf32>,
          %get3A_1048 = arith.index_cast %add3A_803 : i32 to index
          %get3A_1049 = arith.constant 208 : index
          %get3A_1050 = tpu.vector_load %arg16[%get3A_1048, %get3A_1049] {strides = array<i32>} : memref<32x256xf32, #tpu.memory_space<vmem>>, vector<16xf32>,
          %get3A_1051 = arith.index_cast %add3A_803 : i32 to index
          %get3A_1052 = arith.constant 208 : index
          %get3A_1053 = tpu.vector_load %arg17[%get3A_1051, %get3A_1052] {strides = array<i32>} : memref<32x256xf32, #tpu.memory_space<vmem>>, vector<16xf32>,
          %add3A_1054 = arith.addf %get3A_1050, %get3A_1053 : vector<16xf32>
          %max3A_1055 = arith.constant 0.000000e+00 : f32
          %max3A_1056 = vector.broadcast %max3A_1055 : f32 to vector<16xf32>
          %max3A_1057 = arith.maximumf %add3A_1054, %max3A_1056 : vector<16xf32>
          %mul3A_1058 = arith.mulf %max3A_1057, %exp3A_977 : vector<16xf32>
          %swap3A_1059 = arith.index_cast %add3A_803 : i32 to index
          %swap3A_1060 = arith.constant 80 : index
          %swap3A_1061 = tpu.vector_load %arg18[%swap3A_1059, %swap3A_1060] {strides = array<i32>} : memref<32x128xf32, #tpu.memory_space<vmem>>, vector<16xf32>,
          tpu.vector_store %arg18[%swap3A_1059, %swap3A_1060], %mul3A_1058 {strides = array<i32>} : memref<32x128xf32, #tpu.memory_space<vmem>>, vector<16xf32>,
          %get3A_1062 = arith.index_cast %add3A_803 : i32 to index
          %get3A_1063 = arith.constant 224 : index
          %get3A_1064 = tpu.vector_load %arg16[%get3A_1062, %get3A_1063] {strides = array<i32>} : memref<32x256xf32, #tpu.memory_space<vmem>>, vector<16xf32>,
          %get3A_1065 = arith.index_cast %add3A_803 : i32 to index
          %get3A_1066 = arith.constant 224 : index
          %get3A_1067 = tpu.vector_load %arg17[%get3A_1065, %get3A_1066] {strides = array<i32>} : memref<32x256xf32, #tpu.memory_space<vmem>>, vector<16xf32>,
          %add3A_1068 = arith.addf %get3A_1064, %get3A_1067 : vector<16xf32>
          %max3A_1069 = arith.constant 0.000000e+00 : f32
          %max3A_1070 = vector.broadcast %max3A_1069 : f32 to vector<16xf32>
          %max3A_1071 = arith.maximumf %add3A_1068, %max3A_1070 : vector<16xf32>
          %mul3A_1072 = arith.mulf %max3A_1071, %exp3A_977 : vector<16xf32>
          %swap3A_1073 = arith.index_cast %add3A_803 : i32 to index
          %swap3A_1074 = arith.constant 96 : index
          %swap3A_1075 = tpu.vector_load %arg18[%swap3A_1073, %swap3A_1074] {strides = array<i32>} : memref<32x128xf32, #tpu.memory_space<vmem>>, vector<16xf32>,
          tpu.vector_store %arg18[%swap3A_1073, %swap3A_1074], %mul3A_1072 {strides = array<i32>} : memref<32x128xf32, #tpu.memory_space<vmem>>, vector<16xf32>,
          %get3A_1076 = arith.index_cast %add3A_803 : i32 to index
          %get3A_1077 = arith.constant 240 : index
          %get3A_1078 = tpu.vector_load %arg16[%get3A_1076, %get3A_1077] {strides = array<i32>} : memref<32x256xf32, #tpu.memory_space<vmem>>, vector<16xf32>,
          %get3A_1079 = arith.index_cast %add3A_803 : i32 to index
          %get3A_1080 = arith.constant 240 : index
          %get3A_1081 = tpu.vector_load %arg17[%get3A_1079, %get3A_1080] {strides = array<i32>} : memref<32x256xf32, #tpu.memory_space<vmem>>, vector<16xf32>,
          %add3A_1082 = arith.addf %get3A_1078, %get3A_1081 : vector<16xf32>
          %max3A_1083 = arith.constant 0.000000e+00 : f32
          %max3A_1084 = vector.broadcast %max3A_1083 : f32 to vector<16xf32>
          %max3A_1085 = arith.maximumf %add3A_1082, %max3A_1084 : vector<16xf32>
          %mul3A_1086 = arith.mulf %max3A_1085, %exp3A_977 : vector<16xf32>
          %swap3A_1087 = arith.index_cast %add3A_803 : i32 to index
          %swap3A_1088 = arith.constant 112 : index
          %swap3A_1089 = tpu.vector_load %arg18[%swap3A_1087, %swap3A_1088] {strides = array<i32>} : memref<32x128xf32, #tpu.memory_space<vmem>>, vector<16xf32>,
          tpu.vector_store %arg18[%swap3A_1087, %swap3A_1088], %mul3A_1086 {strides = array<i32>} : memref<32x128xf32, #tpu.memory_space<vmem>>, vector<16xf32>,
          %mul3A_1090 = arith.constant 4 : i32
          %mul3A_1091 = arith.muli %mul3A_1090, %scan3A_225 : i32
          %add3A_1092 = arith.constant 3 : i32
          %add3A_1093 = arith.addi %mul3A_1091, %add3A_1092 : i32
          %broadcast_in_dim3A_1094 = vector.broadcast %add3A_1093 : i32 to vector<16xi32>
          %gather3A_1095 = tpu.vector_load_idx %arg11[%broadcast_in_dim3A_1094] : memref<32xi32, #tpu.memory_space<vmem>>[vector<16xi32>], vector<16xi32>,
          %get3A_1096 = arith.index_cast %add3A_1093 : i32 to index
          %get3A_1097 = arith.constant 0 : index
          %get3A_1098 = tpu.vector_load %arg16[%get3A_1096, %get3A_1097] {strides = array<i32>} : memref<32x256xf32, #tpu.memory_space<vmem>>, vector<16xf32>,
          %get3A_1099 = arith.index_cast %add3A_1093 : i32 to index
          %get3A_1100 = arith.constant 0 : index
          %get3A_1101 = tpu.vector_load %arg17[%get3A_1099, %get3A_1100] {strides = array<i32>} : memref<32x256xf32, #tpu.memory_space<vmem>>, vector<16xf32>,
          %add3A_1102 = arith.addf %get3A_1098, %get3A_1101 : vector<16xf32>
          %gt3A_1103 = arith.constant 0.000000e+00 : f32
          %gt3A_1104 = vector.broadcast %gt3A_1103 : f32 to vector<16xf32>
          %gt3A_1105 = arith.cmpf ogt, %add3A_1102, %gt3A_1104 : vector<16xf32>
          %mul3A_1106 = arith.constant 0.00999999977 : f32
          %mul3A_1107 = vector.broadcast %mul3A_1106 : f32 to vector<16xf32>
          %mul3A_1108 = arith.mulf %mul3A_1107, %add3A_1102 : vector<16xf32>
          %select_n3A_1109 = arith.select %gt3A_1105, %add3A_1102, %mul3A_1108 : vector<16xi1>, vector<16xf32>
          %mul3A_1110 = arith.mulf %select_n3A_1109, %get3A_17 : vector<16xf32>
          %get3A_1111 = arith.index_cast %add3A_1093 : i32 to index
          %get3A_1112 = arith.constant 16 : index
          %get3A_1113 = tpu.vector_load %arg16[%get3A_1111, %get3A_1112] {strides = array<i32>} : memref<32x256xf32, #tpu.memory_space<vmem>>, vector<16xf32>,
          %get3A_1114 = arith.index_cast %add3A_1093 : i32 to index
          %get3A_1115 = arith.constant 16 : index
          %get3A_1116 = tpu.vector_load %arg17[%get3A_1114, %get3A_1115] {strides = array<i32>} : memref<32x256xf32, #tpu.memory_space<vmem>>, vector<16xf32>,
          %add3A_1117 = arith.addf %get3A_1113, %get3A_1116 : vector<16xf32>
          %gt3A_1118 = arith.constant 0.000000e+00 : f32
          %gt3A_1119 = vector.broadcast %gt3A_1118 : f32 to vector<16xf32>
          %gt3A_1120 = arith.cmpf ogt, %add3A_1117, %gt3A_1119 : vector<16xf32>
          %mul3A_1121 = arith.constant 0.00999999977 : f32
          %mul3A_1122 = vector.broadcast %mul3A_1121 : f32 to vector<16xf32>
          %mul3A_1123 = arith.mulf %mul3A_1122, %add3A_1117 : vector<16xf32>
          %select_n3A_1124 = arith.select %gt3A_1120, %add3A_1117, %mul3A_1123 : vector<16xi1>, vector<16xf32>
          %mul3A_1125 = arith.mulf %select_n3A_1124, %get3A_19 : vector<16xf32>
          %get3A_1126 = arith.index_cast %add3A_1093 : i32 to index
          %get3A_1127 = arith.constant 32 : index
          %get3A_1128 = tpu.vector_load %arg16[%get3A_1126, %get3A_1127] {strides = array<i32>} : memref<32x256xf32, #tpu.memory_space<vmem>>, vector<16xf32>,
          %get3A_1129 = arith.index_cast %add3A_1093 : i32 to index
          %get3A_1130 = arith.constant 32 : index
          %get3A_1131 = tpu.vector_load %arg17[%get3A_1129, %get3A_1130] {strides = array<i32>} : memref<32x256xf32, #tpu.memory_space<vmem>>, vector<16xf32>,
          %add3A_1132 = arith.addf %get3A_1128, %get3A_1131 : vector<16xf32>
          %gt3A_1133 = arith.constant 0.000000e+00 : f32
          %gt3A_1134 = vector.broadcast %gt3A_1133 : f32 to vector<16xf32>
          %gt3A_1135 = arith.cmpf ogt, %add3A_1132, %gt3A_1134 : vector<16xf32>
          %mul3A_1136 = arith.constant 0.00999999977 : f32
          %mul3A_1137 = vector.broadcast %mul3A_1136 : f32 to vector<16xf32>
          %mul3A_1138 = arith.mulf %mul3A_1137, %add3A_1132 : vector<16xf32>
          %select_n3A_1139 = arith.select %gt3A_1135, %add3A_1132, %mul3A_1138 : vector<16xi1>, vector<16xf32>
          %mul3A_1140 = arith.mulf %select_n3A_1139, %get3A_21 : vector<16xf32>
          %get3A_1141 = arith.index_cast %add3A_1093 : i32 to index
          %get3A_1142 = arith.constant 48 : index
          %get3A_1143 = tpu.vector_load %arg16[%get3A_1141, %get3A_1142] {strides = array<i32>} : memref<32x256xf32, #tpu.memory_space<vmem>>, vector<16xf32>,
          %get3A_1144 = arith.index_cast %add3A_1093 : i32 to index
          %get3A_1145 = arith.constant 48 : index
          %get3A_1146 = tpu.vector_load %arg17[%get3A_1144, %get3A_1145] {strides = array<i32>} : memref<32x256xf32, #tpu.memory_space<vmem>>, vector<16xf32>,
          %add3A_1147 = arith.addf %get3A_1143, %get3A_1146 : vector<16xf32>
          %gt3A_1148 = arith.constant 0.000000e+00 : f32
          %gt3A_1149 = vector.broadcast %gt3A_1148 : f32 to vector<16xf32>
          %gt3A_1150 = arith.cmpf ogt, %add3A_1147, %gt3A_1149 : vector<16xf32>
          %mul3A_1151 = arith.constant 0.00999999977 : f32
          %mul3A_1152 = vector.broadcast %mul3A_1151 : f32 to vector<16xf32>
          %mul3A_1153 = arith.mulf %mul3A_1152, %add3A_1147 : vector<16xf32>
          %select_n3A_1154 = arith.select %gt3A_1150, %add3A_1147, %mul3A_1153 : vector<16xi1>, vector<16xf32>
          %mul3A_1155 = arith.mulf %select_n3A_1154, %get3A_23 : vector<16xf32>
          %get3A_1156 = arith.index_cast %add3A_1093 : i32 to index
          %get3A_1157 = arith.constant 64 : index
          %get3A_1158 = tpu.vector_load %arg16[%get3A_1156, %get3A_1157] {strides = array<i32>} : memref<32x256xf32, #tpu.memory_space<vmem>>, vector<16xf32>,
          %get3A_1159 = arith.index_cast %add3A_1093 : i32 to index
          %get3A_1160 = arith.constant 64 : index
          %get3A_1161 = tpu.vector_load %arg17[%get3A_1159, %get3A_1160] {strides = array<i32>} : memref<32x256xf32, #tpu.memory_space<vmem>>, vector<16xf32>,
          %add3A_1162 = arith.addf %get3A_1158, %get3A_1161 : vector<16xf32>
          %gt3A_1163 = arith.constant 0.000000e+00 : f32
          %gt3A_1164 = vector.broadcast %gt3A_1163 : f32 to vector<16xf32>
          %gt3A_1165 = arith.cmpf ogt, %add3A_1162, %gt3A_1164 : vector<16xf32>
          %mul3A_1166 = arith.constant 0.00999999977 : f32
          %mul3A_1167 = vector.broadcast %mul3A_1166 : f32 to vector<16xf32>
          %mul3A_1168 = arith.mulf %mul3A_1167, %add3A_1162 : vector<16xf32>
          %select_n3A_1169 = arith.select %gt3A_1165, %add3A_1162, %mul3A_1168 : vector<16xi1>, vector<16xf32>
          %mul3A_1170 = arith.mulf %select_n3A_1169, %get3A_25 : vector<16xf32>
          %get3A_1171 = arith.index_cast %add3A_1093 : i32 to index
          %get3A_1172 = arith.constant 80 : index
          %get3A_1173 = tpu.vector_load %arg16[%get3A_1171, %get3A_1172] {strides = array<i32>} : memref<32x256xf32, #tpu.memory_space<vmem>>, vector<16xf32>,
          %get3A_1174 = arith.index_cast %add3A_1093 : i32 to index
          %get3A_1175 = arith.constant 80 : index
          %get3A_1176 = tpu.vector_load %arg17[%get3A_1174, %get3A_1175] {strides = array<i32>} : memref<32x256xf32, #tpu.memory_space<vmem>>, vector<16xf32>,
          %add3A_1177 = arith.addf %get3A_1173, %get3A_1176 : vector<16xf32>
          %gt3A_1178 = arith.constant 0.000000e+00 : f32
          %gt3A_1179 = vector.broadcast %gt3A_1178 : f32 to vector<16xf32>
          %gt3A_1180 = arith.cmpf ogt, %add3A_1177, %gt3A_1179 : vector<16xf32>
          %mul3A_1181 = arith.constant 0.00999999977 : f32
          %mul3A_1182 = vector.broadcast %mul3A_1181 : f32 to vector<16xf32>
          %mul3A_1183 = arith.mulf %mul3A_1182, %add3A_1177 : vector<16xf32>
          %select_n3A_1184 = arith.select %gt3A_1180, %add3A_1177, %mul3A_1183 : vector<16xi1>, vector<16xf32>
          %mul3A_1185 = arith.mulf %select_n3A_1184, %get3A_27 : vector<16xf32>
          %get3A_1186 = arith.index_cast %add3A_1093 : i32 to index
          %get3A_1187 = arith.constant 96 : index
          %get3A_1188 = tpu.vector_load %arg16[%get3A_1186, %get3A_1187] {strides = array<i32>} : memref<32x256xf32, #tpu.memory_space<vmem>>, vector<16xf32>,
          %get3A_1189 = arith.index_cast %add3A_1093 : i32 to index
          %get3A_1190 = arith.constant 96 : index
          %get3A_1191 = tpu.vector_load %arg17[%get3A_1189, %get3A_1190] {strides = array<i32>} : memref<32x256xf32, #tpu.memory_space<vmem>>, vector<16xf32>,
          %add3A_1192 = arith.addf %get3A_1188, %get3A_1191 : vector<16xf32>
          %gt3A_1193 = arith.constant 0.000000e+00 : f32
          %gt3A_1194 = vector.broadcast %gt3A_1193 : f32 to vector<16xf32>
          %gt3A_1195 = arith.cmpf ogt, %add3A_1192, %gt3A_1194 : vector<16xf32>
          %mul3A_1196 = arith.constant 0.00999999977 : f32
          %mul3A_1197 = vector.broadcast %mul3A_1196 : f32 to vector<16xf32>
          %mul3A_1198 = arith.mulf %mul3A_1197, %add3A_1192 : vector<16xf32>
          %select_n3A_1199 = arith.select %gt3A_1195, %add3A_1192, %mul3A_1198 : vector<16xi1>, vector<16xf32>
          %mul3A_1200 = arith.mulf %select_n3A_1199, %get3A_29 : vector<16xf32>
          %get3A_1201 = arith.index_cast %add3A_1093 : i32 to index
          %get3A_1202 = arith.constant 112 : index
          %get3A_1203 = tpu.vector_load %arg16[%get3A_1201, %get3A_1202] {strides = array<i32>} : memref<32x256xf32, #tpu.memory_space<vmem>>, vector<16xf32>,
          %get3A_1204 = arith.index_cast %add3A_1093 : i32 to index
          %get3A_1205 = arith.constant 112 : index
          %get3A_1206 = tpu.vector_load %arg17[%get3A_1204, %get3A_1205] {strides = array<i32>} : memref<32x256xf32, #tpu.memory_space<vmem>>, vector<16xf32>,
          %add3A_1207 = arith.addf %get3A_1203, %get3A_1206 : vector<16xf32>
          %gt3A_1208 = arith.constant 0.000000e+00 : f32
          %gt3A_1209 = vector.broadcast %gt3A_1208 : f32 to vector<16xf32>
          %gt3A_1210 = arith.cmpf ogt, %add3A_1207, %gt3A_1209 : vector<16xf32>
          %mul3A_1211 = arith.constant 0.00999999977 : f32
          %mul3A_1212 = vector.broadcast %mul3A_1211 : f32 to vector<16xf32>
          %mul3A_1213 = arith.mulf %mul3A_1212, %add3A_1207 : vector<16xf32>
          %select_n3A_1214 = arith.select %gt3A_1210, %add3A_1207, %mul3A_1213 : vector<16xi1>, vector<16xf32>
          %mul3A_1215 = arith.mulf %select_n3A_1214, %get3A_31 : vector<16xf32>
          %add3A_1216 = arith.addf %mul3A_1110, %mul3A_1125 : vector<16xf32>
          %add3A_1217 = arith.addf %mul3A_1140, %mul3A_1155 : vector<16xf32>
          %add3A_1218 = arith.addf %add3A_1216, %add3A_1217 : vector<16xf32>
          %add3A_1219 = arith.addf %mul3A_1170, %mul3A_1185 : vector<16xf32>
          %add3A_1220 = arith.addf %mul3A_1200, %mul3A_1215 : vector<16xf32>
          %add3A_1221 = arith.addf %add3A_1219, %add3A_1220 : vector<16xf32>
          %add3A_1222 = arith.addf %add3A_1218, %add3A_1221 : vector<16xf32>
          %lt3A_1223 = arith.constant 0 : i32
          %lt3A_1224 = vector.broadcast %lt3A_1223 : i32 to vector<16xi32>
          %lt3A_1225 = arith.cmpi slt, %and3A_38, %lt3A_1224 : vector<16xi32>
          %add3A_1226 = arith.constant 16 : i32
          %add3A_1227 = vector.broadcast %add3A_1226 : i32 to vector<16xi32>
          %add3A_1228 = arith.addi %and3A_38, %add3A_1227 : vector<16xi32>
          %select_n3A_1229 = arith.select %lt3A_1225, %add3A_1228, %and3A_38 : vector<16xi1>, vector<16xi32>
          %broadcast_in_dim3A_1230 = vector.shape_cast %select_n3A_1229 : vector<16xi32> to vector<16x1xi32>
          %gather3A_1231 = vector.shape_cast %broadcast_in_dim3A_1230 : vector<16x1xi32> to vector<16xi32>
          %gather3A_1232 = tpu.dynamic_gather %add3A_1222[%gather3A_1231] in [0] : vector<16xf32>, vector<16xi32> -> vector<16xf32>
          %add3A_1233 = arith.addf %add3A_1222, %gather3A_1232 : vector<16xf32>
          %lt3A_1234 = arith.constant 0 : i32
          %lt3A_1235 = vector.broadcast %lt3A_1234 : i32 to vector<16xi32>
          %lt3A_1236 = arith.cmpi slt, %and3A_44, %lt3A_1235 : vector<16xi32>
          %add3A_1237 = arith.constant 16 : i32
          %add3A_1238 = vector.broadcast %add3A_1237 : i32 to vector<16xi32>
          %add3A_1239 = arith.addi %and3A_44, %add3A_1238 : vector<16xi32>
          %select_n3A_1240 = arith.select %lt3A_1236, %add3A_1239, %and3A_44 : vector<16xi1>, vector<16xi32>
          %broadcast_in_dim3A_1241 = vector.shape_cast %select_n3A_1240 : vector<16xi32> to vector<16x1xi32>
          %gather3A_1242 = vector.shape_cast %broadcast_in_dim3A_1241 : vector<16x1xi32> to vector<16xi32>
          %gather3A_1243 = tpu.dynamic_gather %add3A_1233[%gather3A_1242] in [0] : vector<16xf32>, vector<16xi32> -> vector<16xf32>
          %add3A_1244 = arith.addf %add3A_1233, %gather3A_1243 : vector<16xf32>
          %lt3A_1245 = arith.constant 0 : i32
          %lt3A_1246 = vector.broadcast %lt3A_1245 : i32 to vector<16xi32>
          %lt3A_1247 = arith.cmpi slt, %and3A_50, %lt3A_1246 : vector<16xi32>
          %add3A_1248 = arith.constant 16 : i32
          %add3A_1249 = vector.broadcast %add3A_1248 : i32 to vector<16xi32>
          %add3A_1250 = arith.addi %and3A_50, %add3A_1249 : vector<16xi32>
          %select_n3A_1251 = arith.select %lt3A_1247, %add3A_1250, %and3A_50 : vector<16xi1>, vector<16xi32>
          %broadcast_in_dim3A_1252 = vector.shape_cast %select_n3A_1251 : vector<16xi32> to vector<16x1xi32>
          %gather3A_1253 = vector.shape_cast %broadcast_in_dim3A_1252 : vector<16x1xi32> to vector<16xi32>
          %gather3A_1254 = tpu.dynamic_gather %add3A_1244[%gather3A_1253] in [0] : vector<16xf32>, vector<16xi32> -> vector<16xf32>
          %add3A_1255 = arith.addf %add3A_1244, %gather3A_1254 : vector<16xf32>
          %lt3A_1256 = arith.constant 0 : i32
          %lt3A_1257 = vector.broadcast %lt3A_1256 : i32 to vector<16xi32>
          %lt3A_1258 = arith.cmpi slt, %and3A_56, %lt3A_1257 : vector<16xi32>
          %add3A_1259 = arith.constant 16 : i32
          %add3A_1260 = vector.broadcast %add3A_1259 : i32 to vector<16xi32>
          %add3A_1261 = arith.addi %and3A_56, %add3A_1260 : vector<16xi32>
          %select_n3A_1262 = arith.select %lt3A_1258, %add3A_1261, %and3A_56 : vector<16xi1>, vector<16xi32>
          %broadcast_in_dim3A_1263 = vector.shape_cast %select_n3A_1262 : vector<16xi32> to vector<16x1xi32>
          %gather3A_1264 = vector.shape_cast %broadcast_in_dim3A_1263 : vector<16x1xi32> to vector<16xi32>
          %gather3A_1265 = tpu.dynamic_gather %add3A_1255[%gather3A_1264] in [0] : vector<16xf32>, vector<16xi32> -> vector<16xf32>
          %add3A_1266 = arith.addf %add3A_1255, %gather3A_1265 : vector<16xf32>
          %exp3A_1267 = math.exp %add3A_1266 : vector<16xf32>
          tpu.vector_store_idx %arg19[%gather3A_1095], %exp3A_1267 masked %eq3A_33 {add = true} : memref<10240xf32, #tpu.memory_space<vmem>>[vector<16xi32>], vector<16xf32>, vector<16xi1>
          %get3A_1268 = arith.index_cast %add3A_1093 : i32 to index
          %get3A_1269 = arith.constant 128 : index
          %get3A_1270 = tpu.vector_load %arg16[%get3A_1268, %get3A_1269] {strides = array<i32>} : memref<32x256xf32, #tpu.memory_space<vmem>>, vector<16xf32>,
          %get3A_1271 = arith.index_cast %add3A_1093 : i32 to index
          %get3A_1272 = arith.constant 128 : index
          %get3A_1273 = tpu.vector_load %arg17[%get3A_1271, %get3A_1272] {strides = array<i32>} : memref<32x256xf32, #tpu.memory_space<vmem>>, vector<16xf32>,
          %add3A_1274 = arith.addf %get3A_1270, %get3A_1273 : vector<16xf32>
          %max3A_1275 = arith.constant 0.000000e+00 : f32
          %max3A_1276 = vector.broadcast %max3A_1275 : f32 to vector<16xf32>
          %max3A_1277 = arith.maximumf %add3A_1274, %max3A_1276 : vector<16xf32>
          %mul3A_1278 = arith.mulf %max3A_1277, %exp3A_1267 : vector<16xf32>
          %swap3A_1279 = arith.index_cast %add3A_1093 : i32 to index
          %swap3A_1280 = arith.constant 0 : index
          %swap3A_1281 = tpu.vector_load %arg18[%swap3A_1279, %swap3A_1280] {strides = array<i32>} : memref<32x128xf32, #tpu.memory_space<vmem>>, vector<16xf32>,
          tpu.vector_store %arg18[%swap3A_1279, %swap3A_1280], %mul3A_1278 {strides = array<i32>} : memref<32x128xf32, #tpu.memory_space<vmem>>, vector<16xf32>,
          %get3A_1282 = arith.index_cast %add3A_1093 : i32 to index
          %get3A_1283 = arith.constant 144 : index
          %get3A_1284 = tpu.vector_load %arg16[%get3A_1282, %get3A_1283] {strides = array<i32>} : memref<32x256xf32, #tpu.memory_space<vmem>>, vector<16xf32>,
          %get3A_1285 = arith.index_cast %add3A_1093 : i32 to index
          %get3A_1286 = arith.constant 144 : index
          %get3A_1287 = tpu.vector_load %arg17[%get3A_1285, %get3A_1286] {strides = array<i32>} : memref<32x256xf32, #tpu.memory_space<vmem>>, vector<16xf32>,
          %add3A_1288 = arith.addf %get3A_1284, %get3A_1287 : vector<16xf32>
          %max3A_1289 = arith.constant 0.000000e+00 : f32
          %max3A_1290 = vector.broadcast %max3A_1289 : f32 to vector<16xf32>
          %max3A_1291 = arith.maximumf %add3A_1288, %max3A_1290 : vector<16xf32>
          %mul3A_1292 = arith.mulf %max3A_1291, %exp3A_1267 : vector<16xf32>
          %swap3A_1293 = arith.index_cast %add3A_1093 : i32 to index
          %swap3A_1294 = arith.constant 16 : index
          %swap3A_1295 = tpu.vector_load %arg18[%swap3A_1293, %swap3A_1294] {strides = array<i32>} : memref<32x128xf32, #tpu.memory_space<vmem>>, vector<16xf32>,
          tpu.vector_store %arg18[%swap3A_1293, %swap3A_1294], %mul3A_1292 {strides = array<i32>} : memref<32x128xf32, #tpu.memory_space<vmem>>, vector<16xf32>,
          %get3A_1296 = arith.index_cast %add3A_1093 : i32 to index
          %get3A_1297 = arith.constant 160 : index
          %get3A_1298 = tpu.vector_load %arg16[%get3A_1296, %get3A_1297] {strides = array<i32>} : memref<32x256xf32, #tpu.memory_space<vmem>>, vector<16xf32>,
          %get3A_1299 = arith.index_cast %add3A_1093 : i32 to index
          %get3A_1300 = arith.constant 160 : index
          %get3A_1301 = tpu.vector_load %arg17[%get3A_1299, %get3A_1300] {strides = array<i32>} : memref<32x256xf32, #tpu.memory_space<vmem>>, vector<16xf32>,
          %add3A_1302 = arith.addf %get3A_1298, %get3A_1301 : vector<16xf32>
          %max3A_1303 = arith.constant 0.000000e+00 : f32
          %max3A_1304 = vector.broadcast %max3A_1303 : f32 to vector<16xf32>
          %max3A_1305 = arith.maximumf %add3A_1302, %max3A_1304 : vector<16xf32>
          %mul3A_1306 = arith.mulf %max3A_1305, %exp3A_1267 : vector<16xf32>
          %swap3A_1307 = arith.index_cast %add3A_1093 : i32 to index
          %swap3A_1308 = arith.constant 32 : index
          %swap3A_1309 = tpu.vector_load %arg18[%swap3A_1307, %swap3A_1308] {strides = array<i32>} : memref<32x128xf32, #tpu.memory_space<vmem>>, vector<16xf32>,
          tpu.vector_store %arg18[%swap3A_1307, %swap3A_1308], %mul3A_1306 {strides = array<i32>} : memref<32x128xf32, #tpu.memory_space<vmem>>, vector<16xf32>,
          %get3A_1310 = arith.index_cast %add3A_1093 : i32 to index
          %get3A_1311 = arith.constant 176 : index
          %get3A_1312 = tpu.vector_load %arg16[%get3A_1310, %get3A_1311] {strides = array<i32>} : memref<32x256xf32, #tpu.memory_space<vmem>>, vector<16xf32>,
          %get3A_1313 = arith.index_cast %add3A_1093 : i32 to index
          %get3A_1314 = arith.constant 176 : index
          %get3A_1315 = tpu.vector_load %arg17[%get3A_1313, %get3A_1314] {strides = array<i32>} : memref<32x256xf32, #tpu.memory_space<vmem>>, vector<16xf32>,
          %add3A_1316 = arith.addf %get3A_1312, %get3A_1315 : vector<16xf32>
          %max3A_1317 = arith.constant 0.000000e+00 : f32
          %max3A_1318 = vector.broadcast %max3A_1317 : f32 to vector<16xf32>
          %max3A_1319 = arith.maximumf %add3A_1316, %max3A_1318 : vector<16xf32>
          %mul3A_1320 = arith.mulf %max3A_1319, %exp3A_1267 : vector<16xf32>
          %swap3A_1321 = arith.index_cast %add3A_1093 : i32 to index
          %swap3A_1322 = arith.constant 48 : index
          %swap3A_1323 = tpu.vector_load %arg18[%swap3A_1321, %swap3A_1322] {strides = array<i32>} : memref<32x128xf32, #tpu.memory_space<vmem>>, vector<16xf32>,
          tpu.vector_store %arg18[%swap3A_1321, %swap3A_1322], %mul3A_1320 {strides = array<i32>} : memref<32x128xf32, #tpu.memory_space<vmem>>, vector<16xf32>,
          %get3A_1324 = arith.index_cast %add3A_1093 : i32 to index
          %get3A_1325 = arith.constant 192 : index
          %get3A_1326 = tpu.vector_load %arg16[%get3A_1324, %get3A_1325] {strides = array<i32>} : memref<32x256xf32, #tpu.memory_space<vmem>>, vector<16xf32>,
          %get3A_1327 = arith.index_cast %add3A_1093 : i32 to index
          %get3A_1328 = arith.constant 192 : index
          %get3A_1329 = tpu.vector_load %arg17[%get3A_1327, %get3A_1328] {strides = array<i32>} : memref<32x256xf32, #tpu.memory_space<vmem>>, vector<16xf32>,
          %add3A_1330 = arith.addf %get3A_1326, %get3A_1329 : vector<16xf32>
          %max3A_1331 = arith.constant 0.000000e+00 : f32
          %max3A_1332 = vector.broadcast %max3A_1331 : f32 to vector<16xf32>
          %max3A_1333 = arith.maximumf %add3A_1330, %max3A_1332 : vector<16xf32>
          %mul3A_1334 = arith.mulf %max3A_1333, %exp3A_1267 : vector<16xf32>
          %swap3A_1335 = arith.index_cast %add3A_1093 : i32 to index
          %swap3A_1336 = arith.constant 64 : index
          %swap3A_1337 = tpu.vector_load %arg18[%swap3A_1335, %swap3A_1336] {strides = array<i32>} : memref<32x128xf32, #tpu.memory_space<vmem>>, vector<16xf32>,
          tpu.vector_store %arg18[%swap3A_1335, %swap3A_1336], %mul3A_1334 {strides = array<i32>} : memref<32x128xf32, #tpu.memory_space<vmem>>, vector<16xf32>,
          %get3A_1338 = arith.index_cast %add3A_1093 : i32 to index
          %get3A_1339 = arith.constant 208 : index
          %get3A_1340 = tpu.vector_load %arg16[%get3A_1338, %get3A_1339] {strides = array<i32>} : memref<32x256xf32, #tpu.memory_space<vmem>>, vector<16xf32>,
          %get3A_1341 = arith.index_cast %add3A_1093 : i32 to index
          %get3A_1342 = arith.constant 208 : index
          %get3A_1343 = tpu.vector_load %arg17[%get3A_1341, %get3A_1342] {strides = array<i32>} : memref<32x256xf32, #tpu.memory_space<vmem>>, vector<16xf32>,
          %add3A_1344 = arith.addf %get3A_1340, %get3A_1343 : vector<16xf32>
          %max3A_1345 = arith.constant 0.000000e+00 : f32
          %max3A_1346 = vector.broadcast %max3A_1345 : f32 to vector<16xf32>
          %max3A_1347 = arith.maximumf %add3A_1344, %max3A_1346 : vector<16xf32>
          %mul3A_1348 = arith.mulf %max3A_1347, %exp3A_1267 : vector<16xf32>
          %swap3A_1349 = arith.index_cast %add3A_1093 : i32 to index
          %swap3A_1350 = arith.constant 80 : index
          %swap3A_1351 = tpu.vector_load %arg18[%swap3A_1349, %swap3A_1350] {strides = array<i32>} : memref<32x128xf32, #tpu.memory_space<vmem>>, vector<16xf32>,
          tpu.vector_store %arg18[%swap3A_1349, %swap3A_1350], %mul3A_1348 {strides = array<i32>} : memref<32x128xf32, #tpu.memory_space<vmem>>, vector<16xf32>,
          %get3A_1352 = arith.index_cast %add3A_1093 : i32 to index
          %get3A_1353 = arith.constant 224 : index
          %get3A_1354 = tpu.vector_load %arg16[%get3A_1352, %get3A_1353] {strides = array<i32>} : memref<32x256xf32, #tpu.memory_space<vmem>>, vector<16xf32>,
          %get3A_1355 = arith.index_cast %add3A_1093 : i32 to index
          %get3A_1356 = arith.constant 224 : index
          %get3A_1357 = tpu.vector_load %arg17[%get3A_1355, %get3A_1356] {strides = array<i32>} : memref<32x256xf32, #tpu.memory_space<vmem>>, vector<16xf32>,
          %add3A_1358 = arith.addf %get3A_1354, %get3A_1357 : vector<16xf32>
          %max3A_1359 = arith.constant 0.000000e+00 : f32
          %max3A_1360 = vector.broadcast %max3A_1359 : f32 to vector<16xf32>
          %max3A_1361 = arith.maximumf %add3A_1358, %max3A_1360 : vector<16xf32>
          %mul3A_1362 = arith.mulf %max3A_1361, %exp3A_1267 : vector<16xf32>
          %swap3A_1363 = arith.index_cast %add3A_1093 : i32 to index
          %swap3A_1364 = arith.constant 96 : index
          %swap3A_1365 = tpu.vector_load %arg18[%swap3A_1363, %swap3A_1364] {strides = array<i32>} : memref<32x128xf32, #tpu.memory_space<vmem>>, vector<16xf32>,
          tpu.vector_store %arg18[%swap3A_1363, %swap3A_1364], %mul3A_1362 {strides = array<i32>} : memref<32x128xf32, #tpu.memory_space<vmem>>, vector<16xf32>,
          %get3A_1366 = arith.index_cast %add3A_1093 : i32 to index
          %get3A_1367 = arith.constant 240 : index
          %get3A_1368 = tpu.vector_load %arg16[%get3A_1366, %get3A_1367] {strides = array<i32>} : memref<32x256xf32, #tpu.memory_space<vmem>>, vector<16xf32>,
          %get3A_1369 = arith.index_cast %add3A_1093 : i32 to index
          %get3A_1370 = arith.constant 240 : index
          %get3A_1371 = tpu.vector_load %arg17[%get3A_1369, %get3A_1370] {strides = array<i32>} : memref<32x256xf32, #tpu.memory_space<vmem>>, vector<16xf32>,
          %add3A_1372 = arith.addf %get3A_1368, %get3A_1371 : vector<16xf32>
          %max3A_1373 = arith.constant 0.000000e+00 : f32
          %max3A_1374 = vector.broadcast %max3A_1373 : f32 to vector<16xf32>
          %max3A_1375 = arith.maximumf %add3A_1372, %max3A_1374 : vector<16xf32>
          %mul3A_1376 = arith.mulf %max3A_1375, %exp3A_1267 : vector<16xf32>
          %swap3A_1377 = arith.index_cast %add3A_1093 : i32 to index
          %swap3A_1378 = arith.constant 112 : index
          %swap3A_1379 = tpu.vector_load %arg18[%swap3A_1377, %swap3A_1378] {strides = array<i32>} : memref<32x128xf32, #tpu.memory_space<vmem>>, vector<16xf32>,
          tpu.vector_store %arg18[%swap3A_1377, %swap3A_1378], %mul3A_1376 {strides = array<i32>} : memref<32x128xf32, #tpu.memory_space<vmem>>, vector<16xf32>,
        }
        %scan3A_221 = arith.constant 8 : i32
        %dma_start3A_222 = arith.constant 0 : i32
        %dma_start3A_223 = arith.constant 0 : i32
        %dma_start3A_224 = tpu.memref_slice %arg21[%dma_start3A_222, %dma_start3A_223] : memref<10240x128xf32, #tpu.memory_space<vmem_shared>> -> memref<10240x128xf32, #tpu.memory_space<vmem_shared>>
        tpu.enqueue_indirect_dma source(%arg18 : memref<32x128xf32, #tpu.memory_space<vmem>>) target(%dma_start3A_224 : memref<10240x128xf32, #tpu.memory_space<vmem_shared>>) offsets(%arg11 : memref<32xi32, #tpu.memory_space<vmem>>) semaphore(%arg23 : memref<!tpu.dma_semaphore, #tpu.memory_space<semaphore_mem>>) {add = true}
      }
      %scan3A_88 = arith.constant 8 : i32
    }
    %scan3A_66 = arith.constant 20 : i32
    %dma_wait3A = arith.constant 0 : i32
    %dma_wait3A_67 = arith.constant 0 : i32
    %dma_wait3A_68 = tpu.memref_slice %arg7[%dma_wait3A, %dma_wait3A_67] : memref<10240x128xf32, #tpu.memory_space<hbm>> -> memref<32x128xf32, #tpu.memory_space<hbm>>
    %dma_wait3A_69 = arith.constant 0 : i32
    %dma_wait3A_70 = arith.constant 0 : i32
    %dma_wait3A_71 = tpu.memref_slice %arg7[%dma_wait3A_69, %dma_wait3A_70] : memref<10240x128xf32, #tpu.memory_space<hbm>> -> memref<32x128xf32, #tpu.memory_space<hbm>>
    tpu.wait_dma2 semaphore(%arg23 : memref<!tpu.dma_semaphore, #tpu.memory_space<semaphore_mem>>) src(%dma_wait3A_71 : memref<32x128xf32, #tpu.memory_space<hbm>>) dst(%arg18 : memref<32x128xf32, #tpu.memory_space<vmem>>)
    %barrier3A_72 = arith.constant 0 : index
    tpu.barrier barrier_id(%barrier3A_72)
    %mul3A_73 = arith.constant 640 : i32
    %mul3A_74 = arith.muli %arg1, %mul3A_73 : i32
    %mul3A_75 = arith.constant 640 : i32
    %mul3A_76 = arith.muli %arg1, %mul3A_75 : i32
    "tpu.region"() ({
      %run_scoped3A = tpu.sem_alloc : memref<!tpu.dma_semaphore, #tpu.memory_space<semaphore_mem>>
      %dma_start3A_77 = arith.constant 0 : i32
      %dma_start3A_78 = tpu.memref_slice %arg8[%arg0, %mul3A_76, %dma_start3A_77] : memref<2x10240x128xf32, #tpu.memory_space<hbm>> -> memref<1x640x128xf32, #tpu.memory_space<hbm>>
      %dma_start3A_79 = tpu.memref_squeeze %dma_start3A_78 : memref<1x640x128xf32, #tpu.memory_space<hbm>> -> memref<640x128xf32, #tpu.memory_space<hbm>>
      %dma_start3A_80 = arith.constant 0 : i32
      %dma_start3A_81 = tpu.memref_slice %arg21[%mul3A_74, %dma_start3A_80] : memref<10240x128xf32, #tpu.memory_space<vmem_shared>> -> memref<640x128xf32, #tpu.memory_space<vmem_shared>>
      tpu.enqueue_dma source(%dma_start3A_81 : memref<640x128xf32, #tpu.memory_space<vmem_shared>>) target(%dma_start3A_79 : memref<640x128xf32, #tpu.memory_space<hbm>>) target_semaphore(%run_scoped3A : memref<!tpu.dma_semaphore, #tpu.memory_space<semaphore_mem>>)
      %dma_wait3A_82 = arith.constant 0 : i32
      %dma_wait3A_83 = tpu.memref_slice %arg8[%arg0, %mul3A_76, %dma_wait3A_82] : memref<2x10240x128xf32, #tpu.memory_space<hbm>> -> memref<1x640x128xf32, #tpu.memory_space<hbm>>
      %dma_wait3A_84 = tpu.memref_squeeze %dma_wait3A_83 : memref<1x640x128xf32, #tpu.memory_space<hbm>> -> memref<640x128xf32, #tpu.memory_space<hbm>>
      %dma_wait3A_85 = arith.constant 0 : i32
      %dma_wait3A_86 = tpu.memref_slice %arg21[%mul3A_74, %dma_wait3A_85] : memref<10240x128xf32, #tpu.memory_space<vmem_shared>> -> memref<640x128xf32, #tpu.memory_space<vmem_shared>>
      tpu.wait_dma2 semaphore(%run_scoped3A : memref<!tpu.dma_semaphore, #tpu.memory_space<semaphore_mem>>) src(%dma_wait3A_86 : memref<640x128xf32, #tpu.memory_space<vmem_shared>>) dst(%dma_wait3A_84 : memref<640x128xf32, #tpu.memory_space<hbm>>)
      tpu.yield
    }) : () -> ()
    "tpu.region"() ({
      %run_scoped3A = tpu.sem_alloc : memref<!tpu.dma_semaphore, #tpu.memory_space<semaphore_mem>>
      %dma_start3A_77 = arith.constant 0 : i32
      %dma_start3A_78 = tpu.memref_slice %arg9[%arg0, %arg1, %dma_start3A_77] : memref<2x16x10240xf32, #tpu.memory_space<hbm>> -> memref<1x1x10240xf32, #tpu.memory_space<hbm>>
      %dma_start3A_79 = tpu.memref_squeeze %dma_start3A_78 : memref<1x1x10240xf32, #tpu.memory_space<hbm>> -> memref<10240xf32, #tpu.memory_space<hbm>>
      %dma_start3A_80 = arith.constant 0 : i32
      %dma_start3A_81 = tpu.memref_slice %arg9[%arg0, %arg1, %dma_start3A_80] : memref<2x16x10240xf32, #tpu.memory_space<hbm>> -> memref<1x1x10240xf32, #tpu.memory_space<hbm>>
      %dma_start3A_82 = tpu.memref_squeeze %dma_start3A_81 : memref<1x1x10240xf32, #tpu.memory_space<hbm>> -> memref<10240xf32, #tpu.memory_space<hbm>>
      tpu.enqueue_dma source(%arg19 : memref<10240xf32, #tpu.memory_space<vmem>>) target(%dma_start3A_82 : memref<10240xf32, #tpu.memory_space<hbm>>) target_semaphore(%run_scoped3A : memref<!tpu.dma_semaphore, #tpu.memory_space<semaphore_mem>>)
      %dma_wait3A_83 = arith.constant 0 : i32
      %dma_wait3A_84 = tpu.memref_slice %arg9[%arg0, %arg1, %dma_wait3A_83] : memref<2x16x10240xf32, #tpu.memory_space<hbm>> -> memref<1x1x10240xf32, #tpu.memory_space<hbm>>
      %dma_wait3A_85 = tpu.memref_squeeze %dma_wait3A_84 : memref<1x1x10240xf32, #tpu.memory_space<hbm>> -> memref<10240xf32, #tpu.memory_space<hbm>>
      %dma_wait3A_86 = arith.constant 0 : i32
      %dma_wait3A_87 = tpu.memref_slice %arg9[%arg0, %arg1, %dma_wait3A_86] : memref<2x16x10240xf32, #tpu.memory_space<hbm>> -> memref<1x1x10240xf32, #tpu.memory_space<hbm>>
      %dma_wait3A_88 = tpu.memref_squeeze %dma_wait3A_87 : memref<1x1x10240xf32, #tpu.memory_space<hbm>> -> memref<10240xf32, #tpu.memory_space<hbm>>
      tpu.wait_dma2 semaphore(%run_scoped3A : memref<!tpu.dma_semaphore, #tpu.memory_space<semaphore_mem>>) src(%arg19 : memref<10240xf32, #tpu.memory_space<vmem>>) dst(%dma_wait3A_88 : memref<10240xf32, #tpu.memory_space<hbm>>)
      tpu.yield
    }) : () -> ()
    return
  }
}

module attributes {stable_mosaic.version = 14 : i64} {
  func.func @_proj_body(%arg0: i32, %arg1: memref<2000x128xf32, #tpu.memory_space<vmem>>, %arg2: memref<2000x16xf32, #tpu.memory_space<vmem>>, %arg3: memref<2000x128xf32, #tpu.memory_space<vmem>>, %arg4: memref<2000x128xf32, #tpu.memory_space<vmem>>, %arg5: memref<128x128xf32, #tpu.memory_space<vmem>>, %arg6: memref<16x128xf32, #tpu.memory_space<vmem>>, %arg7: memref<128x128xf32, #tpu.memory_space<vmem>>, %arg8: memref<1x128xf32, #tpu.memory_space<vmem>>, %arg9: memref<128x128xf32, #tpu.memory_space<vmem>>, %arg10: memref<1x128xf32, #tpu.memory_space<vmem>>, %arg11: memref<128x128xf32, #tpu.memory_space<vmem>>, %arg12: memref<128x128xf32, #tpu.memory_space<vmem>>, %arg13: memref<128x128xf32, #tpu.memory_space<vmem>>, %arg14: memref<128x128xf32, #tpu.memory_space<vmem>>, %arg15: memref<2000x256xf32, #tpu.memory_space<vmem>>, %arg16: memref<2000x256xf32, #tpu.memory_space<vmem>>) attributes {dimension_semantics = [#tpu.dimension_semantics<arbitrary>], iteration_bounds = array<i64: 5>, scalar_prefetch = 0 : i64, scratch_operands = 0 : i64, tpu.core_type = #tpu.core_type<tc>, window_params = [{transform_indices = @transform_0, window_bounds = array<i64: 2000, 128>}, {transform_indices = @transform_1, window_bounds = array<i64: 2000, 16>}, {transform_indices = @transform_2, window_bounds = array<i64: 2000, 128>}, {transform_indices = @transform_3, window_bounds = array<i64: 2000, 128>}, {pipeline_mode = #tpu.pipeline_mode<synchronous>, transform_indices = @transform_4, window_bounds = array<i64: 128, 128>}, {pipeline_mode = #tpu.pipeline_mode<synchronous>, transform_indices = @transform_5, window_bounds = array<i64: 16, 128>}, {pipeline_mode = #tpu.pipeline_mode<synchronous>, transform_indices = @transform_6, window_bounds = array<i64: 128, 128>}, {pipeline_mode = #tpu.pipeline_mode<synchronous>, transform_indices = @transform_7, window_bounds = array<i64: 1, 128>}, {pipeline_mode = #tpu.pipeline_mode<synchronous>, transform_indices = @transform_8, window_bounds = array<i64: 128, 128>}, {pipeline_mode = #tpu.pipeline_mode<synchronous>, transform_indices = @transform_9, window_bounds = array<i64: 1, 128>}, {pipeline_mode = #tpu.pipeline_mode<synchronous>, transform_indices = @transform_10, window_bounds = array<i64: 128, 128>}, {pipeline_mode = #tpu.pipeline_mode<synchronous>, transform_indices = @transform_11, window_bounds = array<i64: 128, 128>}, {pipeline_mode = #tpu.pipeline_mode<synchronous>, transform_indices = @transform_12, window_bounds = array<i64: 128, 128>}, {pipeline_mode = #tpu.pipeline_mode<synchronous>, transform_indices = @transform_13, window_bounds = array<i64: 128, 128>}, {transform_indices = @transform_14, window_bounds = array<i64: 2000, 256>}, {transform_indices = @transform_15, window_bounds = array<i64: 2000, 256>}]} {
    %get3A = arith.constant 0 : index
    %get3A_0 = arith.constant 0 : index
    %get3A_1 = vector.load %arg1[%get3A, %get3A_0] : memref<2000x128xf32, #tpu.memory_space<vmem>>, vector<2000x128xf32>
    %get3A_2 = arith.constant 0 : index
    %get3A_3 = arith.constant 0 : index
    %get3A_4 = vector.load %arg5[%get3A_2, %get3A_3] : memref<128x128xf32, #tpu.memory_space<vmem>>, vector<128x128xf32>
    %dot_general3A = arith.constant dense<0.000000e+00> : vector<2000x128xf32>
    %dot_general3A_5 = tpu.matmul %get3A_1, %get3A_4, %dot_general3A {dimension_numbers = #tpu.dot_dimension_numbers<[1], [0], [0], [1], [0, 0, 1, 1], [], []>, transpose_lhs_hint = false} : vector<2000x128xf32>, vector<128x128xf32>, vector<2000x128xf32> -> vector<2000x128xf32>
    %get3A_6 = arith.constant 0 : index
    %get3A_7 = arith.constant 0 : index
    %get3A_8 = vector.load %arg2[%get3A_6, %get3A_7] : memref<2000x16xf32, #tpu.memory_space<vmem>>, vector<2000x16xf32>
    %get3A_9 = arith.constant 0 : index
    %get3A_10 = arith.constant 0 : index
    %get3A_11 = vector.load %arg6[%get3A_9, %get3A_10] : memref<16x128xf32, #tpu.memory_space<vmem>>, vector<16x128xf32>
    %dot_general3A_12 = arith.constant dense<0.000000e+00> : vector<2000x128xf32>
    %dot_general3A_13 = tpu.matmul %get3A_8, %get3A_11, %dot_general3A_12 {dimension_numbers = #tpu.dot_dimension_numbers<[1], [0], [0], [1], [0, 0, 1, 1], [], []>, transpose_lhs_hint = false} : vector<2000x16xf32>, vector<16x128xf32>, vector<2000x128xf32> -> vector<2000x128xf32>
    %add3A = arith.addf %dot_general3A_5, %dot_general3A_13 : vector<2000x128xf32>
    %get3A_14 = arith.constant 0 : index
    %get3A_15 = arith.constant 0 : index
    %get3A_16 = vector.load %arg3[%get3A_14, %get3A_15] : memref<2000x128xf32, #tpu.memory_space<vmem>>, vector<2000x128xf32>
    %get3A_17 = arith.constant 0 : index
    %get3A_18 = arith.constant 0 : index
    %get3A_19 = vector.load %arg7[%get3A_17, %get3A_18] : memref<128x128xf32, #tpu.memory_space<vmem>>, vector<128x128xf32>
    %dot_general3A_20 = arith.constant dense<0.000000e+00> : vector<2000x128xf32>
    %dot_general3A_21 = tpu.matmul %get3A_16, %get3A_19, %dot_general3A_20 {dimension_numbers = #tpu.dot_dimension_numbers<[1], [0], [0], [1], [0, 0, 1, 1], [], []>, transpose_lhs_hint = false} : vector<2000x128xf32>, vector<128x128xf32>, vector<2000x128xf32> -> vector<2000x128xf32>
    %add3A_22 = arith.addf %add3A, %dot_general3A_21 : vector<2000x128xf32>
    %get3A_23 = arith.constant 0 : index
    %get3A_24 = arith.constant 0 : index
    %get3A_25 = vector.load %arg8[%get3A_23, %get3A_24] : memref<1x128xf32, #tpu.memory_space<vmem>>, vector<1x128xf32>
    %add3A_26 = vector.broadcast %get3A_25 : vector<1x128xf32> to vector<2000x128xf32>
    %add3A_27 = arith.addf %add3A_22, %add3A_26 : vector<2000x128xf32>
    %max3A = arith.constant 0.000000e+00 : f32
    %max3A_28 = vector.broadcast %max3A : f32 to vector<2000x128xf32>
    %max3A_29 = arith.maximumf %add3A_27, %max3A_28 : vector<2000x128xf32>
    %get3A_30 = arith.constant 0 : index
    %get3A_31 = arith.constant 0 : index
    %get3A_32 = vector.load %arg9[%get3A_30, %get3A_31] : memref<128x128xf32, #tpu.memory_space<vmem>>, vector<128x128xf32>
    %dot_general3A_33 = arith.constant dense<0.000000e+00> : vector<2000x128xf32>
    %dot_general3A_34 = tpu.matmul %max3A_29, %get3A_32, %dot_general3A_33 {dimension_numbers = #tpu.dot_dimension_numbers<[1], [0], [0], [1], [0, 0, 1, 1], [], []>, transpose_lhs_hint = false} : vector<2000x128xf32>, vector<128x128xf32>, vector<2000x128xf32> -> vector<2000x128xf32>
    %get3A_35 = arith.constant 0 : index
    %get3A_36 = arith.constant 0 : index
    %get3A_37 = vector.load %arg10[%get3A_35, %get3A_36] : memref<1x128xf32, #tpu.memory_space<vmem>>, vector<1x128xf32>
    %add3A_38 = vector.broadcast %get3A_37 : vector<1x128xf32> to vector<2000x128xf32>
    %add3A_39 = arith.addf %dot_general3A_34, %add3A_38 : vector<2000x128xf32>
    %max3A_40 = arith.constant 0.000000e+00 : f32
    %max3A_41 = vector.broadcast %max3A_40 : f32 to vector<2000x128xf32>
    %max3A_42 = arith.maximumf %add3A_39, %max3A_41 : vector<2000x128xf32>
    %get3A_43 = arith.constant 0 : index
    %get3A_44 = arith.constant 0 : index
    %get3A_45 = vector.load %arg4[%get3A_43, %get3A_44] : memref<2000x128xf32, #tpu.memory_space<vmem>>, vector<2000x128xf32>
    %get3A_46 = arith.constant 0 : index
    %get3A_47 = arith.constant 0 : index
    %get3A_48 = vector.load %arg11[%get3A_46, %get3A_47] : memref<128x128xf32, #tpu.memory_space<vmem>>, vector<128x128xf32>
    %dot_general3A_49 = arith.constant dense<0.000000e+00> : vector<2000x128xf32>
    %dot_general3A_50 = tpu.matmul %get3A_45, %get3A_48, %dot_general3A_49 {dimension_numbers = #tpu.dot_dimension_numbers<[1], [0], [0], [1], [0, 0, 1, 1], [], []>, transpose_lhs_hint = false} : vector<2000x128xf32>, vector<128x128xf32>, vector<2000x128xf32> -> vector<2000x128xf32>
    %get3A_51 = arith.constant 0 : index
    %get3A_52 = arith.constant 0 : index
    %get3A_53 = vector.load %arg13[%get3A_51, %get3A_52] : memref<128x128xf32, #tpu.memory_space<vmem>>, vector<128x128xf32>
    %dot_general3A_54 = arith.constant dense<0.000000e+00> : vector<2000x128xf32>
    %dot_general3A_55 = tpu.matmul %max3A_42, %get3A_53, %dot_general3A_54 {dimension_numbers = #tpu.dot_dimension_numbers<[1], [0], [0], [1], [0, 0, 1, 1], [], []>, transpose_lhs_hint = false} : vector<2000x128xf32>, vector<128x128xf32>, vector<2000x128xf32> -> vector<2000x128xf32>
    %concatenate3A = tpu.concatenate %dot_general3A_50, %dot_general3A_55 in 1 : vector<2000x128xf32>, vector<2000x128xf32> -> vector<2000x256xf32>
    %swap3A = arith.constant 0 : index
    %swap3A_56 = arith.constant 0 : index
    %swap3A_57 = vector.load %arg15[%swap3A, %swap3A_56] : memref<2000x256xf32, #tpu.memory_space<vmem>>, vector<2000x256xf32>
    tpu.vector_store %arg15[%swap3A, %swap3A_56], %concatenate3A {strides = array<i32>} : memref<2000x256xf32, #tpu.memory_space<vmem>>, vector<2000x256xf32>,
    %get3A_58 = arith.constant 0 : index
    %get3A_59 = arith.constant 0 : index
    %get3A_60 = vector.load %arg12[%get3A_58, %get3A_59] : memref<128x128xf32, #tpu.memory_space<vmem>>, vector<128x128xf32>
    %dot_general3A_61 = arith.constant dense<0.000000e+00> : vector<2000x128xf32>
    %dot_general3A_62 = tpu.matmul %get3A_45, %get3A_60, %dot_general3A_61 {dimension_numbers = #tpu.dot_dimension_numbers<[1], [0], [0], [1], [0, 0, 1, 1], [], []>, transpose_lhs_hint = false} : vector<2000x128xf32>, vector<128x128xf32>, vector<2000x128xf32> -> vector<2000x128xf32>
    %get3A_63 = arith.constant 0 : index
    %get3A_64 = arith.constant 0 : index
    %get3A_65 = vector.load %arg14[%get3A_63, %get3A_64] : memref<128x128xf32, #tpu.memory_space<vmem>>, vector<128x128xf32>
    %dot_general3A_66 = arith.constant dense<0.000000e+00> : vector<2000x128xf32>
    %dot_general3A_67 = tpu.matmul %max3A_42, %get3A_65, %dot_general3A_66 {dimension_numbers = #tpu.dot_dimension_numbers<[1], [0], [0], [1], [0, 0, 1, 1], [], []>, transpose_lhs_hint = false} : vector<2000x128xf32>, vector<128x128xf32>, vector<2000x128xf32> -> vector<2000x128xf32>
    %concatenate3A_68 = tpu.concatenate %dot_general3A_62, %dot_general3A_67 in 1 : vector<2000x128xf32>, vector<2000x128xf32> -> vector<2000x256xf32>
    %swap3A_69 = arith.constant 0 : index
    %swap3A_70 = arith.constant 0 : index
    %swap3A_71 = vector.load %arg16[%swap3A_69, %swap3A_70] : memref<2000x256xf32, #tpu.memory_space<vmem>>, vector<2000x256xf32>
    tpu.vector_store %arg16[%swap3A_69, %swap3A_70], %concatenate3A_68 {strides = array<i32>} : memref<2000x256xf32, #tpu.memory_space<vmem>>, vector<2000x256xf32>,
    return
  }
  func.func @transform_0(%arg0: i32) -> (i32, i32) {
    %c0_i32 = arith.constant 0 : i32
    %c0_i32_0 = arith.constant 0 : i32
    return %arg0, %c0_i32 : i32, i32
  }
  func.func @transform_1(%arg0: i32) -> (i32, i32) {
    %c0_i32 = arith.constant 0 : i32
    %c0_i32_0 = arith.constant 0 : i32
    return %arg0, %c0_i32 : i32, i32
  }
  func.func @transform_2(%arg0: i32) -> (i32, i32) {
    %c0_i32 = arith.constant 0 : i32
    %c0_i32_0 = arith.constant 0 : i32
    return %arg0, %c0_i32 : i32, i32
  }
  func.func @transform_3(%arg0: i32) -> (i32, i32) {
    %c0_i32 = arith.constant 0 : i32
    %c0_i32_0 = arith.constant 0 : i32
    return %arg0, %c0_i32 : i32, i32
  }
  func.func @transform_4(%arg0: i32) -> (i32, i32) {
    %c0_i32 = arith.constant 0 : i32
    %c0_i32_0 = arith.constant 0 : i32
    %c0_i32_1 = arith.constant 0 : i32
    return %c0_i32, %c0_i32_0 : i32, i32
  }
  func.func @transform_5(%arg0: i32) -> (i32, i32) {
    %c0_i32 = arith.constant 0 : i32
    %c0_i32_0 = arith.constant 0 : i32
    %c0_i32_1 = arith.constant 0 : i32
    return %c0_i32, %c0_i32_0 : i32, i32
  }
  func.func @transform_6(%arg0: i32) -> (i32, i32) {
    %c0_i32 = arith.constant 0 : i32
    %c0_i32_0 = arith.constant 0 : i32
    %c0_i32_1 = arith.constant 0 : i32
    return %c0_i32, %c0_i32_0 : i32, i32
  }
  func.func @transform_7(%arg0: i32) -> (i32, i32) {
    %c0_i32 = arith.constant 0 : i32
    %c0_i32_0 = arith.constant 0 : i32
    %c0_i32_1 = arith.constant 0 : i32
    return %c0_i32, %c0_i32_0 : i32, i32
  }
  func.func @transform_8(%arg0: i32) -> (i32, i32) {
    %c0_i32 = arith.constant 0 : i32
    %c0_i32_0 = arith.constant 0 : i32
    %c0_i32_1 = arith.constant 0 : i32
    return %c0_i32, %c0_i32_0 : i32, i32
  }
  func.func @transform_9(%arg0: i32) -> (i32, i32) {
    %c0_i32 = arith.constant 0 : i32
    %c0_i32_0 = arith.constant 0 : i32
    %c0_i32_1 = arith.constant 0 : i32
    return %c0_i32, %c0_i32_0 : i32, i32
  }
  func.func @transform_10(%arg0: i32) -> (i32, i32) {
    %c0_i32 = arith.constant 0 : i32
    %c0_i32_0 = arith.constant 0 : i32
    %c0_i32_1 = arith.constant 0 : i32
    return %c0_i32, %c0_i32_0 : i32, i32
  }
  func.func @transform_11(%arg0: i32) -> (i32, i32) {
    %c0_i32 = arith.constant 0 : i32
    %c0_i32_0 = arith.constant 0 : i32
    %c0_i32_1 = arith.constant 0 : i32
    return %c0_i32, %c0_i32_0 : i32, i32
  }
  func.func @transform_12(%arg0: i32) -> (i32, i32) {
    %c0_i32 = arith.constant 0 : i32
    %c0_i32_0 = arith.constant 0 : i32
    %c0_i32_1 = arith.constant 0 : i32
    return %c0_i32, %c0_i32_0 : i32, i32
  }
  func.func @transform_13(%arg0: i32) -> (i32, i32) {
    %c0_i32 = arith.constant 0 : i32
    %c0_i32_0 = arith.constant 0 : i32
    %c0_i32_1 = arith.constant 0 : i32
    return %c0_i32, %c0_i32_0 : i32, i32
  }
  func.func @transform_14(%arg0: i32) -> (i32, i32) {
    %c0_i32 = arith.constant 0 : i32
    %c0_i32_0 = arith.constant 0 : i32
    return %arg0, %c0_i32 : i32, i32
  }
  func.func @transform_15(%arg0: i32) -> (i32, i32) {
    %c0_i32 = arith.constant 0 : i32
    %c0_i32_0 = arith.constant 0 : i32
    return %arg0, %c0_i32 : i32, i32
  }
}

module attributes {stable_mosaic.version = 14 : i64} {
  func.func @_dsum_body(%arg0: i32, %arg1: memref<32x80x128xf32, #tpu.memory_space<vmem>>, %arg2: memref<80x128xf32, #tpu.memory_space<vmem>>) attributes {dimension_semantics = [#tpu.dimension_semantics<arbitrary>], iteration_bounds = array<i64: 1>, scalar_prefetch = 0 : i64, scratch_operands = 0 : i64, tpu.core_type = #tpu.core_type<tc>, window_params = [{pipeline_mode = #tpu.pipeline_mode<synchronous>, transform_indices = @transform_0, window_bounds = array<i64: 32, 80, 128>}, {pipeline_mode = #tpu.pipeline_mode<synchronous>, transform_indices = @transform_1, window_bounds = array<i64: 80, 128>}]} {
    %get3A = arith.constant 0 : index
    %get3A_0 = arith.constant 0 : index
    %get3A_1 = arith.constant 0 : index
    %get3A_2 = vector.load %arg1[%get3A, %get3A_0, %get3A_1] : memref<32x80x128xf32, #tpu.memory_space<vmem>>, vector<32x80x128xf32>
    %reduce_sum3A = arith.constant dense<0.000000e+00> : vector<80x128xf32>
    %reduce_sum3A_3 = vector.multi_reduction <add>, %get3A_2, %reduce_sum3A [0] : vector<32x80x128xf32> to vector<80x128xf32>
    %swap3A = arith.constant 0 : index
    %swap3A_4 = arith.constant 0 : index
    %swap3A_5 = vector.load %arg2[%swap3A, %swap3A_4] : memref<80x128xf32, #tpu.memory_space<vmem>>, vector<80x128xf32>
    tpu.vector_store %arg2[%swap3A, %swap3A_4], %reduce_sum3A_3 {strides = array<i32>} : memref<80x128xf32, #tpu.memory_space<vmem>>, vector<80x128xf32>,
    return
  }
  func.func @transform_0(%arg0: i32) -> (i32, i32, i32) {
    %c0_i32 = arith.constant 0 : i32
    %c0_i32_0 = arith.constant 0 : i32
    %c0_i32_1 = arith.constant 0 : i32
    %c0_i32_2 = arith.constant 0 : i32
    return %c0_i32, %c0_i32_0, %c0_i32_1 : i32, i32, i32
  }
  func.func @transform_1(%arg0: i32) -> (i32, i32) {
    %c0_i32 = arith.constant 0 : i32
    %c0_i32_0 = arith.constant 0 : i32
    %c0_i32_1 = arith.constant 0 : i32
    return %c0_i32, %c0_i32_0 : i32, i32
  }
}

module attributes {stable_mosaic.version = 14 : i64} {
  func.func @_update_body(%arg0: i32, %arg1: memref<2x2000x128xf32, #tpu.memory_space<vmem>>, %arg2: memref<2000x1xf32, #tpu.memory_space<vmem>>, %arg3: memref<2000x128xf32, #tpu.memory_space<vmem>>, %arg4: memref<128x384xf32, #tpu.memory_space<vmem>>, %arg5: memref<128x384xf32, #tpu.memory_space<vmem>>, %arg6: memref<1x384xf32, #tpu.memory_space<vmem>>, %arg7: memref<1x384xf32, #tpu.memory_space<vmem>>, %arg8: memref<128x128xf32, #tpu.memory_space<vmem>>, %arg9: memref<1x128xf32, #tpu.memory_space<vmem>>, %arg10: memref<2000x128xf32, #tpu.memory_space<vmem>>) attributes {dimension_semantics = [#tpu.dimension_semantics<arbitrary>], iteration_bounds = array<i64: 5>, scalar_prefetch = 0 : i64, scratch_operands = 0 : i64, tpu.core_type = #tpu.core_type<tc>, window_params = [{transform_indices = @transform_0, window_bounds = array<i64: 2, 2000, 128>}, {transform_indices = @transform_1, window_bounds = array<i64: 2000, 1>}, {transform_indices = @transform_2, window_bounds = array<i64: 2000, 128>}, {pipeline_mode = #tpu.pipeline_mode<synchronous>, transform_indices = @transform_3, window_bounds = array<i64: 128, 384>}, {pipeline_mode = #tpu.pipeline_mode<synchronous>, transform_indices = @transform_4, window_bounds = array<i64: 128, 384>}, {pipeline_mode = #tpu.pipeline_mode<synchronous>, transform_indices = @transform_5, window_bounds = array<i64: 1, 384>}, {pipeline_mode = #tpu.pipeline_mode<synchronous>, transform_indices = @transform_6, window_bounds = array<i64: 1, 384>}, {pipeline_mode = #tpu.pipeline_mode<synchronous>, transform_indices = @transform_7, window_bounds = array<i64: 128, 128>}, {pipeline_mode = #tpu.pipeline_mode<synchronous>, transform_indices = @transform_8, window_bounds = array<i64: 1, 128>}, {transform_indices = @transform_9, window_bounds = array<i64: 2000, 128>}]} {
    %get3A = arith.constant 0 : index
    %get3A_0 = arith.constant 0 : index
    %get3A_1 = arith.constant 0 : index
    %get3A_2 = vector.load %arg1[%get3A, %get3A_0, %get3A_1] : memref<2x2000x128xf32, #tpu.memory_space<vmem>>, vector<1x2000x128xf32>
    %get3A_3 = vector.shape_cast %get3A_2 : vector<1x2000x128xf32> to vector<2000x128xf32>
    %get3A_4 = arith.constant 1 : index
    %get3A_5 = arith.constant 0 : index
    %get3A_6 = arith.constant 0 : index
    %get3A_7 = vector.load %arg1[%get3A_4, %get3A_5, %get3A_6] : memref<2x2000x128xf32, #tpu.memory_space<vmem>>, vector<1x2000x128xf32>
    %get3A_8 = vector.shape_cast %get3A_7 : vector<1x2000x128xf32> to vector<2000x128xf32>
    %add3A = arith.addf %get3A_3, %get3A_8 : vector<2000x128xf32>
    %get3A_9 = arith.constant 0 : index
    %get3A_10 = arith.constant 0 : index
    %get3A_11 = vector.load %arg2[%get3A_9, %get3A_10] : memref<2000x1xf32, #tpu.memory_space<vmem>>, vector<2000x1xf32>
    %add3A_12 = arith.constant 9.99999971E-10 : f32
    %add3A_13 = vector.broadcast %add3A_12 : f32 to vector<2000x1xf32>
    %add3A_14 = arith.addf %get3A_11, %add3A_13 : vector<2000x1xf32>
    %div3A = vector.broadcast %add3A_14 : vector<2000x1xf32> to vector<2000x128xf32>
    %div3A_15 = arith.divf %add3A, %div3A : vector<2000x128xf32>
    %get3A_16 = arith.constant 0 : index
    %get3A_17 = arith.constant 0 : index
    %get3A_18 = vector.load %arg4[%get3A_16, %get3A_17] : memref<128x384xf32, #tpu.memory_space<vmem>>, vector<128x384xf32>
    %dot_general3A = arith.constant dense<0.000000e+00> : vector<2000x384xf32>
    %dot_general3A_19 = tpu.matmul %div3A_15, %get3A_18, %dot_general3A {dimension_numbers = #tpu.dot_dimension_numbers<[1], [0], [0], [1], [0, 0, 1, 1], [], []>, transpose_lhs_hint = false} : vector<2000x128xf32>, vector<128x384xf32>, vector<2000x384xf32> -> vector<2000x384xf32>
    %get3A_20 = arith.constant 0 : index
    %get3A_21 = arith.constant 0 : index
    %get3A_22 = vector.load %arg6[%get3A_20, %get3A_21] : memref<1x384xf32, #tpu.memory_space<vmem>>, vector<1x384xf32>
    %add3A_23 = vector.broadcast %get3A_22 : vector<1x384xf32> to vector<2000x384xf32>
    %add3A_24 = arith.addf %dot_general3A_19, %add3A_23 : vector<2000x384xf32>
    %get3A_25 = arith.constant 0 : index
    %get3A_26 = arith.constant 0 : index
    %get3A_27 = vector.load %arg3[%get3A_25, %get3A_26] : memref<2000x128xf32, #tpu.memory_space<vmem>>, vector<2000x128xf32>
    %get3A_28 = arith.constant 0 : index
    %get3A_29 = arith.constant 0 : index
    %get3A_30 = vector.load %arg5[%get3A_28, %get3A_29] : memref<128x384xf32, #tpu.memory_space<vmem>>, vector<128x384xf32>
    %dot_general3A_31 = arith.constant dense<0.000000e+00> : vector<2000x384xf32>
    %dot_general3A_32 = tpu.matmul %get3A_27, %get3A_30, %dot_general3A_31 {dimension_numbers = #tpu.dot_dimension_numbers<[1], [0], [0], [1], [0, 0, 1, 1], [], []>, transpose_lhs_hint = false} : vector<2000x128xf32>, vector<128x384xf32>, vector<2000x384xf32> -> vector<2000x384xf32>
    %get3A_33 = arith.constant 0 : index
    %get3A_34 = arith.constant 0 : index
    %get3A_35 = vector.load %arg7[%get3A_33, %get3A_34] : memref<1x384xf32, #tpu.memory_space<vmem>>, vector<1x384xf32>
    %add3A_36 = vector.broadcast %get3A_35 : vector<1x384xf32> to vector<2000x384xf32>
    %add3A_37 = arith.addf %dot_general3A_32, %add3A_36 : vector<2000x384xf32>
    %slice3A = vector.extract_strided_slice %add3A_24 {offsets = [0, 0], sizes = [2000, 128], strides = [1, 1]} : vector<2000x384xf32> to vector<2000x128xf32>
    %slice3A_38 = vector.extract_strided_slice %add3A_37 {offsets = [0, 0], sizes = [2000, 128], strides = [1, 1]} : vector<2000x384xf32> to vector<2000x128xf32>
    %add3A_39 = arith.addf %slice3A, %slice3A_38 : vector<2000x128xf32>
    %logistic3A = arith.negf %add3A_39 : vector<2000x128xf32>
    %logistic3A_40 = math.exp %logistic3A : vector<2000x128xf32>
    %logistic3A_41 = arith.constant 1.000000e+00 : f32
    %logistic3A_42 = vector.broadcast %logistic3A_41 : f32 to vector<2000x128xf32>
    %logistic3A_43 = arith.addf %logistic3A_42, %logistic3A_40 : vector<2000x128xf32>
    %logistic3A_44 = arith.divf %logistic3A_42, %logistic3A_43 : vector<2000x128xf32>
    %slice3A_45 = vector.extract_strided_slice %add3A_24 {offsets = [0, 128], sizes = [2000, 128], strides = [1, 1]} : vector<2000x384xf32> to vector<2000x128xf32>
    %slice3A_46 = vector.extract_strided_slice %add3A_37 {offsets = [0, 128], sizes = [2000, 128], strides = [1, 1]} : vector<2000x384xf32> to vector<2000x128xf32>
    %add3A_47 = arith.addf %slice3A_45, %slice3A_46 : vector<2000x128xf32>
    %logistic3A_48 = arith.negf %add3A_47 : vector<2000x128xf32>
    %logistic3A_49 = math.exp %logistic3A_48 : vector<2000x128xf32>
    %logistic3A_50 = arith.constant 1.000000e+00 : f32
    %logistic3A_51 = vector.broadcast %logistic3A_50 : f32 to vector<2000x128xf32>
    %logistic3A_52 = arith.addf %logistic3A_51, %logistic3A_49 : vector<2000x128xf32>
    %logistic3A_53 = arith.divf %logistic3A_51, %logistic3A_52 : vector<2000x128xf32>
    %slice3A_54 = vector.extract_strided_slice %add3A_24 {offsets = [0, 256], sizes = [2000, 128], strides = [1, 1]} : vector<2000x384xf32> to vector<2000x128xf32>
    %slice3A_55 = vector.extract_strided_slice %add3A_37 {offsets = [0, 256], sizes = [2000, 128], strides = [1, 1]} : vector<2000x384xf32> to vector<2000x128xf32>
    %mul3A = arith.mulf %logistic3A_44, %slice3A_55 : vector<2000x128xf32>
    %add3A_56 = arith.addf %slice3A_54, %mul3A : vector<2000x128xf32>
    %tanh3A = math.tanh %add3A_56 : vector<2000x128xf32>
    %sub3A = arith.constant 1.000000e+00 : f32
    %sub3A_57 = vector.broadcast %sub3A : f32 to vector<2000x128xf32>
    %sub3A_58 = arith.subf %sub3A_57, %logistic3A_53 : vector<2000x128xf32>
    %mul3A_59 = arith.mulf %sub3A_58, %tanh3A : vector<2000x128xf32>
    %get3A_60 = arith.constant 0 : index
    %get3A_61 = arith.constant 0 : index
    %get3A_62 = vector.load %arg3[%get3A_60, %get3A_61] : memref<2000x128xf32, #tpu.memory_space<vmem>>, vector<2000x128xf32>
    %mul3A_63 = arith.mulf %logistic3A_53, %get3A_62 : vector<2000x128xf32>
    %add3A_64 = arith.addf %mul3A_59, %mul3A_63 : vector<2000x128xf32>
    %get3A_65 = arith.constant 0 : index
    %get3A_66 = arith.constant 0 : index
    %get3A_67 = vector.load %arg8[%get3A_65, %get3A_66] : memref<128x128xf32, #tpu.memory_space<vmem>>, vector<128x128xf32>
    %dot_general3A_68 = arith.constant dense<0.000000e+00> : vector<2000x128xf32>
    %dot_general3A_69 = tpu.matmul %add3A_64, %get3A_67, %dot_general3A_68 {dimension_numbers = #tpu.dot_dimension_numbers<[1], [0], [0], [1], [0, 0, 1, 1], [], []>, transpose_lhs_hint = false} : vector<2000x128xf32>, vector<128x128xf32>, vector<2000x128xf32> -> vector<2000x128xf32>
    %get3A_70 = arith.constant 0 : index
    %get3A_71 = arith.constant 0 : index
    %get3A_72 = vector.load %arg9[%get3A_70, %get3A_71] : memref<1x128xf32, #tpu.memory_space<vmem>>, vector<1x128xf32>
    %add3A_73 = vector.broadcast %get3A_72 : vector<1x128xf32> to vector<2000x128xf32>
    %add3A_74 = arith.addf %dot_general3A_69, %add3A_73 : vector<2000x128xf32>
    %max3A = arith.constant 0.000000e+00 : f32
    %max3A_75 = vector.broadcast %max3A : f32 to vector<2000x128xf32>
    %max3A_76 = arith.maximumf %add3A_74, %max3A_75 : vector<2000x128xf32>
    %swap3A = arith.constant 0 : index
    %swap3A_77 = arith.constant 0 : index
    %swap3A_78 = vector.load %arg10[%swap3A, %swap3A_77] : memref<2000x128xf32, #tpu.memory_space<vmem>>, vector<2000x128xf32>
    tpu.vector_store %arg10[%swap3A, %swap3A_77], %max3A_76 {strides = array<i32>} : memref<2000x128xf32, #tpu.memory_space<vmem>>, vector<2000x128xf32>,
    return
  }
  func.func @transform_0(%arg0: i32) -> (i32, i32, i32) {
    %c0_i32 = arith.constant 0 : i32
    %c0_i32_0 = arith.constant 0 : i32
    %c0_i32_1 = arith.constant 0 : i32
    return %c0_i32, %arg0, %c0_i32_0 : i32, i32, i32
  }
  func.func @transform_1(%arg0: i32) -> (i32, i32) {
    %c0_i32 = arith.constant 0 : i32
    %c0_i32_0 = arith.constant 0 : i32
    return %arg0, %c0_i32 : i32, i32
  }
  func.func @transform_2(%arg0: i32) -> (i32, i32) {
    %c0_i32 = arith.constant 0 : i32
    %c0_i32_0 = arith.constant 0 : i32
    return %arg0, %c0_i32 : i32, i32
  }
  func.func @transform_3(%arg0: i32) -> (i32, i32) {
    %c0_i32 = arith.constant 0 : i32
    %c0_i32_0 = arith.constant 0 : i32
    %c0_i32_1 = arith.constant 0 : i32
    return %c0_i32, %c0_i32_0 : i32, i32
  }
  func.func @transform_4(%arg0: i32) -> (i32, i32) {
    %c0_i32 = arith.constant 0 : i32
    %c0_i32_0 = arith.constant 0 : i32
    %c0_i32_1 = arith.constant 0 : i32
    return %c0_i32, %c0_i32_0 : i32, i32
  }
  func.func @transform_5(%arg0: i32) -> (i32, i32) {
    %c0_i32 = arith.constant 0 : i32
    %c0_i32_0 = arith.constant 0 : i32
    %c0_i32_1 = arith.constant 0 : i32
    return %c0_i32, %c0_i32_0 : i32, i32
  }
  func.func @transform_6(%arg0: i32) -> (i32, i32) {
    %c0_i32 = arith.constant 0 : i32
    %c0_i32_0 = arith.constant 0 : i32
    %c0_i32_1 = arith.constant 0 : i32
    return %c0_i32, %c0_i32_0 : i32, i32
  }
  func.func @transform_7(%arg0: i32) -> (i32, i32) {
    %c0_i32 = arith.constant 0 : i32
    %c0_i32_0 = arith.constant 0 : i32
    %c0_i32_1 = arith.constant 0 : i32
    return %c0_i32, %c0_i32_0 : i32, i32
  }
  func.func @transform_8(%arg0: i32) -> (i32, i32) {
    %c0_i32 = arith.constant 0 : i32
    %c0_i32_0 = arith.constant 0 : i32
    %c0_i32_1 = arith.constant 0 : i32
    return %c0_i32, %c0_i32_0 : i32, i32
  }
  func.func @transform_9(%arg0: i32) -> (i32, i32) {
    %c0_i32 = arith.constant 0 : i32
    %c0_i32_0 = arith.constant 0 : i32
    return %arg0, %c0_i32 : i32, i32
  }
}

</mosaic_0001>

<sc_bundles>
// kernel: kernel.6.cloned.1.call-start
scs
__scs_entry_jumppad:
0x0: {  	(pc) =	sbr.rel $0x88, $3  }
0x1: {  	(tag) =	ssettag $0x0;
	lr =	simm.s32 $0x1  }
0x2: {  	[smem:$0x3F8F] =	sst lr;
	_ =	strace $0xD0000000  }
0x3: {  	_ = 	snop  }
0x4: {  	_ = 	snop  }
0x5: {  	_ = 	snop  }
0x6: {  	_ = 	snop  }
0x7: {  	_ = 	snop  }
__scs_overlays_trampoline_lowered:
0x8: {  	[smem:$0x3F9E] =	sst s0  }
0x9: {  	[smem:$0x3F9F] =	sst s1  }
0xa: {  	[smem:$0x3FA0] =	sst s2  }
0xb: {  	[smem:$0x3FA1] =	sst s3  }
0xc: {  	[smem:$0x3FA2] =	sst s4  }
0xd: {  	[smem:$0x3FA3] =	sst s5  }
0xe: {  	[smem:$0x3FA4] =	sst s6  }
0xf: {  	[smem:$0x3FA5] =	sst s7  }
0x10: {  	[smem:$0x3FA6] =	sst s8  }
0x11: {  	[smem:$0x3FA7] =	sst s9;
	s0 =	simm.s32 @!p0 $0x0  }
0x12: {  	s1 =	sld [smem:$0x3F8D];
	s0 =	simm.s32 @p0 $0x1  }
0x13: {  	[smem:$0x3FA8] =	sst s0;
	s0 =	simm.s32 @!p1 $0x0  }
0x14: {  	s2 =	sld [smem:$0x3F8C];
	s0 =	simm.s32 @p1 $0x1  }
0x15: {  	[smem:$0x3FA9] =	sst s0;
	s0 =	simm.s32 @!p2 $0x0  }
0x16: {  	s3 =	sld [smem:$0x3FDB];
	s0 =	simm.s32 @p2 $0x1  }
0x17: {  	s4 =	simm.s32 $0x1BF5;
	[smem:$0x3FAB] =	sst s0  }
0x18: {  	s0 =	sld [smem:$0x3F8E];
	_ =	swait.ge [sflag:s4], $0x0  }
0x19: {  	s7 =	sld [smem:$0x3F8F]  }
0x1a: {  	s8 =	sadd.s32 $0xFFFFE003, lr  }
0x1b: {  	s9 =	sadd.s32 $0xFFFFFEF7, lr;
	s5 =	simm.s32 $0xFFFFFFFF;
	p2 =	slt.u32 s8, $0xFFFFF086  }
0x1c: {  	p1 =	slt.u32 s9, $0xF7A;
	s5 =	simm.s32 @!p2 $0x0  }
0x1d: {  	s5 =	simm.s32 @p1 $0x1;
	p0 =	seq.s32 s7, s2  }
0x1e: {  	s7 =	smul.u32 @!p0 $0xF7A, s2;
	p2 =	seq.s32 @!p0 s5, $0x0  }
0x1f: {  	s9 =	smul.u32 $0xF7A, s1;
	s8 =	simm.s32 @!p0 $0x1BF5;
	p2 =	por !p2, p0  }
0x20: {  	[sflag:s8] =	ssyncset.s32 @!p0 $0xFFFFF086;
	s6 =	sadd.s32 @!p0 s3, s7;
	s7 =	simm.s32 @!p0 $0x108  }
0x21: {  	s3 =	sadd.s32 s3, s9;
	s6 =	sadd.s32 @!p0 $0x88, s6;
	s7 =	simm.s32 @p2 $0x1082  }
0x22: {  	[simem:s7], [sflag:s8] =	dma.local @!p0 [hbm:s6], $0xF7A  }
0x23: {  	s9 =	sor.u32 $0xD0000000, s2;
	s6 =	simm.s32 $0x108;
	_ =	swait.ge @!p0 [sflag:s8], $0x0  }
0x24: {  	s3 =	sadd.s32 $0x88, s3;
	s6 =	simm.s32 @!p1 $0x1082;
	[sflag:s4] =	ssyncset.s32 $0xFFFFF086  }
0x25: {  	[simem:s6], [sflag:s4] =	dma.local [hbm:s3], $0xF7A  }
0x26: {  	[smem:$0x3F8F] =	sst s1;
	(tag) =	ssettag s2;
	_ =	strace s9  }
0x27: {  	s1 =	sld [smem:$0x3F9F]  }
0x28: {  	s2 =	sld [smem:$0x3FA0]  }
0x29: {  	s4 =	sld [smem:$0x3FA2]  }
0x2a: {  	p0 =	seq.s32 s5, $0x0;
	s5 =	sld [smem:$0x3FA3]  }
0x2b: {  	s6 =	sld [smem:$0x3FA4]  }
0x2c: {  	s7 =	sld [smem:$0x3FA5]  }
0x2d: {  	s3 =	simm.s32 $0x108;
	s8 =	sld [smem:$0x3FA6]  }
0x2e: {  	s3 =	simm.s32 @!p0 $0x1082;
	s9 =	sld [smem:$0x3FA7]  }
0x2f: {  	lr =	sadd.s32 s0, s3;
	s0 =	sld [smem:$0x3F9E]  }
0x30: {  	s3 =	sld [smem:$0x3FA1]  }
0x31: {  	[smem:$0x3FAA] =	sst s10  }
0x32: {  	s10 =	sld [smem:$0x3FA8];
	_ =	sdelay $0x3  }
0x33: {  	p0 =	seq.s32 s10, $0x1;
	s10 =	sld [smem:$0x3FAA];
	_ =	sdelay $0x3  }
0x34: {  	[smem:$0x3FAA] =	sst s10  }
0x35: {  	s10 =	sld [smem:$0x3FA9];
	_ =	sdelay $0x3  }
0x36: {  	p1 =	seq.s32 s10, $0x1;
	s10 =	sld [smem:$0x3FAA];
	_ =	sdelay $0x3  }
0x37: {  	[smem:$0x3FAA] =	sst s10  }
0x38: {  	s10 =	sld [smem:$0x3FAB]  }
0x39: {  	_ = 	snop;
	(pc) =	sbr.ind lr, $3  }
0x3a: {  	_ = 	snop  }
0x3b: {  	_ = 	snop  }
0x3c: {  	p2 =	seq.s32 s10, $0x1;
	s10 =	sld [smem:$0x3FAA]  }
0x3d: {  	_ =	shalt  }
0x3e: {  	_ =	shalt  }
0x3f: {  	_ =	shalt  }
0x40: {  	_ =	shalt  }
0x41: {  	_ =	shalt  }
0x42: {  	_ =	shalt  }
0x43: {  	_ =	shalt  }
0x44: {  	_ =	shalt  }
0x45: {  	_ =	shalt  }
0x46: {  	_ =	shalt  }
0x47: {  	_ =	shalt  }
0x48: {  	_ =	shalt  }
0x49: {  	_ =	shalt  }
0x4a: {  	_ =	shalt  }
0x4b: {  	_ =	shalt  }
0x4c: {  	_ =	shalt  }
0x4d: {  	_ =	shalt  }
0x4e: {  	_ =	shalt  }
0x4f: {  	_ =	shalt  }
0x50: {  	_ =	shalt  }
0x51: {  	_ =	shalt  }
0x52: {  	_ =	shalt  }
0x53: {  	_ =	shalt  }
0x54: {  	_ =	shalt  }
0x55: {  	_ =	shalt  }
0x56: {  	_ =	shalt  }
0x57: {  	_ =	shalt  }
0x58: {  	_ =	shalt  }
0x59: {  	_ =	shalt  }
0x5a: {  	_ =	shalt  }
0x5b: {  	_ =	shalt  }
0x5c: {  	_ =	shalt  }
0x5d: {  	_ =	shalt  }
0x5e: {  	_ =	shalt  }
0x5f: {  	_ =	shalt  }
0x60: {  	_ =	shalt  }
0x61: {  	_ =	shalt  }
0x62: {  	_ =	shalt  }
0x63: {  	_ =	shalt  }
0x64: {  	_ =	shalt  }
0x65: {  	_ =	shalt  }
0x66: {  	_ =	shalt  }
0x67: {  	_ =	shalt  }
0x68: {  	_ =	shalt  }
0x69: {  	_ =	shalt  }
0x6a: {  	_ =	shalt  }
0x6b: {  	_ =	shalt  }
0x6c: {  	_ =	shalt  }
0x6d: {  	_ =	shalt  }
0x6e: {  	_ =	shalt  }
0x6f: {  	_ =	shalt  }
0x70: {  	_ =	shalt  }
0x71: {  	_ =	shalt  }
0x72: {  	_ =	shalt  }
0x73: {  	_ =	shalt  }
0x74: {  	_ =	shalt  }
0x75: {  	_ =	shalt  }
0x76: {  	_ =	shalt  }
0x77: {  	_ =	shalt  }
0x78: {  	_ =	shalt  }
0x79: {  	_ =	shalt  }
0x7a: {  	_ =	shalt  }
0x7b: {  	_ =	shalt  }
0x7c: {  	_ =	shalt  }
0x7d: {  	_ =	shalt  }
0x7e: {  	_ =	shalt  }
0x7f: {  	_ =	shalt  }
0x80: {  	_ =	shalt  }
0x81: {  	_ =	shalt  }
0x82: {  	_ =	shalt  }
0x83: {  	_ =	shalt  }
0x84: {  	_ =	shalt  }
0x85: {  	_ =	shalt  }
0x86: {  	_ =	shalt  }
0x87: {  	_ =	shalt  }
.Lfunc_end0:
.L_simem_size_0:
called_computation_lowered:
.L_overlay_start_0:
0x88: {  	s2 =	sld [smem:$0x3FD9]  }
0x89: {  	s3 =	sld [smem:$0x3FFE];
	_ =	sdelay $0x1  }
0x8a: {  	s1 =	srdreg.scid  }
0x8b: {  	s0 =	sand.u32 $0x1, s1  }
0x8c: {  	s17 =	sshll.u32 s0, $0xA;
	s2 =	sadd.s32 s3, s2  }
0x8d: {  	s2 =	sadd.s32 s2, s17  }
0x8e: {  	[smem:$0x3FB6] =	sst s2  }
0x8f: {  	_ = 	snop  }
0x90: {  	s2 =	sld [smem:$0x3FBF]  }
0x91: {  	s18 =	sld [smem:$0x3FD0];
	(tm) =	ssettm $0x1  }
0x92: {  	s4 =	sld [smem:$0x3FFB];
	_ =	sdelay $0x3  }
0x93: {  	_ =	strace s4  }
0x94: {  	s4 =	sld [smem:$0x3FFC];
	_ =	sdelay $0x3  }
0x95: {  	_ =	strace s4  }
0x96: {  	s4 =	sld [smem:$0x3FFD];
	_ =	sdelay $0x3  }
0x97: {  	_ =	strace s4  }
0x98: {  	_ =	strace $0x8FFFFFFF  }
0x99: {  	s19 =	sld [smem:$0x3FDB];
	_ =	sdelay $0x1  }
0x9a: {  	s5 =	simm.s32 $_scs_section_size  }
0x9b: {  	s6 =	simm.s32 $_size__tile_overlayer_lowered;
	s7 =	simm.s32 $_tile_overlayer_lowered  }
0x9c: {  	s22 =	simm.s32 $0x1BFF;
	s21 =	sshll.u32 s7, $0x1;
	s4 =	sadd.s32 s5, s19  }
0x9d: {  	s8 =	simm.s32 $0x0;
	s20 =	sshll.u32 s6, $0x1;
	s6 =	sadd.s32 s21, s4  }
0x9e: {  	[timem:s8], [sflag:s22] =	dma.local [hbm:s6], s20  }
0x9f: {  	_ =	swait.ge [sflag:s22], s20  }
0xa0: {  	s5 =	ssub.s32 $0x0, s20;
	[sflag:s22] =	ssyncset.done $0x0  }
0xa1: {  	[sflag:s22] =	ssyncadd.s32 s5;
	_ =	sdelay $0x1  }
0xa2: {  	s23 =	simm.s32 $0x1B8B  }
0xa3: {  	_ =	swait.ge [sflag:s23], $0x1  }
0xa4: {  	[sflag:s23] =	ssyncset.done $0x0  }
0xa5: {  	s25 =	simm.s32 $0x1B8E;
	s24 =	sld [smem:$0x3FFE];
	[sflag:s23] =	ssyncadd.s32 $0xFFFFFFFF  }
0xa6: {  	s26 =	simm.s32 $execute0_lowered;
	[smem:$0x3FD2] =	sst s25  }
0xa7: {  	s6 =	sshll.u32 s26, $0x1;
	_ =	strace $0x80000046;
	[dreg:$0x1] =	wrdreg $0xFFFFFFFF  }
0xa8: {  	s28 =	simm.s32 $_size_execute0_lowered;
	s4 =	sadd.s32 s4, s6;
	[dreg:$0x0] =	wrdreg $0x0  }
0xa9: {  	s6 =	sshll.u32 s28, $0x1;
	[dreg:$0x2] =	wrdreg s4  }
0xaa: {  	[dreg:$0x3] =	wrdreg s6  }
0xab: {  	[dreg:$0x4] =	wrdreg $0xC0  }
0xac: {  	_ =	task [dreg:s8], $0x5FFFF  }
0xad: {  	[dreg:$0x1] =	wrdreg $0xFFFFFFFF  }
0xae: {  	[dreg:$0x0] =	wrdreg $0x60  }
0xaf: {  	[dreg:$0x2] =	wrdreg s24  }
0xb0: {  	[dreg:$0x3] =	wrdreg s18  }
0xb1: {  	[dreg:$0x4] =	wrdreg s2  }
0xb2: {  	[dreg:$0x5] =	wrdreg $0x7E800  }
0xb3: {  	[dreg:$0x6] =	wrdreg $0x9  }
0xb4: {  	_ =	task.clear_ibuf [dreg:s8], $0x7FFFF;
	_ =	strace $0x90000046  }
0xb5: {  	s29 =	simm.s32 $0x9;
	_ =	strace $0x80000048  }
0xb6: {  	_ =	swait.ge [sflag:s29], $0x1  }
0xb7: {  	[sflag:s29] =	ssyncadd.s32 $0xFFFFFFFF  }
0xb8: {  	_ =	strace $0x90000048  }
0xb9: {  	_ =	sfence  }
0xba: {  	s30 =	sld [smem:$0x0];
	_ =	sdelay $0x2  }
0xbb: {  	s31 =	sshll.u32 s1, $0xD;
	s1 =	sshrl.u32 s1, $0x2  }
0xbc: {  	s3 =	sand.u32 $0x4000, s31;
	s1 =	sadd.s32 s1, s30  }
0xbd: {  	s0 =	sor.u32 s3, s0;
	s1 =	sshll.u32 s1, $0x11  }
0xbe: {  	s0 =	sor.u32 s1, s0  }
0xbf: {  	s0 =	sadd.s32 $0x8F2B, s0  }
0xc0: {  	[sflag:s0] =	ssyncadd.remote.s32 $0x1  }
0xc1: {  	_ =	sfence.sel $0xFFFF  }
0xc2: {  	[dreg:$0x0] =	wrdreg $0xFFFFFFFF;
	(pc) =	sbr.abs _section_cstart, $3  }
0xc3: {  	[dreg:$0x1] =	wrdreg $0xFFFFFFFF  }
0xc4: {  	_ =	task.clear_ibuf [dreg:s8], $0x2FFFF;
	_ =	strace $0x9FFFFFFF  }
0xc5: {  	(tm) =	ssettm $0x7FFFFFFF  }
tec
execute0_lowered:
.L_overlay_start_1:
0x0: {  	(tag) =	ssettag $0x1  }
0x1: {  	s0 =	rddreg [dreg:$0x0]  }
0x2: {  	s11 =	rddreg [dreg:$0x1]  }
0x3: {  	s4 =	rddreg [dreg:$0x3];
	s5 =	simm.s32 $0x0;
	s12 =	stileid.u32  }
0x4: {  	s1 =	srdreg.scid;
	s28 =	simm.s32 $0x1E00;
	s29 =	simm.s32 $0x2600  }
0x5: {  	s30 =	simm.s32 $0x2E00;
	s31 =	simm.s32 $0x3600;
	[smem:$0x7FF] =	sst s5  }
0x6: {  	s2 =	smul.u32 $0x14000, s12;
	s1 =	sand.u32 $0x1, s1;
	s6 =	sadd.s32 $0x9EC00, s0  }
0x7: {  	s9 =	sshrl.u32 s12, $0x3;
	s7 =	sadd.s32 $0x2800, s0;
	s20 =	smul.u32 $0x50000, s12  }
0x8: {  	s10 =	sadd.s32 $0x52800, s0;
	s17 =	sshll.u32 s12, $0x7;
	s3 =	smul.u32 $0x140000, s1  }
0x9: {  	s24 =	sshll.u32 s12, $0x6;
	_ =	strace $0x80000047;
	s8 =	smul.u32 $0x28000, s1  }
0xa: {  	[dreg:$0x5] =	wrdreg s10;
	s9 =	smul.u32 $0x14000, s9;
	s19 =	sshll.u32 s1, $0x4  }
0xb: {  	s1 =	ssub.s32 $0x2, s1;
	s16 =	sshrl.u32 s2, $0x3;
	s21 =	sor.u32 s12, s19  }
0xc: {  	v0 =	vimm.s32 $0x3210FEDC;
	s22 =	sshrl.u32 s1, $0x1;
	s10 =	sshrl.u32 s20, $0x2;
	s19 =	simm.s32 $0x80  }
0xd: {  	v1 =	vimm.s32 $0x76543210;
	v3 =	vimm.s32 $0xFEDCBA98;
	v4 =	vimm.s32 $0xBA987654;
	s20 =	simm.s32 $0x20;
	s2 =	sadd.s32 s2, s3;
	s8 =	sadd.s32 s8, s9  }
0xe: {  	v5 =	vimm.s32 $0x10FEDCBA;
	v6 =	vimm.s32 $0x98765432;
	s3 =	sand.u32 $0x380, s17;
	s18 =	sadd.s32 s16, s0;
	s13 =	smul.u32 $0x2800, s21  }
0xf: {  	v7 =	vimm.s32 $0xFEDCBA9;
	v8 =	vimm.s32 $0x87654321;
	vm0 =	vmmov $0xffff;
	s1 =	ssub.s32 s1, s22;
	s23 =	sadd.s32 s10, s4;
	s10 =	simm.s32 $0x3  }
0x10: {  	v2 =	vunpack.c.l.s4.s8 v0;
	v0 =	vimm.f32 $0.0e+00;
	v4 =	vunpack.c.l.s4.s8 v4;
	s21 =	simm.s32 $0x4600;
	s2 =	sshrl.u32 s2, $0x3;
	s3 =	sor.u32 s3, s8  }
0x11: {  	v1 =	vunpack.c.l.s4.s8 v1;
	v5 =	vunpack.c.l.s4.s8 v5;
	v6 =	vunpack.c.l.s4.s8 v6;
	s9 =	sadd.s32 $0x5C800, s18;
	s26 =	smax.u32 s1, $0x1;
	s18 =	simm.s32 $0x5600  }
0x12: {  	v3 =	vunpack.c.l.s4.s8 v3;
	v2 =	vunpack.c.0.s8.s32 v2;
	v4 =	vunpack.c.0.s8.s32 v4;
	s2 =	sadd.s32 s2, s0;
	s3 =	sshrl.u32 s3, $0x3;
	[dreg:$0x7] =	wrdreg s9  }
0x13: {  	v7 =	vunpack.c.l.s4.s8 v7;
	v8 =	vunpack.c.l.s4.s8 v8;
	v5 =	vunpack.c.0.s8.s32 v5;
	s9 =	sor.u32 $0x1C03, s24;
	[dreg:$0x6] =	wrdreg s13;
	s25 =	sshrl.u32 s13, $0x3  }
0x14: {  	v6 =	vunpack.c.0.s8.s32 v6;
	v3 =	vunpack.c.0.s8.s32 v3;
	v9 =	vcombine.low v4, v2;
	[dreg:$0xc] =	wrdreg s26;
	s24 =	simm.s32 $0x600;
	s26 =	simm.s32 $0x1600  }
0x15: {  	v2 =	vunpack.c.0.s8.s32 v7;
	v4 =	vunpack.c.0.s8.s32 v8;
	v7 =	vlaneseq.u32;
	s0 =	sadd.s32 s3, s0;
	s8 =	sadd.s32 s11, s25;
	[dreg:$0x8] =	wrdreg s9  }
0x16: {  	v6 =	vcombine.low v6, v5;
	v8 =	vunpack.c.0.s8.s32 v1;
	v5 =	vshrl.u32 v7, $0x3;
	s2 =	sadd.s32 $0xEEC00, s2;
	s25 =	simm.s32 $0xE00;
	[dreg:$0x9] =	wrdreg s8  }
0x17: {  	v1 =	vand.u32 $0x7, v7;
	v10 =	vcombine.low v4, v2;
	v2 =	vmul.u32 $0x8, v5;
	s3 =	simm.s32 $0x1;
	[dreg:$0xa] =	wrdreg s2;
	s0 =	sadd.s32 $0x84800, s0  }
0x18: {  	v4 =	vand.u32 $0xF, v3;
	v3 =	vor.u32 $0x8, v7;
	v5 =	vand.u32 $0xF, v9;
	s11 =	simm.s32 $0x0;
	s8 =	sshrl.u32 s23, $0x3;
	[dreg:$0xb] =	wrdreg s0  }
0x19: {  	v6 =	vand.u32 $0xF, v6;
	v4 =	vcombine.low v4, v8;
	s2 =	simm.s32 $0x2;
	s0 =	simm.s32 $0x3E00;
	v7 =	vand.u32 $0xF, v10;
	[dreg:$0xd] =	wrdreg s8  }
.LBB2_1:
0x1a: {  	s1 =	rddreg [dreg:$0x7]  }
0x1b: {  	[spmem:s8], [sflag:s9] =	dma.local [hbm:s1], $0x2800  }
0x1c: {  	_ =	swait.ge [sflag:s10], $0x2800  }
0x1d: {  	[sflag:s10] =	ssyncset.done $0x0  }
0x1e: {  	[sflag:s10] =	ssyncadd.s32 $0xFFFFD800  }
0x1f: {  	s23 =	simm.s32 $0x7E00;
	s22 =	rddreg [dreg:$0x2]  }
0x20: {  	[tilespmem:s23], [sflag:$0x3] =	stream.linear.gather [hbm4b:s22+s5], $0x80, $0x38;
	[tilespmem:$0x1BE80] =	vst v63  }
0x21: {  	_ =	swait.ge [sflag:s10], $0x80  }
0x22: {  	[sflag:s10] =	ssyncset.done $0x0  }
0x23: {  	s1 =	simm.s32 $0x0;
	[sflag:s10] =	ssyncadd.s32 $0xFFFFFF80  }
.LBB2_2:
0x24: {  	p0 =	sne.s32 s1, $0x9FC0  }
.Ltmp0:
0x25: {  	_ = 	snop;
	(pc) =	sbr.rel @p0 .LBB2_2-.Ltmp0, $3  }
0x26: {  	_ =	sdelay $0x1  }
0x27: {  	s8 =	sshra.s32 s1, $0x2  }
0x28: {  	s1 =	sadd.s32 $0x40, s1;
	[tilespmem:s8+$0x5600] =	vst v0  }
0x29: {  	s1 =	simm.s32 $0x0;
	s8 =	simm.s32 $0x200  }
.LBB2_4:
0x2a: {  	p0 =	sne.s32 s8, $0x3E00;
	[tilespmem:s1+$0x4670] =	vst v0  }
0x2b: {  	[tilespmem:s1+$0x4600] =	vst v0  }
0x2c: {  	[tilespmem:s1+$0x4610] =	vst v0  }
.Ltmp1:
0x2d: {  	[tilespmem:s1+$0x4620] =	vst v0;
	(pc) =	sbr.rel @p0 .LBB2_4-.Ltmp1, $4  }
0x2e: {  	[tilespmem:s1+$0x4630] =	vst v0  }
0x2f: {  	[tilespmem:s1+$0x4640] =	vst v0  }
0x30: {  	[tilespmem:s1+$0x4650] =	vst v0  }
0x31: {  	[tilespmem:s1+$0x4660] =	vst v0;
	s1 =	sshra.s32 s8, $0x2;
	s8 =	sadd.s32 $0x200, s8  }
0x32: {  	[tilespmem:s1+$0x4670] =	vst v0  }
0x33: {  	[tilespmem:s1+$0x4600] =	vst v0  }
0x34: {  	[tilespmem:s1+$0x4610] =	vst v0  }
0x35: {  	[tilespmem:s1+$0x4620] =	vst v0  }
0x36: {  	[tilespmem:s1+$0x4630] =	vst v0  }
0x37: {  	[tilespmem:s1+$0x4640] =	vst v0  }
0x38: {  	[tilespmem:s1+$0x4650] =	vst v0  }
0x39: {  	[dreg:$0xe] =	wrdreg s11;
	[tilespmem:s1+$0x4660] =	vst v0  }
0x3a: {  	[bflag:$0x0] =	sbarrier.arrive $0xFFFF  }
0x3b: {  	v8 =	vld [tilespmem:$0x7E00]  }
0x3c: {  	v9 =	vld [tilespmem:$0x7E10]  }
0x3d: {  	v10 =	vld [tilespmem:$0x7E20]  }
0x3e: {  	v11 =	vld [tilespmem:$0x7E30]  }
0x3f: {  	v12 =	vld [tilespmem:$0x7E40]  }
0x40: {  	v13 =	vld [tilespmem:$0x7E50]  }
0x41: {  	s8 =	simm.s32 $0x0;
	v14 =	vld [tilespmem:$0x7E60];
	s23 =	rddreg [dreg:$0x9]  }
0x42: {  	v15 =	vld [tilespmem:$0x7E70];
	[tilespmem:s19], [sflag:$0x3] =	stream.linear.gather [hbm4b:s23+s8], $0x20, $0x38  }
0x43: {  	_ =	swait.ge [sflag:s10], $0x20  }
0x44: {  	[sflag:s10] =	ssyncset.done $0x0  }
0x45: {  	s13 =	simm.s32 $0x0;
	[sflag:s10] =	ssyncadd.s32 $0xFFFFFFE0  }
0x46: {  	[spmem:s4] =	stream.indirect.scatter.add.f32 [tilespmem:s21], [sflag:$0x2], $0x80, s19, s20, $0xb8;
	[tilespmem:$0x1BE80] =	vst v63  }
.LBB2_6:
0x47: {  	s1 =	sshll.u32 s13, $0x9;
	s8 =	rddreg [dreg:$0x6]  }
0x48: {  	s1 =	sadd.s32 s8, s1  }
0x49: {  	s17 =	rddreg [dreg:$0x1];
	s1 =	sshrl.u32 s1, $0x3  }
0x4a: {  	s9 =	simm.s32 $0x200;
	s11 =	simm.s32 $0x0;
	s8 =	sadd.s32 s17, s1  }
0x4b: {  	[tilespmem:s9], [sflag:$0x3] =	stream.linear.gather [hbm4b:s8+s11], $0x200, $0x38;
	[tilespmem:$0x1BE80] =	vst v63  }
0x4c: {  	_ =	swait.ge [sflag:s10], $0x200  }
0x4d: {  	[sflag:s10] =	ssyncset.done $0x0;
	s22 =	rddreg [dreg:$0x5]  }
0x4e: {  	s23 =	simm.s32 $0x400;
	[sflag:s10] =	ssyncadd.s32 $0xFFFFFE00;
	s1 =	sadd.s32 s22, s1  }
0x4f: {  	[tilespmem:s23], [sflag:$0x3] =	stream.linear.gather [hbm4b:s1+s11], $0x200, $0x38;
	[tilespmem:$0x1BE80] =	vst v63  }
0x50: {  	_ =	swait.ge [sflag:s10], $0x200  }
0x51: {  	[sflag:s10] =	ssyncset.done $0x0  }
0x52: {  	s14 =	simm.s32 $0x0;
	[sflag:s10] =	ssyncadd.s32 $0xFFFFFE00  }
.LBB2_7:
0x53: {  	s15 =	sshll.u32 s14, $0x6  }
0x54: {  	v16 =	vld [tilespmem:s15+$0x200];
	_ =	sdelay $0x4  }
0x55: {  	[tilespmem:$0x0] =	vst v16  }
0x56: {  	v16 =	vld [tilespmem:s15+$0x400];
	_ =	sdelay $0x2  }
0x57: {  	v17 =	vld [tilespmem:$0x0];
	_ =	sdelay $0x1  }
0x58: {  	[tilespmem:$0x100] =	vst v16  }
0x59: {  	v16 =	vld [tilespmem:s15+$0x210];
	_ =	sdelay $0x1  }
0x5a: {  	v18 =	vshll.u32 v17, $0x1  }
0x5b: {  	v17 =	vand.u32 $0x7, v17;
	v18 =	vand.u32 $0xFFFFFFF0, v18  }
0x5c: {  	v17 =	vor.u32 v17, v18  }
0x5d: {  	[tilespmem:$0x10] =	vst v16;
	v16 =	vperm.xlane v17, v1  }
0x5e: {  	v63 =	vld [tilespmem:s15+$0x410]  }
0x5f: {  	v17 =	vperm.xlane v17, v3;
	v16 =	vadd.s32 v2, v16;
	_ =	sdelay $0x1  }
0x60: {  	v17 =	vadd.s32 v2, v17;
	_ =	sdelay $0x1  }
0x61: {  	s11 =	simm.s32 $0x0;
	[tilespmem:$0x110] =	vst v63  }
0x62: {  	[tilespmem:s24], [sflag:$0x1] =	stream.indirect_vreg.gather [hbm4b:s6+s11], $0x80, v16, vm0, $0xb8;
	[tilespmem:$0x1BE80] =	vst v63  }
0x63: {  	_ = 	snop  }
0x64: {  	[tilespmem:s25], [sflag:$0x1] =	stream.indirect_vreg.gather [hbm4b:s6+s11], $0x80, v17, vm0, $0xb8;
	[tilespmem:$0x1BE80] =	vst v63  }
0x65: {  	v16 =	vld [tilespmem:$0x10];
	_ =	sdelay $0x4  }
0x66: {  	v17 =	vshll.u32 v16, $0x1  }
0x67: {  	v16 =	vand.u32 $0x7, v16;
	v17 =	vand.u32 $0xFFFFFFF0, v17  }
0x68: {  	v16 =	vor.u32 v16, v17  }
0x69: {  	v17 =	vperm.xlane v16, v1;
	_ =	sdelay $0x1  }
0x6a: {  	v16 =	vperm.xlane v16, v3;
	v17 =	vadd.s32 v2, v17;
	_ =	sdelay $0x1  }
0x6b: {  	v16 =	vadd.s32 v2, v16;
	_ =	sdelay $0x2  }
0x6c: {  	[tilespmem:s26], [sflag:$0x1] =	stream.indirect_vreg.gather [hbm4b:s6+s11], $0x80, v17, vm0, $0xb8;
	[tilespmem:$0x1BE80] =	vst v63  }
0x6d: {  	_ = 	snop  }
0x6e: {  	[tilespmem:s28], [sflag:$0x1] =	stream.indirect_vreg.gather [hbm4b:s6+s11], $0x80, v16, vm0, $0xb8;
	[tilespmem:$0x1BE80] =	vst v63  }
0x6f: {  	v16 =	vld [tilespmem:$0x100];
	_ =	sdelay $0x4  }
0x70: {  	v17 =	vshll.u32 v16, $0x1  }
0x71: {  	v16 =	vand.u32 $0x7, v16;
	v17 =	vand.u32 $0xFFFFFFF0, v17  }
0x72: {  	v16 =	vor.u32 v16, v17  }
0x73: {  	v17 =	vperm.xlane v16, v1;
	_ =	sdelay $0x1  }
0x74: {  	v16 =	vperm.xlane v16, v3;
	v17 =	vadd.s32 v2, v17;
	_ =	sdelay $0x1  }
0x75: {  	v16 =	vadd.s32 v2, v16;
	_ =	sdelay $0x2  }
0x76: {  	[tilespmem:s29], [sflag:$0x1] =	stream.indirect_vreg.gather [hbm4b:s7+s11], $0x80, v17, vm0, $0xb8;
	[tilespmem:$0x1BE80] =	vst v63  }
0x77: {  	_ = 	snop  }
0x78: {  	[tilespmem:s30], [sflag:$0x1] =	stream.indirect_vreg.gather [hbm4b:s7+s11], $0x80, v16, vm0, $0xb8;
	[tilespmem:$0x1BE80] =	vst v63  }
0x79: {  	v16 =	vld [tilespmem:$0x110];
	_ =	sdelay $0x4  }
0x7a: {  	v17 =	vshll.u32 v16, $0x1  }
0x7b: {  	v16 =	vand.u32 $0x7, v16;
	v17 =	vand.u32 $0xFFFFFFF0, v17  }
0x7c: {  	v16 =	vor.u32 v16, v17  }
0x7d: {  	v17 =	vperm.xlane v16, v1;
	_ =	sdelay $0x1  }
0x7e: {  	v16 =	vperm.xlane v16, v3;
	v17 =	vadd.s32 v2, v17;
	_ =	sdelay $0x1  }
0x7f: {  	v16 =	vadd.s32 v2, v16;
	_ =	sdelay $0x2  }
0x80: {  	[tilespmem:s31], [sflag:$0x1] =	stream.indirect_vreg.gather [hbm4b:s7+s11], $0x80, v17, vm0, $0xb8;
	[tilespmem:$0x1BE80] =	vst v63  }
0x81: {  	_ = 	snop  }
0x82: {  	[tilespmem:s0], [sflag:$0x1] =	stream.indirect_vreg.gather [hbm4b:s7+s11], $0x80, v16, vm0, $0xb8;
	[tilespmem:$0x1BE80] =	vst v63  }
0x83: {  	_ =	swait.ge [sflag:s2], $0x1000  }
0x84: {  	[sflag:s2] =	ssyncset.done $0x0  }
0x85: {  	[sflag:s2] =	ssyncadd.s32 $0xFFFFF000  }
0x86: {  	_ =	swait.ge [sflag:s3], $0x2000  }
0x87: {  	[sflag:s3] =	ssyncset.done $0x0  }
0x88: {  	[sflag:s3] =	ssyncadd.s32 $0xFFFFE000  }
0x89: {  	s16 =	simm.s32 $0x4700;
	p0 =	por $0x0, $0x0;
	_ =	swait.ge [sflag:s3], $0x2000  }
0x8a: {  	s10 =	simm.s32 $0x0;
	s1 =	simm.s32 $0x0;
	[sflag:s3] =	ssyncset.done $0x0  }
0x8b: {  	s22 =	simm.s32 $0x0;
	s23 =	simm.s32 $0x0;
	[sflag:s3] =	ssyncadd.s32 $0xFFFFE000  }
.LBB2_8:
0x8c: {  	s8 =	sand.u32 $0x1800, s23;
	s9 =	sand.u32 $0x200, s1  }
0x8d: {  	s9 =	sor.u32 s9, s8  }
0x8e: {  	v16 =	vld [tilespmem:s9+$0x600]  }
0x8f: {  	v17 =	vld [tilespmem:s9+$0x2600]  }
0x90: {  	v18 =	vld [tilespmem:s9+$0x610]  }
0x91: {  	v19 =	vld [tilespmem:s9+$0x2610]  }
0x92: {  	v20 =	vld [tilespmem:s9+$0x620]  }
0x93: {  	v21 =	vld [tilespmem:s9+$0x2620]  }
0x94: {  	v22 =	vld [tilespmem:s9+$0x630]  }
0x95: {  	v23 =	vld [tilespmem:s9+$0x2630]  }
0x96: {  	v24 =	vld [tilespmem:s9+$0x640]  }
0x97: {  	v25 =	vld [tilespmem:s9+$0x2640]  }
0x98: {  	v27 =	vld [tilespmem:s9+$0x660]  }
0x99: {  	v61 =	vld [tilespmem:s9+$0x670]  }
0x9a: {  	v63 =	vld [tilespmem:s9+$0x2670]  }
0x9b: {  	v60 =	vld [tilespmem:s9+$0x2660]  }
0x9c: {  	v16 =	vadd.f32 v17, v16  }
0x9d: {  	v18 =	vadd.f32 v19, v18;
	v20 =	vadd.f32 v21, v20  }
0x9e: {  	v59 =	vld [tilespmem:s9+$0x2650];
	v22 =	vadd.f32 v23, v22;
	v24 =	vadd.f32 v25, v24  }
0x9f: {  	v17 =	vld [tilespmem:s9+$0x650];
	v23 =	vadd.f32 v63, v61;
	v26 =	vmul.f32 $9.999999770e-03, v16;
	v28 =	vmul.f32 $9.999999770e-03, v18  }
0xa0: {  	v21 =	vadd.f32 v60, v27;
	v62 =	vmul.f32 $9.999999770e-03, v20;
	v29 =	vmul.f32 $9.999999770e-03, v22  }
0xa1: {  	vm1 =	vgt.f32 v16, $0.0e+00;
	v25 =	vmul.f32 $9.999999770e-03, v24;
	v35 =	vmul.f32 $9.999999770e-03, v23  }
0xa2: {  	v34 =	vmul.f32 $9.999999770e-03, v21;
	vm2 =	vgt.f32 v23, $0.0e+00;
	v16 =	vsel vm1, v16, v26  }
0xa3: {  	vm1 =	vgt.f32 v18, $0.0e+00;
	v23 =	vsel vm2, v23, v35;
	v16 =	vmul.f32 v16, v8  }
0xa4: {  	v18 =	vsel vm1, v18, v28;
	vm1 =	vgt.f32 v20, $0.0e+00;
	v17 =	vadd.f32 v59, v17  }
0xa5: {  	v23 =	vmul.f32 v23, v15;
	v20 =	vsel vm1, v20, v62;
	vm1 =	vgt.f32 v22, $0.0e+00  }
0xa6: {  	v22 =	vsel vm1, v22, v29;
	vm1 =	vgt.f32 v24, $0.0e+00;
	v33 =	vmul.f32 $9.999999770e-03, v17  }
0xa7: {  	v18 =	vmul.f32 v18, v9;
	v32 =	vsel vm1, v24, v25;
	vm1 =	vgt.f32 v17, $0.0e+00  }
0xa8: {  	v20 =	vmul.f32 v20, v10;
	v17 =	vsel vm1, v17, v33;
	vm1 =	vgt.f32 v21, $0.0e+00  }
0xa9: {  	v22 =	vmul.f32 v22, v11;
	v19 =	vmul.f32 v32, v12;
	v21 =	vsel vm1, v21, v34  }
0xaa: {  	v17 =	vmul.f32 v17, v13;
	v21 =	vmul.f32 v21, v14  }
0xab: {  	v16 =	vadd.f32 v18, v16;
	v36 =	vadd.f32 v22, v20  }
0xac: {  	v17 =	vadd.f32 v17, v19;
	v37 =	vadd.f32 v23, v21;
	_ =	sdelay $0x1  }
0xad: {  	v16 =	vadd.f32 v36, v16;
	v17 =	vadd.f32 v37, v17;
	_ =	sdelay $0x1  }
0xae: {  	v16 =	vadd.f32 v17, v16;
	_ =	sdelay $0x1  }
0xaf: {  	v17 =	vperm.xlane v16, v4;
	_ =	sdelay $0x1  }
0xb0: {  	v16 =	vadd.f32 v16, v17;
	_ =	sdelay $0x1  }
0xb1: {  	v17 =	vperm.xlane v16, v5;
	_ =	sdelay $0x1  }
0xb2: {  	v16 =	vadd.f32 v16, v17;
	_ =	sdelay $0x1  }
0xb3: {  	v17 =	vperm.xlane v16, v6;
	_ =	sdelay $0x1  }
0xb4: {  	v16 =	vadd.f32 v16, v17;
	_ =	sdelay $0x1  }
0xb5: {  	v17 =	vmov s22;
	v38 =	vperm.xlane v16, v7  }
0xb6: {  	v17 =	vand.u32 $0xFFFFFFFC, v17  }
0xb7: {  	v17 =	vbroadcast v17, $0x0;
	v16 =	vadd.f32 v16, v38;
	_ =	sdelay $0x1  }
0xb8: {  	v16 =	vmul.f32 $1.442695020e+00, v16;
	_ =	sdelay $0x1  }
0xb9: {  	(erf) = vpow2.f32 v16;
	_ =	sdelay $0x1  }
0xba: {  	v16 =	vld.idx.msk [tilespmem:v17+s5+$0x0], $0xffff;
	_ =	sdelay $0x3  }
0xbb: {  	s9 =	simm.s32 $0x1  }
0xbc: {  	s9 =	simm.s32 @!p0 $0x0  }
0xbd: {  	s9 =	sshll.u32 s9, $0x9  }
0xbe: {  	s9 =	sadd.s32 s9, s23;
	v17 =	vpop (erf)  }
0xbf: {  	s12 =	sor.u32 $0x400, s9;
	[tilespmem:v16+s18+$0x0] =	vst.idx.add.f32.msk $0x1, v17  }
0xc0: {  	v16 =	vld [tilespmem:s12+$0x600]  }
0xc1: {  	v39 =	vld [tilespmem:s12+$0x2600];
	_ =	sdelay $0x4  }
0xc2: {  	v16 =	vadd.f32 v39, v16;
	_ =	sdelay $0x1  }
0xc3: {  	v16 =	vmax.f32 v16, $0.0e+00  }
0xc4: {  	v16 =	vmul.f32 v17, v16;
	_ =	sdelay $0x1  }
0xc5: {  	s17 =	sor.u32 $0x410, s9;
	[tilespmem:s16+$0xFFFFFF00] =	vst v16  }
0xc6: {  	v16 =	vld [tilespmem:s17+$0x600]  }
0xc7: {  	v40 =	vld [tilespmem:s17+$0x2600];
	_ =	sdelay $0x4  }
0xc8: {  	v16 =	vadd.f32 v40, v16;
	_ =	sdelay $0x1  }
0xc9: {  	v16 =	vmax.f32 v16, $0.0e+00  }
0xca: {  	v16 =	vmul.f32 v17, v16;
	_ =	sdelay $0x1  }
0xcb: {  	s17 =	sor.u32 $0x420, s9;
	[tilespmem:s16+$0xFFFFFF10] =	vst v16  }
0xcc: {  	v16 =	vld [tilespmem:s17+$0x600]  }
0xcd: {  	v41 =	vld [tilespmem:s17+$0x2600];
	_ =	sdelay $0x4  }
0xce: {  	v16 =	vadd.f32 v41, v16;
	_ =	sdelay $0x1  }
0xcf: {  	v16 =	vmax.f32 v16, $0.0e+00  }
0xd0: {  	v16 =	vmul.f32 v16, v17;
	_ =	sdelay $0x1  }
0xd1: {  	s17 =	sor.u32 $0x430, s9;
	[tilespmem:s16+$0xFFFFFF20] =	vst v16  }
0xd2: {  	v16 =	vld [tilespmem:s17+$0x600]  }
0xd3: {  	v42 =	vld [tilespmem:s17+$0x2600];
	_ =	sdelay $0x4  }
0xd4: {  	v16 =	vadd.f32 v42, v16;
	_ =	sdelay $0x1  }
0xd5: {  	v16 =	vmax.f32 v16, $0.0e+00  }
0xd6: {  	v16 =	vmul.f32 v16, v17;
	_ =	sdelay $0x1  }
0xd7: {  	s17 =	sor.u32 $0x440, s9;
	[tilespmem:s16+$0xFFFFFF30] =	vst v16  }
0xd8: {  	v16 =	vld [tilespmem:s17+$0x600]  }
0xd9: {  	v43 =	vld [tilespmem:s17+$0x2600];
	_ =	sdelay $0x4  }
0xda: {  	v16 =	vadd.f32 v43, v16;
	_ =	sdelay $0x1  }
0xdb: {  	v16 =	vmax.f32 v16, $0.0e+00  }
0xdc: {  	v16 =	vmul.f32 v16, v17;
	_ =	sdelay $0x1  }
0xdd: {  	s17 =	sor.u32 $0x450, s9;
	[tilespmem:s16+$0xFFFFFF40] =	vst v16  }
0xde: {  	v16 =	vld [tilespmem:s17+$0x600]  }
0xdf: {  	v44 =	vld [tilespmem:s17+$0x2600];
	_ =	sdelay $0x4  }
0xe0: {  	v16 =	vadd.f32 v44, v16;
	_ =	sdelay $0x1  }
0xe1: {  	v16 =	vmax.f32 v16, $0.0e+00  }
0xe2: {  	v16 =	vmul.f32 v16, v17;
	_ =	sdelay $0x1  }
0xe3: {  	s17 =	sor.u32 $0x460, s9;
	[tilespmem:s16+$0xFFFFFF50] =	vst v16  }
0xe4: {  	v16 =	vld [tilespmem:s17+$0x600]  }
0xe5: {  	v45 =	vld [tilespmem:s17+$0x2600];
	_ =	sdelay $0x4  }
0xe6: {  	v16 =	vadd.f32 v45, v16;
	_ =	sdelay $0x1  }
0xe7: {  	v16 =	vmax.f32 v16, $0.0e+00  }
0xe8: {  	v16 =	vmul.f32 v16, v17;
	_ =	sdelay $0x1  }
0xe9: {  	s9 =	sor.u32 $0x470, s9;
	[tilespmem:s16+$0xFFFFFF60] =	vst v16  }
0xea: {  	v16 =	vld [tilespmem:s9+$0x600]  }
0xeb: {  	v46 =	vld [tilespmem:s9+$0x2600];
	_ =	sdelay $0x4  }
0xec: {  	v16 =	vadd.f32 v46, v16;
	_ =	sdelay $0x1  }
0xed: {  	v16 =	vmax.f32 v16, $0.0e+00  }
0xee: {  	s12 =	sadd.s32 $0x80, s1;
	v16 =	vmul.f32 v16, v17  }
0xef: {  	s9 =	sand.u32 $0x280, s12  }
0xf0: {  	s9 =	sor.u32 s8, s9;
	[tilespmem:s16+$0xFFFFFF70] =	vst v16  }
0xf1: {  	v16 =	vld [tilespmem:s9+$0x600]  }
0xf2: {  	v17 =	vld [tilespmem:s9+$0x2600]  }
0xf3: {  	v47 =	vld [tilespmem:s9+$0x610]  }
0xf4: {  	v48 =	vld [tilespmem:s9+$0x2610]  }
0xf5: {  	v49 =	vld [tilespmem:s9+$0x620]  }
0xf6: {  	v50 =	vld [tilespmem:s9+$0x2620]  }
0xf7: {  	v51 =	vld [tilespmem:s9+$0x630]  }
0xf8: {  	v52 =	vld [tilespmem:s9+$0x2630]  }
0xf9: {  	v53 =	vld [tilespmem:s9+$0x640]  }
0xfa: {  	v54 =	vld [tilespmem:s9+$0x2640]  }
0xfb: {  	v57 =	vld [tilespmem:s9+$0x660]  }
0xfc: {  	v60 =	vld [tilespmem:s9+$0x670]  }
0xfd: {  	v62 =	vld [tilespmem:s9+$0x2670]  }
0xfe: {  	v59 =	vld [tilespmem:s9+$0x2660]  }
0xff: {  	v16 =	vadd.f32 v17, v16  }
0x100: {  	v18 =	vadd.f32 v48, v47;
	v20 =	vadd.f32 v50, v49  }
0x101: {  	v55 =	vld [tilespmem:s9+$0x2650];
	v22 =	vadd.f32 v52, v51;
	v24 =	vadd.f32 v54, v53  }
0x102: {  	v17 =	vld [tilespmem:s9+$0x650];
	v23 =	vadd.f32 v62, v60;
	v56 =	vmul.f32 $9.999999770e-03, v16;
	v58 =	vmul.f32 $9.999999770e-03, v18  }
0x103: {  	v21 =	vadd.f32 v59, v57;
	v61 =	vmul.f32 $9.999999770e-03, v20;
	v63 =	vmul.f32 $9.999999770e-03, v22  }
0x104: {  	vm1 =	vgt.f32 v16, $0.0e+00;
	v25 =	vmul.f32 $9.999999770e-03, v24;
	v30 =	vmul.f32 $9.999999770e-03, v23  }
0x105: {  	v29 =	vmul.f32 $9.999999770e-03, v21;
	vm2 =	vgt.f32 v23, $0.0e+00;
	v16 =	vsel vm1, v16, v56  }
0x106: {  	vm1 =	vgt.f32 v18, $0.0e+00;
	v23 =	vsel vm2, v23, v30;
	v16 =	vmul.f32 v16, v8  }
0x107: {  	v18 =	vsel vm1, v18, v58;
	vm1 =	vgt.f32 v20, $0.0e+00;
	v17 =	vadd.f32 v55, v17  }
0x108: {  	v23 =	vmul.f32 v23, v15;
	v20 =	vsel vm1, v20, v61;
	vm1 =	vgt.f32 v22, $0.0e+00  }
0x109: {  	v22 =	vsel vm1, v22, v63;
	vm1 =	vgt.f32 v24, $0.0e+00;
	v28 =	vmul.f32 $9.999999770e-03, v17  }
0x10a: {  	v18 =	vmul.f32 v18, v9;
	v26 =	vsel vm1, v24, v25;
	vm1 =	vgt.f32 v17, $0.0e+00  }
0x10b: {  	v20 =	vmul.f32 v20, v10;
	v17 =	vsel vm1, v17, v28;
	vm1 =	vgt.f32 v21, $0.0e+00  }
0x10c: {  	v22 =	vmul.f32 v22, v11;
	v19 =	vmul.f32 v26, v12;
	v21 =	vsel vm1, v21, v29  }
0x10d: {  	v17 =	vmul.f32 v17, v13;
	v21 =	vmul.f32 v21, v14  }
0x10e: {  	v16 =	vadd.f32 v18, v16;
	v31 =	vadd.f32 v22, v20  }
0x10f: {  	v17 =	vadd.f32 v17, v19;
	v32 =	vadd.f32 v23, v21;
	_ =	sdelay $0x1  }
0x110: {  	v16 =	vadd.f32 v31, v16;
	v17 =	vadd.f32 v32, v17;
	_ =	sdelay $0x1  }
0x111: {  	v16 =	vadd.f32 v17, v16;
	_ =	sdelay $0x1  }
0x112: {  	v17 =	vperm.xlane v16, v4;
	_ =	sdelay $0x1  }
0x113: {  	v16 =	vadd.f32 v16, v17;
	_ =	sdelay $0x1  }
0x114: {  	v17 =	vperm.xlane v16, v5;
	_ =	sdelay $0x1  }
0x115: {  	v16 =	vadd.f32 v16, v17;
	_ =	sdelay $0x1  }
0x116: {  	v17 =	vperm.xlane v16, v6;
	_ =	sdelay $0x1  }
0x117: {  	v16 =	vadd.f32 v16, v17  }
0x118: {  	s17 =	sadd.s32 $0x1, s22  }
0x119: {  	v17 =	vmov s17;
	v33 =	vperm.xlane v16, v7  }
0x11a: {  	v17 =	vand.u32 $0xFFFFFFFD, v17  }
0x11b: {  	v17 =	vbroadcast v17, $0x0;
	v16 =	vadd.f32 v16, v33;
	_ =	sdelay $0x1  }
0x11c: {  	v16 =	vmul.f32 $1.442695020e+00, v16;
	_ =	sdelay $0x1  }
0x11d: {  	(erf) = vpow2.f32 v16;
	_ =	sdelay $0x1  }
0x11e: {  	v16 =	vld.idx.msk [tilespmem:v17+s5+$0x0], $0xffff;
	_ =	sdelay $0x3  }
0x11f: {  	s12 =	sand.u32 $0x7, s10  }
0x120: {  	s9 =	sshll.u32 s12, $0x7  }
0x121: {  	s9 =	sadd.s32 s23, s9  }
0x122: {  	s12 =	sadd.s32 $0x80, s9;
	v17 =	vpop (erf)  }
0x123: {  	s17 =	sor.u32 $0x400, s12;
	[tilespmem:v16+s18+$0x0] =	vst.idx.add.f32.msk $0x1, v17  }
0x124: {  	v16 =	vld [tilespmem:s17+$0x600]  }
0x125: {  	v34 =	vld [tilespmem:s17+$0x2600];
	_ =	sdelay $0x4  }
0x126: {  	v16 =	vadd.f32 v34, v16;
	_ =	sdelay $0x1  }
0x127: {  	v16 =	vmax.f32 v16, $0.0e+00  }
0x128: {  	v16 =	vmul.f32 v17, v16;
	_ =	sdelay $0x1  }
0x129: {  	s17 =	sor.u32 $0x410, s12;
	[tilespmem:s16+$0xFFFFFF80] =	vst v16  }
0x12a: {  	v16 =	vld [tilespmem:s17+$0x600]  }
0x12b: {  	v35 =	vld [tilespmem:s17+$0x2600];
	_ =	sdelay $0x4  }
0x12c: {  	v16 =	vadd.f32 v35, v16;
	_ =	sdelay $0x1  }
0x12d: {  	v16 =	vmax.f32 v16, $0.0e+00  }
0x12e: {  	v16 =	vmul.f32 v17, v16;
	_ =	sdelay $0x1  }
0x12f: {  	s17 =	sor.u32 $0x420, s12;
	[tilespmem:s16+$0xFFFFFF90] =	vst v16  }
0x130: {  	v16 =	vld [tilespmem:s17+$0x600]  }
0x131: {  	v36 =	vld [tilespmem:s17+$0x2600];
	_ =	sdelay $0x4  }
0x132: {  	v16 =	vadd.f32 v36, v16;
	_ =	sdelay $0x1  }
0x133: {  	v16 =	vmax.f32 v16, $0.0e+00  }
0x134: {  	v16 =	vmul.f32 v16, v17;
	_ =	sdelay $0x1  }
0x135: {  	s17 =	sor.u32 $0x430, s12;
	[tilespmem:s16+$0xFFFFFFA0] =	vst v16  }
0x136: {  	v16 =	vld [tilespmem:s17+$0x600]  }
0x137: {  	v37 =	vld [tilespmem:s17+$0x2600];
	_ =	sdelay $0x4  }
0x138: {  	v16 =	vadd.f32 v37, v16;
	_ =	sdelay $0x1  }
0x139: {  	v16 =	vmax.f32 v16, $0.0e+00  }
0x13a: {  	v16 =	vmul.f32 v16, v17;
	_ =	sdelay $0x1  }
0x13b: {  	s17 =	sor.u32 $0x440, s12;
	[tilespmem:s16+$0xFFFFFFB0] =	vst v16  }
0x13c: {  	v16 =	vld [tilespmem:s17+$0x600]  }
0x13d: {  	v38 =	vld [tilespmem:s17+$0x2600];
	_ =	sdelay $0x4  }
0x13e: {  	v16 =	vadd.f32 v38, v16;
	_ =	sdelay $0x1  }
0x13f: {  	v16 =	vmax.f32 v16, $0.0e+00  }
0x140: {  	v16 =	vmul.f32 v16, v17;
	_ =	sdelay $0x1  }
0x141: {  	s17 =	sor.u32 $0x450, s12;
	[tilespmem:s16+$0xFFFFFFC0] =	vst v16  }
0x142: {  	v16 =	vld [tilespmem:s17+$0x600]  }
0x143: {  	v39 =	vld [tilespmem:s17+$0x2600];
	_ =	sdelay $0x4  }
0x144: {  	v16 =	vadd.f32 v39, v16;
	_ =	sdelay $0x1  }
0x145: {  	v16 =	vmax.f32 v16, $0.0e+00  }
0x146: {  	v16 =	vmul.f32 v16, v17;
	_ =	sdelay $0x1  }
0x147: {  	s17 =	sor.u32 $0x460, s12;
	[tilespmem:s16+$0xFFFFFFD0] =	vst v16  }
0x148: {  	v16 =	vld [tilespmem:s17+$0x600]  }
0x149: {  	v40 =	vld [tilespmem:s17+$0x2600];
	_ =	sdelay $0x4  }
0x14a: {  	v16 =	vadd.f32 v40, v16;
	_ =	sdelay $0x1  }
0x14b: {  	v16 =	vmax.f32 v16, $0.0e+00  }
0x14c: {  	v16 =	vmul.f32 v16, v17;
	_ =	sdelay $0x1  }
0x14d: {  	s12 =	sor.u32 $0x470, s12;
	[tilespmem:s16+$0xFFFFFFE0] =	vst v16  }
0x14e: {  	v16 =	vld [tilespmem:s12+$0x600]  }
0x14f: {  	v41 =	vld [tilespmem:s12+$0x2600];
	_ =	sdelay $0x4  }
0x150: {  	v16 =	vadd.f32 v41, v16;
	_ =	sdelay $0x1  }
0x151: {  	v16 =	vmax.f32 v16, $0.0e+00  }
0x152: {  	s17 =	sadd.s32 $0x100, s1;
	v16 =	vmul.f32 v16, v17  }
0x153: {  	s12 =	sand.u32 $0x300, s17  }
0x154: {  	s12 =	sor.u32 s8, s12;
	[tilespmem:s16+$0xFFFFFFF0] =	vst v16  }
0x155: {  	v16 =	vld [tilespmem:s12+$0x600]  }
0x156: {  	v17 =	vld [tilespmem:s12+$0x2600]  }
0x157: {  	v42 =	vld [tilespmem:s12+$0x610]  }
0x158: {  	v43 =	vld [tilespmem:s12+$0x2610]  }
0x159: {  	v44 =	vld [tilespmem:s12+$0x620]  }
0x15a: {  	v45 =	vld [tilespmem:s12+$0x2620]  }
0x15b: {  	v46 =	vld [tilespmem:s12+$0x630]  }
0x15c: {  	v47 =	vld [tilespmem:s12+$0x2630]  }
0x15d: {  	v48 =	vld [tilespmem:s12+$0x640]  }
0x15e: {  	v49 =	vld [tilespmem:s12+$0x2640]  }
0x15f: {  	v52 =	vld [tilespmem:s12+$0x660]  }
0x160: {  	v55 =	vld [tilespmem:s12+$0x670]  }
0x161: {  	v57 =	vld [tilespmem:s12+$0x2670]  }
0x162: {  	v54 =	vld [tilespmem:s12+$0x2660]  }
0x163: {  	v16 =	vadd.f32 v17, v16  }
0x164: {  	v18 =	vadd.f32 v43, v42;
	v20 =	vadd.f32 v45, v44  }
0x165: {  	v50 =	vld [tilespmem:s12+$0x2650];
	v22 =	vadd.f32 v47, v46;
	v24 =	vadd.f32 v49, v48  }
0x166: {  	v17 =	vld [tilespmem:s12+$0x650];
	v23 =	vadd.f32 v57, v55;
	v51 =	vmul.f32 $9.999999770e-03, v16;
	v53 =	vmul.f32 $9.999999770e-03, v18  }
0x167: {  	v21 =	vadd.f32 v54, v52;
	v56 =	vmul.f32 $9.999999770e-03, v20;
	v58 =	vmul.f32 $9.999999770e-03, v22  }
0x168: {  	vm1 =	vgt.f32 v16, $0.0e+00;
	v25 =	vmul.f32 $9.999999770e-03, v24;
	v62 =	vmul.f32 $9.999999770e-03, v23  }
0x169: {  	v61 =	vmul.f32 $9.999999770e-03, v21;
	vm2 =	vgt.f32 v23, $0.0e+00;
	v16 =	vsel vm1, v16, v51  }
0x16a: {  	vm1 =	vgt.f32 v18, $0.0e+00;
	v23 =	vsel vm2, v23, v62;
	v16 =	vmul.f32 v16, v8  }
0x16b: {  	v18 =	vsel vm1, v18, v53;
	vm1 =	vgt.f32 v20, $0.0e+00;
	v17 =	vadd.f32 v50, v17  }
0x16c: {  	v23 =	vmul.f32 v23, v15;
	v20 =	vsel vm1, v20, v56;
	vm1 =	vgt.f32 v22, $0.0e+00  }
0x16d: {  	v22 =	vsel vm1, v22, v58;
	vm1 =	vgt.f32 v24, $0.0e+00;
	v60 =	vmul.f32 $9.999999770e-03, v17  }
0x16e: {  	v18 =	vmul.f32 v18, v9;
	v59 =	vsel vm1, v24, v25;
	vm1 =	vgt.f32 v17, $0.0e+00  }
0x16f: {  	v20 =	vmul.f32 v20, v10;
	v17 =	vsel vm1, v17, v60;
	vm1 =	vgt.f32 v21, $0.0e+00  }
0x170: {  	v22 =	vmul.f32 v22, v11;
	v19 =	vmul.f32 v59, v12;
	v21 =	vsel vm1, v21, v61  }
0x171: {  	v17 =	vmul.f32 v17, v13;
	v21 =	vmul.f32 v21, v14  }
0x172: {  	v16 =	vadd.f32 v18, v16;
	v63 =	vadd.f32 v22, v20  }
0x173: {  	v17 =	vadd.f32 v17, v19;
	v21 =	vadd.f32 v23, v21;
	_ =	sdelay $0x1  }
0x174: {  	v16 =	vadd.f32 v63, v16;
	v17 =	vadd.f32 v21, v17;
	_ =	sdelay $0x1  }
0x175: {  	v16 =	vadd.f32 v17, v16;
	_ =	sdelay $0x1  }
0x176: {  	v17 =	vperm.xlane v16, v4;
	_ =	sdelay $0x1  }
0x177: {  	v16 =	vadd.f32 v16, v17;
	_ =	sdelay $0x1  }
0x178: {  	v17 =	vperm.xlane v16, v5;
	_ =	sdelay $0x1  }
0x179: {  	v16 =	vadd.f32 v16, v17;
	_ =	sdelay $0x1  }
0x17a: {  	v17 =	vperm.xlane v16, v6;
	_ =	sdelay $0x1  }
0x17b: {  	v16 =	vadd.f32 v16, v17  }
0x17c: {  	s17 =	sadd.s32 $0x2, s22  }
0x17d: {  	v17 =	vmov s17;
	v22 =	vperm.xlane v16, v7  }
0x17e: {  	v17 =	vand.u32 $0xFFFFFFFE, v17  }
0x17f: {  	v17 =	vbroadcast v17, $0x0;
	v16 =	vadd.f32 v16, v22;
	_ =	sdelay $0x1  }
0x180: {  	v16 =	vmul.f32 $1.442695020e+00, v16;
	_ =	sdelay $0x1  }
0x181: {  	(erf) = vpow2.f32 v16;
	_ =	sdelay $0x1  }
0x182: {  	v16 =	vld.idx.msk [tilespmem:v17+s5+$0x0], $0xffff;
	_ =	sdelay $0x3  }
0x183: {  	s17 =	sand.u32 $0x3, s11  }
0x184: {  	s12 =	sshll.u32 s17, $0x8  }
0x185: {  	s12 =	sadd.s32 s23, s12  }
0x186: {  	s12 =	sadd.s32 $0x100, s12;
	v17 =	vpop (erf)  }
0x187: {  	s17 =	sor.u32 $0x400, s12;
	[tilespmem:v16+s18+$0x0] =	vst.idx.add.f32.msk $0x1, v17  }
0x188: {  	v16 =	vld [tilespmem:s17+$0x600]  }
0x189: {  	v23 =	vld [tilespmem:s17+$0x2600];
	_ =	sdelay $0x4  }
0x18a: {  	v16 =	vadd.f32 v23, v16;
	_ =	sdelay $0x1  }
0x18b: {  	v16 =	vmax.f32 v16, $0.0e+00  }
0x18c: {  	v16 =	vmul.f32 v17, v16;
	_ =	sdelay $0x1  }
0x18d: {  	s17 =	sor.u32 $0x410, s12;
	[tilespmem:s16+$0x0] =	vst v16  }
0x18e: {  	v16 =	vld [tilespmem:s17+$0x600]  }
0x18f: {  	v24 =	vld [tilespmem:s17+$0x2600];
	_ =	sdelay $0x4  }
0x190: {  	v16 =	vadd.f32 v24, v16;
	_ =	sdelay $0x1  }
0x191: {  	v16 =	vmax.f32 v16, $0.0e+00  }
0x192: {  	v16 =	vmul.f32 v17, v16;
	_ =	sdelay $0x1  }
0x193: {  	s17 =	sor.u32 $0x420, s12;
	[tilespmem:s16+$0x10] =	vst v16  }
0x194: {  	v16 =	vld [tilespmem:s17+$0x600]  }
0x195: {  	v25 =	vld [tilespmem:s17+$0x2600];
	_ =	sdelay $0x4  }
0x196: {  	v16 =	vadd.f32 v25, v16;
	_ =	sdelay $0x1  }
0x197: {  	v16 =	vmax.f32 v16, $0.0e+00  }
0x198: {  	v16 =	vmul.f32 v16, v17;
	_ =	sdelay $0x1  }
0x199: {  	s17 =	sor.u32 $0x430, s12;
	[tilespmem:s16+$0x20] =	vst v16  }
0x19a: {  	v16 =	vld [tilespmem:s17+$0x600]  }
0x19b: {  	v26 =	vld [tilespmem:s17+$0x2600];
	_ =	sdelay $0x4  }
0x19c: {  	v16 =	vadd.f32 v26, v16;
	_ =	sdelay $0x1  }
0x19d: {  	v16 =	vmax.f32 v16, $0.0e+00  }
0x19e: {  	v16 =	vmul.f32 v16, v17;
	_ =	sdelay $0x1  }
0x19f: {  	s17 =	sor.u32 $0x440, s12;
	[tilespmem:s16+$0x30] =	vst v16  }
0x1a0: {  	v16 =	vld [tilespmem:s17+$0x600]  }
0x1a1: {  	v27 =	vld [tilespmem:s17+$0x2600];
	_ =	sdelay $0x4  }
0x1a2: {  	v16 =	vadd.f32 v27, v16;
	_ =	sdelay $0x1  }
0x1a3: {  	v16 =	vmax.f32 v16, $0.0e+00  }
0x1a4: {  	v16 =	vmul.f32 v16, v17;
	_ =	sdelay $0x1  }
0x1a5: {  	s17 =	sor.u32 $0x450, s12;
	[tilespmem:s16+$0x40] =	vst v16  }
0x1a6: {  	v16 =	vld [tilespmem:s17+$0x600]  }
0x1a7: {  	v28 =	vld [tilespmem:s17+$0x2600];
	_ =	sdelay $0x4  }
0x1a8: {  	v16 =	vadd.f32 v28, v16;
	_ =	sdelay $0x1  }
0x1a9: {  	v16 =	vmax.f32 v16, $0.0e+00  }
0x1aa: {  	v16 =	vmul.f32 v16, v17;
	_ =	sdelay $0x1  }
0x1ab: {  	s17 =	sor.u32 $0x460, s12;
	[tilespmem:s16+$0x50] =	vst v16  }
0x1ac: {  	v16 =	vld [tilespmem:s17+$0x600]  }
0x1ad: {  	v29 =	vld [tilespmem:s17+$0x2600];
	_ =	sdelay $0x4  }
0x1ae: {  	v16 =	vadd.f32 v29, v16;
	_ =	sdelay $0x1  }
0x1af: {  	v16 =	vmax.f32 v16, $0.0e+00  }
0x1b0: {  	v16 =	vmul.f32 v16, v17;
	_ =	sdelay $0x1  }
0x1b1: {  	s12 =	sor.u32 $0x470, s12;
	[tilespmem:s16+$0x60] =	vst v16  }
0x1b2: {  	v16 =	vld [tilespmem:s12+$0x600]  }
0x1b3: {  	v30 =	vld [tilespmem:s12+$0x2600];
	_ =	sdelay $0x4  }
0x1b4: {  	v16 =	vadd.f32 v30, v16;
	_ =	sdelay $0x1  }
0x1b5: {  	v16 =	vmax.f32 v16, $0.0e+00  }
0x1b6: {  	s17 =	sadd.s32 $0x180, s1;
	v16 =	vmul.f32 v16, v17  }
0x1b7: {  	s12 =	sand.u32 $0x380, s17  }
0x1b8: {  	s8 =	sor.u32 s8, s12;
	[tilespmem:s16+$0x70] =	vst v16  }
0x1b9: {  	v16 =	vld [tilespmem:s8+$0x600]  }
0x1ba: {  	v17 =	vld [tilespmem:s8+$0x2600]  }
0x1bb: {  	v31 =	vld [tilespmem:s8+$0x610]  }
0x1bc: {  	v32 =	vld [tilespmem:s8+$0x2610]  }
0x1bd: {  	v33 =	vld [tilespmem:s8+$0x620]  }
0x1be: {  	v34 =	vld [tilespmem:s8+$0x2620]  }
0x1bf: {  	v35 =	vld [tilespmem:s8+$0x630]  }
0x1c0: {  	v36 =	vld [tilespmem:s8+$0x2630]  }
0x1c1: {  	v37 =	vld [tilespmem:s8+$0x640]  }
0x1c2: {  	v38 =	vld [tilespmem:s8+$0x2640]  }
0x1c3: {  	v41 =	vld [tilespmem:s8+$0x660]  }
0x1c4: {  	v43 =	vld [tilespmem:s8+$0x2660]  }
0x1c5: {  	v45 =	vld [tilespmem:s8+$0x670]  }
0x1c6: {  	v30 =	vld [tilespmem:s8+$0x2670];
	_ =	sdelay $0x1  }
0x1c7: {  	v16 =	vadd.f32 v17, v16  }
0x1c8: {  	v39 =	vld [tilespmem:s8+$0x2650];
	v18 =	vadd.f32 v32, v31;
	v20 =	vadd.f32 v34, v33  }
0x1c9: {  	v17 =	vld [tilespmem:s8+$0x650];
	v42 =	vadd.f32 v36, v35;
	v48 =	vadd.f32 v38, v37  }
0x1ca: {  	v19 =	vadd.f32 v43, v41;
	v50 =	vadd.f32 v30, v45;
	v40 =	vmul.f32 $9.999999770e-03, v16  }
0x1cb: {  	vm1 =	vgt.f32 v16, $0.0e+00;
	v44 =	vmul.f32 $9.999999770e-03, v18;
	v46 =	vmul.f32 $9.999999770e-03, v20  }
0x1cc: {  	v47 =	vmul.f32 $9.999999770e-03, v42;
	vm2 =	vgt.f32 v42, $0.0e+00;
	v49 =	vmul.f32 $9.999999770e-03, v48  }
0x1cd: {  	v52 =	vmul.f32 $9.999999770e-03, v19;
	v53 =	vmul.f32 $9.999999770e-03, v50;
	v16 =	vsel vm1, v16, v40  }
0x1ce: {  	vm1 =	vgt.f32 v18, $0.0e+00;
	v21 =	vsel vm2, v42, v47;
	v17 =	vadd.f32 v39, v17  }
0x1cf: {  	v18 =	vsel vm1, v18, v44;
	vm1 =	vgt.f32 v20, $0.0e+00;
	v16 =	vmul.f32 v16, v8  }
0x1d0: {  	v20 =	vsel vm1, v20, v46;
	vm1 =	vgt.f32 v48, $0.0e+00;
	v51 =	vmul.f32 $9.999999770e-03, v17  }
0x1d1: {  	v21 =	vmul.f32 v21, v11;
	v22 =	vsel vm1, v48, v49;
	vm1 =	vgt.f32 v17, $0.0e+00  }
0x1d2: {  	v18 =	vmul.f32 v18, v9;
	v17 =	vsel vm1, v17, v51;
	vm1 =	vgt.f32 v19, $0.0e+00  }
0x1d3: {  	v20 =	vmul.f32 v20, v10;
	v19 =	vsel vm1, v19, v52;
	vm1 =	vgt.f32 v50, $0.0e+00  }
0x1d4: {  	v22 =	vmul.f32 v22, v12;
	v17 =	vmul.f32 v17, v13;
	v54 =	vsel vm1, v50, v53  }
0x1d5: {  	v19 =	vmul.f32 v19, v14;
	v23 =	vmul.f32 v54, v15  }
0x1d6: {  	v16 =	vadd.f32 v18, v16;
	v55 =	vadd.f32 v21, v20  }
0x1d7: {  	v17 =	vadd.f32 v17, v22;
	v19 =	vadd.f32 v23, v19;
	_ =	sdelay $0x1  }
0x1d8: {  	v16 =	vadd.f32 v55, v16;
	v17 =	vadd.f32 v19, v17;
	_ =	sdelay $0x1  }
0x1d9: {  	v16 =	vadd.f32 v17, v16;
	_ =	sdelay $0x1  }
0x1da: {  	v17 =	vperm.xlane v16, v4;
	_ =	sdelay $0x1  }
0x1db: {  	v16 =	vadd.f32 v16, v17;
	_ =	sdelay $0x1  }
0x1dc: {  	v17 =	vperm.xlane v16, v5;
	_ =	sdelay $0x1  }
0x1dd: {  	v16 =	vadd.f32 v16, v17;
	_ =	sdelay $0x1  }
0x1de: {  	v17 =	vperm.xlane v16, v6;
	_ =	sdelay $0x1  }
0x1df: {  	v16 =	vadd.f32 v16, v17;
	_ =	sdelay $0x1  }
0x1e0: {  	v17 =	vperm.xlane v16, v7;
	_ =	sdelay $0x1  }
0x1e1: {  	s17 =	sadd.s32 $0x3, s22;
	v16 =	vadd.f32 v16, v17  }
0x1e2: {  	v17 =	vmov s17  }
0x1e3: {  	v16 =	vmul.f32 $1.442695020e+00, v16;
	_ =	sdelay $0x1  }
0x1e4: {  	(erf) = vpow2.f32 v16;
	_ =	sdelay $0x1  }
0x1e5: {  	v16 =	vld.idx.msk [tilespmem:v17+s5+$0x0], $0xffff;
	_ =	sdelay $0x6  }
0x1e6: {  	s8 =	sadd.s32 $0x180, s9;
	v17 =	vpop (erf)  }
0x1e7: {  	s9 =	sor.u32 $0x400, s8;
	[tilespmem:v16+s18+$0x0] =	vst.idx.add.f32.msk $0x1, v17  }
0x1e8: {  	v16 =	vld [tilespmem:s9+$0x600]  }
0x1e9: {  	v56 =	vld [tilespmem:s9+$0x2600];
	_ =	sdelay $0x4  }
0x1ea: {  	v16 =	vadd.f32 v56, v16;
	_ =	sdelay $0x1  }
0x1eb: {  	v16 =	vmax.f32 v16, $0.0e+00  }
0x1ec: {  	v16 =	vmul.f32 v17, v16;
	_ =	sdelay $0x1  }
0x1ed: {  	s12 =	sor.u32 $0x410, s8;
	[tilespmem:s16+$0x80] =	vst v16  }
0x1ee: {  	v16 =	vld [tilespmem:s12+$0x600]  }
0x1ef: {  	v57 =	vld [tilespmem:s12+$0x2600];
	_ =	sdelay $0x4  }
0x1f0: {  	v16 =	vadd.f32 v57, v16;
	_ =	sdelay $0x1  }
0x1f1: {  	v16 =	vmax.f32 v16, $0.0e+00  }
0x1f2: {  	v16 =	vmul.f32 v17, v16;
	_ =	sdelay $0x1  }
0x1f3: {  	s17 =	sor.u32 $0x420, s8;
	[tilespmem:s16+$0x90] =	vst v16  }
0x1f4: {  	v16 =	vld [tilespmem:s17+$0x600]  }
0x1f5: {  	v58 =	vld [tilespmem:s17+$0x2600];
	_ =	sdelay $0x4  }
0x1f6: {  	v16 =	vadd.f32 v58, v16;
	_ =	sdelay $0x1  }
0x1f7: {  	v16 =	vmax.f32 v16, $0.0e+00  }
0x1f8: {  	v16 =	vmul.f32 v16, v17;
	_ =	sdelay $0x1  }
0x1f9: {  	s12 =	sor.u32 $0x430, s8;
	[tilespmem:s16+$0xA0] =	vst v16  }
0x1fa: {  	v16 =	vld [tilespmem:s12+$0x600]  }
0x1fb: {  	v59 =	vld [tilespmem:s12+$0x2600];
	_ =	sdelay $0x4  }
0x1fc: {  	v16 =	vadd.f32 v59, v16;
	_ =	sdelay $0x1  }
0x1fd: {  	v16 =	vmax.f32 v16, $0.0e+00  }
0x1fe: {  	v16 =	vmul.f32 v16, v17;
	_ =	sdelay $0x1  }
0x1ff: {  	s17 =	sor.u32 $0x440, s8;
	[tilespmem:s16+$0xB0] =	vst v16  }
0x200: {  	v16 =	vld [tilespmem:s17+$0x600]  }
0x201: {  	v60 =	vld [tilespmem:s17+$0x2600];
	_ =	sdelay $0x4  }
0x202: {  	v16 =	vadd.f32 v60, v16;
	_ =	sdelay $0x1  }
0x203: {  	v16 =	vmax.f32 v16, $0.0e+00  }
0x204: {  	v16 =	vmul.f32 v16, v17;
	_ =	sdelay $0x1  }
0x205: {  	s12 =	sor.u32 $0x450, s8;
	[tilespmem:s16+$0xC0] =	vst v16  }
0x206: {  	v16 =	vld [tilespmem:s12+$0x600]  }
0x207: {  	v61 =	vld [tilespmem:s12+$0x2600];
	_ =	sdelay $0x4  }
0x208: {  	v16 =	vadd.f32 v61, v16;
	_ =	sdelay $0x1  }
0x209: {  	v16 =	vmax.f32 v16, $0.0e+00  }
0x20a: {  	v16 =	vmul.f32 v16, v17;
	_ =	sdelay $0x1  }
0x20b: {  	s17 =	sor.u32 $0x460, s8;
	[tilespmem:s16+$0xD0] =	vst v16  }
0x20c: {  	v16 =	vld [tilespmem:s17+$0x600]  }
0x20d: {  	v62 =	vld [tilespmem:s17+$0x2600];
	_ =	sdelay $0x4  }
0x20e: {  	v16 =	vadd.f32 v62, v16;
	_ =	sdelay $0x1  }
0x20f: {  	v16 =	vmax.f32 v16, $0.0e+00  }
0x210: {  	v16 =	vmul.f32 v16, v17;
	_ =	sdelay $0x1  }
0x211: {  	s8 =	sor.u32 $0x470, s8;
	[tilespmem:s16+$0xE0] =	vst v16  }
0x212: {  	v16 =	vld [tilespmem:s8+$0x600]  }
0x213: {  	v63 =	vld [tilespmem:s8+$0x2600];
	_ =	sdelay $0x4  }
0x214: {  	p1 =	sne.s32 s23, $0x1C00;
	v16 =	vadd.f32 v63, v16  }
.Ltmp2:
0x215: {  	_ = 	snop;
	(pc) =	sbr.rel @p1 .LBB2_8-.Ltmp2, $4  }
0x216: {  	v16 =	vmax.f32 v16, $0.0e+00  }
0x217: {  	p0 =	por !p0, !p0;
	v16 =	vmul.f32 v16, v17  }
0x218: {  	s10 =	sadd.s32 $0x4, s10;
	s11 =	sadd.s32 $0x2, s11;
	s23 =	sadd.s32 $0x400, s23  }
0x219: {  	s1 =	sadd.s32 $0x200, s1;
	s22 =	sadd.s32 $0x4, s22;
	[tilespmem:s16+$0xF0] =	vst v16;
	s16 =	sadd.s32 $0x200, s16  }
0x21a: {  	s11 =	simm.s32 $0x0  }
0x21b: {  	[spmem:s4] =	stream.indirect.scatter.add.f32 [tilespmem:s21], [sflag:$0x2], $0x80, s11, s20, $0xb8;
	[tilespmem:$0x1BE80] =	vst v63  }
0x21c: {  	v16 =	vld [tilespmem:s15+$0x220];
	_ =	sdelay $0x4  }
0x21d: {  	[tilespmem:$0x80] =	vst v16  }
0x21e: {  	v16 =	vld [tilespmem:s15+$0x420];
	_ =	sdelay $0x2  }
0x21f: {  	v17 =	vld [tilespmem:$0x80];
	_ =	sdelay $0x1  }
0x220: {  	[tilespmem:$0x180] =	vst v16  }
0x221: {  	v16 =	vld [tilespmem:s15+$0x230];
	_ =	sdelay $0x1  }
0x222: {  	v18 =	vshll.u32 v17, $0x1  }
0x223: {  	v17 =	vand.u32 $0x7, v17;
	v18 =	vand.u32 $0xFFFFFFF0, v18  }
0x224: {  	v17 =	vor.u32 v17, v18  }
0x225: {  	[tilespmem:$0x90] =	vst v16;
	v16 =	vperm.xlane v17, v1  }
0x226: {  	v63 =	vld [tilespmem:s15+$0x430]  }
0x227: {  	v17 =	vperm.xlane v17, v3;
	v16 =	vadd.s32 v2, v16;
	_ =	sdelay $0x1  }
0x228: {  	v17 =	vadd.s32 v2, v17;
	_ =	sdelay $0x1  }
0x229: {  	[tilespmem:$0x190] =	vst v63  }
0x22a: {  	[tilespmem:s24], [sflag:$0x1] =	stream.indirect_vreg.gather [hbm4b:s6+s11], $0x80, v16, vm0, $0xb8;
	[tilespmem:$0x1BE80] =	vst v63  }
0x22b: {  	_ = 	snop  }
0x22c: {  	[tilespmem:s25], [sflag:$0x1] =	stream.indirect_vreg.gather [hbm4b:s6+s11], $0x80, v17, vm0, $0xb8;
	[tilespmem:$0x1BE80] =	vst v63  }
0x22d: {  	v16 =	vld [tilespmem:$0x90];
	_ =	sdelay $0x4  }
0x22e: {  	v17 =	vshll.u32 v16, $0x1  }
0x22f: {  	v16 =	vand.u32 $0x7, v16;
	v17 =	vand.u32 $0xFFFFFFF0, v17  }
0x230: {  	v16 =	vor.u32 v16, v17  }
0x231: {  	v17 =	vperm.xlane v16, v1;
	_ =	sdelay $0x1  }
0x232: {  	v16 =	vperm.xlane v16, v3;
	v17 =	vadd.s32 v2, v17;
	_ =	sdelay $0x1  }
0x233: {  	v16 =	vadd.s32 v2, v16;
	_ =	sdelay $0x2  }
0x234: {  	[tilespmem:s26], [sflag:$0x1] =	stream.indirect_vreg.gather [hbm4b:s6+s11], $0x80, v17, vm0, $0xb8;
	[tilespmem:$0x1BE80] =	vst v63  }
0x235: {  	_ = 	snop  }
0x236: {  	[tilespmem:s28], [sflag:$0x1] =	stream.indirect_vreg.gather [hbm4b:s6+s11], $0x80, v16, vm0, $0xb8;
	[tilespmem:$0x1BE80] =	vst v63  }
0x237: {  	v16 =	vld [tilespmem:$0x180];
	_ =	sdelay $0x4  }
0x238: {  	v17 =	vshll.u32 v16, $0x1  }
0x239: {  	v16 =	vand.u32 $0x7, v16;
	v17 =	vand.u32 $0xFFFFFFF0, v17  }
0x23a: {  	v16 =	vor.u32 v16, v17  }
0x23b: {  	v17 =	vperm.xlane v16, v1;
	_ =	sdelay $0x1  }
0x23c: {  	v16 =	vperm.xlane v16, v3;
	v17 =	vadd.s32 v2, v17;
	_ =	sdelay $0x1  }
0x23d: {  	v16 =	vadd.s32 v2, v16;
	_ =	sdelay $0x2  }
0x23e: {  	[tilespmem:s29], [sflag:$0x1] =	stream.indirect_vreg.gather [hbm4b:s7+s11], $0x80, v17, vm0, $0xb8;
	[tilespmem:$0x1BE80] =	vst v63  }
0x23f: {  	_ = 	snop  }
0x240: {  	[tilespmem:s30], [sflag:$0x1] =	stream.indirect_vreg.gather [hbm4b:s7+s11], $0x80, v16, vm0, $0xb8;
	[tilespmem:$0x1BE80] =	vst v63  }
0x241: {  	v16 =	vld [tilespmem:$0x190];
	_ =	sdelay $0x4  }
0x242: {  	v17 =	vshll.u32 v16, $0x1  }
0x243: {  	v16 =	vand.u32 $0x7, v16;
	v17 =	vand.u32 $0xFFFFFFF0, v17  }
0x244: {  	v16 =	vor.u32 v16, v17  }
0x245: {  	v17 =	vperm.xlane v16, v1;
	_ =	sdelay $0x1  }
0x246: {  	v16 =	vperm.xlane v16, v3;
	v17 =	vadd.s32 v2, v17;
	_ =	sdelay $0x1  }
0x247: {  	v16 =	vadd.s32 v2, v16;
	_ =	sdelay $0x2  }
0x248: {  	[tilespmem:s31], [sflag:$0x1] =	stream.indirect_vreg.gather [hbm4b:s7+s11], $0x80, v17, vm0, $0xb8;
	[tilespmem:$0x1BE80] =	vst v63  }
0x249: {  	_ = 	snop  }
0x24a: {  	[tilespmem:s0], [sflag:$0x1] =	stream.indirect_vreg.gather [hbm4b:s7+s11], $0x80, v16, vm0, $0xb8;
	[tilespmem:$0x1BE80] =	vst v63  }
0x24b: {  	_ =	swait.ge [sflag:s2], $0x1000  }
0x24c: {  	[sflag:s2] =	ssyncset.done $0x0  }
0x24d: {  	[sflag:s2] =	ssyncadd.s32 $0xFFFFF000  }
0x24e: {  	_ =	swait.ge [sflag:s3], $0x2000  }
0x24f: {  	[sflag:s3] =	ssyncset.done $0x0  }
0x250: {  	[sflag:s3] =	ssyncadd.s32 $0xFFFFE000  }
0x251: {  	p0 =	por $0x0, $0x0;
	s10 =	simm.s32 $0x0;
	_ =	swait.ge [sflag:s3], $0x2000  }
0x252: {  	s1 =	simm.s32 $0x0;
	s16 =	simm.s32 $0x0;
	[sflag:s3] =	ssyncset.done $0x0  }
0x253: {  	s22 =	simm.s32 $0x0;
	s15 =	simm.s32 $0x4700;
	[sflag:s3] =	ssyncadd.s32 $0xFFFFE000  }
.LBB2_10:
0x254: {  	s8 =	sand.u32 $0x1800, s22;
	s9 =	sand.u32 $0x200, s1  }
0x255: {  	s9 =	sor.u32 s9, s8  }
0x256: {  	v16 =	vld [tilespmem:s9+$0x600]  }
0x257: {  	v17 =	vld [tilespmem:s9+$0x2600]  }
0x258: {  	v18 =	vld [tilespmem:s9+$0x610]  }
0x259: {  	v19 =	vld [tilespmem:s9+$0x2610]  }
0x25a: {  	v20 =	vld [tilespmem:s9+$0x620]  }
0x25b: {  	v21 =	vld [tilespmem:s9+$0x2620]  }
0x25c: {  	v22 =	vld [tilespmem:s9+$0x630]  }
0x25d: {  	v23 =	vld [tilespmem:s9+$0x2630]  }
0x25e: {  	v24 =	vld [tilespmem:s9+$0x640]  }
0x25f: {  	v25 =	vld [tilespmem:s9+$0x2640]  }
0x260: {  	v27 =	vld [tilespmem:s9+$0x660]  }
0x261: {  	v61 =	vld [tilespmem:s9+$0x670]  }
0x262: {  	v63 =	vld [tilespmem:s9+$0x2670]  }
0x263: {  	v60 =	vld [tilespmem:s9+$0x2660]  }
0x264: {  	v16 =	vadd.f32 v17, v16  }
0x265: {  	v18 =	vadd.f32 v19, v18;
	v20 =	vadd.f32 v21, v20  }
0x266: {  	v59 =	vld [tilespmem:s9+$0x2650];
	v22 =	vadd.f32 v23, v22;
	v24 =	vadd.f32 v25, v24  }
0x267: {  	v17 =	vld [tilespmem:s9+$0x650];
	v23 =	vadd.f32 v63, v61;
	v26 =	vmul.f32 $9.999999770e-03, v16;
	v28 =	vmul.f32 $9.999999770e-03, v18  }
0x268: {  	v21 =	vadd.f32 v60, v27;
	v62 =	vmul.f32 $9.999999770e-03, v20;
	v29 =	vmul.f32 $9.999999770e-03, v22  }
0x269: {  	vm1 =	vgt.f32 v16, $0.0e+00;
	v25 =	vmul.f32 $9.999999770e-03, v24;
	v35 =	vmul.f32 $9.999999770e-03, v23  }
0x26a: {  	v34 =	vmul.f32 $9.999999770e-03, v21;
	vm2 =	vgt.f32 v23, $0.0e+00;
	v16 =	vsel vm1, v16, v26  }
0x26b: {  	vm1 =	vgt.f32 v18, $0.0e+00;
	v23 =	vsel vm2, v23, v35;
	v16 =	vmul.f32 v16, v8  }
0x26c: {  	v18 =	vsel vm1, v18, v28;
	vm1 =	vgt.f32 v20, $0.0e+00;
	v17 =	vadd.f32 v59, v17  }
0x26d: {  	v23 =	vmul.f32 v23, v15;
	v20 =	vsel vm1, v20, v62;
	vm1 =	vgt.f32 v22, $0.0e+00  }
0x26e: {  	v22 =	vsel vm1, v22, v29;
	vm1 =	vgt.f32 v24, $0.0e+00;
	v33 =	vmul.f32 $9.999999770e-03, v17  }
0x26f: {  	v18 =	vmul.f32 v18, v9;
	v32 =	vsel vm1, v24, v25;
	vm1 =	vgt.f32 v17, $0.0e+00  }
0x270: {  	v20 =	vmul.f32 v20, v10;
	v17 =	vsel vm1, v17, v33;
	vm1 =	vgt.f32 v21, $0.0e+00  }
0x271: {  	v22 =	vmul.f32 v22, v11;
	v19 =	vmul.f32 v32, v12;
	v21 =	vsel vm1, v21, v34  }
0x272: {  	v17 =	vmul.f32 v17, v13;
	v21 =	vmul.f32 v21, v14  }
0x273: {  	v16 =	vadd.f32 v18, v16;
	v36 =	vadd.f32 v22, v20  }
0x274: {  	v17 =	vadd.f32 v17, v19;
	v37 =	vadd.f32 v23, v21;
	_ =	sdelay $0x1  }
0x275: {  	v16 =	vadd.f32 v36, v16;
	v17 =	vadd.f32 v37, v17;
	_ =	sdelay $0x1  }
0x276: {  	v16 =	vadd.f32 v17, v16;
	_ =	sdelay $0x1  }
0x277: {  	v17 =	vperm.xlane v16, v4;
	_ =	sdelay $0x1  }
0x278: {  	v16 =	vadd.f32 v16, v17;
	_ =	sdelay $0x1  }
0x279: {  	v17 =	vperm.xlane v16, v5;
	_ =	sdelay $0x1  }
0x27a: {  	v16 =	vadd.f32 v16, v17;
	_ =	sdelay $0x1  }
0x27b: {  	v17 =	vperm.xlane v16, v6;
	_ =	sdelay $0x1  }
0x27c: {  	v16 =	vadd.f32 v16, v17;
	_ =	sdelay $0x1  }
0x27d: {  	v17 =	vmov s16;
	v38 =	vperm.xlane v16, v7  }
0x27e: {  	v17 =	vand.u32 $0xFFFFFFFC, v17  }
0x27f: {  	v17 =	vbroadcast v17, $0x0;
	v16 =	vadd.f32 v16, v38;
	_ =	sdelay $0x1  }
0x280: {  	v16 =	vmul.f32 $1.442695020e+00, v16;
	_ =	sdelay $0x1  }
0x281: {  	(erf) = vpow2.f32 v16;
	_ =	sdelay $0x1  }
0x282: {  	v16 =	vld.idx.msk [tilespmem:v17+s19+$0x0], $0xffff;
	_ =	sdelay $0x3  }
0x283: {  	s9 =	simm.s32 $0x1  }
0x284: {  	s9 =	simm.s32 @!p0 $0x0  }
0x285: {  	s9 =	sshll.u32 s9, $0x9  }
0x286: {  	s9 =	sadd.s32 s9, s22;
	v17 =	vpop (erf)  }
0x287: {  	s12 =	sor.u32 $0x400, s9;
	[tilespmem:v16+s18+$0x0] =	vst.idx.add.f32.msk $0x1, v17  }
0x288: {  	v16 =	vld [tilespmem:s12+$0x600]  }
0x289: {  	v39 =	vld [tilespmem:s12+$0x2600];
	_ =	sdelay $0x4  }
0x28a: {  	v16 =	vadd.f32 v39, v16;
	_ =	sdelay $0x1  }
0x28b: {  	v16 =	vmax.f32 v16, $0.0e+00  }
0x28c: {  	v16 =	vmul.f32 v17, v16;
	_ =	sdelay $0x1  }
0x28d: {  	s23 =	sor.u32 $0x410, s9;
	[tilespmem:s15+$0xFFFFFF00] =	vst v16  }
0x28e: {  	v16 =	vld [tilespmem:s23+$0x600]  }
0x28f: {  	v40 =	vld [tilespmem:s23+$0x2600];
	_ =	sdelay $0x4  }
0x290: {  	v16 =	vadd.f32 v40, v16;
	_ =	sdelay $0x1  }
0x291: {  	v16 =	vmax.f32 v16, $0.0e+00  }
0x292: {  	v16 =	vmul.f32 v17, v16;
	_ =	sdelay $0x1  }
0x293: {  	s17 =	sor.u32 $0x420, s9;
	[tilespmem:s15+$0xFFFFFF10] =	vst v16  }
0x294: {  	v16 =	vld [tilespmem:s17+$0x600]  }
0x295: {  	v41 =	vld [tilespmem:s17+$0x2600];
	_ =	sdelay $0x4  }
0x296: {  	v16 =	vadd.f32 v41, v16;
	_ =	sdelay $0x1  }
0x297: {  	v16 =	vmax.f32 v16, $0.0e+00  }
0x298: {  	v16 =	vmul.f32 v16, v17;
	_ =	sdelay $0x1  }
0x299: {  	s23 =	sor.u32 $0x430, s9;
	[tilespmem:s15+$0xFFFFFF20] =	vst v16  }
0x29a: {  	v16 =	vld [tilespmem:s23+$0x600]  }
0x29b: {  	v42 =	vld [tilespmem:s23+$0x2600];
	_ =	sdelay $0x4  }
0x29c: {  	v16 =	vadd.f32 v42, v16;
	_ =	sdelay $0x1  }
0x29d: {  	v16 =	vmax.f32 v16, $0.0e+00  }
0x29e: {  	v16 =	vmul.f32 v16, v17;
	_ =	sdelay $0x1  }
0x29f: {  	s17 =	sor.u32 $0x440, s9;
	[tilespmem:s15+$0xFFFFFF30] =	vst v16  }
0x2a0: {  	v16 =	vld [tilespmem:s17+$0x600]  }
0x2a1: {  	v43 =	vld [tilespmem:s17+$0x2600];
	_ =	sdelay $0x4  }
0x2a2: {  	v16 =	vadd.f32 v43, v16;
	_ =	sdelay $0x1  }
0x2a3: {  	v16 =	vmax.f32 v16, $0.0e+00  }
0x2a4: {  	v16 =	vmul.f32 v16, v17;
	_ =	sdelay $0x1  }
0x2a5: {  	s23 =	sor.u32 $0x450, s9;
	[tilespmem:s15+$0xFFFFFF40] =	vst v16  }
0x2a6: {  	v16 =	vld [tilespmem:s23+$0x600]  }
0x2a7: {  	v44 =	vld [tilespmem:s23+$0x2600];
	_ =	sdelay $0x4  }
0x2a8: {  	v16 =	vadd.f32 v44, v16;
	_ =	sdelay $0x1  }
0x2a9: {  	v16 =	vmax.f32 v16, $0.0e+00  }
0x2aa: {  	v16 =	vmul.f32 v16, v17;
	_ =	sdelay $0x1  }
0x2ab: {  	s17 =	sor.u32 $0x460, s9;
	[tilespmem:s15+$0xFFFFFF50] =	vst v16  }
0x2ac: {  	v16 =	vld [tilespmem:s17+$0x600]  }
0x2ad: {  	v45 =	vld [tilespmem:s17+$0x2600];
	_ =	sdelay $0x4  }
0x2ae: {  	v16 =	vadd.f32 v45, v16;
	_ =	sdelay $0x1  }
0x2af: {  	v16 =	vmax.f32 v16, $0.0e+00  }
0x2b0: {  	v16 =	vmul.f32 v16, v17;
	_ =	sdelay $0x1  }
0x2b1: {  	s9 =	sor.u32 $0x470, s9;
	[tilespmem:s15+$0xFFFFFF60] =	vst v16  }
0x2b2: {  	v16 =	vld [tilespmem:s9+$0x600]  }
0x2b3: {  	v46 =	vld [tilespmem:s9+$0x2600];
	_ =	sdelay $0x4  }
0x2b4: {  	v16 =	vadd.f32 v46, v16;
	_ =	sdelay $0x1  }
0x2b5: {  	v16 =	vmax.f32 v16, $0.0e+00  }
0x2b6: {  	s23 =	sadd.s32 $0x80, s1;
	v16 =	vmul.f32 v16, v17  }
0x2b7: {  	s9 =	sand.u32 $0x280, s23  }
0x2b8: {  	s9 =	sor.u32 s8, s9;
	[tilespmem:s15+$0xFFFFFF70] =	vst v16  }
0x2b9: {  	v16 =	vld [tilespmem:s9+$0x600]  }
0x2ba: {  	v17 =	vld [tilespmem:s9+$0x2600]  }
0x2bb: {  	v47 =	vld [tilespmem:s9+$0x610]  }
0x2bc: {  	v48 =	vld [tilespmem:s9+$0x2610]  }
0x2bd: {  	v49 =	vld [tilespmem:s9+$0x620]  }
0x2be: {  	v50 =	vld [tilespmem:s9+$0x2620]  }
0x2bf: {  	v51 =	vld [tilespmem:s9+$0x630]  }
0x2c0: {  	v52 =	vld [tilespmem:s9+$0x2630]  }
0x2c1: {  	v53 =	vld [tilespmem:s9+$0x640]  }
0x2c2: {  	v54 =	vld [tilespmem:s9+$0x2640]  }
0x2c3: {  	v57 =	vld [tilespmem:s9+$0x660]  }
0x2c4: {  	v60 =	vld [tilespmem:s9+$0x670]  }
0x2c5: {  	v62 =	vld [tilespmem:s9+$0x2670]  }
0x2c6: {  	v59 =	vld [tilespmem:s9+$0x2660]  }
0x2c7: {  	v16 =	vadd.f32 v17, v16  }
0x2c8: {  	v18 =	vadd.f32 v48, v47;
	v20 =	vadd.f32 v50, v49  }
0x2c9: {  	v55 =	vld [tilespmem:s9+$0x2650];
	v22 =	vadd.f32 v52, v51;
	v24 =	vadd.f32 v54, v53  }
0x2ca: {  	v17 =	vld [tilespmem:s9+$0x650];
	v23 =	vadd.f32 v62, v60;
	v56 =	vmul.f32 $9.999999770e-03, v16;
	v58 =	vmul.f32 $9.999999770e-03, v18  }
0x2cb: {  	v21 =	vadd.f32 v59, v57;
	v61 =	vmul.f32 $9.999999770e-03, v20;
	v63 =	vmul.f32 $9.999999770e-03, v22  }
0x2cc: {  	vm1 =	vgt.f32 v16, $0.0e+00;
	v25 =	vmul.f32 $9.999999770e-03, v24;
	v30 =	vmul.f32 $9.999999770e-03, v23  }
0x2cd: {  	v29 =	vmul.f32 $9.999999770e-03, v21;
	vm2 =	vgt.f32 v23, $0.0e+00;
	v16 =	vsel vm1, v16, v56  }
0x2ce: {  	vm1 =	vgt.f32 v18, $0.0e+00;
	v23 =	vsel vm2, v23, v30;
	v16 =	vmul.f32 v16, v8  }
0x2cf: {  	v18 =	vsel vm1, v18, v58;
	vm1 =	vgt.f32 v20, $0.0e+00;
	v17 =	vadd.f32 v55, v17  }
0x2d0: {  	v23 =	vmul.f32 v23, v15;
	v20 =	vsel vm1, v20, v61;
	vm1 =	vgt.f32 v22, $0.0e+00  }
0x2d1: {  	v22 =	vsel vm1, v22, v63;
	vm1 =	vgt.f32 v24, $0.0e+00;
	v28 =	vmul.f32 $9.999999770e-03, v17  }
0x2d2: {  	v18 =	vmul.f32 v18, v9;
	v26 =	vsel vm1, v24, v25;
	vm1 =	vgt.f32 v17, $0.0e+00  }
0x2d3: {  	v20 =	vmul.f32 v20, v10;
	v17 =	vsel vm1, v17, v28;
	vm1 =	vgt.f32 v21, $0.0e+00  }
0x2d4: {  	v22 =	vmul.f32 v22, v11;
	v19 =	vmul.f32 v26, v12;
	v21 =	vsel vm1, v21, v29  }
0x2d5: {  	v17 =	vmul.f32 v17, v13;
	v21 =	vmul.f32 v21, v14  }
0x2d6: {  	v16 =	vadd.f32 v18, v16;
	v31 =	vadd.f32 v22, v20  }
0x2d7: {  	v17 =	vadd.f32 v17, v19;
	v32 =	vadd.f32 v23, v21;
	_ =	sdelay $0x1  }
0x2d8: {  	v16 =	vadd.f32 v31, v16;
	v17 =	vadd.f32 v32, v17;
	_ =	sdelay $0x1  }
0x2d9: {  	v16 =	vadd.f32 v17, v16;
	_ =	sdelay $0x1  }
0x2da: {  	v17 =	vperm.xlane v16, v4;
	_ =	sdelay $0x1  }
0x2db: {  	v16 =	vadd.f32 v16, v17;
	_ =	sdelay $0x1  }
0x2dc: {  	v17 =	vperm.xlane v16, v5;
	_ =	sdelay $0x1  }
0x2dd: {  	v16 =	vadd.f32 v16, v17;
	_ =	sdelay $0x1  }
0x2de: {  	v17 =	vperm.xlane v16, v6;
	_ =	sdelay $0x1  }
0x2df: {  	v16 =	vadd.f32 v16, v17  }
0x2e0: {  	s12 =	sadd.s32 $0x1, s16  }
0x2e1: {  	v17 =	vmov s12;
	v33 =	vperm.xlane v16, v7  }
0x2e2: {  	v17 =	vand.u32 $0xFFFFFFFD, v17  }
0x2e3: {  	v17 =	vbroadcast v17, $0x0;
	v16 =	vadd.f32 v16, v33;
	_ =	sdelay $0x1  }
0x2e4: {  	v16 =	vmul.f32 $1.442695020e+00, v16;
	_ =	sdelay $0x1  }
0x2e5: {  	(erf) = vpow2.f32 v16;
	_ =	sdelay $0x1  }
0x2e6: {  	v16 =	vld.idx.msk [tilespmem:v17+s19+$0x0], $0xffff;
	_ =	sdelay $0x3  }
0x2e7: {  	s17 =	sand.u32 $0x7, s10  }
0x2e8: {  	s9 =	sshll.u32 s17, $0x7  }
0x2e9: {  	s9 =	sadd.s32 s22, s9  }
0x2ea: {  	s12 =	sadd.s32 $0x80, s9;
	v17 =	vpop (erf)  }
0x2eb: {  	s17 =	sor.u32 $0x400, s12;
	[tilespmem:v16+s18+$0x0] =	vst.idx.add.f32.msk $0x1, v17  }
0x2ec: {  	v16 =	vld [tilespmem:s17+$0x600]  }
0x2ed: {  	v34 =	vld [tilespmem:s17+$0x2600];
	_ =	sdelay $0x4  }
0x2ee: {  	v16 =	vadd.f32 v34, v16;
	_ =	sdelay $0x1  }
0x2ef: {  	v16 =	vmax.f32 v16, $0.0e+00  }
0x2f0: {  	v16 =	vmul.f32 v17, v16;
	_ =	sdelay $0x1  }
0x2f1: {  	s23 =	sor.u32 $0x410, s12;
	[tilespmem:s15+$0xFFFFFF80] =	vst v16  }
0x2f2: {  	v16 =	vld [tilespmem:s23+$0x600]  }
0x2f3: {  	v35 =	vld [tilespmem:s23+$0x2600];
	_ =	sdelay $0x4  }
0x2f4: {  	v16 =	vadd.f32 v35, v16;
	_ =	sdelay $0x1  }
0x2f5: {  	v16 =	vmax.f32 v16, $0.0e+00  }
0x2f6: {  	v16 =	vmul.f32 v17, v16;
	_ =	sdelay $0x1  }
0x2f7: {  	s23 =	sor.u32 $0x420, s12;
	[tilespmem:s15+$0xFFFFFF90] =	vst v16  }
0x2f8: {  	v16 =	vld [tilespmem:s23+$0x600]  }
0x2f9: {  	v36 =	vld [tilespmem:s23+$0x2600];
	_ =	sdelay $0x4  }
0x2fa: {  	v16 =	vadd.f32 v36, v16;
	_ =	sdelay $0x1  }
0x2fb: {  	v16 =	vmax.f32 v16, $0.0e+00  }
0x2fc: {  	v16 =	vmul.f32 v16, v17;
	_ =	sdelay $0x1  }
0x2fd: {  	s23 =	sor.u32 $0x430, s12;
	[tilespmem:s15+$0xFFFFFFA0] =	vst v16  }
0x2fe: {  	v16 =	vld [tilespmem:s23+$0x600]  }
0x2ff: {  	v37 =	vld [tilespmem:s23+$0x2600];
	_ =	sdelay $0x4  }
0x300: {  	v16 =	vadd.f32 v37, v16;
	_ =	sdelay $0x1  }
0x301: {  	v16 =	vmax.f32 v16, $0.0e+00  }
0x302: {  	v16 =	vmul.f32 v16, v17;
	_ =	sdelay $0x1  }
0x303: {  	s23 =	sor.u32 $0x440, s12;
	[tilespmem:s15+$0xFFFFFFB0] =	vst v16  }
0x304: {  	v16 =	vld [tilespmem:s23+$0x600]  }
0x305: {  	v38 =	vld [tilespmem:s23+$0x2600];
	_ =	sdelay $0x4  }
0x306: {  	v16 =	vadd.f32 v38, v16;
	_ =	sdelay $0x1  }
0x307: {  	v16 =	vmax.f32 v16, $0.0e+00  }
0x308: {  	v16 =	vmul.f32 v16, v17;
	_ =	sdelay $0x1  }
0x309: {  	s23 =	sor.u32 $0x450, s12;
	[tilespmem:s15+$0xFFFFFFC0] =	vst v16  }
0x30a: {  	v16 =	vld [tilespmem:s23+$0x600]  }
0x30b: {  	v39 =	vld [tilespmem:s23+$0x2600];
	_ =	sdelay $0x4  }
0x30c: {  	v16 =	vadd.f32 v39, v16;
	_ =	sdelay $0x1  }
0x30d: {  	v16 =	vmax.f32 v16, $0.0e+00  }
0x30e: {  	v16 =	vmul.f32 v16, v17;
	_ =	sdelay $0x1  }
0x30f: {  	s23 =	sor.u32 $0x460, s12;
	[tilespmem:s15+$0xFFFFFFD0] =	vst v16  }
0x310: {  	v16 =	vld [tilespmem:s23+$0x600]  }
0x311: {  	v40 =	vld [tilespmem:s23+$0x2600];
	_ =	sdelay $0x4  }
0x312: {  	v16 =	vadd.f32 v40, v16;
	_ =	sdelay $0x1  }
0x313: {  	v16 =	vmax.f32 v16, $0.0e+00  }
0x314: {  	v16 =	vmul.f32 v16, v17;
	_ =	sdelay $0x1  }
0x315: {  	s12 =	sor.u32 $0x470, s12;
	[tilespmem:s15+$0xFFFFFFE0] =	vst v16  }
0x316: {  	v16 =	vld [tilespmem:s12+$0x600]  }
0x317: {  	v41 =	vld [tilespmem:s12+$0x2600];
	_ =	sdelay $0x4  }
0x318: {  	v16 =	vadd.f32 v41, v16;
	_ =	sdelay $0x1  }
0x319: {  	v16 =	vmax.f32 v16, $0.0e+00  }
0x31a: {  	s17 =	sadd.s32 $0x100, s1;
	v16 =	vmul.f32 v16, v17  }
0x31b: {  	s12 =	sand.u32 $0x300, s17  }
0x31c: {  	s12 =	sor.u32 s8, s12;
	[tilespmem:s15+$0xFFFFFFF0] =	vst v16  }
0x31d: {  	v16 =	vld [tilespmem:s12+$0x600]  }
0x31e: {  	v17 =	vld [tilespmem:s12+$0x2600]  }
0x31f: {  	v42 =	vld [tilespmem:s12+$0x610]  }
0x320: {  	v43 =	vld [tilespmem:s12+$0x2610]  }
0x321: {  	v44 =	vld [tilespmem:s12+$0x620]  }
0x322: {  	v45 =	vld [tilespmem:s12+$0x2620]  }
0x323: {  	v46 =	vld [tilespmem:s12+$0x630]  }
0x324: {  	v47 =	vld [tilespmem:s12+$0x2630]  }
0x325: {  	v48 =	vld [tilespmem:s12+$0x640]  }
0x326: {  	v49 =	vld [tilespmem:s12+$0x2640]  }
0x327: {  	v52 =	vld [tilespmem:s12+$0x660]  }
0x328: {  	v55 =	vld [tilespmem:s12+$0x670]  }
0x329: {  	v57 =	vld [tilespmem:s12+$0x2670]  }
0x32a: {  	v54 =	vld [tilespmem:s12+$0x2660]  }
0x32b: {  	v16 =	vadd.f32 v17, v16  }
0x32c: {  	v18 =	vadd.f32 v43, v42;
	v20 =	vadd.f32 v45, v44  }
0x32d: {  	v50 =	vld [tilespmem:s12+$0x2650];
	v22 =	vadd.f32 v47, v46;
	v24 =	vadd.f32 v49, v48  }
0x32e: {  	v17 =	vld [tilespmem:s12+$0x650];
	v23 =	vadd.f32 v57, v55;
	v51 =	vmul.f32 $9.999999770e-03, v16;
	v53 =	vmul.f32 $9.999999770e-03, v18  }
0x32f: {  	v21 =	vadd.f32 v54, v52;
	v56 =	vmul.f32 $9.999999770e-03, v20;
	v58 =	vmul.f32 $9.999999770e-03, v22  }
0x330: {  	vm1 =	vgt.f32 v16, $0.0e+00;
	v25 =	vmul.f32 $9.999999770e-03, v24;
	v62 =	vmul.f32 $9.999999770e-03, v23  }
0x331: {  	v61 =	vmul.f32 $9.999999770e-03, v21;
	vm2 =	vgt.f32 v23, $0.0e+00;
	v16 =	vsel vm1, v16, v51  }
0x332: {  	vm1 =	vgt.f32 v18, $0.0e+00;
	v23 =	vsel vm2, v23, v62;
	v16 =	vmul.f32 v16, v8  }
0x333: {  	v18 =	vsel vm1, v18, v53;
	vm1 =	vgt.f32 v20, $0.0e+00;
	v17 =	vadd.f32 v50, v17  }
0x334: {  	v23 =	vmul.f32 v23, v15;
	v20 =	vsel vm1, v20, v56;
	vm1 =	vgt.f32 v22, $0.0e+00  }
0x335: {  	v22 =	vsel vm1, v22, v58;
	vm1 =	vgt.f32 v24, $0.0e+00;
	v60 =	vmul.f32 $9.999999770e-03, v17  }
0x336: {  	v18 =	vmul.f32 v18, v9;
	v59 =	vsel vm1, v24, v25;
	vm1 =	vgt.f32 v17, $0.0e+00  }
0x337: {  	v20 =	vmul.f32 v20, v10;
	v17 =	vsel vm1, v17, v60;
	vm1 =	vgt.f32 v21, $0.0e+00  }
0x338: {  	v22 =	vmul.f32 v22, v11;
	v19 =	vmul.f32 v59, v12;
	v21 =	vsel vm1, v21, v61  }
0x339: {  	v17 =	vmul.f32 v17, v13;
	v21 =	vmul.f32 v21, v14  }
0x33a: {  	v16 =	vadd.f32 v18, v16;
	v63 =	vadd.f32 v22, v20  }
0x33b: {  	v17 =	vadd.f32 v17, v19;
	v21 =	vadd.f32 v23, v21;
	_ =	sdelay $0x1  }
0x33c: {  	v16 =	vadd.f32 v63, v16;
	v17 =	vadd.f32 v21, v17;
	_ =	sdelay $0x1  }
0x33d: {  	v16 =	vadd.f32 v17, v16;
	_ =	sdelay $0x1  }
0x33e: {  	v17 =	vperm.xlane v16, v4;
	_ =	sdelay $0x1  }
0x33f: {  	v16 =	vadd.f32 v16, v17;
	_ =	sdelay $0x1  }
0x340: {  	v17 =	vperm.xlane v16, v5;
	_ =	sdelay $0x1  }
0x341: {  	v16 =	vadd.f32 v16, v17;
	_ =	sdelay $0x1  }
0x342: {  	v17 =	vperm.xlane v16, v6;
	_ =	sdelay $0x1  }
0x343: {  	v16 =	vadd.f32 v16, v17  }
0x344: {  	s23 =	sadd.s32 $0x2, s16  }
0x345: {  	v17 =	vmov s23;
	v22 =	vperm.xlane v16, v7  }
0x346: {  	v17 =	vand.u32 $0xFFFFFFFE, v17  }
0x347: {  	v17 =	vbroadcast v17, $0x0;
	v16 =	vadd.f32 v16, v22;
	_ =	sdelay $0x1  }
0x348: {  	v16 =	vmul.f32 $1.442695020e+00, v16;
	_ =	sdelay $0x1  }
0x349: {  	(erf) = vpow2.f32 v16;
	_ =	sdelay $0x1  }
0x34a: {  	v16 =	vld.idx.msk [tilespmem:v17+s19+$0x0], $0xffff;
	_ =	sdelay $0x3  }
0x34b: {  	s17 =	sand.u32 $0x3, s11  }
0x34c: {  	s12 =	sshll.u32 s17, $0x8  }
0x34d: {  	s12 =	sadd.s32 s22, s12  }
0x34e: {  	s12 =	sadd.s32 $0x100, s12;
	v17 =	vpop (erf)  }
0x34f: {  	s23 =	sor.u32 $0x400, s12;
	[tilespmem:v16+s18+$0x0] =	vst.idx.add.f32.msk $0x1, v17  }
0x350: {  	v16 =	vld [tilespmem:s23+$0x600]  }
0x351: {  	v23 =	vld [tilespmem:s23+$0x2600];
	_ =	sdelay $0x4  }
0x352: {  	v16 =	vadd.f32 v23, v16;
	_ =	sdelay $0x1  }
0x353: {  	v16 =	vmax.f32 v16, $0.0e+00  }
0x354: {  	v16 =	vmul.f32 v17, v16;
	_ =	sdelay $0x1  }
0x355: {  	s23 =	sor.u32 $0x410, s12;
	[tilespmem:s15+$0x0] =	vst v16  }
0x356: {  	v16 =	vld [tilespmem:s23+$0x600]  }
0x357: {  	v24 =	vld [tilespmem:s23+$0x2600];
	_ =	sdelay $0x4  }
0x358: {  	v16 =	vadd.f32 v24, v16;
	_ =	sdelay $0x1  }
0x359: {  	v16 =	vmax.f32 v16, $0.0e+00  }
0x35a: {  	v16 =	vmul.f32 v17, v16;
	_ =	sdelay $0x1  }
0x35b: {  	s23 =	sor.u32 $0x420, s12;
	[tilespmem:s15+$0x10] =	vst v16  }
0x35c: {  	v16 =	vld [tilespmem:s23+$0x600]  }
0x35d: {  	v25 =	vld [tilespmem:s23+$0x2600];
	_ =	sdelay $0x4  }
0x35e: {  	v16 =	vadd.f32 v25, v16;
	_ =	sdelay $0x1  }
0x35f: {  	v16 =	vmax.f32 v16, $0.0e+00  }
0x360: {  	v16 =	vmul.f32 v16, v17;
	_ =	sdelay $0x1  }
0x361: {  	s23 =	sor.u32 $0x430, s12;
	[tilespmem:s15+$0x20] =	vst v16  }
0x362: {  	v16 =	vld [tilespmem:s23+$0x600]  }
0x363: {  	v26 =	vld [tilespmem:s23+$0x2600];
	_ =	sdelay $0x4  }
0x364: {  	v16 =	vadd.f32 v26, v16;
	_ =	sdelay $0x1  }
0x365: {  	v16 =	vmax.f32 v16, $0.0e+00  }
0x366: {  	v16 =	vmul.f32 v16, v17;
	_ =	sdelay $0x1  }
0x367: {  	s23 =	sor.u32 $0x440, s12;
	[tilespmem:s15+$0x30] =	vst v16  }
0x368: {  	v16 =	vld [tilespmem:s23+$0x600]  }
0x369: {  	v27 =	vld [tilespmem:s23+$0x2600];
	_ =	sdelay $0x4  }
0x36a: {  	v16 =	vadd.f32 v27, v16;
	_ =	sdelay $0x1  }
0x36b: {  	v16 =	vmax.f32 v16, $0.0e+00  }
0x36c: {  	v16 =	vmul.f32 v16, v17;
	_ =	sdelay $0x1  }
0x36d: {  	s23 =	sor.u32 $0x450, s12;
	[tilespmem:s15+$0x40] =	vst v16  }
0x36e: {  	v16 =	vld [tilespmem:s23+$0x600]  }
0x36f: {  	v28 =	vld [tilespmem:s23+$0x2600];
	_ =	sdelay $0x4  }
0x370: {  	v16 =	vadd.f32 v28, v16;
	_ =	sdelay $0x1  }
0x371: {  	v16 =	vmax.f32 v16, $0.0e+00  }
0x372: {  	v16 =	vmul.f32 v16, v17;
	_ =	sdelay $0x1  }
0x373: {  	s23 =	sor.u32 $0x460, s12;
	[tilespmem:s15+$0x50] =	vst v16  }
0x374: {  	v16 =	vld [tilespmem:s23+$0x600]  }
0x375: {  	v29 =	vld [tilespmem:s23+$0x2600];
	_ =	sdelay $0x4  }
0x376: {  	v16 =	vadd.f32 v29, v16;
	_ =	sdelay $0x1  }
0x377: {  	v16 =	vmax.f32 v16, $0.0e+00  }
0x378: {  	v16 =	vmul.f32 v16, v17;
	_ =	sdelay $0x1  }
0x379: {  	s12 =	sor.u32 $0x470, s12;
	[tilespmem:s15+$0x60] =	vst v16  }
0x37a: {  	v16 =	vld [tilespmem:s12+$0x600]  }
0x37b: {  	v30 =	vld [tilespmem:s12+$0x2600];
	_ =	sdelay $0x4  }
0x37c: {  	v16 =	vadd.f32 v30, v16;
	_ =	sdelay $0x1  }
0x37d: {  	v16 =	vmax.f32 v16, $0.0e+00  }
0x37e: {  	s17 =	sadd.s32 $0x180, s1;
	v16 =	vmul.f32 v16, v17  }
0x37f: {  	s12 =	sand.u32 $0x380, s17  }
0x380: {  	s8 =	sor.u32 s8, s12;
	[tilespmem:s15+$0x70] =	vst v16  }
0x381: {  	v16 =	vld [tilespmem:s8+$0x600]  }
0x382: {  	v17 =	vld [tilespmem:s8+$0x2600]  }
0x383: {  	v31 =	vld [tilespmem:s8+$0x610]  }
0x384: {  	v32 =	vld [tilespmem:s8+$0x2610]  }
0x385: {  	v33 =	vld [tilespmem:s8+$0x620]  }
0x386: {  	v34 =	vld [tilespmem:s8+$0x2620]  }
0x387: {  	v35 =	vld [tilespmem:s8+$0x630]  }
0x388: {  	v36 =	vld [tilespmem:s8+$0x2630]  }
0x389: {  	v37 =	vld [tilespmem:s8+$0x640]  }
0x38a: {  	v38 =	vld [tilespmem:s8+$0x2640]  }
0x38b: {  	v41 =	vld [tilespmem:s8+$0x660]  }
0x38c: {  	v43 =	vld [tilespmem:s8+$0x2660]  }
0x38d: {  	v45 =	vld [tilespmem:s8+$0x670]  }
0x38e: {  	v30 =	vld [tilespmem:s8+$0x2670];
	_ =	sdelay $0x1  }
0x38f: {  	v16 =	vadd.f32 v17, v16  }
0x390: {  	v39 =	vld [tilespmem:s8+$0x2650];
	v18 =	vadd.f32 v32, v31;
	v20 =	vadd.f32 v34, v33  }
0x391: {  	v17 =	vld [tilespmem:s8+$0x650];
	v42 =	vadd.f32 v36, v35;
	v48 =	vadd.f32 v38, v37  }
0x392: {  	v19 =	vadd.f32 v43, v41;
	v50 =	vadd.f32 v30, v45;
	v40 =	vmul.f32 $9.999999770e-03, v16  }
0x393: {  	vm1 =	vgt.f32 v16, $0.0e+00;
	v44 =	vmul.f32 $9.999999770e-03, v18;
	v46 =	vmul.f32 $9.999999770e-03, v20  }
0x394: {  	v47 =	vmul.f32 $9.999999770e-03, v42;
	vm2 =	vgt.f32 v42, $0.0e+00;
	v49 =	vmul.f32 $9.999999770e-03, v48  }
0x395: {  	v52 =	vmul.f32 $9.999999770e-03, v19;
	v53 =	vmul.f32 $9.999999770e-03, v50;
	v16 =	vsel vm1, v16, v40  }
0x396: {  	vm1 =	vgt.f32 v18, $0.0e+00;
	v21 =	vsel vm2, v42, v47;
	v17 =	vadd.f32 v39, v17  }
0x397: {  	v18 =	vsel vm1, v18, v44;
	vm1 =	vgt.f32 v20, $0.0e+00;
	v16 =	vmul.f32 v16, v8  }
0x398: {  	v20 =	vsel vm1, v20, v46;
	vm1 =	vgt.f32 v48, $0.0e+00;
	v51 =	vmul.f32 $9.999999770e-03, v17  }
0x399: {  	v21 =	vmul.f32 v21, v11;
	v22 =	vsel vm1, v48, v49;
	vm1 =	vgt.f32 v17, $0.0e+00  }
0x39a: {  	v18 =	vmul.f32 v18, v9;
	v17 =	vsel vm1, v17, v51;
	vm1 =	vgt.f32 v19, $0.0e+00  }
0x39b: {  	v20 =	vmul.f32 v20, v10;
	v19 =	vsel vm1, v19, v52;
	vm1 =	vgt.f32 v50, $0.0e+00  }
0x39c: {  	v22 =	vmul.f32 v22, v12;
	v17 =	vmul.f32 v17, v13;
	v54 =	vsel vm1, v50, v53  }
0x39d: {  	v19 =	vmul.f32 v19, v14;
	v23 =	vmul.f32 v54, v15  }
0x39e: {  	v16 =	vadd.f32 v18, v16;
	v55 =	vadd.f32 v21, v20  }
0x39f: {  	v17 =	vadd.f32 v17, v22;
	v19 =	vadd.f32 v23, v19;
	_ =	sdelay $0x1  }
0x3a0: {  	v16 =	vadd.f32 v55, v16;
	v17 =	vadd.f32 v19, v17;
	_ =	sdelay $0x1  }
0x3a1: {  	v16 =	vadd.f32 v17, v16;
	_ =	sdelay $0x1  }
0x3a2: {  	v17 =	vperm.xlane v16, v4;
	_ =	sdelay $0x1  }
0x3a3: {  	v16 =	vadd.f32 v16, v17;
	_ =	sdelay $0x1  }
0x3a4: {  	v17 =	vperm.xlane v16, v5;
	_ =	sdelay $0x1  }
0x3a5: {  	v16 =	vadd.f32 v16, v17;
	_ =	sdelay $0x1  }
0x3a6: {  	v17 =	vperm.xlane v16, v6;
	_ =	sdelay $0x1  }
0x3a7: {  	v16 =	vadd.f32 v16, v17;
	_ =	sdelay $0x1  }
0x3a8: {  	v17 =	vperm.xlane v16, v7;
	_ =	sdelay $0x1  }
0x3a9: {  	s23 =	sadd.s32 $0x3, s16;
	v16 =	vadd.f32 v16, v17  }
0x3aa: {  	v17 =	vmov s23  }
0x3ab: {  	v16 =	vmul.f32 $1.442695020e+00, v16;
	_ =	sdelay $0x1  }
0x3ac: {  	(erf) = vpow2.f32 v16;
	_ =	sdelay $0x1  }
0x3ad: {  	v16 =	vld.idx.msk [tilespmem:v17+s19+$0x0], $0xffff;
	_ =	sdelay $0x6  }
0x3ae: {  	s8 =	sadd.s32 $0x180, s9;
	v17 =	vpop (erf)  }
0x3af: {  	s9 =	sor.u32 $0x400, s8;
	[tilespmem:v16+s18+$0x0] =	vst.idx.add.f32.msk $0x1, v17  }
0x3b0: {  	v16 =	vld [tilespmem:s9+$0x600]  }
0x3b1: {  	v56 =	vld [tilespmem:s9+$0x2600];
	_ =	sdelay $0x4  }
0x3b2: {  	v16 =	vadd.f32 v56, v16;
	_ =	sdelay $0x1  }
0x3b3: {  	v16 =	vmax.f32 v16, $0.0e+00  }
0x3b4: {  	v16 =	vmul.f32 v17, v16;
	_ =	sdelay $0x1  }
0x3b5: {  	s12 =	sor.u32 $0x410, s8;
	[tilespmem:s15+$0x80] =	vst v16  }
0x3b6: {  	v16 =	vld [tilespmem:s12+$0x600]  }
0x3b7: {  	v57 =	vld [tilespmem:s12+$0x2600];
	_ =	sdelay $0x4  }
0x3b8: {  	v16 =	vadd.f32 v57, v16;
	_ =	sdelay $0x1  }
0x3b9: {  	v16 =	vmax.f32 v16, $0.0e+00  }
0x3ba: {  	v16 =	vmul.f32 v17, v16;
	_ =	sdelay $0x1  }
0x3bb: {  	s17 =	sor.u32 $0x420, s8;
	[tilespmem:s15+$0x90] =	vst v16  }
0x3bc: {  	v16 =	vld [tilespmem:s17+$0x600]  }
0x3bd: {  	v58 =	vld [tilespmem:s17+$0x2600];
	_ =	sdelay $0x4  }
0x3be: {  	v16 =	vadd.f32 v58, v16;
	_ =	sdelay $0x1  }
0x3bf: {  	v16 =	vmax.f32 v16, $0.0e+00  }
0x3c0: {  	v16 =	vmul.f32 v16, v17;
	_ =	sdelay $0x1  }
0x3c1: {  	s23 =	sor.u32 $0x430, s8;
	[tilespmem:s15+$0xA0] =	vst v16  }
0x3c2: {  	v16 =	vld [tilespmem:s23+$0x600]  }
0x3c3: {  	v59 =	vld [tilespmem:s23+$0x2600];
	_ =	sdelay $0x4  }
0x3c4: {  	v16 =	vadd.f32 v59, v16;
	_ =	sdelay $0x1  }
0x3c5: {  	v16 =	vmax.f32 v16, $0.0e+00  }
0x3c6: {  	v16 =	vmul.f32 v16, v17;
	_ =	sdelay $0x1  }
0x3c7: {  	s12 =	sor.u32 $0x440, s8;
	[tilespmem:s15+$0xB0] =	vst v16  }
0x3c8: {  	v16 =	vld [tilespmem:s12+$0x600]  }
0x3c9: {  	v60 =	vld [tilespmem:s12+$0x2600];
	_ =	sdelay $0x4  }
0x3ca: {  	v16 =	vadd.f32 v60, v16;
	_ =	sdelay $0x1  }
0x3cb: {  	v16 =	vmax.f32 v16, $0.0e+00  }
0x3cc: {  	v16 =	vmul.f32 v16, v17;
	_ =	sdelay $0x1  }
0x3cd: {  	s17 =	sor.u32 $0x450, s8;
	[tilespmem:s15+$0xC0] =	vst v16  }
0x3ce: {  	v16 =	vld [tilespmem:s17+$0x600]  }
0x3cf: {  	v61 =	vld [tilespmem:s17+$0x2600];
	_ =	sdelay $0x4  }
0x3d0: {  	v16 =	vadd.f32 v61, v16;
	_ =	sdelay $0x1  }
0x3d1: {  	v16 =	vmax.f32 v16, $0.0e+00  }
0x3d2: {  	v16 =	vmul.f32 v16, v17;
	_ =	sdelay $0x1  }
0x3d3: {  	s23 =	sor.u32 $0x460, s8;
	[tilespmem:s15+$0xD0] =	vst v16  }
0x3d4: {  	v16 =	vld [tilespmem:s23+$0x600]  }
0x3d5: {  	v62 =	vld [tilespmem:s23+$0x2600];
	_ =	sdelay $0x4  }
0x3d6: {  	v16 =	vadd.f32 v62, v16;
	_ =	sdelay $0x1  }
0x3d7: {  	v16 =	vmax.f32 v16, $0.0e+00  }
0x3d8: {  	v16 =	vmul.f32 v16, v17;
	_ =	sdelay $0x1  }
0x3d9: {  	s8 =	sor.u32 $0x470, s8;
	[tilespmem:s15+$0xE0] =	vst v16  }
0x3da: {  	v16 =	vld [tilespmem:s8+$0x600]  }
0x3db: {  	v63 =	vld [tilespmem:s8+$0x2600];
	_ =	sdelay $0x4  }
0x3dc: {  	p1 =	sne.s32 s22, $0x1C00;
	v16 =	vadd.f32 v63, v16  }
.Ltmp3:
0x3dd: {  	_ = 	snop;
	(pc) =	sbr.rel @p1 .LBB2_10-.Ltmp3, $4  }
0x3de: {  	v16 =	vmax.f32 v16, $0.0e+00  }
0x3df: {  	p0 =	por !p0, !p0;
	v16 =	vmul.f32 v16, v17  }
0x3e0: {  	s10 =	sadd.s32 $0x4, s10;
	s11 =	sadd.s32 $0x2, s11;
	s1 =	sadd.s32 $0x200, s1  }
0x3e1: {  	s22 =	sadd.s32 $0x400, s22;
	s16 =	sadd.s32 $0x4, s16;
	[tilespmem:s15+$0xF0] =	vst v16;
	s15 =	sadd.s32 $0x200, s15  }
0x3e2: {  	s14 =	sadd.s32 $0x1, s14  }
0x3e3: {  	p0 =	sne.s32 s14, $0x8  }
.Ltmp4:
0x3e4: {  	_ = 	snop;
	(pc) =	sbr.rel @p0 .LBB2_7-.Ltmp4, $2  }
0x3e5: {  	_ =	sdelay $0x2  }
0x3e6: {  	[spmem:s4] =	stream.indirect.scatter.add.f32 [tilespmem:s21], [sflag:$0x2], $0x80, s19, s20, $0xb8;
	[tilespmem:$0x1BE80] =	vst v63  }
0x3e7: {  	s13 =	sadd.s32 $0x1, s13  }
0x3e8: {  	p0 =	sne.s32 s13, $0x14  }
.Ltmp5:
0x3e9: {  	_ = 	snop;
	(pc) =	sbr.rel @p0 .LBB2_6-.Ltmp5, $2  }
0x3ea: {  	_ =	sdelay $0x2  }
0x3eb: {  	s10 =	simm.s32 $0x3  }
0x3ec: {  	_ =	swait.ge [sflag:s2], $0x1000  }
0x3ed: {  	[sflag:s2] =	ssyncset.done $0x0  }
0x3ee: {  	[sflag:s2] =	ssyncadd.s32 $0xFFFFF000  }
0x3ef: {  	[bflag:$0x0] =	sbarrier.arrive $0xFFFF  }
0x3f0: {  	s9 =	rddreg [dreg:$0x8]  }
0x3f1: {  	s1 =	rddreg [dreg:$0xa]  }
0x3f2: {  	s8 =	rddreg [dreg:$0xd]  }
0x3f3: {  	[hbm:s1], [sflag:s9] =	dma.local [spmem:s8], $0x2800  }
0x3f4: {  	_ =	swait.ge [sflag:s10], $0x2800  }
0x3f5: {  	[sflag:s10] =	ssyncset.done $0x0  }
0x3f6: {  	s11 =	simm.s32 $0x400;
	s17 =	rddreg [dreg:$0xb];
	[sflag:s10] =	ssyncadd.s32 $0xFFFFD800  }
0x3f7: {  	[hbm4b:s17+s19] =	stream.strided.scatter [tilespmem:s18], [sflag:$0x3], $0x2800, s11, s19, $0x38;
	[tilespmem:$0x1BE80] =	vst v63  }
0x3f8: {  	_ =	swait.ge [sflag:s10], $0x2800  }
0x3f9: {  	s22 =	rddreg [dreg:$0xe]  }
0x3fa: {  	s23 =	rddreg [dreg:$0xc];
	s11 =	sadd.s32 $0x1, s22  }
0x3fb: {  	p0 =	sne.s32 s11, s23  }
.Ltmp6:
0x3fc: {  	_ = 	snop;
	(pc) =	sbr.rel @p0 .LBB2_1-.Ltmp6, $3  }
0x3fd: {  	_ =	sdelay $0x1  }
0x3fe: {  	[sflag:s10] =	ssyncset.done $0x0  }
0x3ff: {  	[sflag:s10] =	ssyncadd.s32 $0xFFFFD800  }
0x400: {  	_ =	sfence.sel $0x180000  }
0x401: {  	[bflag:$0x0] =	sbarrier.arrive $0xFFFF  }
0x402: {  	_ =	strace $0x90000047  }
0x403: {  	s0 =	stileid.u32;
	[bflag:$0x2] =	sbarrier.arrive $0xFFFF  }
0x404: {  	p0 =	sne.s32 s0, $0x0;
	s0 =	rddreg [dreg:$0x4]  }
0x405: {  	s0 =	sadd.s32 @!p0 $0x100000, s0  }
0x406: {  	[sflag:s0] =	ssyncadd.tile.s32 @!p0 $0x1;
	_ =	shalt  }
.Lfunc_end2:
_tile_overlayer_lowered:
.L_overlay_start_2:
0x407: {  	(tag) =	ssettag $0x2  }
0x408: {  	s0 =	rddreg [dreg:$0x0];
	s2 =	stileid.u32  }
0x409: {  	s1 =	rddreg [dreg:$0x1];
	p0 =	sne.s32 s2, $0x0  }
0x40a: {  	s3 =	rddreg [dreg:$0x2];
	[bflag:$0x3] =	sbarrier.arrive $0xFFFF;
	s2 =	simm.s32 @!p0 $0x1C03  }
0x40b: {  	[timem:s3], [sflag:s2] =	dma.local @!p0 [hbm:s0], s1  }
0x40c: {  	s0 =	simm.s32 @!p0 $0x3  }
0x40d: {  	_ =	swait.ge @!p0 [sflag:s0], s1  }
0x40e: {  	s1 =	ssub.s32 @!p0 $0x0, s1;
	[sflag:s0] =	ssyncset.done @!p0 $0x0  }
0x40f: {  	[sflag:s0] =	ssyncadd.s32 @!p0 s1  }
0x410: {  	[bflag:$0x3] =	sbarrier.arrive $0xFFFF  }
0x411: {  	_ =	shalt  }

</sc_bundles>
